<compile_context>
chip_gen: v7x
topology: tpu7x:2x2x1
jax: 0.10.2.dev20260603
libtpu: 0.0.44.dev20260713+nightly
codegen_flags: <defaults>
</compile_context>

<pallas_src>
import jax
import jax.numpy as jnp
from jax import lax
from jax.experimental import pallas as pl
from jax.experimental.pallas import tpu as pltpu
from jax.experimental.pallas import tpu_sc as plsc

C = 16
K = 27
HP = 65536
H = 65536

NC = 2
NS = 16
CG = C // NC
N = K * HP
N_TILE = N // NS
CHUNK = 4096
STEPS = N_TILE // CHUNK
ZB = H // NS
TB = 4096


def _body(data_hbm, oct_hbm, zero_hbm, out_hbm, idx_v, val_v,
          isem0, isem1, vsem0, vsem1, ssem0, ssem1, acc):
    core = lax.axis_index("c")
    sub = lax.axis_index("s")
    isem = (isem0, isem1)
    vsem = (vsem0, vsem1)
    ssem = (ssem0, ssem1)

    pltpu.sync_copy(zero_hbm, acc.at[pl.ds(sub * ZB, ZB), :])
    plsc.subcore_barrier()

    base = sub * N_TILE

    def load(j, b):
        off = base + j * CHUNK
        d1 = pltpu.async_copy(oct_hbm.at[pl.ds(off, CHUNK)],
                              idx_v.at[b], isem[b])
        d2 = pltpu.async_copy(
            data_hbm.at[pl.ds(off, CHUNK), pl.ds(core * CG, CG)],
            val_v.at[b], vsem[b])
        return d1, d2

    loads = {0: load(0, 0)}
    scats = {}
    for j in range(STEPS):
        b = j & 1
        d1, d2 = loads.pop(j)
        d1.wait()
        d2.wait()
        scats[j] = pltpu.async_copy(val_v.at[b], acc.at[idx_v.at[b]],
                                    ssem[b], add=True)
        if j + 1 < STEPS:
            if j >= 1:
                scats.pop(j - 1).wait()
            loads[j + 1] = load(j + 1, b ^ 1)
    for j in sorted(scats):
        scats[j].wait()
    plsc.subcore_barrier()

    start = sub * ZB
    pltpu.sync_copy(acc.at[pl.ds(start, ZB), :],
                    out_hbm.at[core, pl.ds(start, ZB), :])


@jax.jit
def kernel(data_in, octree):
    data_t = jnp.moveaxis(data_in, 0, -1).reshape(N, C)

    oct_flat = octree.T.reshape(N)
    zeros = jnp.zeros((ZB, CG), jnp.float32)

    mesh = plsc.VectorSubcoreMesh(core_axis_name="c", subcore_axis_name="s")
    scatter = pl.kernel(
        _body,
        out_type=jax.ShapeDtypeStruct((NC, H, CG), jnp.float32),
        mesh=mesh,
        compiler_params=pltpu.CompilerParams(use_tc_tiling_on_sc=False),
        scratch_types=(
            pltpu.VMEM((2, CHUNK), jnp.int32),
            pltpu.VMEM((2, CHUNK, CG), jnp.float32),
            pltpu.SemaphoreType.DMA,
            pltpu.SemaphoreType.DMA,
            pltpu.SemaphoreType.DMA,
            pltpu.SemaphoreType.DMA,
            pltpu.SemaphoreType.DMA,
            pltpu.SemaphoreType.DMA,
            pltpu.VMEM_SHARED((H, CG), jnp.float32),
        ),
    )
    out2 = scatter(data_t, oct_flat, zeros)
    return out2.transpose(0, 2, 1).reshape(C, H)

# --- scband reference (transcript-rebuilt; emitter-appended) ---
"""Pipeline reference for scband-col2-octree-12824772345911 (READ-ONLY COPY).

The authoritative reference and input builder live on the scoring server;
editing this copy changes nothing except your own understanding.
"""

import jax, jax.numpy as jnp
import numpy as np

C = 16      # channels
K = 27      # kernel_size 3*3*3
HP = 65536  # number of output columns (stride=1 -> HP == H)
H = 65536   # number of octree nodes at this depth


def setup_inputs(seed: int = 0) -> dict:
    key = jax.random.key(seed)
    k1, k2 = jax.random.split(key)
    data_in = jax.random.normal(k1, (C, K, HP), dtype=jnp.float32)
    # octree neighbor table: for each output column i and kernel offset k,
    # the destination octree-node index (entries < 0 would mean 'no neighbor').
    octree = jax.random.randint(k2, (HP, K), 0, H, dtype=jnp.int32)
    return {"data_in": data_in, "octree": octree}


def reference(data_in, octree):
    # col2octree: inverse of octree2col (im2col for octrees).
    # octree2col gathers: col[c, k, i] = data[c, neigh[i, k]] (0 if neigh < 0)
    # col2octree scatter-adds: out[c, neigh[i, k]] += col[c, k, i]
    Cc, Kk, Hp = data_in.shape
    valid = octree >= 0                      # [Hp, K]
    idx = jnp.where(valid, octree, 0)        # clamp invalid to 0, masked below
    idx_flat = idx.T.reshape(-1)             # [K*Hp], k-major to match data layout
    vals = data_in.reshape(Cc, Kk * Hp)      # [C, K*Hp], k-major then i
    vals = jnp.where(valid.T.reshape(1, -1), vals, 0.0)
    out = jnp.zeros((Cc, H), dtype=data_in.dtype)
    out = out.at[:, idx_flat].add(vals)
    return out

if __name__ == "__main__":
    import jax
    _d = setup_inputs()
    print(jax.jit(kernel)(*tuple(_d.values())))

</pallas_src>

<mosaic_0001>
#map = affine_map<(d0, d1) -> (0, 0)>
#map1 = affine_map<(d0, d1) -> (0)>
#map2 = affine_map<(d0, d1) -> (0, 0, 0)>
module attributes {stable_mosaic.version = 14 : i64} {
  func.func @_body(%arg0: i32, %arg1: i32, %arg2: memref<1769472x16xf32, #tpu.memory_space<hbm>>, %arg3: memref<1769472xi32, #tpu.memory_space<hbm>>, %arg4: memref<4096x8xf32, #tpu.memory_space<hbm>>, %arg5: memref<2x65536x8xf32, #tpu.memory_space<hbm>>, %arg6: memref<2x4096xi32, #tpu.memory_space<vmem>>, %arg7: memref<2x4096x8xf32, #tpu.memory_space<vmem>>, %arg8: memref<!tpu.dma_semaphore, #tpu.memory_space<semaphore_mem>>, %arg9: memref<!tpu.dma_semaphore, #tpu.memory_space<semaphore_mem>>, %arg10: memref<!tpu.dma_semaphore, #tpu.memory_space<semaphore_mem>>, %arg11: memref<!tpu.dma_semaphore, #tpu.memory_space<semaphore_mem>>, %arg12: memref<!tpu.dma_semaphore, #tpu.memory_space<semaphore_mem>>, %arg13: memref<!tpu.dma_semaphore, #tpu.memory_space<semaphore_mem>>, %arg14: memref<65536x8xf32, #tpu.memory_space<vmem_shared>>) attributes {dimension_semantics = [#tpu.dimension_semantics<core_parallel>, #tpu.dimension_semantics<subcore_parallel>], iteration_bounds = array<i64: 2, 16>, scalar_prefetch = 0 : i64, scratch_operands = 9 : i64, tpu.core_type = #tpu.core_type<sc_vector_subcore>, window_params = [{transform_indices = #map}, {transform_indices = #map1}, {transform_indices = #map}, {transform_indices = #map2}]} {
    %mul3A = arith.constant 4096 : i32
    %mul3A_0 = arith.muli %arg1, %mul3A : i32
    "tpu.region"() ({
      %run_scoped3A = tpu.sem_alloc : memref<!tpu.dma_semaphore, #tpu.memory_space<semaphore_mem>>
      %dma_start3A_1839 = arith.constant 0 : i32
      %dma_start3A_1840 = tpu.memref_slice %arg14[%mul3A_0, %dma_start3A_1839] : memref<65536x8xf32, #tpu.memory_space<vmem_shared>> -> memref<4096x8xf32, #tpu.memory_space<vmem_shared>>
      tpu.enqueue_dma source(%arg4 : memref<4096x8xf32, #tpu.memory_space<hbm>>) target(%dma_start3A_1840 : memref<4096x8xf32, #tpu.memory_space<vmem_shared>>) target_semaphore(%run_scoped3A : memref<!tpu.dma_semaphore, #tpu.memory_space<semaphore_mem>>)
      %dma_wait3A_1841 = arith.constant 0 : i32
      %dma_wait3A_1842 = tpu.memref_slice %arg14[%mul3A_0, %dma_wait3A_1841] : memref<65536x8xf32, #tpu.memory_space<vmem_shared>> -> memref<4096x8xf32, #tpu.memory_space<vmem_shared>>
      tpu.wait_dma2 semaphore(%run_scoped3A : memref<!tpu.dma_semaphore, #tpu.memory_space<semaphore_mem>>) src(%arg4 : memref<4096x8xf32, #tpu.memory_space<hbm>>) dst(%dma_wait3A_1842 : memref<4096x8xf32, #tpu.memory_space<vmem_shared>>)
      tpu.yield
    }) : () -> ()
    %barrier3A = arith.constant 0 : index
    tpu.barrier barrier_id(%barrier3A)
    %mul3A_1 = arith.constant 110592 : i32
    %mul3A_2 = arith.muli %arg1, %mul3A_1 : i32
    %add3A = arith.constant 0 : i32
    %add3A_3 = arith.addi %mul3A_2, %add3A : i32
    %dma_start3A = arith.constant 0 : i32
    %dma_start3A_4 = arith.constant 0 : i32
    %dma_start3A_5 = tpu.memref_slice %arg6[%dma_start3A, %dma_start3A_4] : memref<2x4096xi32, #tpu.memory_space<vmem>> -> memref<1x4096xi32, #tpu.memory_space<vmem>>
    %dma_start3A_6 = tpu.memref_squeeze %dma_start3A_5 : memref<1x4096xi32, #tpu.memory_space<vmem>> -> memref<4096xi32, #tpu.memory_space<vmem>>
    %dma_start3A_7 = tpu.memref_slice %arg3[%add3A_3] : memref<1769472xi32, #tpu.memory_space<hbm>> -> memref<4096xi32, #tpu.memory_space<hbm>>
    %dma_start3A_8 = arith.constant 0 : i32
    %dma_start3A_9 = tpu.memref_slice %arg6[%dma_start3A, %dma_start3A_8] : memref<2x4096xi32, #tpu.memory_space<vmem>> -> memref<1x4096xi32, #tpu.memory_space<vmem>>
    %dma_start3A_10 = tpu.memref_squeeze %dma_start3A_9 : memref<1x4096xi32, #tpu.memory_space<vmem>> -> memref<4096xi32, #tpu.memory_space<vmem>>
    %dma_start3A_11 = tpu.memref_slice %arg3[%add3A_3] : memref<1769472xi32, #tpu.memory_space<hbm>> -> memref<4096xi32, #tpu.memory_space<hbm>>
    tpu.enqueue_dma source(%dma_start3A_11 : memref<4096xi32, #tpu.memory_space<hbm>>) target(%dma_start3A_10 : memref<4096xi32, #tpu.memory_space<vmem>>) target_semaphore(%arg8 : memref<!tpu.dma_semaphore, #tpu.memory_space<semaphore_mem>>)
    %mul3A_12 = arith.constant 8 : i32
    %mul3A_13 = arith.muli %arg0, %mul3A_12 : i32
    %dma_start3A_14 = arith.constant 0 : i32
    %dma_start3A_15 = arith.constant 0 : i32
    %dma_start3A_16 = arith.constant 0 : i32
    %dma_start3A_17 = tpu.memref_slice %arg7[%dma_start3A_14, %dma_start3A_15, %dma_start3A_16] : memref<2x4096x8xf32, #tpu.memory_space<vmem>> -> memref<1x4096x8xf32, #tpu.memory_space<vmem>>
    %dma_start3A_18 = tpu.memref_squeeze %dma_start3A_17 : memref<1x4096x8xf32, #tpu.memory_space<vmem>> -> memref<4096x8xf32, #tpu.memory_space<vmem>>
    %dma_start3A_19 = tpu.memref_slice %arg2[%add3A_3, %mul3A_13] : memref<1769472x16xf32, #tpu.memory_space<hbm>> -> memref<4096x8xf32, #tpu.memory_space<hbm>>
    %dma_start3A_20 = arith.constant 0 : i32
    %dma_start3A_21 = arith.constant 0 : i32
    %dma_start3A_22 = tpu.memref_slice %arg7[%dma_start3A_14, %dma_start3A_20, %dma_start3A_21] : memref<2x4096x8xf32, #tpu.memory_space<vmem>> -> memref<1x4096x8xf32, #tpu.memory_space<vmem>>
    %dma_start3A_23 = tpu.memref_squeeze %dma_start3A_22 : memref<1x4096x8xf32, #tpu.memory_space<vmem>> -> memref<4096x8xf32, #tpu.memory_space<vmem>>
    %dma_start3A_24 = tpu.memref_slice %arg2[%add3A_3, %mul3A_13] : memref<1769472x16xf32, #tpu.memory_space<hbm>> -> memref<4096x8xf32, #tpu.memory_space<hbm>>
    tpu.enqueue_dma source(%dma_start3A_24 : memref<4096x8xf32, #tpu.memory_space<hbm>>) target(%dma_start3A_23 : memref<4096x8xf32, #tpu.memory_space<vmem>>) target_semaphore(%arg10 : memref<!tpu.dma_semaphore, #tpu.memory_space<semaphore_mem>>)
    %dma_wait3A = arith.constant 0 : i32
    %dma_wait3A_25 = arith.constant 0 : i32
    %dma_wait3A_26 = tpu.memref_slice %arg6[%dma_wait3A, %dma_wait3A_25] : memref<2x4096xi32, #tpu.memory_space<vmem>> -> memref<1x4096xi32, #tpu.memory_space<vmem>>
    %dma_wait3A_27 = tpu.memref_squeeze %dma_wait3A_26 : memref<1x4096xi32, #tpu.memory_space<vmem>> -> memref<4096xi32, #tpu.memory_space<vmem>>
    %dma_wait3A_28 = tpu.memref_slice %arg3[%add3A_3] : memref<1769472xi32, #tpu.memory_space<hbm>> -> memref<4096xi32, #tpu.memory_space<hbm>>
    %dma_wait3A_29 = arith.constant 0 : i32
    %dma_wait3A_30 = tpu.memref_slice %arg6[%dma_wait3A, %dma_wait3A_29] : memref<2x4096xi32, #tpu.memory_space<vmem>> -> memref<1x4096xi32, #tpu.memory_space<vmem>>
    %dma_wait3A_31 = tpu.memref_squeeze %dma_wait3A_30 : memref<1x4096xi32, #tpu.memory_space<vmem>> -> memref<4096xi32, #tpu.memory_space<vmem>>
    %dma_wait3A_32 = tpu.memref_slice %arg3[%add3A_3] : memref<1769472xi32, #tpu.memory_space<hbm>> -> memref<4096xi32, #tpu.memory_space<hbm>>
    tpu.wait_dma2 semaphore(%arg8 : memref<!tpu.dma_semaphore, #tpu.memory_space<semaphore_mem>>) src(%dma_wait3A_32 : memref<4096xi32, #tpu.memory_space<hbm>>) dst(%dma_wait3A_31 : memref<4096xi32, #tpu.memory_space<vmem>>)
    %dma_wait3A_33 = arith.constant 0 : i32
    %dma_wait3A_34 = arith.constant 0 : i32
    %dma_wait3A_35 = arith.constant 0 : i32
    %dma_wait3A_36 = tpu.memref_slice %arg7[%dma_wait3A_33, %dma_wait3A_34, %dma_wait3A_35] : memref<2x4096x8xf32, #tpu.memory_space<vmem>> -> memref<1x4096x8xf32, #tpu.memory_space<vmem>>
    %dma_wait3A_37 = tpu.memref_squeeze %dma_wait3A_36 : memref<1x4096x8xf32, #tpu.memory_space<vmem>> -> memref<4096x8xf32, #tpu.memory_space<vmem>>
    %dma_wait3A_38 = tpu.memref_slice %arg2[%add3A_3, %mul3A_13] : memref<1769472x16xf32, #tpu.memory_space<hbm>> -> memref<4096x8xf32, #tpu.memory_space<hbm>>
    %dma_wait3A_39 = arith.constant 0 : i32
    %dma_wait3A_40 = arith.constant 0 : i32
    %dma_wait3A_41 = tpu.memref_slice %arg7[%dma_wait3A_33, %dma_wait3A_39, %dma_wait3A_40] : memref<2x4096x8xf32, #tpu.memory_space<vmem>> -> memref<1x4096x8xf32, #tpu.memory_space<vmem>>
    %dma_wait3A_42 = tpu.memref_squeeze %dma_wait3A_41 : memref<1x4096x8xf32, #tpu.memory_space<vmem>> -> memref<4096x8xf32, #tpu.memory_space<vmem>>
    %dma_wait3A_43 = tpu.memref_slice %arg2[%add3A_3, %mul3A_13] : memref<1769472x16xf32, #tpu.memory_space<hbm>> -> memref<4096x8xf32, #tpu.memory_space<hbm>>
    tpu.wait_dma2 semaphore(%arg10 : memref<!tpu.dma_semaphore, #tpu.memory_space<semaphore_mem>>) src(%dma_wait3A_43 : memref<4096x8xf32, #tpu.memory_space<hbm>>) dst(%dma_wait3A_42 : memref<4096x8xf32, #tpu.memory_space<vmem>>)
    %dma_start3A_44 = arith.constant 0 : i32
    %dma_start3A_45 = arith.constant 0 : i32
    %dma_start3A_46 = arith.constant 0 : i32
    %dma_start3A_47 = arith.constant 0 : i32
    %dma_start3A_48 = tpu.memref_slice %arg7[%dma_start3A_44, %dma_start3A_46, %dma_start3A_47] : memref<2x4096x8xf32, #tpu.memory_space<vmem>> -> memref<1x4096x8xf32, #tpu.memory_space<vmem>>
    %dma_start3A_49 = tpu.memref_squeeze %dma_start3A_48 : memref<1x4096x8xf32, #tpu.memory_space<vmem>> -> memref<4096x8xf32, #tpu.memory_space<vmem>>
    %dma_start3A_50 = arith.constant 0 : i32
    %dma_start3A_51 = tpu.memref_slice %arg6[%dma_start3A_45, %dma_start3A_50] : memref<2x4096xi32, #tpu.memory_space<vmem>> -> memref<1x4096xi32, #tpu.memory_space<vmem>>
    %dma_start3A_52 = tpu.memref_squeeze %dma_start3A_51 : memref<1x4096xi32, #tpu.memory_space<vmem>> -> memref<4096xi32, #tpu.memory_space<vmem>>
    %dma_start3A_53 = arith.constant 0 : i32
    %dma_start3A_54 = arith.constant 0 : i32
    %dma_start3A_55 = tpu.memref_slice %arg14[%dma_start3A_53, %dma_start3A_54] : memref<65536x8xf32, #tpu.memory_space<vmem_shared>> -> memref<65536x8xf32, #tpu.memory_space<vmem_shared>>
    tpu.enqueue_indirect_dma source(%dma_start3A_49 : memref<4096x8xf32, #tpu.memory_space<vmem>>) target(%dma_start3A_55 : memref<65536x8xf32, #tpu.memory_space<vmem_shared>>) offsets(%dma_start3A_52 : memref<4096xi32, #tpu.memory_space<vmem>>) semaphore(%arg12 : memref<!tpu.dma_semaphore, #tpu.memory_space<semaphore_mem>>) {add = true}
    %add3A_56 = arith.constant 4096 : i32
    %add3A_57 = arith.addi %mul3A_2, %add3A_56 : i32
    %dma_start3A_58 = arith.constant 1 : i32
    %dma_start3A_59 = arith.constant 0 : i32
    %dma_start3A_60 = tpu.memref_slice %arg6[%dma_start3A_58, %dma_start3A_59] : memref<2x4096xi32, #tpu.memory_space<vmem>> -> memref<1x4096xi32, #tpu.memory_space<vmem>>
    %dma_start3A_61 = tpu.memref_squeeze %dma_start3A_60 : memref<1x4096xi32, #tpu.memory_space<vmem>> -> memref<4096xi32, #tpu.memory_space<vmem>>
    %dma_start3A_62 = tpu.memref_slice %arg3[%add3A_57] : memref<1769472xi32, #tpu.memory_space<hbm>> -> memref<4096xi32, #tpu.memory_space<hbm>>
    %dma_start3A_63 = arith.constant 0 : i32
    %dma_start3A_64 = tpu.memref_slice %arg6[%dma_start3A_58, %dma_start3A_63] : memref<2x4096xi32, #tpu.memory_space<vmem>> -> memref<1x4096xi32, #tpu.memory_space<vmem>>
    %dma_start3A_65 = tpu.memref_squeeze %dma_start3A_64 : memref<1x4096xi32, #tpu.memory_space<vmem>> -> memref<4096xi32, #tpu.memory_space<vmem>>
    %dma_start3A_66 = tpu.memref_slice %arg3[%add3A_57] : memref<1769472xi32, #tpu.memory_space<hbm>> -> memref<4096xi32, #tpu.memory_space<hbm>>
    tpu.enqueue_dma source(%dma_start3A_66 : memref<4096xi32, #tpu.memory_space<hbm>>) target(%dma_start3A_65 : memref<4096xi32, #tpu.memory_space<vmem>>) target_semaphore(%arg9 : memref<!tpu.dma_semaphore, #tpu.memory_space<semaphore_mem>>)
    %mul3A_67 = arith.constant 8 : i32
    %mul3A_68 = arith.muli %arg0, %mul3A_67 : i32
    %dma_start3A_69 = arith.constant 1 : i32
    %dma_start3A_70 = arith.constant 0 : i32
    %dma_start3A_71 = arith.constant 0 : i32
    %dma_start3A_72 = tpu.memref_slice %arg7[%dma_start3A_69, %dma_start3A_70, %dma_start3A_71] : memref<2x4096x8xf32, #tpu.memory_space<vmem>> -> memref<1x4096x8xf32, #tpu.memory_space<vmem>>
    %dma_start3A_73 = tpu.memref_squeeze %dma_start3A_72 : memref<1x4096x8xf32, #tpu.memory_space<vmem>> -> memref<4096x8xf32, #tpu.memory_space<vmem>>
    %dma_start3A_74 = tpu.memref_slice %arg2[%add3A_57, %mul3A_68] : memref<1769472x16xf32, #tpu.memory_space<hbm>> -> memref<4096x8xf32, #tpu.memory_space<hbm>>
    %dma_start3A_75 = arith.constant 0 : i32
    %dma_start3A_76 = arith.constant 0 : i32
    %dma_start3A_77 = tpu.memref_slice %arg7[%dma_start3A_69, %dma_start3A_75, %dma_start3A_76] : memref<2x4096x8xf32, #tpu.memory_space<vmem>> -> memref<1x4096x8xf32, #tpu.memory_space<vmem>>
    %dma_start3A_78 = tpu.memref_squeeze %dma_start3A_77 : memref<1x4096x8xf32, #tpu.memory_space<vmem>> -> memref<4096x8xf32, #tpu.memory_space<vmem>>
    %dma_start3A_79 = tpu.memref_slice %arg2[%add3A_57, %mul3A_68] : memref<1769472x16xf32, #tpu.memory_space<hbm>> -> memref<4096x8xf32, #tpu.memory_space<hbm>>
    tpu.enqueue_dma source(%dma_start3A_79 : memref<4096x8xf32, #tpu.memory_space<hbm>>) target(%dma_start3A_78 : memref<4096x8xf32, #tpu.memory_space<vmem>>) target_semaphore(%arg11 : memref<!tpu.dma_semaphore, #tpu.memory_space<semaphore_mem>>)
    %dma_wait3A_80 = arith.constant 1 : i32
    %dma_wait3A_81 = arith.constant 0 : i32
    %dma_wait3A_82 = tpu.memref_slice %arg6[%dma_wait3A_80, %dma_wait3A_81] : memref<2x4096xi32, #tpu.memory_space<vmem>> -> memref<1x4096xi32, #tpu.memory_space<vmem>>
    %dma_wait3A_83 = tpu.memref_squeeze %dma_wait3A_82 : memref<1x4096xi32, #tpu.memory_space<vmem>> -> memref<4096xi32, #tpu.memory_space<vmem>>
    %dma_wait3A_84 = tpu.memref_slice %arg3[%add3A_57] : memref<1769472xi32, #tpu.memory_space<hbm>> -> memref<4096xi32, #tpu.memory_space<hbm>>
    %dma_wait3A_85 = arith.constant 0 : i32
    %dma_wait3A_86 = tpu.memref_slice %arg6[%dma_wait3A_80, %dma_wait3A_85] : memref<2x4096xi32, #tpu.memory_space<vmem>> -> memref<1x4096xi32, #tpu.memory_space<vmem>>
    %dma_wait3A_87 = tpu.memref_squeeze %dma_wait3A_86 : memref<1x4096xi32, #tpu.memory_space<vmem>> -> memref<4096xi32, #tpu.memory_space<vmem>>
    %dma_wait3A_88 = tpu.memref_slice %arg3[%add3A_57] : memref<1769472xi32, #tpu.memory_space<hbm>> -> memref<4096xi32, #tpu.memory_space<hbm>>
    tpu.wait_dma2 semaphore(%arg9 : memref<!tpu.dma_semaphore, #tpu.memory_space<semaphore_mem>>) src(%dma_wait3A_88 : memref<4096xi32, #tpu.memory_space<hbm>>) dst(%dma_wait3A_87 : memref<4096xi32, #tpu.memory_space<vmem>>)
    %dma_wait3A_89 = arith.constant 1 : i32
    %dma_wait3A_90 = arith.constant 0 : i32
    %dma_wait3A_91 = arith.constant 0 : i32
    %dma_wait3A_92 = tpu.memref_slice %arg7[%dma_wait3A_89, %dma_wait3A_90, %dma_wait3A_91] : memref<2x4096x8xf32, #tpu.memory_space<vmem>> -> memref<1x4096x8xf32, #tpu.memory_space<vmem>>
    %dma_wait3A_93 = tpu.memref_squeeze %dma_wait3A_92 : memref<1x4096x8xf32, #tpu.memory_space<vmem>> -> memref<4096x8xf32, #tpu.memory_space<vmem>>
    %dma_wait3A_94 = tpu.memref_slice %arg2[%add3A_57, %mul3A_68] : memref<1769472x16xf32, #tpu.memory_space<hbm>> -> memref<4096x8xf32, #tpu.memory_space<hbm>>
    %dma_wait3A_95 = arith.constant 0 : i32
    %dma_wait3A_96 = arith.constant 0 : i32
    %dma_wait3A_97 = tpu.memref_slice %arg7[%dma_wait3A_89, %dma_wait3A_95, %dma_wait3A_96] : memref<2x4096x8xf32, #tpu.memory_space<vmem>> -> memref<1x4096x8xf32, #tpu.memory_space<vmem>>
    %dma_wait3A_98 = tpu.memref_squeeze %dma_wait3A_97 : memref<1x4096x8xf32, #tpu.memory_space<vmem>> -> memref<4096x8xf32, #tpu.memory_space<vmem>>
    %dma_wait3A_99 = tpu.memref_slice %arg2[%add3A_57, %mul3A_68] : memref<1769472x16xf32, #tpu.memory_space<hbm>> -> memref<4096x8xf32, #tpu.memory_space<hbm>>
    tpu.wait_dma2 semaphore(%arg11 : memref<!tpu.dma_semaphore, #tpu.memory_space<semaphore_mem>>) src(%dma_wait3A_99 : memref<4096x8xf32, #tpu.memory_space<hbm>>) dst(%dma_wait3A_98 : memref<4096x8xf32, #tpu.memory_space<vmem>>)
    %dma_start3A_100 = arith.constant 1 : i32
    %dma_start3A_101 = arith.constant 1 : i32
    %dma_start3A_102 = arith.constant 0 : i32
    %dma_start3A_103 = arith.constant 0 : i32
    %dma_start3A_104 = tpu.memref_slice %arg7[%dma_start3A_100, %dma_start3A_102, %dma_start3A_103] : memref<2x4096x8xf32, #tpu.memory_space<vmem>> -> memref<1x4096x8xf32, #tpu.memory_space<vmem>>
    %dma_start3A_105 = tpu.memref_squeeze %dma_start3A_104 : memref<1x4096x8xf32, #tpu.memory_space<vmem>> -> memref<4096x8xf32, #tpu.memory_space<vmem>>
    %dma_start3A_106 = arith.constant 0 : i32
    %dma_start3A_107 = tpu.memref_slice %arg6[%dma_start3A_101, %dma_start3A_106] : memref<2x4096xi32, #tpu.memory_space<vmem>> -> memref<1x4096xi32, #tpu.memory_space<vmem>>
    %dma_start3A_108 = tpu.memref_squeeze %dma_start3A_107 : memref<1x4096xi32, #tpu.memory_space<vmem>> -> memref<4096xi32, #tpu.memory_space<vmem>>
    %dma_start3A_109 = arith.constant 0 : i32
    %dma_start3A_110 = arith.constant 0 : i32
    %dma_start3A_111 = tpu.memref_slice %arg14[%dma_start3A_109, %dma_start3A_110] : memref<65536x8xf32, #tpu.memory_space<vmem_shared>> -> memref<65536x8xf32, #tpu.memory_space<vmem_shared>>
    tpu.enqueue_indirect_dma source(%dma_start3A_105 : memref<4096x8xf32, #tpu.memory_space<vmem>>) target(%dma_start3A_111 : memref<65536x8xf32, #tpu.memory_space<vmem_shared>>) offsets(%dma_start3A_108 : memref<4096xi32, #tpu.memory_space<vmem>>) semaphore(%arg13 : memref<!tpu.dma_semaphore, #tpu.memory_space<semaphore_mem>>) {add = true}
    %dma_wait3A_112 = arith.constant 0 : i32
    %dma_wait3A_113 = arith.constant 0 : i32
    %dma_wait3A_114 = arith.constant 0 : i32
    %dma_wait3A_115 = arith.constant 0 : i32
    %dma_wait3A_116 = tpu.memref_slice %arg7[%dma_wait3A_112, %dma_wait3A_114, %dma_wait3A_115] : memref<2x4096x8xf32, #tpu.memory_space<vmem>> -> memref<1x4096x8xf32, #tpu.memory_space<vmem>>
    %dma_wait3A_117 = tpu.memref_squeeze %dma_wait3A_116 : memref<1x4096x8xf32, #tpu.memory_space<vmem>> -> memref<4096x8xf32, #tpu.memory_space<vmem>>
    %dma_wait3A_118 = arith.constant 0 : i32
    %dma_wait3A_119 = tpu.memref_slice %arg6[%dma_wait3A_113, %dma_wait3A_118] : memref<2x4096xi32, #tpu.memory_space<vmem>> -> memref<1x4096xi32, #tpu.memory_space<vmem>>
    %dma_wait3A_120 = tpu.memref_squeeze %dma_wait3A_119 : memref<1x4096xi32, #tpu.memory_space<vmem>> -> memref<4096xi32, #tpu.memory_space<vmem>>
    %dma_wait3A_121 = arith.constant 0 : i32
    %dma_wait3A_122 = arith.constant 0 : i32
    %dma_wait3A_123 = tpu.memref_slice %arg14[%dma_wait3A_121, %dma_wait3A_122] : memref<65536x8xf32, #tpu.memory_space<vmem_shared>> -> memref<65536x8xf32, #tpu.memory_space<vmem_shared>>
    tpu.wait_indirect_dma semaphore(%arg12 : memref<!tpu.dma_semaphore, #tpu.memory_space<semaphore_mem>>) src(%dma_wait3A_117 : memref<4096x8xf32, #tpu.memory_space<vmem>>) dst(%dma_wait3A_123 : memref<65536x8xf32, #tpu.memory_space<vmem_shared>>)
    %add3A_124 = arith.constant 8192 : i32
    %add3A_125 = arith.addi %mul3A_2, %add3A_124 : i32
    %dma_start3A_126 = arith.constant 0 : i32
    %dma_start3A_127 = arith.constant 0 : i32
    %dma_start3A_128 = tpu.memref_slice %arg6[%dma_start3A_126, %dma_start3A_127] : memref<2x4096xi32, #tpu.memory_space<vmem>> -> memref<1x4096xi32, #tpu.memory_space<vmem>>
    %dma_start3A_129 = tpu.memref_squeeze %dma_start3A_128 : memref<1x4096xi32, #tpu.memory_space<vmem>> -> memref<4096xi32, #tpu.memory_space<vmem>>
    %dma_start3A_130 = tpu.memref_slice %arg3[%add3A_125] : memref<1769472xi32, #tpu.memory_space<hbm>> -> memref<4096xi32, #tpu.memory_space<hbm>>
    %dma_start3A_131 = arith.constant 0 : i32
    %dma_start3A_132 = tpu.memref_slice %arg6[%dma_start3A_126, %dma_start3A_131] : memref<2x4096xi32, #tpu.memory_space<vmem>> -> memref<1x4096xi32, #tpu.memory_space<vmem>>
    %dma_start3A_133 = tpu.memref_squeeze %dma_start3A_132 : memref<1x4096xi32, #tpu.memory_space<vmem>> -> memref<4096xi32, #tpu.memory_space<vmem>>
    %dma_start3A_134 = tpu.memref_slice %arg3[%add3A_125] : memref<1769472xi32, #tpu.memory_space<hbm>> -> memref<4096xi32, #tpu.memory_space<hbm>>
    tpu.enqueue_dma source(%dma_start3A_134 : memref<4096xi32, #tpu.memory_space<hbm>>) target(%dma_start3A_133 : memref<4096xi32, #tpu.memory_space<vmem>>) target_semaphore(%arg8 : memref<!tpu.dma_semaphore, #tpu.memory_space<semaphore_mem>>)
    %mul3A_135 = arith.constant 8 : i32
    %mul3A_136 = arith.muli %arg0, %mul3A_135 : i32
    %dma_start3A_137 = arith.constant 0 : i32
    %dma_start3A_138 = arith.constant 0 : i32
    %dma_start3A_139 = arith.constant 0 : i32
    %dma_start3A_140 = tpu.memref_slice %arg7[%dma_start3A_137, %dma_start3A_138, %dma_start3A_139] : memref<2x4096x8xf32, #tpu.memory_space<vmem>> -> memref<1x4096x8xf32, #tpu.memory_space<vmem>>
    %dma_start3A_141 = tpu.memref_squeeze %dma_start3A_140 : memref<1x4096x8xf32, #tpu.memory_space<vmem>> -> memref<4096x8xf32, #tpu.memory_space<vmem>>
    %dma_start3A_142 = tpu.memref_slice %arg2[%add3A_125, %mul3A_136] : memref<1769472x16xf32, #tpu.memory_space<hbm>> -> memref<4096x8xf32, #tpu.memory_space<hbm>>
    %dma_start3A_143 = arith.constant 0 : i32
    %dma_start3A_144 = arith.constant 0 : i32
    %dma_start3A_145 = tpu.memref_slice %arg7[%dma_start3A_137, %dma_start3A_143, %dma_start3A_144] : memref<2x4096x8xf32, #tpu.memory_space<vmem>> -> memref<1x4096x8xf32, #tpu.memory_space<vmem>>
    %dma_start3A_146 = tpu.memref_squeeze %dma_start3A_145 : memref<1x4096x8xf32, #tpu.memory_space<vmem>> -> memref<4096x8xf32, #tpu.memory_space<vmem>>
    %dma_start3A_147 = tpu.memref_slice %arg2[%add3A_125, %mul3A_136] : memref<1769472x16xf32, #tpu.memory_space<hbm>> -> memref<4096x8xf32, #tpu.memory_space<hbm>>
    tpu.enqueue_dma source(%dma_start3A_147 : memref<4096x8xf32, #tpu.memory_space<hbm>>) target(%dma_start3A_146 : memref<4096x8xf32, #tpu.memory_space<vmem>>) target_semaphore(%arg10 : memref<!tpu.dma_semaphore, #tpu.memory_space<semaphore_mem>>)
    %dma_wait3A_148 = arith.constant 0 : i32
    %dma_wait3A_149 = arith.constant 0 : i32
    %dma_wait3A_150 = tpu.memref_slice %arg6[%dma_wait3A_148, %dma_wait3A_149] : memref<2x4096xi32, #tpu.memory_space<vmem>> -> memref<1x4096xi32, #tpu.memory_space<vmem>>
    %dma_wait3A_151 = tpu.memref_squeeze %dma_wait3A_150 : memref<1x4096xi32, #tpu.memory_space<vmem>> -> memref<4096xi32, #tpu.memory_space<vmem>>
    %dma_wait3A_152 = tpu.memref_slice %arg3[%add3A_125] : memref<1769472xi32, #tpu.memory_space<hbm>> -> memref<4096xi32, #tpu.memory_space<hbm>>
    %dma_wait3A_153 = arith.constant 0 : i32
    %dma_wait3A_154 = tpu.memref_slice %arg6[%dma_wait3A_148, %dma_wait3A_153] : memref<2x4096xi32, #tpu.memory_space<vmem>> -> memref<1x4096xi32, #tpu.memory_space<vmem>>
    %dma_wait3A_155 = tpu.memref_squeeze %dma_wait3A_154 : memref<1x4096xi32, #tpu.memory_space<vmem>> -> memref<4096xi32, #tpu.memory_space<vmem>>
    %dma_wait3A_156 = tpu.memref_slice %arg3[%add3A_125] : memref<1769472xi32, #tpu.memory_space<hbm>> -> memref<4096xi32, #tpu.memory_space<hbm>>
    tpu.wait_dma2 semaphore(%arg8 : memref<!tpu.dma_semaphore, #tpu.memory_space<semaphore_mem>>) src(%dma_wait3A_156 : memref<4096xi32, #tpu.memory_space<hbm>>) dst(%dma_wait3A_155 : memref<4096xi32, #tpu.memory_space<vmem>>)
    %dma_wait3A_157 = arith.constant 0 : i32
    %dma_wait3A_158 = arith.constant 0 : i32
    %dma_wait3A_159 = arith.constant 0 : i32
    %dma_wait3A_160 = tpu.memref_slice %arg7[%dma_wait3A_157, %dma_wait3A_158, %dma_wait3A_159] : memref<2x4096x8xf32, #tpu.memory_space<vmem>> -> memref<1x4096x8xf32, #tpu.memory_space<vmem>>
    %dma_wait3A_161 = tpu.memref_squeeze %dma_wait3A_160 : memref<1x4096x8xf32, #tpu.memory_space<vmem>> -> memref<4096x8xf32, #tpu.memory_space<vmem>>
    %dma_wait3A_162 = tpu.memref_slice %arg2[%add3A_125, %mul3A_136] : memref<1769472x16xf32, #tpu.memory_space<hbm>> -> memref<4096x8xf32, #tpu.memory_space<hbm>>
    %dma_wait3A_163 = arith.constant 0 : i32
    %dma_wait3A_164 = arith.constant 0 : i32
    %dma_wait3A_165 = tpu.memref_slice %arg7[%dma_wait3A_157, %dma_wait3A_163, %dma_wait3A_164] : memref<2x4096x8xf32, #tpu.memory_space<vmem>> -> memref<1x4096x8xf32, #tpu.memory_space<vmem>>
    %dma_wait3A_166 = tpu.memref_squeeze %dma_wait3A_165 : memref<1x4096x8xf32, #tpu.memory_space<vmem>> -> memref<4096x8xf32, #tpu.memory_space<vmem>>
    %dma_wait3A_167 = tpu.memref_slice %arg2[%add3A_125, %mul3A_136] : memref<1769472x16xf32, #tpu.memory_space<hbm>> -> memref<4096x8xf32, #tpu.memory_space<hbm>>
    tpu.wait_dma2 semaphore(%arg10 : memref<!tpu.dma_semaphore, #tpu.memory_space<semaphore_mem>>) src(%dma_wait3A_167 : memref<4096x8xf32, #tpu.memory_space<hbm>>) dst(%dma_wait3A_166 : memref<4096x8xf32, #tpu.memory_space<vmem>>)
    %dma_start3A_168 = arith.constant 0 : i32
    %dma_start3A_169 = arith.constant 0 : i32
    %dma_start3A_170 = arith.constant 0 : i32
    %dma_start3A_171 = arith.constant 0 : i32
    %dma_start3A_172 = tpu.memref_slice %arg7[%dma_start3A_168, %dma_start3A_170, %dma_start3A_171] : memref<2x4096x8xf32, #tpu.memory_space<vmem>> -> memref<1x4096x8xf32, #tpu.memory_space<vmem>>
    %dma_start3A_173 = tpu.memref_squeeze %dma_start3A_172 : memref<1x4096x8xf32, #tpu.memory_space<vmem>> -> memref<4096x8xf32, #tpu.memory_space<vmem>>
    %dma_start3A_174 = arith.constant 0 : i32
    %dma_start3A_175 = tpu.memref_slice %arg6[%dma_start3A_169, %dma_start3A_174] : memref<2x4096xi32, #tpu.memory_space<vmem>> -> memref<1x4096xi32, #tpu.memory_space<vmem>>
    %dma_start3A_176 = tpu.memref_squeeze %dma_start3A_175 : memref<1x4096xi32, #tpu.memory_space<vmem>> -> memref<4096xi32, #tpu.memory_space<vmem>>
    %dma_start3A_177 = arith.constant 0 : i32
    %dma_start3A_178 = arith.constant 0 : i32
    %dma_start3A_179 = tpu.memref_slice %arg14[%dma_start3A_177, %dma_start3A_178] : memref<65536x8xf32, #tpu.memory_space<vmem_shared>> -> memref<65536x8xf32, #tpu.memory_space<vmem_shared>>
    tpu.enqueue_indirect_dma source(%dma_start3A_173 : memref<4096x8xf32, #tpu.memory_space<vmem>>) target(%dma_start3A_179 : memref<65536x8xf32, #tpu.memory_space<vmem_shared>>) offsets(%dma_start3A_176 : memref<4096xi32, #tpu.memory_space<vmem>>) semaphore(%arg12 : memref<!tpu.dma_semaphore, #tpu.memory_space<semaphore_mem>>) {add = true}
    %dma_wait3A_180 = arith.constant 1 : i32
    %dma_wait3A_181 = arith.constant 1 : i32
    %dma_wait3A_182 = arith.constant 0 : i32
    %dma_wait3A_183 = arith.constant 0 : i32
    %dma_wait3A_184 = tpu.memref_slice %arg7[%dma_wait3A_180, %dma_wait3A_182, %dma_wait3A_183] : memref<2x4096x8xf32, #tpu.memory_space<vmem>> -> memref<1x4096x8xf32, #tpu.memory_space<vmem>>
    %dma_wait3A_185 = tpu.memref_squeeze %dma_wait3A_184 : memref<1x4096x8xf32, #tpu.memory_space<vmem>> -> memref<4096x8xf32, #tpu.memory_space<vmem>>
    %dma_wait3A_186 = arith.constant 0 : i32
    %dma_wait3A_187 = tpu.memref_slice %arg6[%dma_wait3A_181, %dma_wait3A_186] : memref<2x4096xi32, #tpu.memory_space<vmem>> -> memref<1x4096xi32, #tpu.memory_space<vmem>>
    %dma_wait3A_188 = tpu.memref_squeeze %dma_wait3A_187 : memref<1x4096xi32, #tpu.memory_space<vmem>> -> memref<4096xi32, #tpu.memory_space<vmem>>
    %dma_wait3A_189 = arith.constant 0 : i32
    %dma_wait3A_190 = arith.constant 0 : i32
    %dma_wait3A_191 = tpu.memref_slice %arg14[%dma_wait3A_189, %dma_wait3A_190] : memref<65536x8xf32, #tpu.memory_space<vmem_shared>> -> memref<65536x8xf32, #tpu.memory_space<vmem_shared>>
    tpu.wait_indirect_dma semaphore(%arg13 : memref<!tpu.dma_semaphore, #tpu.memory_space<semaphore_mem>>) src(%dma_wait3A_185 : memref<4096x8xf32, #tpu.memory_space<vmem>>) dst(%dma_wait3A_191 : memref<65536x8xf32, #tpu.memory_space<vmem_shared>>)
    %add3A_192 = arith.constant 12288 : i32
    %add3A_193 = arith.addi %mul3A_2, %add3A_192 : i32
    %dma_start3A_194 = arith.constant 1 : i32
    %dma_start3A_195 = arith.constant 0 : i32
    %dma_start3A_196 = tpu.memref_slice %arg6[%dma_start3A_194, %dma_start3A_195] : memref<2x4096xi32, #tpu.memory_space<vmem>> -> memref<1x4096xi32, #tpu.memory_space<vmem>>
    %dma_start3A_197 = tpu.memref_squeeze %dma_start3A_196 : memref<1x4096xi32, #tpu.memory_space<vmem>> -> memref<4096xi32, #tpu.memory_space<vmem>>
    %dma_start3A_198 = tpu.memref_slice %arg3[%add3A_193] : memref<1769472xi32, #tpu.memory_space<hbm>> -> memref<4096xi32, #tpu.memory_space<hbm>>
    %dma_start3A_199 = arith.constant 0 : i32
    %dma_start3A_200 = tpu.memref_slice %arg6[%dma_start3A_194, %dma_start3A_199] : memref<2x4096xi32, #tpu.memory_space<vmem>> -> memref<1x4096xi32, #tpu.memory_space<vmem>>
    %dma_start3A_201 = tpu.memref_squeeze %dma_start3A_200 : memref<1x4096xi32, #tpu.memory_space<vmem>> -> memref<4096xi32, #tpu.memory_space<vmem>>
    %dma_start3A_202 = tpu.memref_slice %arg3[%add3A_193] : memref<1769472xi32, #tpu.memory_space<hbm>> -> memref<4096xi32, #tpu.memory_space<hbm>>
    tpu.enqueue_dma source(%dma_start3A_202 : memref<4096xi32, #tpu.memory_space<hbm>>) target(%dma_start3A_201 : memref<4096xi32, #tpu.memory_space<vmem>>) target_semaphore(%arg9 : memref<!tpu.dma_semaphore, #tpu.memory_space<semaphore_mem>>)
    %mul3A_203 = arith.constant 8 : i32
    %mul3A_204 = arith.muli %arg0, %mul3A_203 : i32
    %dma_start3A_205 = arith.constant 1 : i32
    %dma_start3A_206 = arith.constant 0 : i32
    %dma_start3A_207 = arith.constant 0 : i32
    %dma_start3A_208 = tpu.memref_slice %arg7[%dma_start3A_205, %dma_start3A_206, %dma_start3A_207] : memref<2x4096x8xf32, #tpu.memory_space<vmem>> -> memref<1x4096x8xf32, #tpu.memory_space<vmem>>
    %dma_start3A_209 = tpu.memref_squeeze %dma_start3A_208 : memref<1x4096x8xf32, #tpu.memory_space<vmem>> -> memref<4096x8xf32, #tpu.memory_space<vmem>>
    %dma_start3A_210 = tpu.memref_slice %arg2[%add3A_193, %mul3A_204] : memref<1769472x16xf32, #tpu.memory_space<hbm>> -> memref<4096x8xf32, #tpu.memory_space<hbm>>
    %dma_start3A_211 = arith.constant 0 : i32
    %dma_start3A_212 = arith.constant 0 : i32
    %dma_start3A_213 = tpu.memref_slice %arg7[%dma_start3A_205, %dma_start3A_211, %dma_start3A_212] : memref<2x4096x8xf32, #tpu.memory_space<vmem>> -> memref<1x4096x8xf32, #tpu.memory_space<vmem>>
    %dma_start3A_214 = tpu.memref_squeeze %dma_start3A_213 : memref<1x4096x8xf32, #tpu.memory_space<vmem>> -> memref<4096x8xf32, #tpu.memory_space<vmem>>
    %dma_start3A_215 = tpu.memref_slice %arg2[%add3A_193, %mul3A_204] : memref<1769472x16xf32, #tpu.memory_space<hbm>> -> memref<4096x8xf32, #tpu.memory_space<hbm>>
    tpu.enqueue_dma source(%dma_start3A_215 : memref<4096x8xf32, #tpu.memory_space<hbm>>) target(%dma_start3A_214 : memref<4096x8xf32, #tpu.memory_space<vmem>>) target_semaphore(%arg11 : memref<!tpu.dma_semaphore, #tpu.memory_space<semaphore_mem>>)
    %dma_wait3A_216 = arith.constant 1 : i32
    %dma_wait3A_217 = arith.constant 0 : i32
    %dma_wait3A_218 = tpu.memref_slice %arg6[%dma_wait3A_216, %dma_wait3A_217] : memref<2x4096xi32, #tpu.memory_space<vmem>> -> memref<1x4096xi32, #tpu.memory_space<vmem>>
    %dma_wait3A_219 = tpu.memref_squeeze %dma_wait3A_218 : memref<1x4096xi32, #tpu.memory_space<vmem>> -> memref<4096xi32, #tpu.memory_space<vmem>>
    %dma_wait3A_220 = tpu.memref_slice %arg3[%add3A_193] : memref<1769472xi32, #tpu.memory_space<hbm>> -> memref<4096xi32, #tpu.memory_space<hbm>>
    %dma_wait3A_221 = arith.constant 0 : i32
    %dma_wait3A_222 = tpu.memref_slice %arg6[%dma_wait3A_216, %dma_wait3A_221] : memref<2x4096xi32, #tpu.memory_space<vmem>> -> memref<1x4096xi32, #tpu.memory_space<vmem>>
    %dma_wait3A_223 = tpu.memref_squeeze %dma_wait3A_222 : memref<1x4096xi32, #tpu.memory_space<vmem>> -> memref<4096xi32, #tpu.memory_space<vmem>>
    %dma_wait3A_224 = tpu.memref_slice %arg3[%add3A_193] : memref<1769472xi32, #tpu.memory_space<hbm>> -> memref<4096xi32, #tpu.memory_space<hbm>>
    tpu.wait_dma2 semaphore(%arg9 : memref<!tpu.dma_semaphore, #tpu.memory_space<semaphore_mem>>) src(%dma_wait3A_224 : memref<4096xi32, #tpu.memory_space<hbm>>) dst(%dma_wait3A_223 : memref<4096xi32, #tpu.memory_space<vmem>>)
    %dma_wait3A_225 = arith.constant 1 : i32
    %dma_wait3A_226 = arith.constant 0 : i32
    %dma_wait3A_227 = arith.constant 0 : i32
    %dma_wait3A_228 = tpu.memref_slice %arg7[%dma_wait3A_225, %dma_wait3A_226, %dma_wait3A_227] : memref<2x4096x8xf32, #tpu.memory_space<vmem>> -> memref<1x4096x8xf32, #tpu.memory_space<vmem>>
    %dma_wait3A_229 = tpu.memref_squeeze %dma_wait3A_228 : memref<1x4096x8xf32, #tpu.memory_space<vmem>> -> memref<4096x8xf32, #tpu.memory_space<vmem>>
    %dma_wait3A_230 = tpu.memref_slice %arg2[%add3A_193, %mul3A_204] : memref<1769472x16xf32, #tpu.memory_space<hbm>> -> memref<4096x8xf32, #tpu.memory_space<hbm>>
    %dma_wait3A_231 = arith.constant 0 : i32
    %dma_wait3A_232 = arith.constant 0 : i32
    %dma_wait3A_233 = tpu.memref_slice %arg7[%dma_wait3A_225, %dma_wait3A_231, %dma_wait3A_232] : memref<2x4096x8xf32, #tpu.memory_space<vmem>> -> memref<1x4096x8xf32, #tpu.memory_space<vmem>>
    %dma_wait3A_234 = tpu.memref_squeeze %dma_wait3A_233 : memref<1x4096x8xf32, #tpu.memory_space<vmem>> -> memref<4096x8xf32, #tpu.memory_space<vmem>>
    %dma_wait3A_235 = tpu.memref_slice %arg2[%add3A_193, %mul3A_204] : memref<1769472x16xf32, #tpu.memory_space<hbm>> -> memref<4096x8xf32, #tpu.memory_space<hbm>>
    tpu.wait_dma2 semaphore(%arg11 : memref<!tpu.dma_semaphore, #tpu.memory_space<semaphore_mem>>) src(%dma_wait3A_235 : memref<4096x8xf32, #tpu.memory_space<hbm>>) dst(%dma_wait3A_234 : memref<4096x8xf32, #tpu.memory_space<vmem>>)
    %dma_start3A_236 = arith.constant 1 : i32
    %dma_start3A_237 = arith.constant 1 : i32
    %dma_start3A_238 = arith.constant 0 : i32
    %dma_start3A_239 = arith.constant 0 : i32
    %dma_start3A_240 = tpu.memref_slice %arg7[%dma_start3A_236, %dma_start3A_238, %dma_start3A_239] : memref<2x4096x8xf32, #tpu.memory_space<vmem>> -> memref<1x4096x8xf32, #tpu.memory_space<vmem>>
    %dma_start3A_241 = tpu.memref_squeeze %dma_start3A_240 : memref<1x4096x8xf32, #tpu.memory_space<vmem>> -> memref<4096x8xf32, #tpu.memory_space<vmem>>
    %dma_start3A_242 = arith.constant 0 : i32
    %dma_start3A_243 = tpu.memref_slice %arg6[%dma_start3A_237, %dma_start3A_242] : memref<2x4096xi32, #tpu.memory_space<vmem>> -> memref<1x4096xi32, #tpu.memory_space<vmem>>
    %dma_start3A_244 = tpu.memref_squeeze %dma_start3A_243 : memref<1x4096xi32, #tpu.memory_space<vmem>> -> memref<4096xi32, #tpu.memory_space<vmem>>
    %dma_start3A_245 = arith.constant 0 : i32
    %dma_start3A_246 = arith.constant 0 : i32
    %dma_start3A_247 = tpu.memref_slice %arg14[%dma_start3A_245, %dma_start3A_246] : memref<65536x8xf32, #tpu.memory_space<vmem_shared>> -> memref<65536x8xf32, #tpu.memory_space<vmem_shared>>
    tpu.enqueue_indirect_dma source(%dma_start3A_241 : memref<4096x8xf32, #tpu.memory_space<vmem>>) target(%dma_start3A_247 : memref<65536x8xf32, #tpu.memory_space<vmem_shared>>) offsets(%dma_start3A_244 : memref<4096xi32, #tpu.memory_space<vmem>>) semaphore(%arg13 : memref<!tpu.dma_semaphore, #tpu.memory_space<semaphore_mem>>) {add = true}
    %dma_wait3A_248 = arith.constant 0 : i32
    %dma_wait3A_249 = arith.constant 0 : i32
    %dma_wait3A_250 = arith.constant 0 : i32
    %dma_wait3A_251 = arith.constant 0 : i32
    %dma_wait3A_252 = tpu.memref_slice %arg7[%dma_wait3A_248, %dma_wait3A_250, %dma_wait3A_251] : memref<2x4096x8xf32, #tpu.memory_space<vmem>> -> memref<1x4096x8xf32, #tpu.memory_space<vmem>>
    %dma_wait3A_253 = tpu.memref_squeeze %dma_wait3A_252 : memref<1x4096x8xf32, #tpu.memory_space<vmem>> -> memref<4096x8xf32, #tpu.memory_space<vmem>>
    %dma_wait3A_254 = arith.constant 0 : i32
    %dma_wait3A_255 = tpu.memref_slice %arg6[%dma_wait3A_249, %dma_wait3A_254] : memref<2x4096xi32, #tpu.memory_space<vmem>> -> memref<1x4096xi32, #tpu.memory_space<vmem>>
    %dma_wait3A_256 = tpu.memref_squeeze %dma_wait3A_255 : memref<1x4096xi32, #tpu.memory_space<vmem>> -> memref<4096xi32, #tpu.memory_space<vmem>>
    %dma_wait3A_257 = arith.constant 0 : i32
    %dma_wait3A_258 = arith.constant 0 : i32
    %dma_wait3A_259 = tpu.memref_slice %arg14[%dma_wait3A_257, %dma_wait3A_258] : memref<65536x8xf32, #tpu.memory_space<vmem_shared>> -> memref<65536x8xf32, #tpu.memory_space<vmem_shared>>
    tpu.wait_indirect_dma semaphore(%arg12 : memref<!tpu.dma_semaphore, #tpu.memory_space<semaphore_mem>>) src(%dma_wait3A_253 : memref<4096x8xf32, #tpu.memory_space<vmem>>) dst(%dma_wait3A_259 : memref<65536x8xf32, #tpu.memory_space<vmem_shared>>)
    %add3A_260 = arith.constant 16384 : i32
    %add3A_261 = arith.addi %mul3A_2, %add3A_260 : i32
    %dma_start3A_262 = arith.constant 0 : i32
    %dma_start3A_263 = arith.constant 0 : i32
    %dma_start3A_264 = tpu.memref_slice %arg6[%dma_start3A_262, %dma_start3A_263] : memref<2x4096xi32, #tpu.memory_space<vmem>> -> memref<1x4096xi32, #tpu.memory_space<vmem>>
    %dma_start3A_265 = tpu.memref_squeeze %dma_start3A_264 : memref<1x4096xi32, #tpu.memory_space<vmem>> -> memref<4096xi32, #tpu.memory_space<vmem>>
    %dma_start3A_266 = tpu.memref_slice %arg3[%add3A_261] : memref<1769472xi32, #tpu.memory_space<hbm>> -> memref<4096xi32, #tpu.memory_space<hbm>>
    %dma_start3A_267 = arith.constant 0 : i32
    %dma_start3A_268 = tpu.memref_slice %arg6[%dma_start3A_262, %dma_start3A_267] : memref<2x4096xi32, #tpu.memory_space<vmem>> -> memref<1x4096xi32, #tpu.memory_space<vmem>>
    %dma_start3A_269 = tpu.memref_squeeze %dma_start3A_268 : memref<1x4096xi32, #tpu.memory_space<vmem>> -> memref<4096xi32, #tpu.memory_space<vmem>>
    %dma_start3A_270 = tpu.memref_slice %arg3[%add3A_261] : memref<1769472xi32, #tpu.memory_space<hbm>> -> memref<4096xi32, #tpu.memory_space<hbm>>
    tpu.enqueue_dma source(%dma_start3A_270 : memref<4096xi32, #tpu.memory_space<hbm>>) target(%dma_start3A_269 : memref<4096xi32, #tpu.memory_space<vmem>>) target_semaphore(%arg8 : memref<!tpu.dma_semaphore, #tpu.memory_space<semaphore_mem>>)
    %mul3A_271 = arith.constant 8 : i32
    %mul3A_272 = arith.muli %arg0, %mul3A_271 : i32
    %dma_start3A_273 = arith.constant 0 : i32
    %dma_start3A_274 = arith.constant 0 : i32
    %dma_start3A_275 = arith.constant 0 : i32
    %dma_start3A_276 = tpu.memref_slice %arg7[%dma_start3A_273, %dma_start3A_274, %dma_start3A_275] : memref<2x4096x8xf32, #tpu.memory_space<vmem>> -> memref<1x4096x8xf32, #tpu.memory_space<vmem>>
    %dma_start3A_277 = tpu.memref_squeeze %dma_start3A_276 : memref<1x4096x8xf32, #tpu.memory_space<vmem>> -> memref<4096x8xf32, #tpu.memory_space<vmem>>
    %dma_start3A_278 = tpu.memref_slice %arg2[%add3A_261, %mul3A_272] : memref<1769472x16xf32, #tpu.memory_space<hbm>> -> memref<4096x8xf32, #tpu.memory_space<hbm>>
    %dma_start3A_279 = arith.constant 0 : i32
    %dma_start3A_280 = arith.constant 0 : i32
    %dma_start3A_281 = tpu.memref_slice %arg7[%dma_start3A_273, %dma_start3A_279, %dma_start3A_280] : memref<2x4096x8xf32, #tpu.memory_space<vmem>> -> memref<1x4096x8xf32, #tpu.memory_space<vmem>>
    %dma_start3A_282 = tpu.memref_squeeze %dma_start3A_281 : memref<1x4096x8xf32, #tpu.memory_space<vmem>> -> memref<4096x8xf32, #tpu.memory_space<vmem>>
    %dma_start3A_283 = tpu.memref_slice %arg2[%add3A_261, %mul3A_272] : memref<1769472x16xf32, #tpu.memory_space<hbm>> -> memref<4096x8xf32, #tpu.memory_space<hbm>>
    tpu.enqueue_dma source(%dma_start3A_283 : memref<4096x8xf32, #tpu.memory_space<hbm>>) target(%dma_start3A_282 : memref<4096x8xf32, #tpu.memory_space<vmem>>) target_semaphore(%arg10 : memref<!tpu.dma_semaphore, #tpu.memory_space<semaphore_mem>>)
    %dma_wait3A_284 = arith.constant 0 : i32
    %dma_wait3A_285 = arith.constant 0 : i32
    %dma_wait3A_286 = tpu.memref_slice %arg6[%dma_wait3A_284, %dma_wait3A_285] : memref<2x4096xi32, #tpu.memory_space<vmem>> -> memref<1x4096xi32, #tpu.memory_space<vmem>>
    %dma_wait3A_287 = tpu.memref_squeeze %dma_wait3A_286 : memref<1x4096xi32, #tpu.memory_space<vmem>> -> memref<4096xi32, #tpu.memory_space<vmem>>
    %dma_wait3A_288 = tpu.memref_slice %arg3[%add3A_261] : memref<1769472xi32, #tpu.memory_space<hbm>> -> memref<4096xi32, #tpu.memory_space<hbm>>
    %dma_wait3A_289 = arith.constant 0 : i32
    %dma_wait3A_290 = tpu.memref_slice %arg6[%dma_wait3A_284, %dma_wait3A_289] : memref<2x4096xi32, #tpu.memory_space<vmem>> -> memref<1x4096xi32, #tpu.memory_space<vmem>>
    %dma_wait3A_291 = tpu.memref_squeeze %dma_wait3A_290 : memref<1x4096xi32, #tpu.memory_space<vmem>> -> memref<4096xi32, #tpu.memory_space<vmem>>
    %dma_wait3A_292 = tpu.memref_slice %arg3[%add3A_261] : memref<1769472xi32, #tpu.memory_space<hbm>> -> memref<4096xi32, #tpu.memory_space<hbm>>
    tpu.wait_dma2 semaphore(%arg8 : memref<!tpu.dma_semaphore, #tpu.memory_space<semaphore_mem>>) src(%dma_wait3A_292 : memref<4096xi32, #tpu.memory_space<hbm>>) dst(%dma_wait3A_291 : memref<4096xi32, #tpu.memory_space<vmem>>)
    %dma_wait3A_293 = arith.constant 0 : i32
    %dma_wait3A_294 = arith.constant 0 : i32
    %dma_wait3A_295 = arith.constant 0 : i32
    %dma_wait3A_296 = tpu.memref_slice %arg7[%dma_wait3A_293, %dma_wait3A_294, %dma_wait3A_295] : memref<2x4096x8xf32, #tpu.memory_space<vmem>> -> memref<1x4096x8xf32, #tpu.memory_space<vmem>>
    %dma_wait3A_297 = tpu.memref_squeeze %dma_wait3A_296 : memref<1x4096x8xf32, #tpu.memory_space<vmem>> -> memref<4096x8xf32, #tpu.memory_space<vmem>>
    %dma_wait3A_298 = tpu.memref_slice %arg2[%add3A_261, %mul3A_272] : memref<1769472x16xf32, #tpu.memory_space<hbm>> -> memref<4096x8xf32, #tpu.memory_space<hbm>>
    %dma_wait3A_299 = arith.constant 0 : i32
    %dma_wait3A_300 = arith.constant 0 : i32
    %dma_wait3A_301 = tpu.memref_slice %arg7[%dma_wait3A_293, %dma_wait3A_299, %dma_wait3A_300] : memref<2x4096x8xf32, #tpu.memory_space<vmem>> -> memref<1x4096x8xf32, #tpu.memory_space<vmem>>
    %dma_wait3A_302 = tpu.memref_squeeze %dma_wait3A_301 : memref<1x4096x8xf32, #tpu.memory_space<vmem>> -> memref<4096x8xf32, #tpu.memory_space<vmem>>
    %dma_wait3A_303 = tpu.memref_slice %arg2[%add3A_261, %mul3A_272] : memref<1769472x16xf32, #tpu.memory_space<hbm>> -> memref<4096x8xf32, #tpu.memory_space<hbm>>
    tpu.wait_dma2 semaphore(%arg10 : memref<!tpu.dma_semaphore, #tpu.memory_space<semaphore_mem>>) src(%dma_wait3A_303 : memref<4096x8xf32, #tpu.memory_space<hbm>>) dst(%dma_wait3A_302 : memref<4096x8xf32, #tpu.memory_space<vmem>>)
    %dma_start3A_304 = arith.constant 0 : i32
    %dma_start3A_305 = arith.constant 0 : i32
    %dma_start3A_306 = arith.constant 0 : i32
    %dma_start3A_307 = arith.constant 0 : i32
    %dma_start3A_308 = tpu.memref_slice %arg7[%dma_start3A_304, %dma_start3A_306, %dma_start3A_307] : memref<2x4096x8xf32, #tpu.memory_space<vmem>> -> memref<1x4096x8xf32, #tpu.memory_space<vmem>>
    %dma_start3A_309 = tpu.memref_squeeze %dma_start3A_308 : memref<1x4096x8xf32, #tpu.memory_space<vmem>> -> memref<4096x8xf32, #tpu.memory_space<vmem>>
    %dma_start3A_310 = arith.constant 0 : i32
    %dma_start3A_311 = tpu.memref_slice %arg6[%dma_start3A_305, %dma_start3A_310] : memref<2x4096xi32, #tpu.memory_space<vmem>> -> memref<1x4096xi32, #tpu.memory_space<vmem>>
    %dma_start3A_312 = tpu.memref_squeeze %dma_start3A_311 : memref<1x4096xi32, #tpu.memory_space<vmem>> -> memref<4096xi32, #tpu.memory_space<vmem>>
    %dma_start3A_313 = arith.constant 0 : i32
    %dma_start3A_314 = arith.constant 0 : i32
    %dma_start3A_315 = tpu.memref_slice %arg14[%dma_start3A_313, %dma_start3A_314] : memref<65536x8xf32, #tpu.memory_space<vmem_shared>> -> memref<65536x8xf32, #tpu.memory_space<vmem_shared>>
    tpu.enqueue_indirect_dma source(%dma_start3A_309 : memref<4096x8xf32, #tpu.memory_space<vmem>>) target(%dma_start3A_315 : memref<65536x8xf32, #tpu.memory_space<vmem_shared>>) offsets(%dma_start3A_312 : memref<4096xi32, #tpu.memory_space<vmem>>) semaphore(%arg12 : memref<!tpu.dma_semaphore, #tpu.memory_space<semaphore_mem>>) {add = true}
    %dma_wait3A_316 = arith.constant 1 : i32
    %dma_wait3A_317 = arith.constant 1 : i32
    %dma_wait3A_318 = arith.constant 0 : i32
    %dma_wait3A_319 = arith.constant 0 : i32
    %dma_wait3A_320 = tpu.memref_slice %arg7[%dma_wait3A_316, %dma_wait3A_318, %dma_wait3A_319] : memref<2x4096x8xf32, #tpu.memory_space<vmem>> -> memref<1x4096x8xf32, #tpu.memory_space<vmem>>
    %dma_wait3A_321 = tpu.memref_squeeze %dma_wait3A_320 : memref<1x4096x8xf32, #tpu.memory_space<vmem>> -> memref<4096x8xf32, #tpu.memory_space<vmem>>
    %dma_wait3A_322 = arith.constant 0 : i32
    %dma_wait3A_323 = tpu.memref_slice %arg6[%dma_wait3A_317, %dma_wait3A_322] : memref<2x4096xi32, #tpu.memory_space<vmem>> -> memref<1x4096xi32, #tpu.memory_space<vmem>>
    %dma_wait3A_324 = tpu.memref_squeeze %dma_wait3A_323 : memref<1x4096xi32, #tpu.memory_space<vmem>> -> memref<4096xi32, #tpu.memory_space<vmem>>
    %dma_wait3A_325 = arith.constant 0 : i32
    %dma_wait3A_326 = arith.constant 0 : i32
    %dma_wait3A_327 = tpu.memref_slice %arg14[%dma_wait3A_325, %dma_wait3A_326] : memref<65536x8xf32, #tpu.memory_space<vmem_shared>> -> memref<65536x8xf32, #tpu.memory_space<vmem_shared>>
    tpu.wait_indirect_dma semaphore(%arg13 : memref<!tpu.dma_semaphore, #tpu.memory_space<semaphore_mem>>) src(%dma_wait3A_321 : memref<4096x8xf32, #tpu.memory_space<vmem>>) dst(%dma_wait3A_327 : memref<65536x8xf32, #tpu.memory_space<vmem_shared>>)
    %add3A_328 = arith.constant 20480 : i32
    %add3A_329 = arith.addi %mul3A_2, %add3A_328 : i32
    %dma_start3A_330 = arith.constant 1 : i32
    %dma_start3A_331 = arith.constant 0 : i32
    %dma_start3A_332 = tpu.memref_slice %arg6[%dma_start3A_330, %dma_start3A_331] : memref<2x4096xi32, #tpu.memory_space<vmem>> -> memref<1x4096xi32, #tpu.memory_space<vmem>>
    %dma_start3A_333 = tpu.memref_squeeze %dma_start3A_332 : memref<1x4096xi32, #tpu.memory_space<vmem>> -> memref<4096xi32, #tpu.memory_space<vmem>>
    %dma_start3A_334 = tpu.memref_slice %arg3[%add3A_329] : memref<1769472xi32, #tpu.memory_space<hbm>> -> memref<4096xi32, #tpu.memory_space<hbm>>
    %dma_start3A_335 = arith.constant 0 : i32
    %dma_start3A_336 = tpu.memref_slice %arg6[%dma_start3A_330, %dma_start3A_335] : memref<2x4096xi32, #tpu.memory_space<vmem>> -> memref<1x4096xi32, #tpu.memory_space<vmem>>
    %dma_start3A_337 = tpu.memref_squeeze %dma_start3A_336 : memref<1x4096xi32, #tpu.memory_space<vmem>> -> memref<4096xi32, #tpu.memory_space<vmem>>
    %dma_start3A_338 = tpu.memref_slice %arg3[%add3A_329] : memref<1769472xi32, #tpu.memory_space<hbm>> -> memref<4096xi32, #tpu.memory_space<hbm>>
    tpu.enqueue_dma source(%dma_start3A_338 : memref<4096xi32, #tpu.memory_space<hbm>>) target(%dma_start3A_337 : memref<4096xi32, #tpu.memory_space<vmem>>) target_semaphore(%arg9 : memref<!tpu.dma_semaphore, #tpu.memory_space<semaphore_mem>>)
    %mul3A_339 = arith.constant 8 : i32
    %mul3A_340 = arith.muli %arg0, %mul3A_339 : i32
    %dma_start3A_341 = arith.constant 1 : i32
    %dma_start3A_342 = arith.constant 0 : i32
    %dma_start3A_343 = arith.constant 0 : i32
    %dma_start3A_344 = tpu.memref_slice %arg7[%dma_start3A_341, %dma_start3A_342, %dma_start3A_343] : memref<2x4096x8xf32, #tpu.memory_space<vmem>> -> memref<1x4096x8xf32, #tpu.memory_space<vmem>>
    %dma_start3A_345 = tpu.memref_squeeze %dma_start3A_344 : memref<1x4096x8xf32, #tpu.memory_space<vmem>> -> memref<4096x8xf32, #tpu.memory_space<vmem>>
    %dma_start3A_346 = tpu.memref_slice %arg2[%add3A_329, %mul3A_340] : memref<1769472x16xf32, #tpu.memory_space<hbm>> -> memref<4096x8xf32, #tpu.memory_space<hbm>>
    %dma_start3A_347 = arith.constant 0 : i32
    %dma_start3A_348 = arith.constant 0 : i32
    %dma_start3A_349 = tpu.memref_slice %arg7[%dma_start3A_341, %dma_start3A_347, %dma_start3A_348] : memref<2x4096x8xf32, #tpu.memory_space<vmem>> -> memref<1x4096x8xf32, #tpu.memory_space<vmem>>
    %dma_start3A_350 = tpu.memref_squeeze %dma_start3A_349 : memref<1x4096x8xf32, #tpu.memory_space<vmem>> -> memref<4096x8xf32, #tpu.memory_space<vmem>>
    %dma_start3A_351 = tpu.memref_slice %arg2[%add3A_329, %mul3A_340] : memref<1769472x16xf32, #tpu.memory_space<hbm>> -> memref<4096x8xf32, #tpu.memory_space<hbm>>
    tpu.enqueue_dma source(%dma_start3A_351 : memref<4096x8xf32, #tpu.memory_space<hbm>>) target(%dma_start3A_350 : memref<4096x8xf32, #tpu.memory_space<vmem>>) target_semaphore(%arg11 : memref<!tpu.dma_semaphore, #tpu.memory_space<semaphore_mem>>)
    %dma_wait3A_352 = arith.constant 1 : i32
    %dma_wait3A_353 = arith.constant 0 : i32
    %dma_wait3A_354 = tpu.memref_slice %arg6[%dma_wait3A_352, %dma_wait3A_353] : memref<2x4096xi32, #tpu.memory_space<vmem>> -> memref<1x4096xi32, #tpu.memory_space<vmem>>
    %dma_wait3A_355 = tpu.memref_squeeze %dma_wait3A_354 : memref<1x4096xi32, #tpu.memory_space<vmem>> -> memref<4096xi32, #tpu.memory_space<vmem>>
    %dma_wait3A_356 = tpu.memref_slice %arg3[%add3A_329] : memref<1769472xi32, #tpu.memory_space<hbm>> -> memref<4096xi32, #tpu.memory_space<hbm>>
    %dma_wait3A_357 = arith.constant 0 : i32
    %dma_wait3A_358 = tpu.memref_slice %arg6[%dma_wait3A_352, %dma_wait3A_357] : memref<2x4096xi32, #tpu.memory_space<vmem>> -> memref<1x4096xi32, #tpu.memory_space<vmem>>
    %dma_wait3A_359 = tpu.memref_squeeze %dma_wait3A_358 : memref<1x4096xi32, #tpu.memory_space<vmem>> -> memref<4096xi32, #tpu.memory_space<vmem>>
    %dma_wait3A_360 = tpu.memref_slice %arg3[%add3A_329] : memref<1769472xi32, #tpu.memory_space<hbm>> -> memref<4096xi32, #tpu.memory_space<hbm>>
    tpu.wait_dma2 semaphore(%arg9 : memref<!tpu.dma_semaphore, #tpu.memory_space<semaphore_mem>>) src(%dma_wait3A_360 : memref<4096xi32, #tpu.memory_space<hbm>>) dst(%dma_wait3A_359 : memref<4096xi32, #tpu.memory_space<vmem>>)
    %dma_wait3A_361 = arith.constant 1 : i32
    %dma_wait3A_362 = arith.constant 0 : i32
    %dma_wait3A_363 = arith.constant 0 : i32
    %dma_wait3A_364 = tpu.memref_slice %arg7[%dma_wait3A_361, %dma_wait3A_362, %dma_wait3A_363] : memref<2x4096x8xf32, #tpu.memory_space<vmem>> -> memref<1x4096x8xf32, #tpu.memory_space<vmem>>
    %dma_wait3A_365 = tpu.memref_squeeze %dma_wait3A_364 : memref<1x4096x8xf32, #tpu.memory_space<vmem>> -> memref<4096x8xf32, #tpu.memory_space<vmem>>
    %dma_wait3A_366 = tpu.memref_slice %arg2[%add3A_329, %mul3A_340] : memref<1769472x16xf32, #tpu.memory_space<hbm>> -> memref<4096x8xf32, #tpu.memory_space<hbm>>
    %dma_wait3A_367 = arith.constant 0 : i32
    %dma_wait3A_368 = arith.constant 0 : i32
    %dma_wait3A_369 = tpu.memref_slice %arg7[%dma_wait3A_361, %dma_wait3A_367, %dma_wait3A_368] : memref<2x4096x8xf32, #tpu.memory_space<vmem>> -> memref<1x4096x8xf32, #tpu.memory_space<vmem>>
    %dma_wait3A_370 = tpu.memref_squeeze %dma_wait3A_369 : memref<1x4096x8xf32, #tpu.memory_space<vmem>> -> memref<4096x8xf32, #tpu.memory_space<vmem>>
    %dma_wait3A_371 = tpu.memref_slice %arg2[%add3A_329, %mul3A_340] : memref<1769472x16xf32, #tpu.memory_space<hbm>> -> memref<4096x8xf32, #tpu.memory_space<hbm>>
    tpu.wait_dma2 semaphore(%arg11 : memref<!tpu.dma_semaphore, #tpu.memory_space<semaphore_mem>>) src(%dma_wait3A_371 : memref<4096x8xf32, #tpu.memory_space<hbm>>) dst(%dma_wait3A_370 : memref<4096x8xf32, #tpu.memory_space<vmem>>)
    %dma_start3A_372 = arith.constant 1 : i32
    %dma_start3A_373 = arith.constant 1 : i32
    %dma_start3A_374 = arith.constant 0 : i32
    %dma_start3A_375 = arith.constant 0 : i32
    %dma_start3A_376 = tpu.memref_slice %arg7[%dma_start3A_372, %dma_start3A_374, %dma_start3A_375] : memref<2x4096x8xf32, #tpu.memory_space<vmem>> -> memref<1x4096x8xf32, #tpu.memory_space<vmem>>
    %dma_start3A_377 = tpu.memref_squeeze %dma_start3A_376 : memref<1x4096x8xf32, #tpu.memory_space<vmem>> -> memref<4096x8xf32, #tpu.memory_space<vmem>>
    %dma_start3A_378 = arith.constant 0 : i32
    %dma_start3A_379 = tpu.memref_slice %arg6[%dma_start3A_373, %dma_start3A_378] : memref<2x4096xi32, #tpu.memory_space<vmem>> -> memref<1x4096xi32, #tpu.memory_space<vmem>>
    %dma_start3A_380 = tpu.memref_squeeze %dma_start3A_379 : memref<1x4096xi32, #tpu.memory_space<vmem>> -> memref<4096xi32, #tpu.memory_space<vmem>>
    %dma_start3A_381 = arith.constant 0 : i32
    %dma_start3A_382 = arith.constant 0 : i32
    %dma_start3A_383 = tpu.memref_slice %arg14[%dma_start3A_381, %dma_start3A_382] : memref<65536x8xf32, #tpu.memory_space<vmem_shared>> -> memref<65536x8xf32, #tpu.memory_space<vmem_shared>>
    tpu.enqueue_indirect_dma source(%dma_start3A_377 : memref<4096x8xf32, #tpu.memory_space<vmem>>) target(%dma_start3A_383 : memref<65536x8xf32, #tpu.memory_space<vmem_shared>>) offsets(%dma_start3A_380 : memref<4096xi32, #tpu.memory_space<vmem>>) semaphore(%arg13 : memref<!tpu.dma_semaphore, #tpu.memory_space<semaphore_mem>>) {add = true}
    %dma_wait3A_384 = arith.constant 0 : i32
    %dma_wait3A_385 = arith.constant 0 : i32
    %dma_wait3A_386 = arith.constant 0 : i32
    %dma_wait3A_387 = arith.constant 0 : i32
    %dma_wait3A_388 = tpu.memref_slice %arg7[%dma_wait3A_384, %dma_wait3A_386, %dma_wait3A_387] : memref<2x4096x8xf32, #tpu.memory_space<vmem>> -> memref<1x4096x8xf32, #tpu.memory_space<vmem>>
    %dma_wait3A_389 = tpu.memref_squeeze %dma_wait3A_388 : memref<1x4096x8xf32, #tpu.memory_space<vmem>> -> memref<4096x8xf32, #tpu.memory_space<vmem>>
    %dma_wait3A_390 = arith.constant 0 : i32
    %dma_wait3A_391 = tpu.memref_slice %arg6[%dma_wait3A_385, %dma_wait3A_390] : memref<2x4096xi32, #tpu.memory_space<vmem>> -> memref<1x4096xi32, #tpu.memory_space<vmem>>
    %dma_wait3A_392 = tpu.memref_squeeze %dma_wait3A_391 : memref<1x4096xi32, #tpu.memory_space<vmem>> -> memref<4096xi32, #tpu.memory_space<vmem>>
    %dma_wait3A_393 = arith.constant 0 : i32
    %dma_wait3A_394 = arith.constant 0 : i32
    %dma_wait3A_395 = tpu.memref_slice %arg14[%dma_wait3A_393, %dma_wait3A_394] : memref<65536x8xf32, #tpu.memory_space<vmem_shared>> -> memref<65536x8xf32, #tpu.memory_space<vmem_shared>>
    tpu.wait_indirect_dma semaphore(%arg12 : memref<!tpu.dma_semaphore, #tpu.memory_space<semaphore_mem>>) src(%dma_wait3A_389 : memref<4096x8xf32, #tpu.memory_space<vmem>>) dst(%dma_wait3A_395 : memref<65536x8xf32, #tpu.memory_space<vmem_shared>>)
    %add3A_396 = arith.constant 24576 : i32
    %add3A_397 = arith.addi %mul3A_2, %add3A_396 : i32
    %dma_start3A_398 = arith.constant 0 : i32
    %dma_start3A_399 = arith.constant 0 : i32
    %dma_start3A_400 = tpu.memref_slice %arg6[%dma_start3A_398, %dma_start3A_399] : memref<2x4096xi32, #tpu.memory_space<vmem>> -> memref<1x4096xi32, #tpu.memory_space<vmem>>
    %dma_start3A_401 = tpu.memref_squeeze %dma_start3A_400 : memref<1x4096xi32, #tpu.memory_space<vmem>> -> memref<4096xi32, #tpu.memory_space<vmem>>
    %dma_start3A_402 = tpu.memref_slice %arg3[%add3A_397] : memref<1769472xi32, #tpu.memory_space<hbm>> -> memref<4096xi32, #tpu.memory_space<hbm>>
    %dma_start3A_403 = arith.constant 0 : i32
    %dma_start3A_404 = tpu.memref_slice %arg6[%dma_start3A_398, %dma_start3A_403] : memref<2x4096xi32, #tpu.memory_space<vmem>> -> memref<1x4096xi32, #tpu.memory_space<vmem>>
    %dma_start3A_405 = tpu.memref_squeeze %dma_start3A_404 : memref<1x4096xi32, #tpu.memory_space<vmem>> -> memref<4096xi32, #tpu.memory_space<vmem>>
    %dma_start3A_406 = tpu.memref_slice %arg3[%add3A_397] : memref<1769472xi32, #tpu.memory_space<hbm>> -> memref<4096xi32, #tpu.memory_space<hbm>>
    tpu.enqueue_dma source(%dma_start3A_406 : memref<4096xi32, #tpu.memory_space<hbm>>) target(%dma_start3A_405 : memref<4096xi32, #tpu.memory_space<vmem>>) target_semaphore(%arg8 : memref<!tpu.dma_semaphore, #tpu.memory_space<semaphore_mem>>)
    %mul3A_407 = arith.constant 8 : i32
    %mul3A_408 = arith.muli %arg0, %mul3A_407 : i32
    %dma_start3A_409 = arith.constant 0 : i32
    %dma_start3A_410 = arith.constant 0 : i32
    %dma_start3A_411 = arith.constant 0 : i32
    %dma_start3A_412 = tpu.memref_slice %arg7[%dma_start3A_409, %dma_start3A_410, %dma_start3A_411] : memref<2x4096x8xf32, #tpu.memory_space<vmem>> -> memref<1x4096x8xf32, #tpu.memory_space<vmem>>
    %dma_start3A_413 = tpu.memref_squeeze %dma_start3A_412 : memref<1x4096x8xf32, #tpu.memory_space<vmem>> -> memref<4096x8xf32, #tpu.memory_space<vmem>>
    %dma_start3A_414 = tpu.memref_slice %arg2[%add3A_397, %mul3A_408] : memref<1769472x16xf32, #tpu.memory_space<hbm>> -> memref<4096x8xf32, #tpu.memory_space<hbm>>
    %dma_start3A_415 = arith.constant 0 : i32
    %dma_start3A_416 = arith.constant 0 : i32
    %dma_start3A_417 = tpu.memref_slice %arg7[%dma_start3A_409, %dma_start3A_415, %dma_start3A_416] : memref<2x4096x8xf32, #tpu.memory_space<vmem>> -> memref<1x4096x8xf32, #tpu.memory_space<vmem>>
    %dma_start3A_418 = tpu.memref_squeeze %dma_start3A_417 : memref<1x4096x8xf32, #tpu.memory_space<vmem>> -> memref<4096x8xf32, #tpu.memory_space<vmem>>
    %dma_start3A_419 = tpu.memref_slice %arg2[%add3A_397, %mul3A_408] : memref<1769472x16xf32, #tpu.memory_space<hbm>> -> memref<4096x8xf32, #tpu.memory_space<hbm>>
    tpu.enqueue_dma source(%dma_start3A_419 : memref<4096x8xf32, #tpu.memory_space<hbm>>) target(%dma_start3A_418 : memref<4096x8xf32, #tpu.memory_space<vmem>>) target_semaphore(%arg10 : memref<!tpu.dma_semaphore, #tpu.memory_space<semaphore_mem>>)
    %dma_wait3A_420 = arith.constant 0 : i32
    %dma_wait3A_421 = arith.constant 0 : i32
    %dma_wait3A_422 = tpu.memref_slice %arg6[%dma_wait3A_420, %dma_wait3A_421] : memref<2x4096xi32, #tpu.memory_space<vmem>> -> memref<1x4096xi32, #tpu.memory_space<vmem>>
    %dma_wait3A_423 = tpu.memref_squeeze %dma_wait3A_422 : memref<1x4096xi32, #tpu.memory_space<vmem>> -> memref<4096xi32, #tpu.memory_space<vmem>>
    %dma_wait3A_424 = tpu.memref_slice %arg3[%add3A_397] : memref<1769472xi32, #tpu.memory_space<hbm>> -> memref<4096xi32, #tpu.memory_space<hbm>>
    %dma_wait3A_425 = arith.constant 0 : i32
    %dma_wait3A_426 = tpu.memref_slice %arg6[%dma_wait3A_420, %dma_wait3A_425] : memref<2x4096xi32, #tpu.memory_space<vmem>> -> memref<1x4096xi32, #tpu.memory_space<vmem>>
    %dma_wait3A_427 = tpu.memref_squeeze %dma_wait3A_426 : memref<1x4096xi32, #tpu.memory_space<vmem>> -> memref<4096xi32, #tpu.memory_space<vmem>>
    %dma_wait3A_428 = tpu.memref_slice %arg3[%add3A_397] : memref<1769472xi32, #tpu.memory_space<hbm>> -> memref<4096xi32, #tpu.memory_space<hbm>>
    tpu.wait_dma2 semaphore(%arg8 : memref<!tpu.dma_semaphore, #tpu.memory_space<semaphore_mem>>) src(%dma_wait3A_428 : memref<4096xi32, #tpu.memory_space<hbm>>) dst(%dma_wait3A_427 : memref<4096xi32, #tpu.memory_space<vmem>>)
    %dma_wait3A_429 = arith.constant 0 : i32
    %dma_wait3A_430 = arith.constant 0 : i32
    %dma_wait3A_431 = arith.constant 0 : i32
    %dma_wait3A_432 = tpu.memref_slice %arg7[%dma_wait3A_429, %dma_wait3A_430, %dma_wait3A_431] : memref<2x4096x8xf32, #tpu.memory_space<vmem>> -> memref<1x4096x8xf32, #tpu.memory_space<vmem>>
    %dma_wait3A_433 = tpu.memref_squeeze %dma_wait3A_432 : memref<1x4096x8xf32, #tpu.memory_space<vmem>> -> memref<4096x8xf32, #tpu.memory_space<vmem>>
    %dma_wait3A_434 = tpu.memref_slice %arg2[%add3A_397, %mul3A_408] : memref<1769472x16xf32, #tpu.memory_space<hbm>> -> memref<4096x8xf32, #tpu.memory_space<hbm>>
    %dma_wait3A_435 = arith.constant 0 : i32
    %dma_wait3A_436 = arith.constant 0 : i32
    %dma_wait3A_437 = tpu.memref_slice %arg7[%dma_wait3A_429, %dma_wait3A_435, %dma_wait3A_436] : memref<2x4096x8xf32, #tpu.memory_space<vmem>> -> memref<1x4096x8xf32, #tpu.memory_space<vmem>>
    %dma_wait3A_438 = tpu.memref_squeeze %dma_wait3A_437 : memref<1x4096x8xf32, #tpu.memory_space<vmem>> -> memref<4096x8xf32, #tpu.memory_space<vmem>>
    %dma_wait3A_439 = tpu.memref_slice %arg2[%add3A_397, %mul3A_408] : memref<1769472x16xf32, #tpu.memory_space<hbm>> -> memref<4096x8xf32, #tpu.memory_space<hbm>>
    tpu.wait_dma2 semaphore(%arg10 : memref<!tpu.dma_semaphore, #tpu.memory_space<semaphore_mem>>) src(%dma_wait3A_439 : memref<4096x8xf32, #tpu.memory_space<hbm>>) dst(%dma_wait3A_438 : memref<4096x8xf32, #tpu.memory_space<vmem>>)
    %dma_start3A_440 = arith.constant 0 : i32
    %dma_start3A_441 = arith.constant 0 : i32
    %dma_start3A_442 = arith.constant 0 : i32
    %dma_start3A_443 = arith.constant 0 : i32
    %dma_start3A_444 = tpu.memref_slice %arg7[%dma_start3A_440, %dma_start3A_442, %dma_start3A_443] : memref<2x4096x8xf32, #tpu.memory_space<vmem>> -> memref<1x4096x8xf32, #tpu.memory_space<vmem>>
    %dma_start3A_445 = tpu.memref_squeeze %dma_start3A_444 : memref<1x4096x8xf32, #tpu.memory_space<vmem>> -> memref<4096x8xf32, #tpu.memory_space<vmem>>
    %dma_start3A_446 = arith.constant 0 : i32
    %dma_start3A_447 = tpu.memref_slice %arg6[%dma_start3A_441, %dma_start3A_446] : memref<2x4096xi32, #tpu.memory_space<vmem>> -> memref<1x4096xi32, #tpu.memory_space<vmem>>
    %dma_start3A_448 = tpu.memref_squeeze %dma_start3A_447 : memref<1x4096xi32, #tpu.memory_space<vmem>> -> memref<4096xi32, #tpu.memory_space<vmem>>
    %dma_start3A_449 = arith.constant 0 : i32
    %dma_start3A_450 = arith.constant 0 : i32
    %dma_start3A_451 = tpu.memref_slice %arg14[%dma_start3A_449, %dma_start3A_450] : memref<65536x8xf32, #tpu.memory_space<vmem_shared>> -> memref<65536x8xf32, #tpu.memory_space<vmem_shared>>
    tpu.enqueue_indirect_dma source(%dma_start3A_445 : memref<4096x8xf32, #tpu.memory_space<vmem>>) target(%dma_start3A_451 : memref<65536x8xf32, #tpu.memory_space<vmem_shared>>) offsets(%dma_start3A_448 : memref<4096xi32, #tpu.memory_space<vmem>>) semaphore(%arg12 : memref<!tpu.dma_semaphore, #tpu.memory_space<semaphore_mem>>) {add = true}
    %dma_wait3A_452 = arith.constant 1 : i32
    %dma_wait3A_453 = arith.constant 1 : i32
    %dma_wait3A_454 = arith.constant 0 : i32
    %dma_wait3A_455 = arith.constant 0 : i32
    %dma_wait3A_456 = tpu.memref_slice %arg7[%dma_wait3A_452, %dma_wait3A_454, %dma_wait3A_455] : memref<2x4096x8xf32, #tpu.memory_space<vmem>> -> memref<1x4096x8xf32, #tpu.memory_space<vmem>>
    %dma_wait3A_457 = tpu.memref_squeeze %dma_wait3A_456 : memref<1x4096x8xf32, #tpu.memory_space<vmem>> -> memref<4096x8xf32, #tpu.memory_space<vmem>>
    %dma_wait3A_458 = arith.constant 0 : i32
    %dma_wait3A_459 = tpu.memref_slice %arg6[%dma_wait3A_453, %dma_wait3A_458] : memref<2x4096xi32, #tpu.memory_space<vmem>> -> memref<1x4096xi32, #tpu.memory_space<vmem>>
    %dma_wait3A_460 = tpu.memref_squeeze %dma_wait3A_459 : memref<1x4096xi32, #tpu.memory_space<vmem>> -> memref<4096xi32, #tpu.memory_space<vmem>>
    %dma_wait3A_461 = arith.constant 0 : i32
    %dma_wait3A_462 = arith.constant 0 : i32
    %dma_wait3A_463 = tpu.memref_slice %arg14[%dma_wait3A_461, %dma_wait3A_462] : memref<65536x8xf32, #tpu.memory_space<vmem_shared>> -> memref<65536x8xf32, #tpu.memory_space<vmem_shared>>
    tpu.wait_indirect_dma semaphore(%arg13 : memref<!tpu.dma_semaphore, #tpu.memory_space<semaphore_mem>>) src(%dma_wait3A_457 : memref<4096x8xf32, #tpu.memory_space<vmem>>) dst(%dma_wait3A_463 : memref<65536x8xf32, #tpu.memory_space<vmem_shared>>)
    %add3A_464 = arith.constant 28672 : i32
    %add3A_465 = arith.addi %mul3A_2, %add3A_464 : i32
    %dma_start3A_466 = arith.constant 1 : i32
    %dma_start3A_467 = arith.constant 0 : i32
    %dma_start3A_468 = tpu.memref_slice %arg6[%dma_start3A_466, %dma_start3A_467] : memref<2x4096xi32, #tpu.memory_space<vmem>> -> memref<1x4096xi32, #tpu.memory_space<vmem>>
    %dma_start3A_469 = tpu.memref_squeeze %dma_start3A_468 : memref<1x4096xi32, #tpu.memory_space<vmem>> -> memref<4096xi32, #tpu.memory_space<vmem>>
    %dma_start3A_470 = tpu.memref_slice %arg3[%add3A_465] : memref<1769472xi32, #tpu.memory_space<hbm>> -> memref<4096xi32, #tpu.memory_space<hbm>>
    %dma_start3A_471 = arith.constant 0 : i32
    %dma_start3A_472 = tpu.memref_slice %arg6[%dma_start3A_466, %dma_start3A_471] : memref<2x4096xi32, #tpu.memory_space<vmem>> -> memref<1x4096xi32, #tpu.memory_space<vmem>>
    %dma_start3A_473 = tpu.memref_squeeze %dma_start3A_472 : memref<1x4096xi32, #tpu.memory_space<vmem>> -> memref<4096xi32, #tpu.memory_space<vmem>>
    %dma_start3A_474 = tpu.memref_slice %arg3[%add3A_465] : memref<1769472xi32, #tpu.memory_space<hbm>> -> memref<4096xi32, #tpu.memory_space<hbm>>
    tpu.enqueue_dma source(%dma_start3A_474 : memref<4096xi32, #tpu.memory_space<hbm>>) target(%dma_start3A_473 : memref<4096xi32, #tpu.memory_space<vmem>>) target_semaphore(%arg9 : memref<!tpu.dma_semaphore, #tpu.memory_space<semaphore_mem>>)
    %mul3A_475 = arith.constant 8 : i32
    %mul3A_476 = arith.muli %arg0, %mul3A_475 : i32
    %dma_start3A_477 = arith.constant 1 : i32
    %dma_start3A_478 = arith.constant 0 : i32
    %dma_start3A_479 = arith.constant 0 : i32
    %dma_start3A_480 = tpu.memref_slice %arg7[%dma_start3A_477, %dma_start3A_478, %dma_start3A_479] : memref<2x4096x8xf32, #tpu.memory_space<vmem>> -> memref<1x4096x8xf32, #tpu.memory_space<vmem>>
    %dma_start3A_481 = tpu.memref_squeeze %dma_start3A_480 : memref<1x4096x8xf32, #tpu.memory_space<vmem>> -> memref<4096x8xf32, #tpu.memory_space<vmem>>
    %dma_start3A_482 = tpu.memref_slice %arg2[%add3A_465, %mul3A_476] : memref<1769472x16xf32, #tpu.memory_space<hbm>> -> memref<4096x8xf32, #tpu.memory_space<hbm>>
    %dma_start3A_483 = arith.constant 0 : i32
    %dma_start3A_484 = arith.constant 0 : i32
    %dma_start3A_485 = tpu.memref_slice %arg7[%dma_start3A_477, %dma_start3A_483, %dma_start3A_484] : memref<2x4096x8xf32, #tpu.memory_space<vmem>> -> memref<1x4096x8xf32, #tpu.memory_space<vmem>>
    %dma_start3A_486 = tpu.memref_squeeze %dma_start3A_485 : memref<1x4096x8xf32, #tpu.memory_space<vmem>> -> memref<4096x8xf32, #tpu.memory_space<vmem>>
    %dma_start3A_487 = tpu.memref_slice %arg2[%add3A_465, %mul3A_476] : memref<1769472x16xf32, #tpu.memory_space<hbm>> -> memref<4096x8xf32, #tpu.memory_space<hbm>>
    tpu.enqueue_dma source(%dma_start3A_487 : memref<4096x8xf32, #tpu.memory_space<hbm>>) target(%dma_start3A_486 : memref<4096x8xf32, #tpu.memory_space<vmem>>) target_semaphore(%arg11 : memref<!tpu.dma_semaphore, #tpu.memory_space<semaphore_mem>>)
    %dma_wait3A_488 = arith.constant 1 : i32
    %dma_wait3A_489 = arith.constant 0 : i32
    %dma_wait3A_490 = tpu.memref_slice %arg6[%dma_wait3A_488, %dma_wait3A_489] : memref<2x4096xi32, #tpu.memory_space<vmem>> -> memref<1x4096xi32, #tpu.memory_space<vmem>>
    %dma_wait3A_491 = tpu.memref_squeeze %dma_wait3A_490 : memref<1x4096xi32, #tpu.memory_space<vmem>> -> memref<4096xi32, #tpu.memory_space<vmem>>
    %dma_wait3A_492 = tpu.memref_slice %arg3[%add3A_465] : memref<1769472xi32, #tpu.memory_space<hbm>> -> memref<4096xi32, #tpu.memory_space<hbm>>
    %dma_wait3A_493 = arith.constant 0 : i32
    %dma_wait3A_494 = tpu.memref_slice %arg6[%dma_wait3A_488, %dma_wait3A_493] : memref<2x4096xi32, #tpu.memory_space<vmem>> -> memref<1x4096xi32, #tpu.memory_space<vmem>>
    %dma_wait3A_495 = tpu.memref_squeeze %dma_wait3A_494 : memref<1x4096xi32, #tpu.memory_space<vmem>> -> memref<4096xi32, #tpu.memory_space<vmem>>
    %dma_wait3A_496 = tpu.memref_slice %arg3[%add3A_465] : memref<1769472xi32, #tpu.memory_space<hbm>> -> memref<4096xi32, #tpu.memory_space<hbm>>
    tpu.wait_dma2 semaphore(%arg9 : memref<!tpu.dma_semaphore, #tpu.memory_space<semaphore_mem>>) src(%dma_wait3A_496 : memref<4096xi32, #tpu.memory_space<hbm>>) dst(%dma_wait3A_495 : memref<4096xi32, #tpu.memory_space<vmem>>)
    %dma_wait3A_497 = arith.constant 1 : i32
    %dma_wait3A_498 = arith.constant 0 : i32
    %dma_wait3A_499 = arith.constant 0 : i32
    %dma_wait3A_500 = tpu.memref_slice %arg7[%dma_wait3A_497, %dma_wait3A_498, %dma_wait3A_499] : memref<2x4096x8xf32, #tpu.memory_space<vmem>> -> memref<1x4096x8xf32, #tpu.memory_space<vmem>>
    %dma_wait3A_501 = tpu.memref_squeeze %dma_wait3A_500 : memref<1x4096x8xf32, #tpu.memory_space<vmem>> -> memref<4096x8xf32, #tpu.memory_space<vmem>>
    %dma_wait3A_502 = tpu.memref_slice %arg2[%add3A_465, %mul3A_476] : memref<1769472x16xf32, #tpu.memory_space<hbm>> -> memref<4096x8xf32, #tpu.memory_space<hbm>>
    %dma_wait3A_503 = arith.constant 0 : i32
    %dma_wait3A_504 = arith.constant 0 : i32
    %dma_wait3A_505 = tpu.memref_slice %arg7[%dma_wait3A_497, %dma_wait3A_503, %dma_wait3A_504] : memref<2x4096x8xf32, #tpu.memory_space<vmem>> -> memref<1x4096x8xf32, #tpu.memory_space<vmem>>
    %dma_wait3A_506 = tpu.memref_squeeze %dma_wait3A_505 : memref<1x4096x8xf32, #tpu.memory_space<vmem>> -> memref<4096x8xf32, #tpu.memory_space<vmem>>
    %dma_wait3A_507 = tpu.memref_slice %arg2[%add3A_465, %mul3A_476] : memref<1769472x16xf32, #tpu.memory_space<hbm>> -> memref<4096x8xf32, #tpu.memory_space<hbm>>
    tpu.wait_dma2 semaphore(%arg11 : memref<!tpu.dma_semaphore, #tpu.memory_space<semaphore_mem>>) src(%dma_wait3A_507 : memref<4096x8xf32, #tpu.memory_space<hbm>>) dst(%dma_wait3A_506 : memref<4096x8xf32, #tpu.memory_space<vmem>>)
    %dma_start3A_508 = arith.constant 1 : i32
    %dma_start3A_509 = arith.constant 1 : i32
    %dma_start3A_510 = arith.constant 0 : i32
    %dma_start3A_511 = arith.constant 0 : i32
    %dma_start3A_512 = tpu.memref_slice %arg7[%dma_start3A_508, %dma_start3A_510, %dma_start3A_511] : memref<2x4096x8xf32, #tpu.memory_space<vmem>> -> memref<1x4096x8xf32, #tpu.memory_space<vmem>>
    %dma_start3A_513 = tpu.memref_squeeze %dma_start3A_512 : memref<1x4096x8xf32, #tpu.memory_space<vmem>> -> memref<4096x8xf32, #tpu.memory_space<vmem>>
    %dma_start3A_514 = arith.constant 0 : i32
    %dma_start3A_515 = tpu.memref_slice %arg6[%dma_start3A_509, %dma_start3A_514] : memref<2x4096xi32, #tpu.memory_space<vmem>> -> memref<1x4096xi32, #tpu.memory_space<vmem>>
    %dma_start3A_516 = tpu.memref_squeeze %dma_start3A_515 : memref<1x4096xi32, #tpu.memory_space<vmem>> -> memref<4096xi32, #tpu.memory_space<vmem>>
    %dma_start3A_517 = arith.constant 0 : i32
    %dma_start3A_518 = arith.constant 0 : i32
    %dma_start3A_519 = tpu.memref_slice %arg14[%dma_start3A_517, %dma_start3A_518] : memref<65536x8xf32, #tpu.memory_space<vmem_shared>> -> memref<65536x8xf32, #tpu.memory_space<vmem_shared>>
    tpu.enqueue_indirect_dma source(%dma_start3A_513 : memref<4096x8xf32, #tpu.memory_space<vmem>>) target(%dma_start3A_519 : memref<65536x8xf32, #tpu.memory_space<vmem_shared>>) offsets(%dma_start3A_516 : memref<4096xi32, #tpu.memory_space<vmem>>) semaphore(%arg13 : memref<!tpu.dma_semaphore, #tpu.memory_space<semaphore_mem>>) {add = true}
    %dma_wait3A_520 = arith.constant 0 : i32
    %dma_wait3A_521 = arith.constant 0 : i32
    %dma_wait3A_522 = arith.constant 0 : i32
    %dma_wait3A_523 = arith.constant 0 : i32
    %dma_wait3A_524 = tpu.memref_slice %arg7[%dma_wait3A_520, %dma_wait3A_522, %dma_wait3A_523] : memref<2x4096x8xf32, #tpu.memory_space<vmem>> -> memref<1x4096x8xf32, #tpu.memory_space<vmem>>
    %dma_wait3A_525 = tpu.memref_squeeze %dma_wait3A_524 : memref<1x4096x8xf32, #tpu.memory_space<vmem>> -> memref<4096x8xf32, #tpu.memory_space<vmem>>
    %dma_wait3A_526 = arith.constant 0 : i32
    %dma_wait3A_527 = tpu.memref_slice %arg6[%dma_wait3A_521, %dma_wait3A_526] : memref<2x4096xi32, #tpu.memory_space<vmem>> -> memref<1x4096xi32, #tpu.memory_space<vmem>>
    %dma_wait3A_528 = tpu.memref_squeeze %dma_wait3A_527 : memref<1x4096xi32, #tpu.memory_space<vmem>> -> memref<4096xi32, #tpu.memory_space<vmem>>
    %dma_wait3A_529 = arith.constant 0 : i32
    %dma_wait3A_530 = arith.constant 0 : i32
    %dma_wait3A_531 = tpu.memref_slice %arg14[%dma_wait3A_529, %dma_wait3A_530] : memref<65536x8xf32, #tpu.memory_space<vmem_shared>> -> memref<65536x8xf32, #tpu.memory_space<vmem_shared>>
    tpu.wait_indirect_dma semaphore(%arg12 : memref<!tpu.dma_semaphore, #tpu.memory_space<semaphore_mem>>) src(%dma_wait3A_525 : memref<4096x8xf32, #tpu.memory_space<vmem>>) dst(%dma_wait3A_531 : memref<65536x8xf32, #tpu.memory_space<vmem_shared>>)
    %add3A_532 = arith.constant 32768 : i32
    %add3A_533 = arith.addi %mul3A_2, %add3A_532 : i32
    %dma_start3A_534 = arith.constant 0 : i32
    %dma_start3A_535 = arith.constant 0 : i32
    %dma_start3A_536 = tpu.memref_slice %arg6[%dma_start3A_534, %dma_start3A_535] : memref<2x4096xi32, #tpu.memory_space<vmem>> -> memref<1x4096xi32, #tpu.memory_space<vmem>>
    %dma_start3A_537 = tpu.memref_squeeze %dma_start3A_536 : memref<1x4096xi32, #tpu.memory_space<vmem>> -> memref<4096xi32, #tpu.memory_space<vmem>>
    %dma_start3A_538 = tpu.memref_slice %arg3[%add3A_533] : memref<1769472xi32, #tpu.memory_space<hbm>> -> memref<4096xi32, #tpu.memory_space<hbm>>
    %dma_start3A_539 = arith.constant 0 : i32
    %dma_start3A_540 = tpu.memref_slice %arg6[%dma_start3A_534, %dma_start3A_539] : memref<2x4096xi32, #tpu.memory_space<vmem>> -> memref<1x4096xi32, #tpu.memory_space<vmem>>
    %dma_start3A_541 = tpu.memref_squeeze %dma_start3A_540 : memref<1x4096xi32, #tpu.memory_space<vmem>> -> memref<4096xi32, #tpu.memory_space<vmem>>
    %dma_start3A_542 = tpu.memref_slice %arg3[%add3A_533] : memref<1769472xi32, #tpu.memory_space<hbm>> -> memref<4096xi32, #tpu.memory_space<hbm>>
    tpu.enqueue_dma source(%dma_start3A_542 : memref<4096xi32, #tpu.memory_space<hbm>>) target(%dma_start3A_541 : memref<4096xi32, #tpu.memory_space<vmem>>) target_semaphore(%arg8 : memref<!tpu.dma_semaphore, #tpu.memory_space<semaphore_mem>>)
    %mul3A_543 = arith.constant 8 : i32
    %mul3A_544 = arith.muli %arg0, %mul3A_543 : i32
    %dma_start3A_545 = arith.constant 0 : i32
    %dma_start3A_546 = arith.constant 0 : i32
    %dma_start3A_547 = arith.constant 0 : i32
    %dma_start3A_548 = tpu.memref_slice %arg7[%dma_start3A_545, %dma_start3A_546, %dma_start3A_547] : memref<2x4096x8xf32, #tpu.memory_space<vmem>> -> memref<1x4096x8xf32, #tpu.memory_space<vmem>>
    %dma_start3A_549 = tpu.memref_squeeze %dma_start3A_548 : memref<1x4096x8xf32, #tpu.memory_space<vmem>> -> memref<4096x8xf32, #tpu.memory_space<vmem>>
    %dma_start3A_550 = tpu.memref_slice %arg2[%add3A_533, %mul3A_544] : memref<1769472x16xf32, #tpu.memory_space<hbm>> -> memref<4096x8xf32, #tpu.memory_space<hbm>>
    %dma_start3A_551 = arith.constant 0 : i32
    %dma_start3A_552 = arith.constant 0 : i32
    %dma_start3A_553 = tpu.memref_slice %arg7[%dma_start3A_545, %dma_start3A_551, %dma_start3A_552] : memref<2x4096x8xf32, #tpu.memory_space<vmem>> -> memref<1x4096x8xf32, #tpu.memory_space<vmem>>
    %dma_start3A_554 = tpu.memref_squeeze %dma_start3A_553 : memref<1x4096x8xf32, #tpu.memory_space<vmem>> -> memref<4096x8xf32, #tpu.memory_space<vmem>>
    %dma_start3A_555 = tpu.memref_slice %arg2[%add3A_533, %mul3A_544] : memref<1769472x16xf32, #tpu.memory_space<hbm>> -> memref<4096x8xf32, #tpu.memory_space<hbm>>
    tpu.enqueue_dma source(%dma_start3A_555 : memref<4096x8xf32, #tpu.memory_space<hbm>>) target(%dma_start3A_554 : memref<4096x8xf32, #tpu.memory_space<vmem>>) target_semaphore(%arg10 : memref<!tpu.dma_semaphore, #tpu.memory_space<semaphore_mem>>)
    %dma_wait3A_556 = arith.constant 0 : i32
    %dma_wait3A_557 = arith.constant 0 : i32
    %dma_wait3A_558 = tpu.memref_slice %arg6[%dma_wait3A_556, %dma_wait3A_557] : memref<2x4096xi32, #tpu.memory_space<vmem>> -> memref<1x4096xi32, #tpu.memory_space<vmem>>
    %dma_wait3A_559 = tpu.memref_squeeze %dma_wait3A_558 : memref<1x4096xi32, #tpu.memory_space<vmem>> -> memref<4096xi32, #tpu.memory_space<vmem>>
    %dma_wait3A_560 = tpu.memref_slice %arg3[%add3A_533] : memref<1769472xi32, #tpu.memory_space<hbm>> -> memref<4096xi32, #tpu.memory_space<hbm>>
    %dma_wait3A_561 = arith.constant 0 : i32
    %dma_wait3A_562 = tpu.memref_slice %arg6[%dma_wait3A_556, %dma_wait3A_561] : memref<2x4096xi32, #tpu.memory_space<vmem>> -> memref<1x4096xi32, #tpu.memory_space<vmem>>
    %dma_wait3A_563 = tpu.memref_squeeze %dma_wait3A_562 : memref<1x4096xi32, #tpu.memory_space<vmem>> -> memref<4096xi32, #tpu.memory_space<vmem>>
    %dma_wait3A_564 = tpu.memref_slice %arg3[%add3A_533] : memref<1769472xi32, #tpu.memory_space<hbm>> -> memref<4096xi32, #tpu.memory_space<hbm>>
    tpu.wait_dma2 semaphore(%arg8 : memref<!tpu.dma_semaphore, #tpu.memory_space<semaphore_mem>>) src(%dma_wait3A_564 : memref<4096xi32, #tpu.memory_space<hbm>>) dst(%dma_wait3A_563 : memref<4096xi32, #tpu.memory_space<vmem>>)
    %dma_wait3A_565 = arith.constant 0 : i32
    %dma_wait3A_566 = arith.constant 0 : i32
    %dma_wait3A_567 = arith.constant 0 : i32
    %dma_wait3A_568 = tpu.memref_slice %arg7[%dma_wait3A_565, %dma_wait3A_566, %dma_wait3A_567] : memref<2x4096x8xf32, #tpu.memory_space<vmem>> -> memref<1x4096x8xf32, #tpu.memory_space<vmem>>
    %dma_wait3A_569 = tpu.memref_squeeze %dma_wait3A_568 : memref<1x4096x8xf32, #tpu.memory_space<vmem>> -> memref<4096x8xf32, #tpu.memory_space<vmem>>
    %dma_wait3A_570 = tpu.memref_slice %arg2[%add3A_533, %mul3A_544] : memref<1769472x16xf32, #tpu.memory_space<hbm>> -> memref<4096x8xf32, #tpu.memory_space<hbm>>
    %dma_wait3A_571 = arith.constant 0 : i32
    %dma_wait3A_572 = arith.constant 0 : i32
    %dma_wait3A_573 = tpu.memref_slice %arg7[%dma_wait3A_565, %dma_wait3A_571, %dma_wait3A_572] : memref<2x4096x8xf32, #tpu.memory_space<vmem>> -> memref<1x4096x8xf32, #tpu.memory_space<vmem>>
    %dma_wait3A_574 = tpu.memref_squeeze %dma_wait3A_573 : memref<1x4096x8xf32, #tpu.memory_space<vmem>> -> memref<4096x8xf32, #tpu.memory_space<vmem>>
    %dma_wait3A_575 = tpu.memref_slice %arg2[%add3A_533, %mul3A_544] : memref<1769472x16xf32, #tpu.memory_space<hbm>> -> memref<4096x8xf32, #tpu.memory_space<hbm>>
    tpu.wait_dma2 semaphore(%arg10 : memref<!tpu.dma_semaphore, #tpu.memory_space<semaphore_mem>>) src(%dma_wait3A_575 : memref<4096x8xf32, #tpu.memory_space<hbm>>) dst(%dma_wait3A_574 : memref<4096x8xf32, #tpu.memory_space<vmem>>)
    %dma_start3A_576 = arith.constant 0 : i32
    %dma_start3A_577 = arith.constant 0 : i32
    %dma_start3A_578 = arith.constant 0 : i32
    %dma_start3A_579 = arith.constant 0 : i32
    %dma_start3A_580 = tpu.memref_slice %arg7[%dma_start3A_576, %dma_start3A_578, %dma_start3A_579] : memref<2x4096x8xf32, #tpu.memory_space<vmem>> -> memref<1x4096x8xf32, #tpu.memory_space<vmem>>
    %dma_start3A_581 = tpu.memref_squeeze %dma_start3A_580 : memref<1x4096x8xf32, #tpu.memory_space<vmem>> -> memref<4096x8xf32, #tpu.memory_space<vmem>>
    %dma_start3A_582 = arith.constant 0 : i32
    %dma_start3A_583 = tpu.memref_slice %arg6[%dma_start3A_577, %dma_start3A_582] : memref<2x4096xi32, #tpu.memory_space<vmem>> -> memref<1x4096xi32, #tpu.memory_space<vmem>>
    %dma_start3A_584 = tpu.memref_squeeze %dma_start3A_583 : memref<1x4096xi32, #tpu.memory_space<vmem>> -> memref<4096xi32, #tpu.memory_space<vmem>>
    %dma_start3A_585 = arith.constant 0 : i32
    %dma_start3A_586 = arith.constant 0 : i32
    %dma_start3A_587 = tpu.memref_slice %arg14[%dma_start3A_585, %dma_start3A_586] : memref<65536x8xf32, #tpu.memory_space<vmem_shared>> -> memref<65536x8xf32, #tpu.memory_space<vmem_shared>>
    tpu.enqueue_indirect_dma source(%dma_start3A_581 : memref<4096x8xf32, #tpu.memory_space<vmem>>) target(%dma_start3A_587 : memref<65536x8xf32, #tpu.memory_space<vmem_shared>>) offsets(%dma_start3A_584 : memref<4096xi32, #tpu.memory_space<vmem>>) semaphore(%arg12 : memref<!tpu.dma_semaphore, #tpu.memory_space<semaphore_mem>>) {add = true}
    %dma_wait3A_588 = arith.constant 1 : i32
    %dma_wait3A_589 = arith.constant 1 : i32
    %dma_wait3A_590 = arith.constant 0 : i32
    %dma_wait3A_591 = arith.constant 0 : i32
    %dma_wait3A_592 = tpu.memref_slice %arg7[%dma_wait3A_588, %dma_wait3A_590, %dma_wait3A_591] : memref<2x4096x8xf32, #tpu.memory_space<vmem>> -> memref<1x4096x8xf32, #tpu.memory_space<vmem>>
    %dma_wait3A_593 = tpu.memref_squeeze %dma_wait3A_592 : memref<1x4096x8xf32, #tpu.memory_space<vmem>> -> memref<4096x8xf32, #tpu.memory_space<vmem>>
    %dma_wait3A_594 = arith.constant 0 : i32
    %dma_wait3A_595 = tpu.memref_slice %arg6[%dma_wait3A_589, %dma_wait3A_594] : memref<2x4096xi32, #tpu.memory_space<vmem>> -> memref<1x4096xi32, #tpu.memory_space<vmem>>
    %dma_wait3A_596 = tpu.memref_squeeze %dma_wait3A_595 : memref<1x4096xi32, #tpu.memory_space<vmem>> -> memref<4096xi32, #tpu.memory_space<vmem>>
    %dma_wait3A_597 = arith.constant 0 : i32
    %dma_wait3A_598 = arith.constant 0 : i32
    %dma_wait3A_599 = tpu.memref_slice %arg14[%dma_wait3A_597, %dma_wait3A_598] : memref<65536x8xf32, #tpu.memory_space<vmem_shared>> -> memref<65536x8xf32, #tpu.memory_space<vmem_shared>>
    tpu.wait_indirect_dma semaphore(%arg13 : memref<!tpu.dma_semaphore, #tpu.memory_space<semaphore_mem>>) src(%dma_wait3A_593 : memref<4096x8xf32, #tpu.memory_space<vmem>>) dst(%dma_wait3A_599 : memref<65536x8xf32, #tpu.memory_space<vmem_shared>>)
    %add3A_600 = arith.constant 36864 : i32
    %add3A_601 = arith.addi %mul3A_2, %add3A_600 : i32
    %dma_start3A_602 = arith.constant 1 : i32
    %dma_start3A_603 = arith.constant 0 : i32
    %dma_start3A_604 = tpu.memref_slice %arg6[%dma_start3A_602, %dma_start3A_603] : memref<2x4096xi32, #tpu.memory_space<vmem>> -> memref<1x4096xi32, #tpu.memory_space<vmem>>
    %dma_start3A_605 = tpu.memref_squeeze %dma_start3A_604 : memref<1x4096xi32, #tpu.memory_space<vmem>> -> memref<4096xi32, #tpu.memory_space<vmem>>
    %dma_start3A_606 = tpu.memref_slice %arg3[%add3A_601] : memref<1769472xi32, #tpu.memory_space<hbm>> -> memref<4096xi32, #tpu.memory_space<hbm>>
    %dma_start3A_607 = arith.constant 0 : i32
    %dma_start3A_608 = tpu.memref_slice %arg6[%dma_start3A_602, %dma_start3A_607] : memref<2x4096xi32, #tpu.memory_space<vmem>> -> memref<1x4096xi32, #tpu.memory_space<vmem>>
    %dma_start3A_609 = tpu.memref_squeeze %dma_start3A_608 : memref<1x4096xi32, #tpu.memory_space<vmem>> -> memref<4096xi32, #tpu.memory_space<vmem>>
    %dma_start3A_610 = tpu.memref_slice %arg3[%add3A_601] : memref<1769472xi32, #tpu.memory_space<hbm>> -> memref<4096xi32, #tpu.memory_space<hbm>>
    tpu.enqueue_dma source(%dma_start3A_610 : memref<4096xi32, #tpu.memory_space<hbm>>) target(%dma_start3A_609 : memref<4096xi32, #tpu.memory_space<vmem>>) target_semaphore(%arg9 : memref<!tpu.dma_semaphore, #tpu.memory_space<semaphore_mem>>)
    %mul3A_611 = arith.constant 8 : i32
    %mul3A_612 = arith.muli %arg0, %mul3A_611 : i32
    %dma_start3A_613 = arith.constant 1 : i32
    %dma_start3A_614 = arith.constant 0 : i32
    %dma_start3A_615 = arith.constant 0 : i32
    %dma_start3A_616 = tpu.memref_slice %arg7[%dma_start3A_613, %dma_start3A_614, %dma_start3A_615] : memref<2x4096x8xf32, #tpu.memory_space<vmem>> -> memref<1x4096x8xf32, #tpu.memory_space<vmem>>
    %dma_start3A_617 = tpu.memref_squeeze %dma_start3A_616 : memref<1x4096x8xf32, #tpu.memory_space<vmem>> -> memref<4096x8xf32, #tpu.memory_space<vmem>>
    %dma_start3A_618 = tpu.memref_slice %arg2[%add3A_601, %mul3A_612] : memref<1769472x16xf32, #tpu.memory_space<hbm>> -> memref<4096x8xf32, #tpu.memory_space<hbm>>
    %dma_start3A_619 = arith.constant 0 : i32
    %dma_start3A_620 = arith.constant 0 : i32
    %dma_start3A_621 = tpu.memref_slice %arg7[%dma_start3A_613, %dma_start3A_619, %dma_start3A_620] : memref<2x4096x8xf32, #tpu.memory_space<vmem>> -> memref<1x4096x8xf32, #tpu.memory_space<vmem>>
    %dma_start3A_622 = tpu.memref_squeeze %dma_start3A_621 : memref<1x4096x8xf32, #tpu.memory_space<vmem>> -> memref<4096x8xf32, #tpu.memory_space<vmem>>
    %dma_start3A_623 = tpu.memref_slice %arg2[%add3A_601, %mul3A_612] : memref<1769472x16xf32, #tpu.memory_space<hbm>> -> memref<4096x8xf32, #tpu.memory_space<hbm>>
    tpu.enqueue_dma source(%dma_start3A_623 : memref<4096x8xf32, #tpu.memory_space<hbm>>) target(%dma_start3A_622 : memref<4096x8xf32, #tpu.memory_space<vmem>>) target_semaphore(%arg11 : memref<!tpu.dma_semaphore, #tpu.memory_space<semaphore_mem>>)
    %dma_wait3A_624 = arith.constant 1 : i32
    %dma_wait3A_625 = arith.constant 0 : i32
    %dma_wait3A_626 = tpu.memref_slice %arg6[%dma_wait3A_624, %dma_wait3A_625] : memref<2x4096xi32, #tpu.memory_space<vmem>> -> memref<1x4096xi32, #tpu.memory_space<vmem>>
    %dma_wait3A_627 = tpu.memref_squeeze %dma_wait3A_626 : memref<1x4096xi32, #tpu.memory_space<vmem>> -> memref<4096xi32, #tpu.memory_space<vmem>>
    %dma_wait3A_628 = tpu.memref_slice %arg3[%add3A_601] : memref<1769472xi32, #tpu.memory_space<hbm>> -> memref<4096xi32, #tpu.memory_space<hbm>>
    %dma_wait3A_629 = arith.constant 0 : i32
    %dma_wait3A_630 = tpu.memref_slice %arg6[%dma_wait3A_624, %dma_wait3A_629] : memref<2x4096xi32, #tpu.memory_space<vmem>> -> memref<1x4096xi32, #tpu.memory_space<vmem>>
    %dma_wait3A_631 = tpu.memref_squeeze %dma_wait3A_630 : memref<1x4096xi32, #tpu.memory_space<vmem>> -> memref<4096xi32, #tpu.memory_space<vmem>>
    %dma_wait3A_632 = tpu.memref_slice %arg3[%add3A_601] : memref<1769472xi32, #tpu.memory_space<hbm>> -> memref<4096xi32, #tpu.memory_space<hbm>>
    tpu.wait_dma2 semaphore(%arg9 : memref<!tpu.dma_semaphore, #tpu.memory_space<semaphore_mem>>) src(%dma_wait3A_632 : memref<4096xi32, #tpu.memory_space<hbm>>) dst(%dma_wait3A_631 : memref<4096xi32, #tpu.memory_space<vmem>>)
    %dma_wait3A_633 = arith.constant 1 : i32
    %dma_wait3A_634 = arith.constant 0 : i32
    %dma_wait3A_635 = arith.constant 0 : i32
    %dma_wait3A_636 = tpu.memref_slice %arg7[%dma_wait3A_633, %dma_wait3A_634, %dma_wait3A_635] : memref<2x4096x8xf32, #tpu.memory_space<vmem>> -> memref<1x4096x8xf32, #tpu.memory_space<vmem>>
    %dma_wait3A_637 = tpu.memref_squeeze %dma_wait3A_636 : memref<1x4096x8xf32, #tpu.memory_space<vmem>> -> memref<4096x8xf32, #tpu.memory_space<vmem>>
    %dma_wait3A_638 = tpu.memref_slice %arg2[%add3A_601, %mul3A_612] : memref<1769472x16xf32, #tpu.memory_space<hbm>> -> memref<4096x8xf32, #tpu.memory_space<hbm>>
    %dma_wait3A_639 = arith.constant 0 : i32
    %dma_wait3A_640 = arith.constant 0 : i32
    %dma_wait3A_641 = tpu.memref_slice %arg7[%dma_wait3A_633, %dma_wait3A_639, %dma_wait3A_640] : memref<2x4096x8xf32, #tpu.memory_space<vmem>> -> memref<1x4096x8xf32, #tpu.memory_space<vmem>>
    %dma_wait3A_642 = tpu.memref_squeeze %dma_wait3A_641 : memref<1x4096x8xf32, #tpu.memory_space<vmem>> -> memref<4096x8xf32, #tpu.memory_space<vmem>>
    %dma_wait3A_643 = tpu.memref_slice %arg2[%add3A_601, %mul3A_612] : memref<1769472x16xf32, #tpu.memory_space<hbm>> -> memref<4096x8xf32, #tpu.memory_space<hbm>>
    tpu.wait_dma2 semaphore(%arg11 : memref<!tpu.dma_semaphore, #tpu.memory_space<semaphore_mem>>) src(%dma_wait3A_643 : memref<4096x8xf32, #tpu.memory_space<hbm>>) dst(%dma_wait3A_642 : memref<4096x8xf32, #tpu.memory_space<vmem>>)
    %dma_start3A_644 = arith.constant 1 : i32
    %dma_start3A_645 = arith.constant 1 : i32
    %dma_start3A_646 = arith.constant 0 : i32
    %dma_start3A_647 = arith.constant 0 : i32
    %dma_start3A_648 = tpu.memref_slice %arg7[%dma_start3A_644, %dma_start3A_646, %dma_start3A_647] : memref<2x4096x8xf32, #tpu.memory_space<vmem>> -> memref<1x4096x8xf32, #tpu.memory_space<vmem>>
    %dma_start3A_649 = tpu.memref_squeeze %dma_start3A_648 : memref<1x4096x8xf32, #tpu.memory_space<vmem>> -> memref<4096x8xf32, #tpu.memory_space<vmem>>
    %dma_start3A_650 = arith.constant 0 : i32
    %dma_start3A_651 = tpu.memref_slice %arg6[%dma_start3A_645, %dma_start3A_650] : memref<2x4096xi32, #tpu.memory_space<vmem>> -> memref<1x4096xi32, #tpu.memory_space<vmem>>
    %dma_start3A_652 = tpu.memref_squeeze %dma_start3A_651 : memref<1x4096xi32, #tpu.memory_space<vmem>> -> memref<4096xi32, #tpu.memory_space<vmem>>
    %dma_start3A_653 = arith.constant 0 : i32
    %dma_start3A_654 = arith.constant 0 : i32
    %dma_start3A_655 = tpu.memref_slice %arg14[%dma_start3A_653, %dma_start3A_654] : memref<65536x8xf32, #tpu.memory_space<vmem_shared>> -> memref<65536x8xf32, #tpu.memory_space<vmem_shared>>
    tpu.enqueue_indirect_dma source(%dma_start3A_649 : memref<4096x8xf32, #tpu.memory_space<vmem>>) target(%dma_start3A_655 : memref<65536x8xf32, #tpu.memory_space<vmem_shared>>) offsets(%dma_start3A_652 : memref<4096xi32, #tpu.memory_space<vmem>>) semaphore(%arg13 : memref<!tpu.dma_semaphore, #tpu.memory_space<semaphore_mem>>) {add = true}
    %dma_wait3A_656 = arith.constant 0 : i32
    %dma_wait3A_657 = arith.constant 0 : i32
    %dma_wait3A_658 = arith.constant 0 : i32
    %dma_wait3A_659 = arith.constant 0 : i32
    %dma_wait3A_660 = tpu.memref_slice %arg7[%dma_wait3A_656, %dma_wait3A_658, %dma_wait3A_659] : memref<2x4096x8xf32, #tpu.memory_space<vmem>> -> memref<1x4096x8xf32, #tpu.memory_space<vmem>>
    %dma_wait3A_661 = tpu.memref_squeeze %dma_wait3A_660 : memref<1x4096x8xf32, #tpu.memory_space<vmem>> -> memref<4096x8xf32, #tpu.memory_space<vmem>>
    %dma_wait3A_662 = arith.constant 0 : i32
    %dma_wait3A_663 = tpu.memref_slice %arg6[%dma_wait3A_657, %dma_wait3A_662] : memref<2x4096xi32, #tpu.memory_space<vmem>> -> memref<1x4096xi32, #tpu.memory_space<vmem>>
    %dma_wait3A_664 = tpu.memref_squeeze %dma_wait3A_663 : memref<1x4096xi32, #tpu.memory_space<vmem>> -> memref<4096xi32, #tpu.memory_space<vmem>>
    %dma_wait3A_665 = arith.constant 0 : i32
    %dma_wait3A_666 = arith.constant 0 : i32
    %dma_wait3A_667 = tpu.memref_slice %arg14[%dma_wait3A_665, %dma_wait3A_666] : memref<65536x8xf32, #tpu.memory_space<vmem_shared>> -> memref<65536x8xf32, #tpu.memory_space<vmem_shared>>
    tpu.wait_indirect_dma semaphore(%arg12 : memref<!tpu.dma_semaphore, #tpu.memory_space<semaphore_mem>>) src(%dma_wait3A_661 : memref<4096x8xf32, #tpu.memory_space<vmem>>) dst(%dma_wait3A_667 : memref<65536x8xf32, #tpu.memory_space<vmem_shared>>)
    %add3A_668 = arith.constant 40960 : i32
    %add3A_669 = arith.addi %mul3A_2, %add3A_668 : i32
    %dma_start3A_670 = arith.constant 0 : i32
    %dma_start3A_671 = arith.constant 0 : i32
    %dma_start3A_672 = tpu.memref_slice %arg6[%dma_start3A_670, %dma_start3A_671] : memref<2x4096xi32, #tpu.memory_space<vmem>> -> memref<1x4096xi32, #tpu.memory_space<vmem>>
    %dma_start3A_673 = tpu.memref_squeeze %dma_start3A_672 : memref<1x4096xi32, #tpu.memory_space<vmem>> -> memref<4096xi32, #tpu.memory_space<vmem>>
    %dma_start3A_674 = tpu.memref_slice %arg3[%add3A_669] : memref<1769472xi32, #tpu.memory_space<hbm>> -> memref<4096xi32, #tpu.memory_space<hbm>>
    %dma_start3A_675 = arith.constant 0 : i32
    %dma_start3A_676 = tpu.memref_slice %arg6[%dma_start3A_670, %dma_start3A_675] : memref<2x4096xi32, #tpu.memory_space<vmem>> -> memref<1x4096xi32, #tpu.memory_space<vmem>>
    %dma_start3A_677 = tpu.memref_squeeze %dma_start3A_676 : memref<1x4096xi32, #tpu.memory_space<vmem>> -> memref<4096xi32, #tpu.memory_space<vmem>>
    %dma_start3A_678 = tpu.memref_slice %arg3[%add3A_669] : memref<1769472xi32, #tpu.memory_space<hbm>> -> memref<4096xi32, #tpu.memory_space<hbm>>
    tpu.enqueue_dma source(%dma_start3A_678 : memref<4096xi32, #tpu.memory_space<hbm>>) target(%dma_start3A_677 : memref<4096xi32, #tpu.memory_space<vmem>>) target_semaphore(%arg8 : memref<!tpu.dma_semaphore, #tpu.memory_space<semaphore_mem>>)
    %mul3A_679 = arith.constant 8 : i32
    %mul3A_680 = arith.muli %arg0, %mul3A_679 : i32
    %dma_start3A_681 = arith.constant 0 : i32
    %dma_start3A_682 = arith.constant 0 : i32
    %dma_start3A_683 = arith.constant 0 : i32
    %dma_start3A_684 = tpu.memref_slice %arg7[%dma_start3A_681, %dma_start3A_682, %dma_start3A_683] : memref<2x4096x8xf32, #tpu.memory_space<vmem>> -> memref<1x4096x8xf32, #tpu.memory_space<vmem>>
    %dma_start3A_685 = tpu.memref_squeeze %dma_start3A_684 : memref<1x4096x8xf32, #tpu.memory_space<vmem>> -> memref<4096x8xf32, #tpu.memory_space<vmem>>
    %dma_start3A_686 = tpu.memref_slice %arg2[%add3A_669, %mul3A_680] : memref<1769472x16xf32, #tpu.memory_space<hbm>> -> memref<4096x8xf32, #tpu.memory_space<hbm>>
    %dma_start3A_687 = arith.constant 0 : i32
    %dma_start3A_688 = arith.constant 0 : i32
    %dma_start3A_689 = tpu.memref_slice %arg7[%dma_start3A_681, %dma_start3A_687, %dma_start3A_688] : memref<2x4096x8xf32, #tpu.memory_space<vmem>> -> memref<1x4096x8xf32, #tpu.memory_space<vmem>>
    %dma_start3A_690 = tpu.memref_squeeze %dma_start3A_689 : memref<1x4096x8xf32, #tpu.memory_space<vmem>> -> memref<4096x8xf32, #tpu.memory_space<vmem>>
    %dma_start3A_691 = tpu.memref_slice %arg2[%add3A_669, %mul3A_680] : memref<1769472x16xf32, #tpu.memory_space<hbm>> -> memref<4096x8xf32, #tpu.memory_space<hbm>>
    tpu.enqueue_dma source(%dma_start3A_691 : memref<4096x8xf32, #tpu.memory_space<hbm>>) target(%dma_start3A_690 : memref<4096x8xf32, #tpu.memory_space<vmem>>) target_semaphore(%arg10 : memref<!tpu.dma_semaphore, #tpu.memory_space<semaphore_mem>>)
    %dma_wait3A_692 = arith.constant 0 : i32
    %dma_wait3A_693 = arith.constant 0 : i32
    %dma_wait3A_694 = tpu.memref_slice %arg6[%dma_wait3A_692, %dma_wait3A_693] : memref<2x4096xi32, #tpu.memory_space<vmem>> -> memref<1x4096xi32, #tpu.memory_space<vmem>>
    %dma_wait3A_695 = tpu.memref_squeeze %dma_wait3A_694 : memref<1x4096xi32, #tpu.memory_space<vmem>> -> memref<4096xi32, #tpu.memory_space<vmem>>
    %dma_wait3A_696 = tpu.memref_slice %arg3[%add3A_669] : memref<1769472xi32, #tpu.memory_space<hbm>> -> memref<4096xi32, #tpu.memory_space<hbm>>
    %dma_wait3A_697 = arith.constant 0 : i32
    %dma_wait3A_698 = tpu.memref_slice %arg6[%dma_wait3A_692, %dma_wait3A_697] : memref<2x4096xi32, #tpu.memory_space<vmem>> -> memref<1x4096xi32, #tpu.memory_space<vmem>>
    %dma_wait3A_699 = tpu.memref_squeeze %dma_wait3A_698 : memref<1x4096xi32, #tpu.memory_space<vmem>> -> memref<4096xi32, #tpu.memory_space<vmem>>
    %dma_wait3A_700 = tpu.memref_slice %arg3[%add3A_669] : memref<1769472xi32, #tpu.memory_space<hbm>> -> memref<4096xi32, #tpu.memory_space<hbm>>
    tpu.wait_dma2 semaphore(%arg8 : memref<!tpu.dma_semaphore, #tpu.memory_space<semaphore_mem>>) src(%dma_wait3A_700 : memref<4096xi32, #tpu.memory_space<hbm>>) dst(%dma_wait3A_699 : memref<4096xi32, #tpu.memory_space<vmem>>)
    %dma_wait3A_701 = arith.constant 0 : i32
    %dma_wait3A_702 = arith.constant 0 : i32
    %dma_wait3A_703 = arith.constant 0 : i32
    %dma_wait3A_704 = tpu.memref_slice %arg7[%dma_wait3A_701, %dma_wait3A_702, %dma_wait3A_703] : memref<2x4096x8xf32, #tpu.memory_space<vmem>> -> memref<1x4096x8xf32, #tpu.memory_space<vmem>>
    %dma_wait3A_705 = tpu.memref_squeeze %dma_wait3A_704 : memref<1x4096x8xf32, #tpu.memory_space<vmem>> -> memref<4096x8xf32, #tpu.memory_space<vmem>>
    %dma_wait3A_706 = tpu.memref_slice %arg2[%add3A_669, %mul3A_680] : memref<1769472x16xf32, #tpu.memory_space<hbm>> -> memref<4096x8xf32, #tpu.memory_space<hbm>>
    %dma_wait3A_707 = arith.constant 0 : i32
    %dma_wait3A_708 = arith.constant 0 : i32
    %dma_wait3A_709 = tpu.memref_slice %arg7[%dma_wait3A_701, %dma_wait3A_707, %dma_wait3A_708] : memref<2x4096x8xf32, #tpu.memory_space<vmem>> -> memref<1x4096x8xf32, #tpu.memory_space<vmem>>
    %dma_wait3A_710 = tpu.memref_squeeze %dma_wait3A_709 : memref<1x4096x8xf32, #tpu.memory_space<vmem>> -> memref<4096x8xf32, #tpu.memory_space<vmem>>
    %dma_wait3A_711 = tpu.memref_slice %arg2[%add3A_669, %mul3A_680] : memref<1769472x16xf32, #tpu.memory_space<hbm>> -> memref<4096x8xf32, #tpu.memory_space<hbm>>
    tpu.wait_dma2 semaphore(%arg10 : memref<!tpu.dma_semaphore, #tpu.memory_space<semaphore_mem>>) src(%dma_wait3A_711 : memref<4096x8xf32, #tpu.memory_space<hbm>>) dst(%dma_wait3A_710 : memref<4096x8xf32, #tpu.memory_space<vmem>>)
    %dma_start3A_712 = arith.constant 0 : i32
    %dma_start3A_713 = arith.constant 0 : i32
    %dma_start3A_714 = arith.constant 0 : i32
    %dma_start3A_715 = arith.constant 0 : i32
    %dma_start3A_716 = tpu.memref_slice %arg7[%dma_start3A_712, %dma_start3A_714, %dma_start3A_715] : memref<2x4096x8xf32, #tpu.memory_space<vmem>> -> memref<1x4096x8xf32, #tpu.memory_space<vmem>>
    %dma_start3A_717 = tpu.memref_squeeze %dma_start3A_716 : memref<1x4096x8xf32, #tpu.memory_space<vmem>> -> memref<4096x8xf32, #tpu.memory_space<vmem>>
    %dma_start3A_718 = arith.constant 0 : i32
    %dma_start3A_719 = tpu.memref_slice %arg6[%dma_start3A_713, %dma_start3A_718] : memref<2x4096xi32, #tpu.memory_space<vmem>> -> memref<1x4096xi32, #tpu.memory_space<vmem>>
    %dma_start3A_720 = tpu.memref_squeeze %dma_start3A_719 : memref<1x4096xi32, #tpu.memory_space<vmem>> -> memref<4096xi32, #tpu.memory_space<vmem>>
    %dma_start3A_721 = arith.constant 0 : i32
    %dma_start3A_722 = arith.constant 0 : i32
    %dma_start3A_723 = tpu.memref_slice %arg14[%dma_start3A_721, %dma_start3A_722] : memref<65536x8xf32, #tpu.memory_space<vmem_shared>> -> memref<65536x8xf32, #tpu.memory_space<vmem_shared>>
    tpu.enqueue_indirect_dma source(%dma_start3A_717 : memref<4096x8xf32, #tpu.memory_space<vmem>>) target(%dma_start3A_723 : memref<65536x8xf32, #tpu.memory_space<vmem_shared>>) offsets(%dma_start3A_720 : memref<4096xi32, #tpu.memory_space<vmem>>) semaphore(%arg12 : memref<!tpu.dma_semaphore, #tpu.memory_space<semaphore_mem>>) {add = true}
    %dma_wait3A_724 = arith.constant 1 : i32
    %dma_wait3A_725 = arith.constant 1 : i32
    %dma_wait3A_726 = arith.constant 0 : i32
    %dma_wait3A_727 = arith.constant 0 : i32
    %dma_wait3A_728 = tpu.memref_slice %arg7[%dma_wait3A_724, %dma_wait3A_726, %dma_wait3A_727] : memref<2x4096x8xf32, #tpu.memory_space<vmem>> -> memref<1x4096x8xf32, #tpu.memory_space<vmem>>
    %dma_wait3A_729 = tpu.memref_squeeze %dma_wait3A_728 : memref<1x4096x8xf32, #tpu.memory_space<vmem>> -> memref<4096x8xf32, #tpu.memory_space<vmem>>
    %dma_wait3A_730 = arith.constant 0 : i32
    %dma_wait3A_731 = tpu.memref_slice %arg6[%dma_wait3A_725, %dma_wait3A_730] : memref<2x4096xi32, #tpu.memory_space<vmem>> -> memref<1x4096xi32, #tpu.memory_space<vmem>>
    %dma_wait3A_732 = tpu.memref_squeeze %dma_wait3A_731 : memref<1x4096xi32, #tpu.memory_space<vmem>> -> memref<4096xi32, #tpu.memory_space<vmem>>
    %dma_wait3A_733 = arith.constant 0 : i32
    %dma_wait3A_734 = arith.constant 0 : i32
    %dma_wait3A_735 = tpu.memref_slice %arg14[%dma_wait3A_733, %dma_wait3A_734] : memref<65536x8xf32, #tpu.memory_space<vmem_shared>> -> memref<65536x8xf32, #tpu.memory_space<vmem_shared>>
    tpu.wait_indirect_dma semaphore(%arg13 : memref<!tpu.dma_semaphore, #tpu.memory_space<semaphore_mem>>) src(%dma_wait3A_729 : memref<4096x8xf32, #tpu.memory_space<vmem>>) dst(%dma_wait3A_735 : memref<65536x8xf32, #tpu.memory_space<vmem_shared>>)
    %add3A_736 = arith.constant 45056 : i32
    %add3A_737 = arith.addi %mul3A_2, %add3A_736 : i32
    %dma_start3A_738 = arith.constant 1 : i32
    %dma_start3A_739 = arith.constant 0 : i32
    %dma_start3A_740 = tpu.memref_slice %arg6[%dma_start3A_738, %dma_start3A_739] : memref<2x4096xi32, #tpu.memory_space<vmem>> -> memref<1x4096xi32, #tpu.memory_space<vmem>>
    %dma_start3A_741 = tpu.memref_squeeze %dma_start3A_740 : memref<1x4096xi32, #tpu.memory_space<vmem>> -> memref<4096xi32, #tpu.memory_space<vmem>>
    %dma_start3A_742 = tpu.memref_slice %arg3[%add3A_737] : memref<1769472xi32, #tpu.memory_space<hbm>> -> memref<4096xi32, #tpu.memory_space<hbm>>
    %dma_start3A_743 = arith.constant 0 : i32
    %dma_start3A_744 = tpu.memref_slice %arg6[%dma_start3A_738, %dma_start3A_743] : memref<2x4096xi32, #tpu.memory_space<vmem>> -> memref<1x4096xi32, #tpu.memory_space<vmem>>
    %dma_start3A_745 = tpu.memref_squeeze %dma_start3A_744 : memref<1x4096xi32, #tpu.memory_space<vmem>> -> memref<4096xi32, #tpu.memory_space<vmem>>
    %dma_start3A_746 = tpu.memref_slice %arg3[%add3A_737] : memref<1769472xi32, #tpu.memory_space<hbm>> -> memref<4096xi32, #tpu.memory_space<hbm>>
    tpu.enqueue_dma source(%dma_start3A_746 : memref<4096xi32, #tpu.memory_space<hbm>>) target(%dma_start3A_745 : memref<4096xi32, #tpu.memory_space<vmem>>) target_semaphore(%arg9 : memref<!tpu.dma_semaphore, #tpu.memory_space<semaphore_mem>>)
    %mul3A_747 = arith.constant 8 : i32
    %mul3A_748 = arith.muli %arg0, %mul3A_747 : i32
    %dma_start3A_749 = arith.constant 1 : i32
    %dma_start3A_750 = arith.constant 0 : i32
    %dma_start3A_751 = arith.constant 0 : i32
    %dma_start3A_752 = tpu.memref_slice %arg7[%dma_start3A_749, %dma_start3A_750, %dma_start3A_751] : memref<2x4096x8xf32, #tpu.memory_space<vmem>> -> memref<1x4096x8xf32, #tpu.memory_space<vmem>>
    %dma_start3A_753 = tpu.memref_squeeze %dma_start3A_752 : memref<1x4096x8xf32, #tpu.memory_space<vmem>> -> memref<4096x8xf32, #tpu.memory_space<vmem>>
    %dma_start3A_754 = tpu.memref_slice %arg2[%add3A_737, %mul3A_748] : memref<1769472x16xf32, #tpu.memory_space<hbm>> -> memref<4096x8xf32, #tpu.memory_space<hbm>>
    %dma_start3A_755 = arith.constant 0 : i32
    %dma_start3A_756 = arith.constant 0 : i32
    %dma_start3A_757 = tpu.memref_slice %arg7[%dma_start3A_749, %dma_start3A_755, %dma_start3A_756] : memref<2x4096x8xf32, #tpu.memory_space<vmem>> -> memref<1x4096x8xf32, #tpu.memory_space<vmem>>
    %dma_start3A_758 = tpu.memref_squeeze %dma_start3A_757 : memref<1x4096x8xf32, #tpu.memory_space<vmem>> -> memref<4096x8xf32, #tpu.memory_space<vmem>>
    %dma_start3A_759 = tpu.memref_slice %arg2[%add3A_737, %mul3A_748] : memref<1769472x16xf32, #tpu.memory_space<hbm>> -> memref<4096x8xf32, #tpu.memory_space<hbm>>
    tpu.enqueue_dma source(%dma_start3A_759 : memref<4096x8xf32, #tpu.memory_space<hbm>>) target(%dma_start3A_758 : memref<4096x8xf32, #tpu.memory_space<vmem>>) target_semaphore(%arg11 : memref<!tpu.dma_semaphore, #tpu.memory_space<semaphore_mem>>)
    %dma_wait3A_760 = arith.constant 1 : i32
    %dma_wait3A_761 = arith.constant 0 : i32
    %dma_wait3A_762 = tpu.memref_slice %arg6[%dma_wait3A_760, %dma_wait3A_761] : memref<2x4096xi32, #tpu.memory_space<vmem>> -> memref<1x4096xi32, #tpu.memory_space<vmem>>
    %dma_wait3A_763 = tpu.memref_squeeze %dma_wait3A_762 : memref<1x4096xi32, #tpu.memory_space<vmem>> -> memref<4096xi32, #tpu.memory_space<vmem>>
    %dma_wait3A_764 = tpu.memref_slice %arg3[%add3A_737] : memref<1769472xi32, #tpu.memory_space<hbm>> -> memref<4096xi32, #tpu.memory_space<hbm>>
    %dma_wait3A_765 = arith.constant 0 : i32
    %dma_wait3A_766 = tpu.memref_slice %arg6[%dma_wait3A_760, %dma_wait3A_765] : memref<2x4096xi32, #tpu.memory_space<vmem>> -> memref<1x4096xi32, #tpu.memory_space<vmem>>
    %dma_wait3A_767 = tpu.memref_squeeze %dma_wait3A_766 : memref<1x4096xi32, #tpu.memory_space<vmem>> -> memref<4096xi32, #tpu.memory_space<vmem>>
    %dma_wait3A_768 = tpu.memref_slice %arg3[%add3A_737] : memref<1769472xi32, #tpu.memory_space<hbm>> -> memref<4096xi32, #tpu.memory_space<hbm>>
    tpu.wait_dma2 semaphore(%arg9 : memref<!tpu.dma_semaphore, #tpu.memory_space<semaphore_mem>>) src(%dma_wait3A_768 : memref<4096xi32, #tpu.memory_space<hbm>>) dst(%dma_wait3A_767 : memref<4096xi32, #tpu.memory_space<vmem>>)
    %dma_wait3A_769 = arith.constant 1 : i32
    %dma_wait3A_770 = arith.constant 0 : i32
    %dma_wait3A_771 = arith.constant 0 : i32
    %dma_wait3A_772 = tpu.memref_slice %arg7[%dma_wait3A_769, %dma_wait3A_770, %dma_wait3A_771] : memref<2x4096x8xf32, #tpu.memory_space<vmem>> -> memref<1x4096x8xf32, #tpu.memory_space<vmem>>
    %dma_wait3A_773 = tpu.memref_squeeze %dma_wait3A_772 : memref<1x4096x8xf32, #tpu.memory_space<vmem>> -> memref<4096x8xf32, #tpu.memory_space<vmem>>
    %dma_wait3A_774 = tpu.memref_slice %arg2[%add3A_737, %mul3A_748] : memref<1769472x16xf32, #tpu.memory_space<hbm>> -> memref<4096x8xf32, #tpu.memory_space<hbm>>
    %dma_wait3A_775 = arith.constant 0 : i32
    %dma_wait3A_776 = arith.constant 0 : i32
    %dma_wait3A_777 = tpu.memref_slice %arg7[%dma_wait3A_769, %dma_wait3A_775, %dma_wait3A_776] : memref<2x4096x8xf32, #tpu.memory_space<vmem>> -> memref<1x4096x8xf32, #tpu.memory_space<vmem>>
    %dma_wait3A_778 = tpu.memref_squeeze %dma_wait3A_777 : memref<1x4096x8xf32, #tpu.memory_space<vmem>> -> memref<4096x8xf32, #tpu.memory_space<vmem>>
    %dma_wait3A_779 = tpu.memref_slice %arg2[%add3A_737, %mul3A_748] : memref<1769472x16xf32, #tpu.memory_space<hbm>> -> memref<4096x8xf32, #tpu.memory_space<hbm>>
    tpu.wait_dma2 semaphore(%arg11 : memref<!tpu.dma_semaphore, #tpu.memory_space<semaphore_mem>>) src(%dma_wait3A_779 : memref<4096x8xf32, #tpu.memory_space<hbm>>) dst(%dma_wait3A_778 : memref<4096x8xf32, #tpu.memory_space<vmem>>)
    %dma_start3A_780 = arith.constant 1 : i32
    %dma_start3A_781 = arith.constant 1 : i32
    %dma_start3A_782 = arith.constant 0 : i32
    %dma_start3A_783 = arith.constant 0 : i32
    %dma_start3A_784 = tpu.memref_slice %arg7[%dma_start3A_780, %dma_start3A_782, %dma_start3A_783] : memref<2x4096x8xf32, #tpu.memory_space<vmem>> -> memref<1x4096x8xf32, #tpu.memory_space<vmem>>
    %dma_start3A_785 = tpu.memref_squeeze %dma_start3A_784 : memref<1x4096x8xf32, #tpu.memory_space<vmem>> -> memref<4096x8xf32, #tpu.memory_space<vmem>>
    %dma_start3A_786 = arith.constant 0 : i32
    %dma_start3A_787 = tpu.memref_slice %arg6[%dma_start3A_781, %dma_start3A_786] : memref<2x4096xi32, #tpu.memory_space<vmem>> -> memref<1x4096xi32, #tpu.memory_space<vmem>>
    %dma_start3A_788 = tpu.memref_squeeze %dma_start3A_787 : memref<1x4096xi32, #tpu.memory_space<vmem>> -> memref<4096xi32, #tpu.memory_space<vmem>>
    %dma_start3A_789 = arith.constant 0 : i32
    %dma_start3A_790 = arith.constant 0 : i32
    %dma_start3A_791 = tpu.memref_slice %arg14[%dma_start3A_789, %dma_start3A_790] : memref<65536x8xf32, #tpu.memory_space<vmem_shared>> -> memref<65536x8xf32, #tpu.memory_space<vmem_shared>>
    tpu.enqueue_indirect_dma source(%dma_start3A_785 : memref<4096x8xf32, #tpu.memory_space<vmem>>) target(%dma_start3A_791 : memref<65536x8xf32, #tpu.memory_space<vmem_shared>>) offsets(%dma_start3A_788 : memref<4096xi32, #tpu.memory_space<vmem>>) semaphore(%arg13 : memref<!tpu.dma_semaphore, #tpu.memory_space<semaphore_mem>>) {add = true}
    %dma_wait3A_792 = arith.constant 0 : i32
    %dma_wait3A_793 = arith.constant 0 : i32
    %dma_wait3A_794 = arith.constant 0 : i32
    %dma_wait3A_795 = arith.constant 0 : i32
    %dma_wait3A_796 = tpu.memref_slice %arg7[%dma_wait3A_792, %dma_wait3A_794, %dma_wait3A_795] : memref<2x4096x8xf32, #tpu.memory_space<vmem>> -> memref<1x4096x8xf32, #tpu.memory_space<vmem>>
    %dma_wait3A_797 = tpu.memref_squeeze %dma_wait3A_796 : memref<1x4096x8xf32, #tpu.memory_space<vmem>> -> memref<4096x8xf32, #tpu.memory_space<vmem>>
    %dma_wait3A_798 = arith.constant 0 : i32
    %dma_wait3A_799 = tpu.memref_slice %arg6[%dma_wait3A_793, %dma_wait3A_798] : memref<2x4096xi32, #tpu.memory_space<vmem>> -> memref<1x4096xi32, #tpu.memory_space<vmem>>
    %dma_wait3A_800 = tpu.memref_squeeze %dma_wait3A_799 : memref<1x4096xi32, #tpu.memory_space<vmem>> -> memref<4096xi32, #tpu.memory_space<vmem>>
    %dma_wait3A_801 = arith.constant 0 : i32
    %dma_wait3A_802 = arith.constant 0 : i32
    %dma_wait3A_803 = tpu.memref_slice %arg14[%dma_wait3A_801, %dma_wait3A_802] : memref<65536x8xf32, #tpu.memory_space<vmem_shared>> -> memref<65536x8xf32, #tpu.memory_space<vmem_shared>>
    tpu.wait_indirect_dma semaphore(%arg12 : memref<!tpu.dma_semaphore, #tpu.memory_space<semaphore_mem>>) src(%dma_wait3A_797 : memref<4096x8xf32, #tpu.memory_space<vmem>>) dst(%dma_wait3A_803 : memref<65536x8xf32, #tpu.memory_space<vmem_shared>>)
    %add3A_804 = arith.constant 49152 : i32
    %add3A_805 = arith.addi %mul3A_2, %add3A_804 : i32
    %dma_start3A_806 = arith.constant 0 : i32
    %dma_start3A_807 = arith.constant 0 : i32
    %dma_start3A_808 = tpu.memref_slice %arg6[%dma_start3A_806, %dma_start3A_807] : memref<2x4096xi32, #tpu.memory_space<vmem>> -> memref<1x4096xi32, #tpu.memory_space<vmem>>
    %dma_start3A_809 = tpu.memref_squeeze %dma_start3A_808 : memref<1x4096xi32, #tpu.memory_space<vmem>> -> memref<4096xi32, #tpu.memory_space<vmem>>
    %dma_start3A_810 = tpu.memref_slice %arg3[%add3A_805] : memref<1769472xi32, #tpu.memory_space<hbm>> -> memref<4096xi32, #tpu.memory_space<hbm>>
    %dma_start3A_811 = arith.constant 0 : i32
    %dma_start3A_812 = tpu.memref_slice %arg6[%dma_start3A_806, %dma_start3A_811] : memref<2x4096xi32, #tpu.memory_space<vmem>> -> memref<1x4096xi32, #tpu.memory_space<vmem>>
    %dma_start3A_813 = tpu.memref_squeeze %dma_start3A_812 : memref<1x4096xi32, #tpu.memory_space<vmem>> -> memref<4096xi32, #tpu.memory_space<vmem>>
    %dma_start3A_814 = tpu.memref_slice %arg3[%add3A_805] : memref<1769472xi32, #tpu.memory_space<hbm>> -> memref<4096xi32, #tpu.memory_space<hbm>>
    tpu.enqueue_dma source(%dma_start3A_814 : memref<4096xi32, #tpu.memory_space<hbm>>) target(%dma_start3A_813 : memref<4096xi32, #tpu.memory_space<vmem>>) target_semaphore(%arg8 : memref<!tpu.dma_semaphore, #tpu.memory_space<semaphore_mem>>)
    %mul3A_815 = arith.constant 8 : i32
    %mul3A_816 = arith.muli %arg0, %mul3A_815 : i32
    %dma_start3A_817 = arith.constant 0 : i32
    %dma_start3A_818 = arith.constant 0 : i32
    %dma_start3A_819 = arith.constant 0 : i32
    %dma_start3A_820 = tpu.memref_slice %arg7[%dma_start3A_817, %dma_start3A_818, %dma_start3A_819] : memref<2x4096x8xf32, #tpu.memory_space<vmem>> -> memref<1x4096x8xf32, #tpu.memory_space<vmem>>
    %dma_start3A_821 = tpu.memref_squeeze %dma_start3A_820 : memref<1x4096x8xf32, #tpu.memory_space<vmem>> -> memref<4096x8xf32, #tpu.memory_space<vmem>>
    %dma_start3A_822 = tpu.memref_slice %arg2[%add3A_805, %mul3A_816] : memref<1769472x16xf32, #tpu.memory_space<hbm>> -> memref<4096x8xf32, #tpu.memory_space<hbm>>
    %dma_start3A_823 = arith.constant 0 : i32
    %dma_start3A_824 = arith.constant 0 : i32
    %dma_start3A_825 = tpu.memref_slice %arg7[%dma_start3A_817, %dma_start3A_823, %dma_start3A_824] : memref<2x4096x8xf32, #tpu.memory_space<vmem>> -> memref<1x4096x8xf32, #tpu.memory_space<vmem>>
    %dma_start3A_826 = tpu.memref_squeeze %dma_start3A_825 : memref<1x4096x8xf32, #tpu.memory_space<vmem>> -> memref<4096x8xf32, #tpu.memory_space<vmem>>
    %dma_start3A_827 = tpu.memref_slice %arg2[%add3A_805, %mul3A_816] : memref<1769472x16xf32, #tpu.memory_space<hbm>> -> memref<4096x8xf32, #tpu.memory_space<hbm>>
    tpu.enqueue_dma source(%dma_start3A_827 : memref<4096x8xf32, #tpu.memory_space<hbm>>) target(%dma_start3A_826 : memref<4096x8xf32, #tpu.memory_space<vmem>>) target_semaphore(%arg10 : memref<!tpu.dma_semaphore, #tpu.memory_space<semaphore_mem>>)
    %dma_wait3A_828 = arith.constant 0 : i32
    %dma_wait3A_829 = arith.constant 0 : i32
    %dma_wait3A_830 = tpu.memref_slice %arg6[%dma_wait3A_828, %dma_wait3A_829] : memref<2x4096xi32, #tpu.memory_space<vmem>> -> memref<1x4096xi32, #tpu.memory_space<vmem>>
    %dma_wait3A_831 = tpu.memref_squeeze %dma_wait3A_830 : memref<1x4096xi32, #tpu.memory_space<vmem>> -> memref<4096xi32, #tpu.memory_space<vmem>>
    %dma_wait3A_832 = tpu.memref_slice %arg3[%add3A_805] : memref<1769472xi32, #tpu.memory_space<hbm>> -> memref<4096xi32, #tpu.memory_space<hbm>>
    %dma_wait3A_833 = arith.constant 0 : i32
    %dma_wait3A_834 = tpu.memref_slice %arg6[%dma_wait3A_828, %dma_wait3A_833] : memref<2x4096xi32, #tpu.memory_space<vmem>> -> memref<1x4096xi32, #tpu.memory_space<vmem>>
    %dma_wait3A_835 = tpu.memref_squeeze %dma_wait3A_834 : memref<1x4096xi32, #tpu.memory_space<vmem>> -> memref<4096xi32, #tpu.memory_space<vmem>>
    %dma_wait3A_836 = tpu.memref_slice %arg3[%add3A_805] : memref<1769472xi32, #tpu.memory_space<hbm>> -> memref<4096xi32, #tpu.memory_space<hbm>>
    tpu.wait_dma2 semaphore(%arg8 : memref<!tpu.dma_semaphore, #tpu.memory_space<semaphore_mem>>) src(%dma_wait3A_836 : memref<4096xi32, #tpu.memory_space<hbm>>) dst(%dma_wait3A_835 : memref<4096xi32, #tpu.memory_space<vmem>>)
    %dma_wait3A_837 = arith.constant 0 : i32
    %dma_wait3A_838 = arith.constant 0 : i32
    %dma_wait3A_839 = arith.constant 0 : i32
    %dma_wait3A_840 = tpu.memref_slice %arg7[%dma_wait3A_837, %dma_wait3A_838, %dma_wait3A_839] : memref<2x4096x8xf32, #tpu.memory_space<vmem>> -> memref<1x4096x8xf32, #tpu.memory_space<vmem>>
    %dma_wait3A_841 = tpu.memref_squeeze %dma_wait3A_840 : memref<1x4096x8xf32, #tpu.memory_space<vmem>> -> memref<4096x8xf32, #tpu.memory_space<vmem>>
    %dma_wait3A_842 = tpu.memref_slice %arg2[%add3A_805, %mul3A_816] : memref<1769472x16xf32, #tpu.memory_space<hbm>> -> memref<4096x8xf32, #tpu.memory_space<hbm>>
    %dma_wait3A_843 = arith.constant 0 : i32
    %dma_wait3A_844 = arith.constant 0 : i32
    %dma_wait3A_845 = tpu.memref_slice %arg7[%dma_wait3A_837, %dma_wait3A_843, %dma_wait3A_844] : memref<2x4096x8xf32, #tpu.memory_space<vmem>> -> memref<1x4096x8xf32, #tpu.memory_space<vmem>>
    %dma_wait3A_846 = tpu.memref_squeeze %dma_wait3A_845 : memref<1x4096x8xf32, #tpu.memory_space<vmem>> -> memref<4096x8xf32, #tpu.memory_space<vmem>>
    %dma_wait3A_847 = tpu.memref_slice %arg2[%add3A_805, %mul3A_816] : memref<1769472x16xf32, #tpu.memory_space<hbm>> -> memref<4096x8xf32, #tpu.memory_space<hbm>>
    tpu.wait_dma2 semaphore(%arg10 : memref<!tpu.dma_semaphore, #tpu.memory_space<semaphore_mem>>) src(%dma_wait3A_847 : memref<4096x8xf32, #tpu.memory_space<hbm>>) dst(%dma_wait3A_846 : memref<4096x8xf32, #tpu.memory_space<vmem>>)
    %dma_start3A_848 = arith.constant 0 : i32
    %dma_start3A_849 = arith.constant 0 : i32
    %dma_start3A_850 = arith.constant 0 : i32
    %dma_start3A_851 = arith.constant 0 : i32
    %dma_start3A_852 = tpu.memref_slice %arg7[%dma_start3A_848, %dma_start3A_850, %dma_start3A_851] : memref<2x4096x8xf32, #tpu.memory_space<vmem>> -> memref<1x4096x8xf32, #tpu.memory_space<vmem>>
    %dma_start3A_853 = tpu.memref_squeeze %dma_start3A_852 : memref<1x4096x8xf32, #tpu.memory_space<vmem>> -> memref<4096x8xf32, #tpu.memory_space<vmem>>
    %dma_start3A_854 = arith.constant 0 : i32
    %dma_start3A_855 = tpu.memref_slice %arg6[%dma_start3A_849, %dma_start3A_854] : memref<2x4096xi32, #tpu.memory_space<vmem>> -> memref<1x4096xi32, #tpu.memory_space<vmem>>
    %dma_start3A_856 = tpu.memref_squeeze %dma_start3A_855 : memref<1x4096xi32, #tpu.memory_space<vmem>> -> memref<4096xi32, #tpu.memory_space<vmem>>
    %dma_start3A_857 = arith.constant 0 : i32
    %dma_start3A_858 = arith.constant 0 : i32
    %dma_start3A_859 = tpu.memref_slice %arg14[%dma_start3A_857, %dma_start3A_858] : memref<65536x8xf32, #tpu.memory_space<vmem_shared>> -> memref<65536x8xf32, #tpu.memory_space<vmem_shared>>
    tpu.enqueue_indirect_dma source(%dma_start3A_853 : memref<4096x8xf32, #tpu.memory_space<vmem>>) target(%dma_start3A_859 : memref<65536x8xf32, #tpu.memory_space<vmem_shared>>) offsets(%dma_start3A_856 : memref<4096xi32, #tpu.memory_space<vmem>>) semaphore(%arg12 : memref<!tpu.dma_semaphore, #tpu.memory_space<semaphore_mem>>) {add = true}
    %dma_wait3A_860 = arith.constant 1 : i32
    %dma_wait3A_861 = arith.constant 1 : i32
    %dma_wait3A_862 = arith.constant 0 : i32
    %dma_wait3A_863 = arith.constant 0 : i32
    %dma_wait3A_864 = tpu.memref_slice %arg7[%dma_wait3A_860, %dma_wait3A_862, %dma_wait3A_863] : memref<2x4096x8xf32, #tpu.memory_space<vmem>> -> memref<1x4096x8xf32, #tpu.memory_space<vmem>>
    %dma_wait3A_865 = tpu.memref_squeeze %dma_wait3A_864 : memref<1x4096x8xf32, #tpu.memory_space<vmem>> -> memref<4096x8xf32, #tpu.memory_space<vmem>>
    %dma_wait3A_866 = arith.constant 0 : i32
    %dma_wait3A_867 = tpu.memref_slice %arg6[%dma_wait3A_861, %dma_wait3A_866] : memref<2x4096xi32, #tpu.memory_space<vmem>> -> memref<1x4096xi32, #tpu.memory_space<vmem>>
    %dma_wait3A_868 = tpu.memref_squeeze %dma_wait3A_867 : memref<1x4096xi32, #tpu.memory_space<vmem>> -> memref<4096xi32, #tpu.memory_space<vmem>>
    %dma_wait3A_869 = arith.constant 0 : i32
    %dma_wait3A_870 = arith.constant 0 : i32
    %dma_wait3A_871 = tpu.memref_slice %arg14[%dma_wait3A_869, %dma_wait3A_870] : memref<65536x8xf32, #tpu.memory_space<vmem_shared>> -> memref<65536x8xf32, #tpu.memory_space<vmem_shared>>
    tpu.wait_indirect_dma semaphore(%arg13 : memref<!tpu.dma_semaphore, #tpu.memory_space<semaphore_mem>>) src(%dma_wait3A_865 : memref<4096x8xf32, #tpu.memory_space<vmem>>) dst(%dma_wait3A_871 : memref<65536x8xf32, #tpu.memory_space<vmem_shared>>)
    %add3A_872 = arith.constant 53248 : i32
    %add3A_873 = arith.addi %mul3A_2, %add3A_872 : i32
    %dma_start3A_874 = arith.constant 1 : i32
    %dma_start3A_875 = arith.constant 0 : i32
    %dma_start3A_876 = tpu.memref_slice %arg6[%dma_start3A_874, %dma_start3A_875] : memref<2x4096xi32, #tpu.memory_space<vmem>> -> memref<1x4096xi32, #tpu.memory_space<vmem>>
    %dma_start3A_877 = tpu.memref_squeeze %dma_start3A_876 : memref<1x4096xi32, #tpu.memory_space<vmem>> -> memref<4096xi32, #tpu.memory_space<vmem>>
    %dma_start3A_878 = tpu.memref_slice %arg3[%add3A_873] : memref<1769472xi32, #tpu.memory_space<hbm>> -> memref<4096xi32, #tpu.memory_space<hbm>>
    %dma_start3A_879 = arith.constant 0 : i32
    %dma_start3A_880 = tpu.memref_slice %arg6[%dma_start3A_874, %dma_start3A_879] : memref<2x4096xi32, #tpu.memory_space<vmem>> -> memref<1x4096xi32, #tpu.memory_space<vmem>>
    %dma_start3A_881 = tpu.memref_squeeze %dma_start3A_880 : memref<1x4096xi32, #tpu.memory_space<vmem>> -> memref<4096xi32, #tpu.memory_space<vmem>>
    %dma_start3A_882 = tpu.memref_slice %arg3[%add3A_873] : memref<1769472xi32, #tpu.memory_space<hbm>> -> memref<4096xi32, #tpu.memory_space<hbm>>
    tpu.enqueue_dma source(%dma_start3A_882 : memref<4096xi32, #tpu.memory_space<hbm>>) target(%dma_start3A_881 : memref<4096xi32, #tpu.memory_space<vmem>>) target_semaphore(%arg9 : memref<!tpu.dma_semaphore, #tpu.memory_space<semaphore_mem>>)
    %mul3A_883 = arith.constant 8 : i32
    %mul3A_884 = arith.muli %arg0, %mul3A_883 : i32
    %dma_start3A_885 = arith.constant 1 : i32
    %dma_start3A_886 = arith.constant 0 : i32
    %dma_start3A_887 = arith.constant 0 : i32
    %dma_start3A_888 = tpu.memref_slice %arg7[%dma_start3A_885, %dma_start3A_886, %dma_start3A_887] : memref<2x4096x8xf32, #tpu.memory_space<vmem>> -> memref<1x4096x8xf32, #tpu.memory_space<vmem>>
    %dma_start3A_889 = tpu.memref_squeeze %dma_start3A_888 : memref<1x4096x8xf32, #tpu.memory_space<vmem>> -> memref<4096x8xf32, #tpu.memory_space<vmem>>
    %dma_start3A_890 = tpu.memref_slice %arg2[%add3A_873, %mul3A_884] : memref<1769472x16xf32, #tpu.memory_space<hbm>> -> memref<4096x8xf32, #tpu.memory_space<hbm>>
    %dma_start3A_891 = arith.constant 0 : i32
    %dma_start3A_892 = arith.constant 0 : i32
    %dma_start3A_893 = tpu.memref_slice %arg7[%dma_start3A_885, %dma_start3A_891, %dma_start3A_892] : memref<2x4096x8xf32, #tpu.memory_space<vmem>> -> memref<1x4096x8xf32, #tpu.memory_space<vmem>>
    %dma_start3A_894 = tpu.memref_squeeze %dma_start3A_893 : memref<1x4096x8xf32, #tpu.memory_space<vmem>> -> memref<4096x8xf32, #tpu.memory_space<vmem>>
    %dma_start3A_895 = tpu.memref_slice %arg2[%add3A_873, %mul3A_884] : memref<1769472x16xf32, #tpu.memory_space<hbm>> -> memref<4096x8xf32, #tpu.memory_space<hbm>>
    tpu.enqueue_dma source(%dma_start3A_895 : memref<4096x8xf32, #tpu.memory_space<hbm>>) target(%dma_start3A_894 : memref<4096x8xf32, #tpu.memory_space<vmem>>) target_semaphore(%arg11 : memref<!tpu.dma_semaphore, #tpu.memory_space<semaphore_mem>>)
    %dma_wait3A_896 = arith.constant 1 : i32
    %dma_wait3A_897 = arith.constant 0 : i32
    %dma_wait3A_898 = tpu.memref_slice %arg6[%dma_wait3A_896, %dma_wait3A_897] : memref<2x4096xi32, #tpu.memory_space<vmem>> -> memref<1x4096xi32, #tpu.memory_space<vmem>>
    %dma_wait3A_899 = tpu.memref_squeeze %dma_wait3A_898 : memref<1x4096xi32, #tpu.memory_space<vmem>> -> memref<4096xi32, #tpu.memory_space<vmem>>
    %dma_wait3A_900 = tpu.memref_slice %arg3[%add3A_873] : memref<1769472xi32, #tpu.memory_space<hbm>> -> memref<4096xi32, #tpu.memory_space<hbm>>
    %dma_wait3A_901 = arith.constant 0 : i32
    %dma_wait3A_902 = tpu.memref_slice %arg6[%dma_wait3A_896, %dma_wait3A_901] : memref<2x4096xi32, #tpu.memory_space<vmem>> -> memref<1x4096xi32, #tpu.memory_space<vmem>>
    %dma_wait3A_903 = tpu.memref_squeeze %dma_wait3A_902 : memref<1x4096xi32, #tpu.memory_space<vmem>> -> memref<4096xi32, #tpu.memory_space<vmem>>
    %dma_wait3A_904 = tpu.memref_slice %arg3[%add3A_873] : memref<1769472xi32, #tpu.memory_space<hbm>> -> memref<4096xi32, #tpu.memory_space<hbm>>
    tpu.wait_dma2 semaphore(%arg9 : memref<!tpu.dma_semaphore, #tpu.memory_space<semaphore_mem>>) src(%dma_wait3A_904 : memref<4096xi32, #tpu.memory_space<hbm>>) dst(%dma_wait3A_903 : memref<4096xi32, #tpu.memory_space<vmem>>)
    %dma_wait3A_905 = arith.constant 1 : i32
    %dma_wait3A_906 = arith.constant 0 : i32
    %dma_wait3A_907 = arith.constant 0 : i32
    %dma_wait3A_908 = tpu.memref_slice %arg7[%dma_wait3A_905, %dma_wait3A_906, %dma_wait3A_907] : memref<2x4096x8xf32, #tpu.memory_space<vmem>> -> memref<1x4096x8xf32, #tpu.memory_space<vmem>>
    %dma_wait3A_909 = tpu.memref_squeeze %dma_wait3A_908 : memref<1x4096x8xf32, #tpu.memory_space<vmem>> -> memref<4096x8xf32, #tpu.memory_space<vmem>>
    %dma_wait3A_910 = tpu.memref_slice %arg2[%add3A_873, %mul3A_884] : memref<1769472x16xf32, #tpu.memory_space<hbm>> -> memref<4096x8xf32, #tpu.memory_space<hbm>>
    %dma_wait3A_911 = arith.constant 0 : i32
    %dma_wait3A_912 = arith.constant 0 : i32
    %dma_wait3A_913 = tpu.memref_slice %arg7[%dma_wait3A_905, %dma_wait3A_911, %dma_wait3A_912] : memref<2x4096x8xf32, #tpu.memory_space<vmem>> -> memref<1x4096x8xf32, #tpu.memory_space<vmem>>
    %dma_wait3A_914 = tpu.memref_squeeze %dma_wait3A_913 : memref<1x4096x8xf32, #tpu.memory_space<vmem>> -> memref<4096x8xf32, #tpu.memory_space<vmem>>
    %dma_wait3A_915 = tpu.memref_slice %arg2[%add3A_873, %mul3A_884] : memref<1769472x16xf32, #tpu.memory_space<hbm>> -> memref<4096x8xf32, #tpu.memory_space<hbm>>
    tpu.wait_dma2 semaphore(%arg11 : memref<!tpu.dma_semaphore, #tpu.memory_space<semaphore_mem>>) src(%dma_wait3A_915 : memref<4096x8xf32, #tpu.memory_space<hbm>>) dst(%dma_wait3A_914 : memref<4096x8xf32, #tpu.memory_space<vmem>>)
    %dma_start3A_916 = arith.constant 1 : i32
    %dma_start3A_917 = arith.constant 1 : i32
    %dma_start3A_918 = arith.constant 0 : i32
    %dma_start3A_919 = arith.constant 0 : i32
    %dma_start3A_920 = tpu.memref_slice %arg7[%dma_start3A_916, %dma_start3A_918, %dma_start3A_919] : memref<2x4096x8xf32, #tpu.memory_space<vmem>> -> memref<1x4096x8xf32, #tpu.memory_space<vmem>>
    %dma_start3A_921 = tpu.memref_squeeze %dma_start3A_920 : memref<1x4096x8xf32, #tpu.memory_space<vmem>> -> memref<4096x8xf32, #tpu.memory_space<vmem>>
    %dma_start3A_922 = arith.constant 0 : i32
    %dma_start3A_923 = tpu.memref_slice %arg6[%dma_start3A_917, %dma_start3A_922] : memref<2x4096xi32, #tpu.memory_space<vmem>> -> memref<1x4096xi32, #tpu.memory_space<vmem>>
    %dma_start3A_924 = tpu.memref_squeeze %dma_start3A_923 : memref<1x4096xi32, #tpu.memory_space<vmem>> -> memref<4096xi32, #tpu.memory_space<vmem>>
    %dma_start3A_925 = arith.constant 0 : i32
    %dma_start3A_926 = arith.constant 0 : i32
    %dma_start3A_927 = tpu.memref_slice %arg14[%dma_start3A_925, %dma_start3A_926] : memref<65536x8xf32, #tpu.memory_space<vmem_shared>> -> memref<65536x8xf32, #tpu.memory_space<vmem_shared>>
    tpu.enqueue_indirect_dma source(%dma_start3A_921 : memref<4096x8xf32, #tpu.memory_space<vmem>>) target(%dma_start3A_927 : memref<65536x8xf32, #tpu.memory_space<vmem_shared>>) offsets(%dma_start3A_924 : memref<4096xi32, #tpu.memory_space<vmem>>) semaphore(%arg13 : memref<!tpu.dma_semaphore, #tpu.memory_space<semaphore_mem>>) {add = true}
    %dma_wait3A_928 = arith.constant 0 : i32
    %dma_wait3A_929 = arith.constant 0 : i32
    %dma_wait3A_930 = arith.constant 0 : i32
    %dma_wait3A_931 = arith.constant 0 : i32
    %dma_wait3A_932 = tpu.memref_slice %arg7[%dma_wait3A_928, %dma_wait3A_930, %dma_wait3A_931] : memref<2x4096x8xf32, #tpu.memory_space<vmem>> -> memref<1x4096x8xf32, #tpu.memory_space<vmem>>
    %dma_wait3A_933 = tpu.memref_squeeze %dma_wait3A_932 : memref<1x4096x8xf32, #tpu.memory_space<vmem>> -> memref<4096x8xf32, #tpu.memory_space<vmem>>
    %dma_wait3A_934 = arith.constant 0 : i32
    %dma_wait3A_935 = tpu.memref_slice %arg6[%dma_wait3A_929, %dma_wait3A_934] : memref<2x4096xi32, #tpu.memory_space<vmem>> -> memref<1x4096xi32, #tpu.memory_space<vmem>>
    %dma_wait3A_936 = tpu.memref_squeeze %dma_wait3A_935 : memref<1x4096xi32, #tpu.memory_space<vmem>> -> memref<4096xi32, #tpu.memory_space<vmem>>
    %dma_wait3A_937 = arith.constant 0 : i32
    %dma_wait3A_938 = arith.constant 0 : i32
    %dma_wait3A_939 = tpu.memref_slice %arg14[%dma_wait3A_937, %dma_wait3A_938] : memref<65536x8xf32, #tpu.memory_space<vmem_shared>> -> memref<65536x8xf32, #tpu.memory_space<vmem_shared>>
    tpu.wait_indirect_dma semaphore(%arg12 : memref<!tpu.dma_semaphore, #tpu.memory_space<semaphore_mem>>) src(%dma_wait3A_933 : memref<4096x8xf32, #tpu.memory_space<vmem>>) dst(%dma_wait3A_939 : memref<65536x8xf32, #tpu.memory_space<vmem_shared>>)
    %add3A_940 = arith.constant 57344 : i32
    %add3A_941 = arith.addi %mul3A_2, %add3A_940 : i32
    %dma_start3A_942 = arith.constant 0 : i32
    %dma_start3A_943 = arith.constant 0 : i32
    %dma_start3A_944 = tpu.memref_slice %arg6[%dma_start3A_942, %dma_start3A_943] : memref<2x4096xi32, #tpu.memory_space<vmem>> -> memref<1x4096xi32, #tpu.memory_space<vmem>>
    %dma_start3A_945 = tpu.memref_squeeze %dma_start3A_944 : memref<1x4096xi32, #tpu.memory_space<vmem>> -> memref<4096xi32, #tpu.memory_space<vmem>>
    %dma_start3A_946 = tpu.memref_slice %arg3[%add3A_941] : memref<1769472xi32, #tpu.memory_space<hbm>> -> memref<4096xi32, #tpu.memory_space<hbm>>
    %dma_start3A_947 = arith.constant 0 : i32
    %dma_start3A_948 = tpu.memref_slice %arg6[%dma_start3A_942, %dma_start3A_947] : memref<2x4096xi32, #tpu.memory_space<vmem>> -> memref<1x4096xi32, #tpu.memory_space<vmem>>
    %dma_start3A_949 = tpu.memref_squeeze %dma_start3A_948 : memref<1x4096xi32, #tpu.memory_space<vmem>> -> memref<4096xi32, #tpu.memory_space<vmem>>
    %dma_start3A_950 = tpu.memref_slice %arg3[%add3A_941] : memref<1769472xi32, #tpu.memory_space<hbm>> -> memref<4096xi32, #tpu.memory_space<hbm>>
    tpu.enqueue_dma source(%dma_start3A_950 : memref<4096xi32, #tpu.memory_space<hbm>>) target(%dma_start3A_949 : memref<4096xi32, #tpu.memory_space<vmem>>) target_semaphore(%arg8 : memref<!tpu.dma_semaphore, #tpu.memory_space<semaphore_mem>>)
    %mul3A_951 = arith.constant 8 : i32
    %mul3A_952 = arith.muli %arg0, %mul3A_951 : i32
    %dma_start3A_953 = arith.constant 0 : i32
    %dma_start3A_954 = arith.constant 0 : i32
    %dma_start3A_955 = arith.constant 0 : i32
    %dma_start3A_956 = tpu.memref_slice %arg7[%dma_start3A_953, %dma_start3A_954, %dma_start3A_955] : memref<2x4096x8xf32, #tpu.memory_space<vmem>> -> memref<1x4096x8xf32, #tpu.memory_space<vmem>>
    %dma_start3A_957 = tpu.memref_squeeze %dma_start3A_956 : memref<1x4096x8xf32, #tpu.memory_space<vmem>> -> memref<4096x8xf32, #tpu.memory_space<vmem>>
    %dma_start3A_958 = tpu.memref_slice %arg2[%add3A_941, %mul3A_952] : memref<1769472x16xf32, #tpu.memory_space<hbm>> -> memref<4096x8xf32, #tpu.memory_space<hbm>>
    %dma_start3A_959 = arith.constant 0 : i32
    %dma_start3A_960 = arith.constant 0 : i32
    %dma_start3A_961 = tpu.memref_slice %arg7[%dma_start3A_953, %dma_start3A_959, %dma_start3A_960] : memref<2x4096x8xf32, #tpu.memory_space<vmem>> -> memref<1x4096x8xf32, #tpu.memory_space<vmem>>
    %dma_start3A_962 = tpu.memref_squeeze %dma_start3A_961 : memref<1x4096x8xf32, #tpu.memory_space<vmem>> -> memref<4096x8xf32, #tpu.memory_space<vmem>>
    %dma_start3A_963 = tpu.memref_slice %arg2[%add3A_941, %mul3A_952] : memref<1769472x16xf32, #tpu.memory_space<hbm>> -> memref<4096x8xf32, #tpu.memory_space<hbm>>
    tpu.enqueue_dma source(%dma_start3A_963 : memref<4096x8xf32, #tpu.memory_space<hbm>>) target(%dma_start3A_962 : memref<4096x8xf32, #tpu.memory_space<vmem>>) target_semaphore(%arg10 : memref<!tpu.dma_semaphore, #tpu.memory_space<semaphore_mem>>)
    %dma_wait3A_964 = arith.constant 0 : i32
    %dma_wait3A_965 = arith.constant 0 : i32
    %dma_wait3A_966 = tpu.memref_slice %arg6[%dma_wait3A_964, %dma_wait3A_965] : memref<2x4096xi32, #tpu.memory_space<vmem>> -> memref<1x4096xi32, #tpu.memory_space<vmem>>
    %dma_wait3A_967 = tpu.memref_squeeze %dma_wait3A_966 : memref<1x4096xi32, #tpu.memory_space<vmem>> -> memref<4096xi32, #tpu.memory_space<vmem>>
    %dma_wait3A_968 = tpu.memref_slice %arg3[%add3A_941] : memref<1769472xi32, #tpu.memory_space<hbm>> -> memref<4096xi32, #tpu.memory_space<hbm>>
    %dma_wait3A_969 = arith.constant 0 : i32
    %dma_wait3A_970 = tpu.memref_slice %arg6[%dma_wait3A_964, %dma_wait3A_969] : memref<2x4096xi32, #tpu.memory_space<vmem>> -> memref<1x4096xi32, #tpu.memory_space<vmem>>
    %dma_wait3A_971 = tpu.memref_squeeze %dma_wait3A_970 : memref<1x4096xi32, #tpu.memory_space<vmem>> -> memref<4096xi32, #tpu.memory_space<vmem>>
    %dma_wait3A_972 = tpu.memref_slice %arg3[%add3A_941] : memref<1769472xi32, #tpu.memory_space<hbm>> -> memref<4096xi32, #tpu.memory_space<hbm>>
    tpu.wait_dma2 semaphore(%arg8 : memref<!tpu.dma_semaphore, #tpu.memory_space<semaphore_mem>>) src(%dma_wait3A_972 : memref<4096xi32, #tpu.memory_space<hbm>>) dst(%dma_wait3A_971 : memref<4096xi32, #tpu.memory_space<vmem>>)
    %dma_wait3A_973 = arith.constant 0 : i32
    %dma_wait3A_974 = arith.constant 0 : i32
    %dma_wait3A_975 = arith.constant 0 : i32
    %dma_wait3A_976 = tpu.memref_slice %arg7[%dma_wait3A_973, %dma_wait3A_974, %dma_wait3A_975] : memref<2x4096x8xf32, #tpu.memory_space<vmem>> -> memref<1x4096x8xf32, #tpu.memory_space<vmem>>
    %dma_wait3A_977 = tpu.memref_squeeze %dma_wait3A_976 : memref<1x4096x8xf32, #tpu.memory_space<vmem>> -> memref<4096x8xf32, #tpu.memory_space<vmem>>
    %dma_wait3A_978 = tpu.memref_slice %arg2[%add3A_941, %mul3A_952] : memref<1769472x16xf32, #tpu.memory_space<hbm>> -> memref<4096x8xf32, #tpu.memory_space<hbm>>
    %dma_wait3A_979 = arith.constant 0 : i32
    %dma_wait3A_980 = arith.constant 0 : i32
    %dma_wait3A_981 = tpu.memref_slice %arg7[%dma_wait3A_973, %dma_wait3A_979, %dma_wait3A_980] : memref<2x4096x8xf32, #tpu.memory_space<vmem>> -> memref<1x4096x8xf32, #tpu.memory_space<vmem>>
    %dma_wait3A_982 = tpu.memref_squeeze %dma_wait3A_981 : memref<1x4096x8xf32, #tpu.memory_space<vmem>> -> memref<4096x8xf32, #tpu.memory_space<vmem>>
    %dma_wait3A_983 = tpu.memref_slice %arg2[%add3A_941, %mul3A_952] : memref<1769472x16xf32, #tpu.memory_space<hbm>> -> memref<4096x8xf32, #tpu.memory_space<hbm>>
    tpu.wait_dma2 semaphore(%arg10 : memref<!tpu.dma_semaphore, #tpu.memory_space<semaphore_mem>>) src(%dma_wait3A_983 : memref<4096x8xf32, #tpu.memory_space<hbm>>) dst(%dma_wait3A_982 : memref<4096x8xf32, #tpu.memory_space<vmem>>)
    %dma_start3A_984 = arith.constant 0 : i32
    %dma_start3A_985 = arith.constant 0 : i32
    %dma_start3A_986 = arith.constant 0 : i32
    %dma_start3A_987 = arith.constant 0 : i32
    %dma_start3A_988 = tpu.memref_slice %arg7[%dma_start3A_984, %dma_start3A_986, %dma_start3A_987] : memref<2x4096x8xf32, #tpu.memory_space<vmem>> -> memref<1x4096x8xf32, #tpu.memory_space<vmem>>
    %dma_start3A_989 = tpu.memref_squeeze %dma_start3A_988 : memref<1x4096x8xf32, #tpu.memory_space<vmem>> -> memref<4096x8xf32, #tpu.memory_space<vmem>>
    %dma_start3A_990 = arith.constant 0 : i32
    %dma_start3A_991 = tpu.memref_slice %arg6[%dma_start3A_985, %dma_start3A_990] : memref<2x4096xi32, #tpu.memory_space<vmem>> -> memref<1x4096xi32, #tpu.memory_space<vmem>>
    %dma_start3A_992 = tpu.memref_squeeze %dma_start3A_991 : memref<1x4096xi32, #tpu.memory_space<vmem>> -> memref<4096xi32, #tpu.memory_space<vmem>>
    %dma_start3A_993 = arith.constant 0 : i32
    %dma_start3A_994 = arith.constant 0 : i32
    %dma_start3A_995 = tpu.memref_slice %arg14[%dma_start3A_993, %dma_start3A_994] : memref<65536x8xf32, #tpu.memory_space<vmem_shared>> -> memref<65536x8xf32, #tpu.memory_space<vmem_shared>>
    tpu.enqueue_indirect_dma source(%dma_start3A_989 : memref<4096x8xf32, #tpu.memory_space<vmem>>) target(%dma_start3A_995 : memref<65536x8xf32, #tpu.memory_space<vmem_shared>>) offsets(%dma_start3A_992 : memref<4096xi32, #tpu.memory_space<vmem>>) semaphore(%arg12 : memref<!tpu.dma_semaphore, #tpu.memory_space<semaphore_mem>>) {add = true}
    %dma_wait3A_996 = arith.constant 1 : i32
    %dma_wait3A_997 = arith.constant 1 : i32
    %dma_wait3A_998 = arith.constant 0 : i32
    %dma_wait3A_999 = arith.constant 0 : i32
    %dma_wait3A_1000 = tpu.memref_slice %arg7[%dma_wait3A_996, %dma_wait3A_998, %dma_wait3A_999] : memref<2x4096x8xf32, #tpu.memory_space<vmem>> -> memref<1x4096x8xf32, #tpu.memory_space<vmem>>
    %dma_wait3A_1001 = tpu.memref_squeeze %dma_wait3A_1000 : memref<1x4096x8xf32, #tpu.memory_space<vmem>> -> memref<4096x8xf32, #tpu.memory_space<vmem>>
    %dma_wait3A_1002 = arith.constant 0 : i32
    %dma_wait3A_1003 = tpu.memref_slice %arg6[%dma_wait3A_997, %dma_wait3A_1002] : memref<2x4096xi32, #tpu.memory_space<vmem>> -> memref<1x4096xi32, #tpu.memory_space<vmem>>
    %dma_wait3A_1004 = tpu.memref_squeeze %dma_wait3A_1003 : memref<1x4096xi32, #tpu.memory_space<vmem>> -> memref<4096xi32, #tpu.memory_space<vmem>>
    %dma_wait3A_1005 = arith.constant 0 : i32
    %dma_wait3A_1006 = arith.constant 0 : i32
    %dma_wait3A_1007 = tpu.memref_slice %arg14[%dma_wait3A_1005, %dma_wait3A_1006] : memref<65536x8xf32, #tpu.memory_space<vmem_shared>> -> memref<65536x8xf32, #tpu.memory_space<vmem_shared>>
    tpu.wait_indirect_dma semaphore(%arg13 : memref<!tpu.dma_semaphore, #tpu.memory_space<semaphore_mem>>) src(%dma_wait3A_1001 : memref<4096x8xf32, #tpu.memory_space<vmem>>) dst(%dma_wait3A_1007 : memref<65536x8xf32, #tpu.memory_space<vmem_shared>>)
    %add3A_1008 = arith.constant 61440 : i32
    %add3A_1009 = arith.addi %mul3A_2, %add3A_1008 : i32
    %dma_start3A_1010 = arith.constant 1 : i32
    %dma_start3A_1011 = arith.constant 0 : i32
    %dma_start3A_1012 = tpu.memref_slice %arg6[%dma_start3A_1010, %dma_start3A_1011] : memref<2x4096xi32, #tpu.memory_space<vmem>> -> memref<1x4096xi32, #tpu.memory_space<vmem>>
    %dma_start3A_1013 = tpu.memref_squeeze %dma_start3A_1012 : memref<1x4096xi32, #tpu.memory_space<vmem>> -> memref<4096xi32, #tpu.memory_space<vmem>>
    %dma_start3A_1014 = tpu.memref_slice %arg3[%add3A_1009] : memref<1769472xi32, #tpu.memory_space<hbm>> -> memref<4096xi32, #tpu.memory_space<hbm>>
    %dma_start3A_1015 = arith.constant 0 : i32
    %dma_start3A_1016 = tpu.memref_slice %arg6[%dma_start3A_1010, %dma_start3A_1015] : memref<2x4096xi32, #tpu.memory_space<vmem>> -> memref<1x4096xi32, #tpu.memory_space<vmem>>
    %dma_start3A_1017 = tpu.memref_squeeze %dma_start3A_1016 : memref<1x4096xi32, #tpu.memory_space<vmem>> -> memref<4096xi32, #tpu.memory_space<vmem>>
    %dma_start3A_1018 = tpu.memref_slice %arg3[%add3A_1009] : memref<1769472xi32, #tpu.memory_space<hbm>> -> memref<4096xi32, #tpu.memory_space<hbm>>
    tpu.enqueue_dma source(%dma_start3A_1018 : memref<4096xi32, #tpu.memory_space<hbm>>) target(%dma_start3A_1017 : memref<4096xi32, #tpu.memory_space<vmem>>) target_semaphore(%arg9 : memref<!tpu.dma_semaphore, #tpu.memory_space<semaphore_mem>>)
    %mul3A_1019 = arith.constant 8 : i32
    %mul3A_1020 = arith.muli %arg0, %mul3A_1019 : i32
    %dma_start3A_1021 = arith.constant 1 : i32
    %dma_start3A_1022 = arith.constant 0 : i32
    %dma_start3A_1023 = arith.constant 0 : i32
    %dma_start3A_1024 = tpu.memref_slice %arg7[%dma_start3A_1021, %dma_start3A_1022, %dma_start3A_1023] : memref<2x4096x8xf32, #tpu.memory_space<vmem>> -> memref<1x4096x8xf32, #tpu.memory_space<vmem>>
    %dma_start3A_1025 = tpu.memref_squeeze %dma_start3A_1024 : memref<1x4096x8xf32, #tpu.memory_space<vmem>> -> memref<4096x8xf32, #tpu.memory_space<vmem>>
    %dma_start3A_1026 = tpu.memref_slice %arg2[%add3A_1009, %mul3A_1020] : memref<1769472x16xf32, #tpu.memory_space<hbm>> -> memref<4096x8xf32, #tpu.memory_space<hbm>>
    %dma_start3A_1027 = arith.constant 0 : i32
    %dma_start3A_1028 = arith.constant 0 : i32
    %dma_start3A_1029 = tpu.memref_slice %arg7[%dma_start3A_1021, %dma_start3A_1027, %dma_start3A_1028] : memref<2x4096x8xf32, #tpu.memory_space<vmem>> -> memref<1x4096x8xf32, #tpu.memory_space<vmem>>
    %dma_start3A_1030 = tpu.memref_squeeze %dma_start3A_1029 : memref<1x4096x8xf32, #tpu.memory_space<vmem>> -> memref<4096x8xf32, #tpu.memory_space<vmem>>
    %dma_start3A_1031 = tpu.memref_slice %arg2[%add3A_1009, %mul3A_1020] : memref<1769472x16xf32, #tpu.memory_space<hbm>> -> memref<4096x8xf32, #tpu.memory_space<hbm>>
    tpu.enqueue_dma source(%dma_start3A_1031 : memref<4096x8xf32, #tpu.memory_space<hbm>>) target(%dma_start3A_1030 : memref<4096x8xf32, #tpu.memory_space<vmem>>) target_semaphore(%arg11 : memref<!tpu.dma_semaphore, #tpu.memory_space<semaphore_mem>>)
    %dma_wait3A_1032 = arith.constant 1 : i32
    %dma_wait3A_1033 = arith.constant 0 : i32
    %dma_wait3A_1034 = tpu.memref_slice %arg6[%dma_wait3A_1032, %dma_wait3A_1033] : memref<2x4096xi32, #tpu.memory_space<vmem>> -> memref<1x4096xi32, #tpu.memory_space<vmem>>
    %dma_wait3A_1035 = tpu.memref_squeeze %dma_wait3A_1034 : memref<1x4096xi32, #tpu.memory_space<vmem>> -> memref<4096xi32, #tpu.memory_space<vmem>>
    %dma_wait3A_1036 = tpu.memref_slice %arg3[%add3A_1009] : memref<1769472xi32, #tpu.memory_space<hbm>> -> memref<4096xi32, #tpu.memory_space<hbm>>
    %dma_wait3A_1037 = arith.constant 0 : i32
    %dma_wait3A_1038 = tpu.memref_slice %arg6[%dma_wait3A_1032, %dma_wait3A_1037] : memref<2x4096xi32, #tpu.memory_space<vmem>> -> memref<1x4096xi32, #tpu.memory_space<vmem>>
    %dma_wait3A_1039 = tpu.memref_squeeze %dma_wait3A_1038 : memref<1x4096xi32, #tpu.memory_space<vmem>> -> memref<4096xi32, #tpu.memory_space<vmem>>
    %dma_wait3A_1040 = tpu.memref_slice %arg3[%add3A_1009] : memref<1769472xi32, #tpu.memory_space<hbm>> -> memref<4096xi32, #tpu.memory_space<hbm>>
    tpu.wait_dma2 semaphore(%arg9 : memref<!tpu.dma_semaphore, #tpu.memory_space<semaphore_mem>>) src(%dma_wait3A_1040 : memref<4096xi32, #tpu.memory_space<hbm>>) dst(%dma_wait3A_1039 : memref<4096xi32, #tpu.memory_space<vmem>>)
    %dma_wait3A_1041 = arith.constant 1 : i32
    %dma_wait3A_1042 = arith.constant 0 : i32
    %dma_wait3A_1043 = arith.constant 0 : i32
    %dma_wait3A_1044 = tpu.memref_slice %arg7[%dma_wait3A_1041, %dma_wait3A_1042, %dma_wait3A_1043] : memref<2x4096x8xf32, #tpu.memory_space<vmem>> -> memref<1x4096x8xf32, #tpu.memory_space<vmem>>
    %dma_wait3A_1045 = tpu.memref_squeeze %dma_wait3A_1044 : memref<1x4096x8xf32, #tpu.memory_space<vmem>> -> memref<4096x8xf32, #tpu.memory_space<vmem>>
    %dma_wait3A_1046 = tpu.memref_slice %arg2[%add3A_1009, %mul3A_1020] : memref<1769472x16xf32, #tpu.memory_space<hbm>> -> memref<4096x8xf32, #tpu.memory_space<hbm>>
    %dma_wait3A_1047 = arith.constant 0 : i32
    %dma_wait3A_1048 = arith.constant 0 : i32
    %dma_wait3A_1049 = tpu.memref_slice %arg7[%dma_wait3A_1041, %dma_wait3A_1047, %dma_wait3A_1048] : memref<2x4096x8xf32, #tpu.memory_space<vmem>> -> memref<1x4096x8xf32, #tpu.memory_space<vmem>>
    %dma_wait3A_1050 = tpu.memref_squeeze %dma_wait3A_1049 : memref<1x4096x8xf32, #tpu.memory_space<vmem>> -> memref<4096x8xf32, #tpu.memory_space<vmem>>
    %dma_wait3A_1051 = tpu.memref_slice %arg2[%add3A_1009, %mul3A_1020] : memref<1769472x16xf32, #tpu.memory_space<hbm>> -> memref<4096x8xf32, #tpu.memory_space<hbm>>
    tpu.wait_dma2 semaphore(%arg11 : memref<!tpu.dma_semaphore, #tpu.memory_space<semaphore_mem>>) src(%dma_wait3A_1051 : memref<4096x8xf32, #tpu.memory_space<hbm>>) dst(%dma_wait3A_1050 : memref<4096x8xf32, #tpu.memory_space<vmem>>)
    %dma_start3A_1052 = arith.constant 1 : i32
    %dma_start3A_1053 = arith.constant 1 : i32
    %dma_start3A_1054 = arith.constant 0 : i32
    %dma_start3A_1055 = arith.constant 0 : i32
    %dma_start3A_1056 = tpu.memref_slice %arg7[%dma_start3A_1052, %dma_start3A_1054, %dma_start3A_1055] : memref<2x4096x8xf32, #tpu.memory_space<vmem>> -> memref<1x4096x8xf32, #tpu.memory_space<vmem>>
    %dma_start3A_1057 = tpu.memref_squeeze %dma_start3A_1056 : memref<1x4096x8xf32, #tpu.memory_space<vmem>> -> memref<4096x8xf32, #tpu.memory_space<vmem>>
    %dma_start3A_1058 = arith.constant 0 : i32
    %dma_start3A_1059 = tpu.memref_slice %arg6[%dma_start3A_1053, %dma_start3A_1058] : memref<2x4096xi32, #tpu.memory_space<vmem>> -> memref<1x4096xi32, #tpu.memory_space<vmem>>
    %dma_start3A_1060 = tpu.memref_squeeze %dma_start3A_1059 : memref<1x4096xi32, #tpu.memory_space<vmem>> -> memref<4096xi32, #tpu.memory_space<vmem>>
    %dma_start3A_1061 = arith.constant 0 : i32
    %dma_start3A_1062 = arith.constant 0 : i32
    %dma_start3A_1063 = tpu.memref_slice %arg14[%dma_start3A_1061, %dma_start3A_1062] : memref<65536x8xf32, #tpu.memory_space<vmem_shared>> -> memref<65536x8xf32, #tpu.memory_space<vmem_shared>>
    tpu.enqueue_indirect_dma source(%dma_start3A_1057 : memref<4096x8xf32, #tpu.memory_space<vmem>>) target(%dma_start3A_1063 : memref<65536x8xf32, #tpu.memory_space<vmem_shared>>) offsets(%dma_start3A_1060 : memref<4096xi32, #tpu.memory_space<vmem>>) semaphore(%arg13 : memref<!tpu.dma_semaphore, #tpu.memory_space<semaphore_mem>>) {add = true}
    %dma_wait3A_1064 = arith.constant 0 : i32
    %dma_wait3A_1065 = arith.constant 0 : i32
    %dma_wait3A_1066 = arith.constant 0 : i32
    %dma_wait3A_1067 = arith.constant 0 : i32
    %dma_wait3A_1068 = tpu.memref_slice %arg7[%dma_wait3A_1064, %dma_wait3A_1066, %dma_wait3A_1067] : memref<2x4096x8xf32, #tpu.memory_space<vmem>> -> memref<1x4096x8xf32, #tpu.memory_space<vmem>>
    %dma_wait3A_1069 = tpu.memref_squeeze %dma_wait3A_1068 : memref<1x4096x8xf32, #tpu.memory_space<vmem>> -> memref<4096x8xf32, #tpu.memory_space<vmem>>
    %dma_wait3A_1070 = arith.constant 0 : i32
    %dma_wait3A_1071 = tpu.memref_slice %arg6[%dma_wait3A_1065, %dma_wait3A_1070] : memref<2x4096xi32, #tpu.memory_space<vmem>> -> memref<1x4096xi32, #tpu.memory_space<vmem>>
    %dma_wait3A_1072 = tpu.memref_squeeze %dma_wait3A_1071 : memref<1x4096xi32, #tpu.memory_space<vmem>> -> memref<4096xi32, #tpu.memory_space<vmem>>
    %dma_wait3A_1073 = arith.constant 0 : i32
    %dma_wait3A_1074 = arith.constant 0 : i32
    %dma_wait3A_1075 = tpu.memref_slice %arg14[%dma_wait3A_1073, %dma_wait3A_1074] : memref<65536x8xf32, #tpu.memory_space<vmem_shared>> -> memref<65536x8xf32, #tpu.memory_space<vmem_shared>>
    tpu.wait_indirect_dma semaphore(%arg12 : memref<!tpu.dma_semaphore, #tpu.memory_space<semaphore_mem>>) src(%dma_wait3A_1069 : memref<4096x8xf32, #tpu.memory_space<vmem>>) dst(%dma_wait3A_1075 : memref<65536x8xf32, #tpu.memory_space<vmem_shared>>)
    %add3A_1076 = arith.constant 65536 : i32
    %add3A_1077 = arith.addi %mul3A_2, %add3A_1076 : i32
    %dma_start3A_1078 = arith.constant 0 : i32
    %dma_start3A_1079 = arith.constant 0 : i32
    %dma_start3A_1080 = tpu.memref_slice %arg6[%dma_start3A_1078, %dma_start3A_1079] : memref<2x4096xi32, #tpu.memory_space<vmem>> -> memref<1x4096xi32, #tpu.memory_space<vmem>>
    %dma_start3A_1081 = tpu.memref_squeeze %dma_start3A_1080 : memref<1x4096xi32, #tpu.memory_space<vmem>> -> memref<4096xi32, #tpu.memory_space<vmem>>
    %dma_start3A_1082 = tpu.memref_slice %arg3[%add3A_1077] : memref<1769472xi32, #tpu.memory_space<hbm>> -> memref<4096xi32, #tpu.memory_space<hbm>>
    %dma_start3A_1083 = arith.constant 0 : i32
    %dma_start3A_1084 = tpu.memref_slice %arg6[%dma_start3A_1078, %dma_start3A_1083] : memref<2x4096xi32, #tpu.memory_space<vmem>> -> memref<1x4096xi32, #tpu.memory_space<vmem>>
    %dma_start3A_1085 = tpu.memref_squeeze %dma_start3A_1084 : memref<1x4096xi32, #tpu.memory_space<vmem>> -> memref<4096xi32, #tpu.memory_space<vmem>>
    %dma_start3A_1086 = tpu.memref_slice %arg3[%add3A_1077] : memref<1769472xi32, #tpu.memory_space<hbm>> -> memref<4096xi32, #tpu.memory_space<hbm>>
    tpu.enqueue_dma source(%dma_start3A_1086 : memref<4096xi32, #tpu.memory_space<hbm>>) target(%dma_start3A_1085 : memref<4096xi32, #tpu.memory_space<vmem>>) target_semaphore(%arg8 : memref<!tpu.dma_semaphore, #tpu.memory_space<semaphore_mem>>)
    %mul3A_1087 = arith.constant 8 : i32
    %mul3A_1088 = arith.muli %arg0, %mul3A_1087 : i32
    %dma_start3A_1089 = arith.constant 0 : i32
    %dma_start3A_1090 = arith.constant 0 : i32
    %dma_start3A_1091 = arith.constant 0 : i32
    %dma_start3A_1092 = tpu.memref_slice %arg7[%dma_start3A_1089, %dma_start3A_1090, %dma_start3A_1091] : memref<2x4096x8xf32, #tpu.memory_space<vmem>> -> memref<1x4096x8xf32, #tpu.memory_space<vmem>>
    %dma_start3A_1093 = tpu.memref_squeeze %dma_start3A_1092 : memref<1x4096x8xf32, #tpu.memory_space<vmem>> -> memref<4096x8xf32, #tpu.memory_space<vmem>>
    %dma_start3A_1094 = tpu.memref_slice %arg2[%add3A_1077, %mul3A_1088] : memref<1769472x16xf32, #tpu.memory_space<hbm>> -> memref<4096x8xf32, #tpu.memory_space<hbm>>
    %dma_start3A_1095 = arith.constant 0 : i32
    %dma_start3A_1096 = arith.constant 0 : i32
    %dma_start3A_1097 = tpu.memref_slice %arg7[%dma_start3A_1089, %dma_start3A_1095, %dma_start3A_1096] : memref<2x4096x8xf32, #tpu.memory_space<vmem>> -> memref<1x4096x8xf32, #tpu.memory_space<vmem>>
    %dma_start3A_1098 = tpu.memref_squeeze %dma_start3A_1097 : memref<1x4096x8xf32, #tpu.memory_space<vmem>> -> memref<4096x8xf32, #tpu.memory_space<vmem>>
    %dma_start3A_1099 = tpu.memref_slice %arg2[%add3A_1077, %mul3A_1088] : memref<1769472x16xf32, #tpu.memory_space<hbm>> -> memref<4096x8xf32, #tpu.memory_space<hbm>>
    tpu.enqueue_dma source(%dma_start3A_1099 : memref<4096x8xf32, #tpu.memory_space<hbm>>) target(%dma_start3A_1098 : memref<4096x8xf32, #tpu.memory_space<vmem>>) target_semaphore(%arg10 : memref<!tpu.dma_semaphore, #tpu.memory_space<semaphore_mem>>)
    %dma_wait3A_1100 = arith.constant 0 : i32
    %dma_wait3A_1101 = arith.constant 0 : i32
    %dma_wait3A_1102 = tpu.memref_slice %arg6[%dma_wait3A_1100, %dma_wait3A_1101] : memref<2x4096xi32, #tpu.memory_space<vmem>> -> memref<1x4096xi32, #tpu.memory_space<vmem>>
    %dma_wait3A_1103 = tpu.memref_squeeze %dma_wait3A_1102 : memref<1x4096xi32, #tpu.memory_space<vmem>> -> memref<4096xi32, #tpu.memory_space<vmem>>
    %dma_wait3A_1104 = tpu.memref_slice %arg3[%add3A_1077] : memref<1769472xi32, #tpu.memory_space<hbm>> -> memref<4096xi32, #tpu.memory_space<hbm>>
    %dma_wait3A_1105 = arith.constant 0 : i32
    %dma_wait3A_1106 = tpu.memref_slice %arg6[%dma_wait3A_1100, %dma_wait3A_1105] : memref<2x4096xi32, #tpu.memory_space<vmem>> -> memref<1x4096xi32, #tpu.memory_space<vmem>>
    %dma_wait3A_1107 = tpu.memref_squeeze %dma_wait3A_1106 : memref<1x4096xi32, #tpu.memory_space<vmem>> -> memref<4096xi32, #tpu.memory_space<vmem>>
    %dma_wait3A_1108 = tpu.memref_slice %arg3[%add3A_1077] : memref<1769472xi32, #tpu.memory_space<hbm>> -> memref<4096xi32, #tpu.memory_space<hbm>>
    tpu.wait_dma2 semaphore(%arg8 : memref<!tpu.dma_semaphore, #tpu.memory_space<semaphore_mem>>) src(%dma_wait3A_1108 : memref<4096xi32, #tpu.memory_space<hbm>>) dst(%dma_wait3A_1107 : memref<4096xi32, #tpu.memory_space<vmem>>)
    %dma_wait3A_1109 = arith.constant 0 : i32
    %dma_wait3A_1110 = arith.constant 0 : i32
    %dma_wait3A_1111 = arith.constant 0 : i32
    %dma_wait3A_1112 = tpu.memref_slice %arg7[%dma_wait3A_1109, %dma_wait3A_1110, %dma_wait3A_1111] : memref<2x4096x8xf32, #tpu.memory_space<vmem>> -> memref<1x4096x8xf32, #tpu.memory_space<vmem>>
    %dma_wait3A_1113 = tpu.memref_squeeze %dma_wait3A_1112 : memref<1x4096x8xf32, #tpu.memory_space<vmem>> -> memref<4096x8xf32, #tpu.memory_space<vmem>>
    %dma_wait3A_1114 = tpu.memref_slice %arg2[%add3A_1077, %mul3A_1088] : memref<1769472x16xf32, #tpu.memory_space<hbm>> -> memref<4096x8xf32, #tpu.memory_space<hbm>>
    %dma_wait3A_1115 = arith.constant 0 : i32
    %dma_wait3A_1116 = arith.constant 0 : i32
    %dma_wait3A_1117 = tpu.memref_slice %arg7[%dma_wait3A_1109, %dma_wait3A_1115, %dma_wait3A_1116] : memref<2x4096x8xf32, #tpu.memory_space<vmem>> -> memref<1x4096x8xf32, #tpu.memory_space<vmem>>
    %dma_wait3A_1118 = tpu.memref_squeeze %dma_wait3A_1117 : memref<1x4096x8xf32, #tpu.memory_space<vmem>> -> memref<4096x8xf32, #tpu.memory_space<vmem>>
    %dma_wait3A_1119 = tpu.memref_slice %arg2[%add3A_1077, %mul3A_1088] : memref<1769472x16xf32, #tpu.memory_space<hbm>> -> memref<4096x8xf32, #tpu.memory_space<hbm>>
    tpu.wait_dma2 semaphore(%arg10 : memref<!tpu.dma_semaphore, #tpu.memory_space<semaphore_mem>>) src(%dma_wait3A_1119 : memref<4096x8xf32, #tpu.memory_space<hbm>>) dst(%dma_wait3A_1118 : memref<4096x8xf32, #tpu.memory_space<vmem>>)
    %dma_start3A_1120 = arith.constant 0 : i32
    %dma_start3A_1121 = arith.constant 0 : i32
    %dma_start3A_1122 = arith.constant 0 : i32
    %dma_start3A_1123 = arith.constant 0 : i32
    %dma_start3A_1124 = tpu.memref_slice %arg7[%dma_start3A_1120, %dma_start3A_1122, %dma_start3A_1123] : memref<2x4096x8xf32, #tpu.memory_space<vmem>> -> memref<1x4096x8xf32, #tpu.memory_space<vmem>>
    %dma_start3A_1125 = tpu.memref_squeeze %dma_start3A_1124 : memref<1x4096x8xf32, #tpu.memory_space<vmem>> -> memref<4096x8xf32, #tpu.memory_space<vmem>>
    %dma_start3A_1126 = arith.constant 0 : i32
    %dma_start3A_1127 = tpu.memref_slice %arg6[%dma_start3A_1121, %dma_start3A_1126] : memref<2x4096xi32, #tpu.memory_space<vmem>> -> memref<1x4096xi32, #tpu.memory_space<vmem>>
    %dma_start3A_1128 = tpu.memref_squeeze %dma_start3A_1127 : memref<1x4096xi32, #tpu.memory_space<vmem>> -> memref<4096xi32, #tpu.memory_space<vmem>>
    %dma_start3A_1129 = arith.constant 0 : i32
    %dma_start3A_1130 = arith.constant 0 : i32
    %dma_start3A_1131 = tpu.memref_slice %arg14[%dma_start3A_1129, %dma_start3A_1130] : memref<65536x8xf32, #tpu.memory_space<vmem_shared>> -> memref<65536x8xf32, #tpu.memory_space<vmem_shared>>
    tpu.enqueue_indirect_dma source(%dma_start3A_1125 : memref<4096x8xf32, #tpu.memory_space<vmem>>) target(%dma_start3A_1131 : memref<65536x8xf32, #tpu.memory_space<vmem_shared>>) offsets(%dma_start3A_1128 : memref<4096xi32, #tpu.memory_space<vmem>>) semaphore(%arg12 : memref<!tpu.dma_semaphore, #tpu.memory_space<semaphore_mem>>) {add = true}
    %dma_wait3A_1132 = arith.constant 1 : i32
    %dma_wait3A_1133 = arith.constant 1 : i32
    %dma_wait3A_1134 = arith.constant 0 : i32
    %dma_wait3A_1135 = arith.constant 0 : i32
    %dma_wait3A_1136 = tpu.memref_slice %arg7[%dma_wait3A_1132, %dma_wait3A_1134, %dma_wait3A_1135] : memref<2x4096x8xf32, #tpu.memory_space<vmem>> -> memref<1x4096x8xf32, #tpu.memory_space<vmem>>
    %dma_wait3A_1137 = tpu.memref_squeeze %dma_wait3A_1136 : memref<1x4096x8xf32, #tpu.memory_space<vmem>> -> memref<4096x8xf32, #tpu.memory_space<vmem>>
    %dma_wait3A_1138 = arith.constant 0 : i32
    %dma_wait3A_1139 = tpu.memref_slice %arg6[%dma_wait3A_1133, %dma_wait3A_1138] : memref<2x4096xi32, #tpu.memory_space<vmem>> -> memref<1x4096xi32, #tpu.memory_space<vmem>>
    %dma_wait3A_1140 = tpu.memref_squeeze %dma_wait3A_1139 : memref<1x4096xi32, #tpu.memory_space<vmem>> -> memref<4096xi32, #tpu.memory_space<vmem>>
    %dma_wait3A_1141 = arith.constant 0 : i32
    %dma_wait3A_1142 = arith.constant 0 : i32
    %dma_wait3A_1143 = tpu.memref_slice %arg14[%dma_wait3A_1141, %dma_wait3A_1142] : memref<65536x8xf32, #tpu.memory_space<vmem_shared>> -> memref<65536x8xf32, #tpu.memory_space<vmem_shared>>
    tpu.wait_indirect_dma semaphore(%arg13 : memref<!tpu.dma_semaphore, #tpu.memory_space<semaphore_mem>>) src(%dma_wait3A_1137 : memref<4096x8xf32, #tpu.memory_space<vmem>>) dst(%dma_wait3A_1143 : memref<65536x8xf32, #tpu.memory_space<vmem_shared>>)
    %add3A_1144 = arith.constant 69632 : i32
    %add3A_1145 = arith.addi %mul3A_2, %add3A_1144 : i32
    %dma_start3A_1146 = arith.constant 1 : i32
    %dma_start3A_1147 = arith.constant 0 : i32
    %dma_start3A_1148 = tpu.memref_slice %arg6[%dma_start3A_1146, %dma_start3A_1147] : memref<2x4096xi32, #tpu.memory_space<vmem>> -> memref<1x4096xi32, #tpu.memory_space<vmem>>
    %dma_start3A_1149 = tpu.memref_squeeze %dma_start3A_1148 : memref<1x4096xi32, #tpu.memory_space<vmem>> -> memref<4096xi32, #tpu.memory_space<vmem>>
    %dma_start3A_1150 = tpu.memref_slice %arg3[%add3A_1145] : memref<1769472xi32, #tpu.memory_space<hbm>> -> memref<4096xi32, #tpu.memory_space<hbm>>
    %dma_start3A_1151 = arith.constant 0 : i32
    %dma_start3A_1152 = tpu.memref_slice %arg6[%dma_start3A_1146, %dma_start3A_1151] : memref<2x4096xi32, #tpu.memory_space<vmem>> -> memref<1x4096xi32, #tpu.memory_space<vmem>>
    %dma_start3A_1153 = tpu.memref_squeeze %dma_start3A_1152 : memref<1x4096xi32, #tpu.memory_space<vmem>> -> memref<4096xi32, #tpu.memory_space<vmem>>
    %dma_start3A_1154 = tpu.memref_slice %arg3[%add3A_1145] : memref<1769472xi32, #tpu.memory_space<hbm>> -> memref<4096xi32, #tpu.memory_space<hbm>>
    tpu.enqueue_dma source(%dma_start3A_1154 : memref<4096xi32, #tpu.memory_space<hbm>>) target(%dma_start3A_1153 : memref<4096xi32, #tpu.memory_space<vmem>>) target_semaphore(%arg9 : memref<!tpu.dma_semaphore, #tpu.memory_space<semaphore_mem>>)
    %mul3A_1155 = arith.constant 8 : i32
    %mul3A_1156 = arith.muli %arg0, %mul3A_1155 : i32
    %dma_start3A_1157 = arith.constant 1 : i32
    %dma_start3A_1158 = arith.constant 0 : i32
    %dma_start3A_1159 = arith.constant 0 : i32
    %dma_start3A_1160 = tpu.memref_slice %arg7[%dma_start3A_1157, %dma_start3A_1158, %dma_start3A_1159] : memref<2x4096x8xf32, #tpu.memory_space<vmem>> -> memref<1x4096x8xf32, #tpu.memory_space<vmem>>
    %dma_start3A_1161 = tpu.memref_squeeze %dma_start3A_1160 : memref<1x4096x8xf32, #tpu.memory_space<vmem>> -> memref<4096x8xf32, #tpu.memory_space<vmem>>
    %dma_start3A_1162 = tpu.memref_slice %arg2[%add3A_1145, %mul3A_1156] : memref<1769472x16xf32, #tpu.memory_space<hbm>> -> memref<4096x8xf32, #tpu.memory_space<hbm>>
    %dma_start3A_1163 = arith.constant 0 : i32
    %dma_start3A_1164 = arith.constant 0 : i32
    %dma_start3A_1165 = tpu.memref_slice %arg7[%dma_start3A_1157, %dma_start3A_1163, %dma_start3A_1164] : memref<2x4096x8xf32, #tpu.memory_space<vmem>> -> memref<1x4096x8xf32, #tpu.memory_space<vmem>>
    %dma_start3A_1166 = tpu.memref_squeeze %dma_start3A_1165 : memref<1x4096x8xf32, #tpu.memory_space<vmem>> -> memref<4096x8xf32, #tpu.memory_space<vmem>>
    %dma_start3A_1167 = tpu.memref_slice %arg2[%add3A_1145, %mul3A_1156] : memref<1769472x16xf32, #tpu.memory_space<hbm>> -> memref<4096x8xf32, #tpu.memory_space<hbm>>
    tpu.enqueue_dma source(%dma_start3A_1167 : memref<4096x8xf32, #tpu.memory_space<hbm>>) target(%dma_start3A_1166 : memref<4096x8xf32, #tpu.memory_space<vmem>>) target_semaphore(%arg11 : memref<!tpu.dma_semaphore, #tpu.memory_space<semaphore_mem>>)
    %dma_wait3A_1168 = arith.constant 1 : i32
    %dma_wait3A_1169 = arith.constant 0 : i32
    %dma_wait3A_1170 = tpu.memref_slice %arg6[%dma_wait3A_1168, %dma_wait3A_1169] : memref<2x4096xi32, #tpu.memory_space<vmem>> -> memref<1x4096xi32, #tpu.memory_space<vmem>>
    %dma_wait3A_1171 = tpu.memref_squeeze %dma_wait3A_1170 : memref<1x4096xi32, #tpu.memory_space<vmem>> -> memref<4096xi32, #tpu.memory_space<vmem>>
    %dma_wait3A_1172 = tpu.memref_slice %arg3[%add3A_1145] : memref<1769472xi32, #tpu.memory_space<hbm>> -> memref<4096xi32, #tpu.memory_space<hbm>>
    %dma_wait3A_1173 = arith.constant 0 : i32
    %dma_wait3A_1174 = tpu.memref_slice %arg6[%dma_wait3A_1168, %dma_wait3A_1173] : memref<2x4096xi32, #tpu.memory_space<vmem>> -> memref<1x4096xi32, #tpu.memory_space<vmem>>
    %dma_wait3A_1175 = tpu.memref_squeeze %dma_wait3A_1174 : memref<1x4096xi32, #tpu.memory_space<vmem>> -> memref<4096xi32, #tpu.memory_space<vmem>>
    %dma_wait3A_1176 = tpu.memref_slice %arg3[%add3A_1145] : memref<1769472xi32, #tpu.memory_space<hbm>> -> memref<4096xi32, #tpu.memory_space<hbm>>
    tpu.wait_dma2 semaphore(%arg9 : memref<!tpu.dma_semaphore, #tpu.memory_space<semaphore_mem>>) src(%dma_wait3A_1176 : memref<4096xi32, #tpu.memory_space<hbm>>) dst(%dma_wait3A_1175 : memref<4096xi32, #tpu.memory_space<vmem>>)
    %dma_wait3A_1177 = arith.constant 1 : i32
    %dma_wait3A_1178 = arith.constant 0 : i32
    %dma_wait3A_1179 = arith.constant 0 : i32
    %dma_wait3A_1180 = tpu.memref_slice %arg7[%dma_wait3A_1177, %dma_wait3A_1178, %dma_wait3A_1179] : memref<2x4096x8xf32, #tpu.memory_space<vmem>> -> memref<1x4096x8xf32, #tpu.memory_space<vmem>>
    %dma_wait3A_1181 = tpu.memref_squeeze %dma_wait3A_1180 : memref<1x4096x8xf32, #tpu.memory_space<vmem>> -> memref<4096x8xf32, #tpu.memory_space<vmem>>
    %dma_wait3A_1182 = tpu.memref_slice %arg2[%add3A_1145, %mul3A_1156] : memref<1769472x16xf32, #tpu.memory_space<hbm>> -> memref<4096x8xf32, #tpu.memory_space<hbm>>
    %dma_wait3A_1183 = arith.constant 0 : i32
    %dma_wait3A_1184 = arith.constant 0 : i32
    %dma_wait3A_1185 = tpu.memref_slice %arg7[%dma_wait3A_1177, %dma_wait3A_1183, %dma_wait3A_1184] : memref<2x4096x8xf32, #tpu.memory_space<vmem>> -> memref<1x4096x8xf32, #tpu.memory_space<vmem>>
    %dma_wait3A_1186 = tpu.memref_squeeze %dma_wait3A_1185 : memref<1x4096x8xf32, #tpu.memory_space<vmem>> -> memref<4096x8xf32, #tpu.memory_space<vmem>>
    %dma_wait3A_1187 = tpu.memref_slice %arg2[%add3A_1145, %mul3A_1156] : memref<1769472x16xf32, #tpu.memory_space<hbm>> -> memref<4096x8xf32, #tpu.memory_space<hbm>>
    tpu.wait_dma2 semaphore(%arg11 : memref<!tpu.dma_semaphore, #tpu.memory_space<semaphore_mem>>) src(%dma_wait3A_1187 : memref<4096x8xf32, #tpu.memory_space<hbm>>) dst(%dma_wait3A_1186 : memref<4096x8xf32, #tpu.memory_space<vmem>>)
    %dma_start3A_1188 = arith.constant 1 : i32
    %dma_start3A_1189 = arith.constant 1 : i32
    %dma_start3A_1190 = arith.constant 0 : i32
    %dma_start3A_1191 = arith.constant 0 : i32
    %dma_start3A_1192 = tpu.memref_slice %arg7[%dma_start3A_1188, %dma_start3A_1190, %dma_start3A_1191] : memref<2x4096x8xf32, #tpu.memory_space<vmem>> -> memref<1x4096x8xf32, #tpu.memory_space<vmem>>
    %dma_start3A_1193 = tpu.memref_squeeze %dma_start3A_1192 : memref<1x4096x8xf32, #tpu.memory_space<vmem>> -> memref<4096x8xf32, #tpu.memory_space<vmem>>
    %dma_start3A_1194 = arith.constant 0 : i32
    %dma_start3A_1195 = tpu.memref_slice %arg6[%dma_start3A_1189, %dma_start3A_1194] : memref<2x4096xi32, #tpu.memory_space<vmem>> -> memref<1x4096xi32, #tpu.memory_space<vmem>>
    %dma_start3A_1196 = tpu.memref_squeeze %dma_start3A_1195 : memref<1x4096xi32, #tpu.memory_space<vmem>> -> memref<4096xi32, #tpu.memory_space<vmem>>
    %dma_start3A_1197 = arith.constant 0 : i32
    %dma_start3A_1198 = arith.constant 0 : i32
    %dma_start3A_1199 = tpu.memref_slice %arg14[%dma_start3A_1197, %dma_start3A_1198] : memref<65536x8xf32, #tpu.memory_space<vmem_shared>> -> memref<65536x8xf32, #tpu.memory_space<vmem_shared>>
    tpu.enqueue_indirect_dma source(%dma_start3A_1193 : memref<4096x8xf32, #tpu.memory_space<vmem>>) target(%dma_start3A_1199 : memref<65536x8xf32, #tpu.memory_space<vmem_shared>>) offsets(%dma_start3A_1196 : memref<4096xi32, #tpu.memory_space<vmem>>) semaphore(%arg13 : memref<!tpu.dma_semaphore, #tpu.memory_space<semaphore_mem>>) {add = true}
    %dma_wait3A_1200 = arith.constant 0 : i32
    %dma_wait3A_1201 = arith.constant 0 : i32
    %dma_wait3A_1202 = arith.constant 0 : i32
    %dma_wait3A_1203 = arith.constant 0 : i32
    %dma_wait3A_1204 = tpu.memref_slice %arg7[%dma_wait3A_1200, %dma_wait3A_1202, %dma_wait3A_1203] : memref<2x4096x8xf32, #tpu.memory_space<vmem>> -> memref<1x4096x8xf32, #tpu.memory_space<vmem>>
    %dma_wait3A_1205 = tpu.memref_squeeze %dma_wait3A_1204 : memref<1x4096x8xf32, #tpu.memory_space<vmem>> -> memref<4096x8xf32, #tpu.memory_space<vmem>>
    %dma_wait3A_1206 = arith.constant 0 : i32
    %dma_wait3A_1207 = tpu.memref_slice %arg6[%dma_wait3A_1201, %dma_wait3A_1206] : memref<2x4096xi32, #tpu.memory_space<vmem>> -> memref<1x4096xi32, #tpu.memory_space<vmem>>
    %dma_wait3A_1208 = tpu.memref_squeeze %dma_wait3A_1207 : memref<1x4096xi32, #tpu.memory_space<vmem>> -> memref<4096xi32, #tpu.memory_space<vmem>>
    %dma_wait3A_1209 = arith.constant 0 : i32
    %dma_wait3A_1210 = arith.constant 0 : i32
    %dma_wait3A_1211 = tpu.memref_slice %arg14[%dma_wait3A_1209, %dma_wait3A_1210] : memref<65536x8xf32, #tpu.memory_space<vmem_shared>> -> memref<65536x8xf32, #tpu.memory_space<vmem_shared>>
    tpu.wait_indirect_dma semaphore(%arg12 : memref<!tpu.dma_semaphore, #tpu.memory_space<semaphore_mem>>) src(%dma_wait3A_1205 : memref<4096x8xf32, #tpu.memory_space<vmem>>) dst(%dma_wait3A_1211 : memref<65536x8xf32, #tpu.memory_space<vmem_shared>>)
    %add3A_1212 = arith.constant 73728 : i32
    %add3A_1213 = arith.addi %mul3A_2, %add3A_1212 : i32
    %dma_start3A_1214 = arith.constant 0 : i32
    %dma_start3A_1215 = arith.constant 0 : i32
    %dma_start3A_1216 = tpu.memref_slice %arg6[%dma_start3A_1214, %dma_start3A_1215] : memref<2x4096xi32, #tpu.memory_space<vmem>> -> memref<1x4096xi32, #tpu.memory_space<vmem>>
    %dma_start3A_1217 = tpu.memref_squeeze %dma_start3A_1216 : memref<1x4096xi32, #tpu.memory_space<vmem>> -> memref<4096xi32, #tpu.memory_space<vmem>>
    %dma_start3A_1218 = tpu.memref_slice %arg3[%add3A_1213] : memref<1769472xi32, #tpu.memory_space<hbm>> -> memref<4096xi32, #tpu.memory_space<hbm>>
    %dma_start3A_1219 = arith.constant 0 : i32
    %dma_start3A_1220 = tpu.memref_slice %arg6[%dma_start3A_1214, %dma_start3A_1219] : memref<2x4096xi32, #tpu.memory_space<vmem>> -> memref<1x4096xi32, #tpu.memory_space<vmem>>
    %dma_start3A_1221 = tpu.memref_squeeze %dma_start3A_1220 : memref<1x4096xi32, #tpu.memory_space<vmem>> -> memref<4096xi32, #tpu.memory_space<vmem>>
    %dma_start3A_1222 = tpu.memref_slice %arg3[%add3A_1213] : memref<1769472xi32, #tpu.memory_space<hbm>> -> memref<4096xi32, #tpu.memory_space<hbm>>
    tpu.enqueue_dma source(%dma_start3A_1222 : memref<4096xi32, #tpu.memory_space<hbm>>) target(%dma_start3A_1221 : memref<4096xi32, #tpu.memory_space<vmem>>) target_semaphore(%arg8 : memref<!tpu.dma_semaphore, #tpu.memory_space<semaphore_mem>>)
    %mul3A_1223 = arith.constant 8 : i32
    %mul3A_1224 = arith.muli %arg0, %mul3A_1223 : i32
    %dma_start3A_1225 = arith.constant 0 : i32
    %dma_start3A_1226 = arith.constant 0 : i32
    %dma_start3A_1227 = arith.constant 0 : i32
    %dma_start3A_1228 = tpu.memref_slice %arg7[%dma_start3A_1225, %dma_start3A_1226, %dma_start3A_1227] : memref<2x4096x8xf32, #tpu.memory_space<vmem>> -> memref<1x4096x8xf32, #tpu.memory_space<vmem>>
    %dma_start3A_1229 = tpu.memref_squeeze %dma_start3A_1228 : memref<1x4096x8xf32, #tpu.memory_space<vmem>> -> memref<4096x8xf32, #tpu.memory_space<vmem>>
    %dma_start3A_1230 = tpu.memref_slice %arg2[%add3A_1213, %mul3A_1224] : memref<1769472x16xf32, #tpu.memory_space<hbm>> -> memref<4096x8xf32, #tpu.memory_space<hbm>>
    %dma_start3A_1231 = arith.constant 0 : i32
    %dma_start3A_1232 = arith.constant 0 : i32
    %dma_start3A_1233 = tpu.memref_slice %arg7[%dma_start3A_1225, %dma_start3A_1231, %dma_start3A_1232] : memref<2x4096x8xf32, #tpu.memory_space<vmem>> -> memref<1x4096x8xf32, #tpu.memory_space<vmem>>
    %dma_start3A_1234 = tpu.memref_squeeze %dma_start3A_1233 : memref<1x4096x8xf32, #tpu.memory_space<vmem>> -> memref<4096x8xf32, #tpu.memory_space<vmem>>
    %dma_start3A_1235 = tpu.memref_slice %arg2[%add3A_1213, %mul3A_1224] : memref<1769472x16xf32, #tpu.memory_space<hbm>> -> memref<4096x8xf32, #tpu.memory_space<hbm>>
    tpu.enqueue_dma source(%dma_start3A_1235 : memref<4096x8xf32, #tpu.memory_space<hbm>>) target(%dma_start3A_1234 : memref<4096x8xf32, #tpu.memory_space<vmem>>) target_semaphore(%arg10 : memref<!tpu.dma_semaphore, #tpu.memory_space<semaphore_mem>>)
    %dma_wait3A_1236 = arith.constant 0 : i32
    %dma_wait3A_1237 = arith.constant 0 : i32
    %dma_wait3A_1238 = tpu.memref_slice %arg6[%dma_wait3A_1236, %dma_wait3A_1237] : memref<2x4096xi32, #tpu.memory_space<vmem>> -> memref<1x4096xi32, #tpu.memory_space<vmem>>
    %dma_wait3A_1239 = tpu.memref_squeeze %dma_wait3A_1238 : memref<1x4096xi32, #tpu.memory_space<vmem>> -> memref<4096xi32, #tpu.memory_space<vmem>>
    %dma_wait3A_1240 = tpu.memref_slice %arg3[%add3A_1213] : memref<1769472xi32, #tpu.memory_space<hbm>> -> memref<4096xi32, #tpu.memory_space<hbm>>
    %dma_wait3A_1241 = arith.constant 0 : i32
    %dma_wait3A_1242 = tpu.memref_slice %arg6[%dma_wait3A_1236, %dma_wait3A_1241] : memref<2x4096xi32, #tpu.memory_space<vmem>> -> memref<1x4096xi32, #tpu.memory_space<vmem>>
    %dma_wait3A_1243 = tpu.memref_squeeze %dma_wait3A_1242 : memref<1x4096xi32, #tpu.memory_space<vmem>> -> memref<4096xi32, #tpu.memory_space<vmem>>
    %dma_wait3A_1244 = tpu.memref_slice %arg3[%add3A_1213] : memref<1769472xi32, #tpu.memory_space<hbm>> -> memref<4096xi32, #tpu.memory_space<hbm>>
    tpu.wait_dma2 semaphore(%arg8 : memref<!tpu.dma_semaphore, #tpu.memory_space<semaphore_mem>>) src(%dma_wait3A_1244 : memref<4096xi32, #tpu.memory_space<hbm>>) dst(%dma_wait3A_1243 : memref<4096xi32, #tpu.memory_space<vmem>>)
    %dma_wait3A_1245 = arith.constant 0 : i32
    %dma_wait3A_1246 = arith.constant 0 : i32
    %dma_wait3A_1247 = arith.constant 0 : i32
    %dma_wait3A_1248 = tpu.memref_slice %arg7[%dma_wait3A_1245, %dma_wait3A_1246, %dma_wait3A_1247] : memref<2x4096x8xf32, #tpu.memory_space<vmem>> -> memref<1x4096x8xf32, #tpu.memory_space<vmem>>
    %dma_wait3A_1249 = tpu.memref_squeeze %dma_wait3A_1248 : memref<1x4096x8xf32, #tpu.memory_space<vmem>> -> memref<4096x8xf32, #tpu.memory_space<vmem>>
    %dma_wait3A_1250 = tpu.memref_slice %arg2[%add3A_1213, %mul3A_1224] : memref<1769472x16xf32, #tpu.memory_space<hbm>> -> memref<4096x8xf32, #tpu.memory_space<hbm>>
    %dma_wait3A_1251 = arith.constant 0 : i32
    %dma_wait3A_1252 = arith.constant 0 : i32
    %dma_wait3A_1253 = tpu.memref_slice %arg7[%dma_wait3A_1245, %dma_wait3A_1251, %dma_wait3A_1252] : memref<2x4096x8xf32, #tpu.memory_space<vmem>> -> memref<1x4096x8xf32, #tpu.memory_space<vmem>>
    %dma_wait3A_1254 = tpu.memref_squeeze %dma_wait3A_1253 : memref<1x4096x8xf32, #tpu.memory_space<vmem>> -> memref<4096x8xf32, #tpu.memory_space<vmem>>
    %dma_wait3A_1255 = tpu.memref_slice %arg2[%add3A_1213, %mul3A_1224] : memref<1769472x16xf32, #tpu.memory_space<hbm>> -> memref<4096x8xf32, #tpu.memory_space<hbm>>
    tpu.wait_dma2 semaphore(%arg10 : memref<!tpu.dma_semaphore, #tpu.memory_space<semaphore_mem>>) src(%dma_wait3A_1255 : memref<4096x8xf32, #tpu.memory_space<hbm>>) dst(%dma_wait3A_1254 : memref<4096x8xf32, #tpu.memory_space<vmem>>)
    %dma_start3A_1256 = arith.constant 0 : i32
    %dma_start3A_1257 = arith.constant 0 : i32
    %dma_start3A_1258 = arith.constant 0 : i32
    %dma_start3A_1259 = arith.constant 0 : i32
    %dma_start3A_1260 = tpu.memref_slice %arg7[%dma_start3A_1256, %dma_start3A_1258, %dma_start3A_1259] : memref<2x4096x8xf32, #tpu.memory_space<vmem>> -> memref<1x4096x8xf32, #tpu.memory_space<vmem>>
    %dma_start3A_1261 = tpu.memref_squeeze %dma_start3A_1260 : memref<1x4096x8xf32, #tpu.memory_space<vmem>> -> memref<4096x8xf32, #tpu.memory_space<vmem>>
    %dma_start3A_1262 = arith.constant 0 : i32
    %dma_start3A_1263 = tpu.memref_slice %arg6[%dma_start3A_1257, %dma_start3A_1262] : memref<2x4096xi32, #tpu.memory_space<vmem>> -> memref<1x4096xi32, #tpu.memory_space<vmem>>
    %dma_start3A_1264 = tpu.memref_squeeze %dma_start3A_1263 : memref<1x4096xi32, #tpu.memory_space<vmem>> -> memref<4096xi32, #tpu.memory_space<vmem>>
    %dma_start3A_1265 = arith.constant 0 : i32
    %dma_start3A_1266 = arith.constant 0 : i32
    %dma_start3A_1267 = tpu.memref_slice %arg14[%dma_start3A_1265, %dma_start3A_1266] : memref<65536x8xf32, #tpu.memory_space<vmem_shared>> -> memref<65536x8xf32, #tpu.memory_space<vmem_shared>>
    tpu.enqueue_indirect_dma source(%dma_start3A_1261 : memref<4096x8xf32, #tpu.memory_space<vmem>>) target(%dma_start3A_1267 : memref<65536x8xf32, #tpu.memory_space<vmem_shared>>) offsets(%dma_start3A_1264 : memref<4096xi32, #tpu.memory_space<vmem>>) semaphore(%arg12 : memref<!tpu.dma_semaphore, #tpu.memory_space<semaphore_mem>>) {add = true}
    %dma_wait3A_1268 = arith.constant 1 : i32
    %dma_wait3A_1269 = arith.constant 1 : i32
    %dma_wait3A_1270 = arith.constant 0 : i32
    %dma_wait3A_1271 = arith.constant 0 : i32
    %dma_wait3A_1272 = tpu.memref_slice %arg7[%dma_wait3A_1268, %dma_wait3A_1270, %dma_wait3A_1271] : memref<2x4096x8xf32, #tpu.memory_space<vmem>> -> memref<1x4096x8xf32, #tpu.memory_space<vmem>>
    %dma_wait3A_1273 = tpu.memref_squeeze %dma_wait3A_1272 : memref<1x4096x8xf32, #tpu.memory_space<vmem>> -> memref<4096x8xf32, #tpu.memory_space<vmem>>
    %dma_wait3A_1274 = arith.constant 0 : i32
    %dma_wait3A_1275 = tpu.memref_slice %arg6[%dma_wait3A_1269, %dma_wait3A_1274] : memref<2x4096xi32, #tpu.memory_space<vmem>> -> memref<1x4096xi32, #tpu.memory_space<vmem>>
    %dma_wait3A_1276 = tpu.memref_squeeze %dma_wait3A_1275 : memref<1x4096xi32, #tpu.memory_space<vmem>> -> memref<4096xi32, #tpu.memory_space<vmem>>
    %dma_wait3A_1277 = arith.constant 0 : i32
    %dma_wait3A_1278 = arith.constant 0 : i32
    %dma_wait3A_1279 = tpu.memref_slice %arg14[%dma_wait3A_1277, %dma_wait3A_1278] : memref<65536x8xf32, #tpu.memory_space<vmem_shared>> -> memref<65536x8xf32, #tpu.memory_space<vmem_shared>>
    tpu.wait_indirect_dma semaphore(%arg13 : memref<!tpu.dma_semaphore, #tpu.memory_space<semaphore_mem>>) src(%dma_wait3A_1273 : memref<4096x8xf32, #tpu.memory_space<vmem>>) dst(%dma_wait3A_1279 : memref<65536x8xf32, #tpu.memory_space<vmem_shared>>)
    %add3A_1280 = arith.constant 77824 : i32
    %add3A_1281 = arith.addi %mul3A_2, %add3A_1280 : i32
    %dma_start3A_1282 = arith.constant 1 : i32
    %dma_start3A_1283 = arith.constant 0 : i32
    %dma_start3A_1284 = tpu.memref_slice %arg6[%dma_start3A_1282, %dma_start3A_1283] : memref<2x4096xi32, #tpu.memory_space<vmem>> -> memref<1x4096xi32, #tpu.memory_space<vmem>>
    %dma_start3A_1285 = tpu.memref_squeeze %dma_start3A_1284 : memref<1x4096xi32, #tpu.memory_space<vmem>> -> memref<4096xi32, #tpu.memory_space<vmem>>
    %dma_start3A_1286 = tpu.memref_slice %arg3[%add3A_1281] : memref<1769472xi32, #tpu.memory_space<hbm>> -> memref<4096xi32, #tpu.memory_space<hbm>>
    %dma_start3A_1287 = arith.constant 0 : i32
    %dma_start3A_1288 = tpu.memref_slice %arg6[%dma_start3A_1282, %dma_start3A_1287] : memref<2x4096xi32, #tpu.memory_space<vmem>> -> memref<1x4096xi32, #tpu.memory_space<vmem>>
    %dma_start3A_1289 = tpu.memref_squeeze %dma_start3A_1288 : memref<1x4096xi32, #tpu.memory_space<vmem>> -> memref<4096xi32, #tpu.memory_space<vmem>>
    %dma_start3A_1290 = tpu.memref_slice %arg3[%add3A_1281] : memref<1769472xi32, #tpu.memory_space<hbm>> -> memref<4096xi32, #tpu.memory_space<hbm>>
    tpu.enqueue_dma source(%dma_start3A_1290 : memref<4096xi32, #tpu.memory_space<hbm>>) target(%dma_start3A_1289 : memref<4096xi32, #tpu.memory_space<vmem>>) target_semaphore(%arg9 : memref<!tpu.dma_semaphore, #tpu.memory_space<semaphore_mem>>)
    %mul3A_1291 = arith.constant 8 : i32
    %mul3A_1292 = arith.muli %arg0, %mul3A_1291 : i32
    %dma_start3A_1293 = arith.constant 1 : i32
    %dma_start3A_1294 = arith.constant 0 : i32
    %dma_start3A_1295 = arith.constant 0 : i32
    %dma_start3A_1296 = tpu.memref_slice %arg7[%dma_start3A_1293, %dma_start3A_1294, %dma_start3A_1295] : memref<2x4096x8xf32, #tpu.memory_space<vmem>> -> memref<1x4096x8xf32, #tpu.memory_space<vmem>>
    %dma_start3A_1297 = tpu.memref_squeeze %dma_start3A_1296 : memref<1x4096x8xf32, #tpu.memory_space<vmem>> -> memref<4096x8xf32, #tpu.memory_space<vmem>>
    %dma_start3A_1298 = tpu.memref_slice %arg2[%add3A_1281, %mul3A_1292] : memref<1769472x16xf32, #tpu.memory_space<hbm>> -> memref<4096x8xf32, #tpu.memory_space<hbm>>
    %dma_start3A_1299 = arith.constant 0 : i32
    %dma_start3A_1300 = arith.constant 0 : i32
    %dma_start3A_1301 = tpu.memref_slice %arg7[%dma_start3A_1293, %dma_start3A_1299, %dma_start3A_1300] : memref<2x4096x8xf32, #tpu.memory_space<vmem>> -> memref<1x4096x8xf32, #tpu.memory_space<vmem>>
    %dma_start3A_1302 = tpu.memref_squeeze %dma_start3A_1301 : memref<1x4096x8xf32, #tpu.memory_space<vmem>> -> memref<4096x8xf32, #tpu.memory_space<vmem>>
    %dma_start3A_1303 = tpu.memref_slice %arg2[%add3A_1281, %mul3A_1292] : memref<1769472x16xf32, #tpu.memory_space<hbm>> -> memref<4096x8xf32, #tpu.memory_space<hbm>>
    tpu.enqueue_dma source(%dma_start3A_1303 : memref<4096x8xf32, #tpu.memory_space<hbm>>) target(%dma_start3A_1302 : memref<4096x8xf32, #tpu.memory_space<vmem>>) target_semaphore(%arg11 : memref<!tpu.dma_semaphore, #tpu.memory_space<semaphore_mem>>)
    %dma_wait3A_1304 = arith.constant 1 : i32
    %dma_wait3A_1305 = arith.constant 0 : i32
    %dma_wait3A_1306 = tpu.memref_slice %arg6[%dma_wait3A_1304, %dma_wait3A_1305] : memref<2x4096xi32, #tpu.memory_space<vmem>> -> memref<1x4096xi32, #tpu.memory_space<vmem>>
    %dma_wait3A_1307 = tpu.memref_squeeze %dma_wait3A_1306 : memref<1x4096xi32, #tpu.memory_space<vmem>> -> memref<4096xi32, #tpu.memory_space<vmem>>
    %dma_wait3A_1308 = tpu.memref_slice %arg3[%add3A_1281] : memref<1769472xi32, #tpu.memory_space<hbm>> -> memref<4096xi32, #tpu.memory_space<hbm>>
    %dma_wait3A_1309 = arith.constant 0 : i32
    %dma_wait3A_1310 = tpu.memref_slice %arg6[%dma_wait3A_1304, %dma_wait3A_1309] : memref<2x4096xi32, #tpu.memory_space<vmem>> -> memref<1x4096xi32, #tpu.memory_space<vmem>>
    %dma_wait3A_1311 = tpu.memref_squeeze %dma_wait3A_1310 : memref<1x4096xi32, #tpu.memory_space<vmem>> -> memref<4096xi32, #tpu.memory_space<vmem>>
    %dma_wait3A_1312 = tpu.memref_slice %arg3[%add3A_1281] : memref<1769472xi32, #tpu.memory_space<hbm>> -> memref<4096xi32, #tpu.memory_space<hbm>>
    tpu.wait_dma2 semaphore(%arg9 : memref<!tpu.dma_semaphore, #tpu.memory_space<semaphore_mem>>) src(%dma_wait3A_1312 : memref<4096xi32, #tpu.memory_space<hbm>>) dst(%dma_wait3A_1311 : memref<4096xi32, #tpu.memory_space<vmem>>)
    %dma_wait3A_1313 = arith.constant 1 : i32
    %dma_wait3A_1314 = arith.constant 0 : i32
    %dma_wait3A_1315 = arith.constant 0 : i32
    %dma_wait3A_1316 = tpu.memref_slice %arg7[%dma_wait3A_1313, %dma_wait3A_1314, %dma_wait3A_1315] : memref<2x4096x8xf32, #tpu.memory_space<vmem>> -> memref<1x4096x8xf32, #tpu.memory_space<vmem>>
    %dma_wait3A_1317 = tpu.memref_squeeze %dma_wait3A_1316 : memref<1x4096x8xf32, #tpu.memory_space<vmem>> -> memref<4096x8xf32, #tpu.memory_space<vmem>>
    %dma_wait3A_1318 = tpu.memref_slice %arg2[%add3A_1281, %mul3A_1292] : memref<1769472x16xf32, #tpu.memory_space<hbm>> -> memref<4096x8xf32, #tpu.memory_space<hbm>>
    %dma_wait3A_1319 = arith.constant 0 : i32
    %dma_wait3A_1320 = arith.constant 0 : i32
    %dma_wait3A_1321 = tpu.memref_slice %arg7[%dma_wait3A_1313, %dma_wait3A_1319, %dma_wait3A_1320] : memref<2x4096x8xf32, #tpu.memory_space<vmem>> -> memref<1x4096x8xf32, #tpu.memory_space<vmem>>
    %dma_wait3A_1322 = tpu.memref_squeeze %dma_wait3A_1321 : memref<1x4096x8xf32, #tpu.memory_space<vmem>> -> memref<4096x8xf32, #tpu.memory_space<vmem>>
    %dma_wait3A_1323 = tpu.memref_slice %arg2[%add3A_1281, %mul3A_1292] : memref<1769472x16xf32, #tpu.memory_space<hbm>> -> memref<4096x8xf32, #tpu.memory_space<hbm>>
    tpu.wait_dma2 semaphore(%arg11 : memref<!tpu.dma_semaphore, #tpu.memory_space<semaphore_mem>>) src(%dma_wait3A_1323 : memref<4096x8xf32, #tpu.memory_space<hbm>>) dst(%dma_wait3A_1322 : memref<4096x8xf32, #tpu.memory_space<vmem>>)
    %dma_start3A_1324 = arith.constant 1 : i32
    %dma_start3A_1325 = arith.constant 1 : i32
    %dma_start3A_1326 = arith.constant 0 : i32
    %dma_start3A_1327 = arith.constant 0 : i32
    %dma_start3A_1328 = tpu.memref_slice %arg7[%dma_start3A_1324, %dma_start3A_1326, %dma_start3A_1327] : memref<2x4096x8xf32, #tpu.memory_space<vmem>> -> memref<1x4096x8xf32, #tpu.memory_space<vmem>>
    %dma_start3A_1329 = tpu.memref_squeeze %dma_start3A_1328 : memref<1x4096x8xf32, #tpu.memory_space<vmem>> -> memref<4096x8xf32, #tpu.memory_space<vmem>>
    %dma_start3A_1330 = arith.constant 0 : i32
    %dma_start3A_1331 = tpu.memref_slice %arg6[%dma_start3A_1325, %dma_start3A_1330] : memref<2x4096xi32, #tpu.memory_space<vmem>> -> memref<1x4096xi32, #tpu.memory_space<vmem>>
    %dma_start3A_1332 = tpu.memref_squeeze %dma_start3A_1331 : memref<1x4096xi32, #tpu.memory_space<vmem>> -> memref<4096xi32, #tpu.memory_space<vmem>>
    %dma_start3A_1333 = arith.constant 0 : i32
    %dma_start3A_1334 = arith.constant 0 : i32
    %dma_start3A_1335 = tpu.memref_slice %arg14[%dma_start3A_1333, %dma_start3A_1334] : memref<65536x8xf32, #tpu.memory_space<vmem_shared>> -> memref<65536x8xf32, #tpu.memory_space<vmem_shared>>
    tpu.enqueue_indirect_dma source(%dma_start3A_1329 : memref<4096x8xf32, #tpu.memory_space<vmem>>) target(%dma_start3A_1335 : memref<65536x8xf32, #tpu.memory_space<vmem_shared>>) offsets(%dma_start3A_1332 : memref<4096xi32, #tpu.memory_space<vmem>>) semaphore(%arg13 : memref<!tpu.dma_semaphore, #tpu.memory_space<semaphore_mem>>) {add = true}
    %dma_wait3A_1336 = arith.constant 0 : i32
    %dma_wait3A_1337 = arith.constant 0 : i32
    %dma_wait3A_1338 = arith.constant 0 : i32
    %dma_wait3A_1339 = arith.constant 0 : i32
    %dma_wait3A_1340 = tpu.memref_slice %arg7[%dma_wait3A_1336, %dma_wait3A_1338, %dma_wait3A_1339] : memref<2x4096x8xf32, #tpu.memory_space<vmem>> -> memref<1x4096x8xf32, #tpu.memory_space<vmem>>
    %dma_wait3A_1341 = tpu.memref_squeeze %dma_wait3A_1340 : memref<1x4096x8xf32, #tpu.memory_space<vmem>> -> memref<4096x8xf32, #tpu.memory_space<vmem>>
    %dma_wait3A_1342 = arith.constant 0 : i32
    %dma_wait3A_1343 = tpu.memref_slice %arg6[%dma_wait3A_1337, %dma_wait3A_1342] : memref<2x4096xi32, #tpu.memory_space<vmem>> -> memref<1x4096xi32, #tpu.memory_space<vmem>>
    %dma_wait3A_1344 = tpu.memref_squeeze %dma_wait3A_1343 : memref<1x4096xi32, #tpu.memory_space<vmem>> -> memref<4096xi32, #tpu.memory_space<vmem>>
    %dma_wait3A_1345 = arith.constant 0 : i32
    %dma_wait3A_1346 = arith.constant 0 : i32
    %dma_wait3A_1347 = tpu.memref_slice %arg14[%dma_wait3A_1345, %dma_wait3A_1346] : memref<65536x8xf32, #tpu.memory_space<vmem_shared>> -> memref<65536x8xf32, #tpu.memory_space<vmem_shared>>
    tpu.wait_indirect_dma semaphore(%arg12 : memref<!tpu.dma_semaphore, #tpu.memory_space<semaphore_mem>>) src(%dma_wait3A_1341 : memref<4096x8xf32, #tpu.memory_space<vmem>>) dst(%dma_wait3A_1347 : memref<65536x8xf32, #tpu.memory_space<vmem_shared>>)
    %add3A_1348 = arith.constant 81920 : i32
    %add3A_1349 = arith.addi %mul3A_2, %add3A_1348 : i32
    %dma_start3A_1350 = arith.constant 0 : i32
    %dma_start3A_1351 = arith.constant 0 : i32
    %dma_start3A_1352 = tpu.memref_slice %arg6[%dma_start3A_1350, %dma_start3A_1351] : memref<2x4096xi32, #tpu.memory_space<vmem>> -> memref<1x4096xi32, #tpu.memory_space<vmem>>
    %dma_start3A_1353 = tpu.memref_squeeze %dma_start3A_1352 : memref<1x4096xi32, #tpu.memory_space<vmem>> -> memref<4096xi32, #tpu.memory_space<vmem>>
    %dma_start3A_1354 = tpu.memref_slice %arg3[%add3A_1349] : memref<1769472xi32, #tpu.memory_space<hbm>> -> memref<4096xi32, #tpu.memory_space<hbm>>
    %dma_start3A_1355 = arith.constant 0 : i32
    %dma_start3A_1356 = tpu.memref_slice %arg6[%dma_start3A_1350, %dma_start3A_1355] : memref<2x4096xi32, #tpu.memory_space<vmem>> -> memref<1x4096xi32, #tpu.memory_space<vmem>>
    %dma_start3A_1357 = tpu.memref_squeeze %dma_start3A_1356 : memref<1x4096xi32, #tpu.memory_space<vmem>> -> memref<4096xi32, #tpu.memory_space<vmem>>
    %dma_start3A_1358 = tpu.memref_slice %arg3[%add3A_1349] : memref<1769472xi32, #tpu.memory_space<hbm>> -> memref<4096xi32, #tpu.memory_space<hbm>>
    tpu.enqueue_dma source(%dma_start3A_1358 : memref<4096xi32, #tpu.memory_space<hbm>>) target(%dma_start3A_1357 : memref<4096xi32, #tpu.memory_space<vmem>>) target_semaphore(%arg8 : memref<!tpu.dma_semaphore, #tpu.memory_space<semaphore_mem>>)
    %mul3A_1359 = arith.constant 8 : i32
    %mul3A_1360 = arith.muli %arg0, %mul3A_1359 : i32
    %dma_start3A_1361 = arith.constant 0 : i32
    %dma_start3A_1362 = arith.constant 0 : i32
    %dma_start3A_1363 = arith.constant 0 : i32
    %dma_start3A_1364 = tpu.memref_slice %arg7[%dma_start3A_1361, %dma_start3A_1362, %dma_start3A_1363] : memref<2x4096x8xf32, #tpu.memory_space<vmem>> -> memref<1x4096x8xf32, #tpu.memory_space<vmem>>
    %dma_start3A_1365 = tpu.memref_squeeze %dma_start3A_1364 : memref<1x4096x8xf32, #tpu.memory_space<vmem>> -> memref<4096x8xf32, #tpu.memory_space<vmem>>
    %dma_start3A_1366 = tpu.memref_slice %arg2[%add3A_1349, %mul3A_1360] : memref<1769472x16xf32, #tpu.memory_space<hbm>> -> memref<4096x8xf32, #tpu.memory_space<hbm>>
    %dma_start3A_1367 = arith.constant 0 : i32
    %dma_start3A_1368 = arith.constant 0 : i32
    %dma_start3A_1369 = tpu.memref_slice %arg7[%dma_start3A_1361, %dma_start3A_1367, %dma_start3A_1368] : memref<2x4096x8xf32, #tpu.memory_space<vmem>> -> memref<1x4096x8xf32, #tpu.memory_space<vmem>>
    %dma_start3A_1370 = tpu.memref_squeeze %dma_start3A_1369 : memref<1x4096x8xf32, #tpu.memory_space<vmem>> -> memref<4096x8xf32, #tpu.memory_space<vmem>>
    %dma_start3A_1371 = tpu.memref_slice %arg2[%add3A_1349, %mul3A_1360] : memref<1769472x16xf32, #tpu.memory_space<hbm>> -> memref<4096x8xf32, #tpu.memory_space<hbm>>
    tpu.enqueue_dma source(%dma_start3A_1371 : memref<4096x8xf32, #tpu.memory_space<hbm>>) target(%dma_start3A_1370 : memref<4096x8xf32, #tpu.memory_space<vmem>>) target_semaphore(%arg10 : memref<!tpu.dma_semaphore, #tpu.memory_space<semaphore_mem>>)
    %dma_wait3A_1372 = arith.constant 0 : i32
    %dma_wait3A_1373 = arith.constant 0 : i32
    %dma_wait3A_1374 = tpu.memref_slice %arg6[%dma_wait3A_1372, %dma_wait3A_1373] : memref<2x4096xi32, #tpu.memory_space<vmem>> -> memref<1x4096xi32, #tpu.memory_space<vmem>>
    %dma_wait3A_1375 = tpu.memref_squeeze %dma_wait3A_1374 : memref<1x4096xi32, #tpu.memory_space<vmem>> -> memref<4096xi32, #tpu.memory_space<vmem>>
    %dma_wait3A_1376 = tpu.memref_slice %arg3[%add3A_1349] : memref<1769472xi32, #tpu.memory_space<hbm>> -> memref<4096xi32, #tpu.memory_space<hbm>>
    %dma_wait3A_1377 = arith.constant 0 : i32
    %dma_wait3A_1378 = tpu.memref_slice %arg6[%dma_wait3A_1372, %dma_wait3A_1377] : memref<2x4096xi32, #tpu.memory_space<vmem>> -> memref<1x4096xi32, #tpu.memory_space<vmem>>
    %dma_wait3A_1379 = tpu.memref_squeeze %dma_wait3A_1378 : memref<1x4096xi32, #tpu.memory_space<vmem>> -> memref<4096xi32, #tpu.memory_space<vmem>>
    %dma_wait3A_1380 = tpu.memref_slice %arg3[%add3A_1349] : memref<1769472xi32, #tpu.memory_space<hbm>> -> memref<4096xi32, #tpu.memory_space<hbm>>
    tpu.wait_dma2 semaphore(%arg8 : memref<!tpu.dma_semaphore, #tpu.memory_space<semaphore_mem>>) src(%dma_wait3A_1380 : memref<4096xi32, #tpu.memory_space<hbm>>) dst(%dma_wait3A_1379 : memref<4096xi32, #tpu.memory_space<vmem>>)
    %dma_wait3A_1381 = arith.constant 0 : i32
    %dma_wait3A_1382 = arith.constant 0 : i32
    %dma_wait3A_1383 = arith.constant 0 : i32
    %dma_wait3A_1384 = tpu.memref_slice %arg7[%dma_wait3A_1381, %dma_wait3A_1382, %dma_wait3A_1383] : memref<2x4096x8xf32, #tpu.memory_space<vmem>> -> memref<1x4096x8xf32, #tpu.memory_space<vmem>>
    %dma_wait3A_1385 = tpu.memref_squeeze %dma_wait3A_1384 : memref<1x4096x8xf32, #tpu.memory_space<vmem>> -> memref<4096x8xf32, #tpu.memory_space<vmem>>
    %dma_wait3A_1386 = tpu.memref_slice %arg2[%add3A_1349, %mul3A_1360] : memref<1769472x16xf32, #tpu.memory_space<hbm>> -> memref<4096x8xf32, #tpu.memory_space<hbm>>
    %dma_wait3A_1387 = arith.constant 0 : i32
    %dma_wait3A_1388 = arith.constant 0 : i32
    %dma_wait3A_1389 = tpu.memref_slice %arg7[%dma_wait3A_1381, %dma_wait3A_1387, %dma_wait3A_1388] : memref<2x4096x8xf32, #tpu.memory_space<vmem>> -> memref<1x4096x8xf32, #tpu.memory_space<vmem>>
    %dma_wait3A_1390 = tpu.memref_squeeze %dma_wait3A_1389 : memref<1x4096x8xf32, #tpu.memory_space<vmem>> -> memref<4096x8xf32, #tpu.memory_space<vmem>>
    %dma_wait3A_1391 = tpu.memref_slice %arg2[%add3A_1349, %mul3A_1360] : memref<1769472x16xf32, #tpu.memory_space<hbm>> -> memref<4096x8xf32, #tpu.memory_space<hbm>>
    tpu.wait_dma2 semaphore(%arg10 : memref<!tpu.dma_semaphore, #tpu.memory_space<semaphore_mem>>) src(%dma_wait3A_1391 : memref<4096x8xf32, #tpu.memory_space<hbm>>) dst(%dma_wait3A_1390 : memref<4096x8xf32, #tpu.memory_space<vmem>>)
    %dma_start3A_1392 = arith.constant 0 : i32
    %dma_start3A_1393 = arith.constant 0 : i32
    %dma_start3A_1394 = arith.constant 0 : i32
    %dma_start3A_1395 = arith.constant 0 : i32
    %dma_start3A_1396 = tpu.memref_slice %arg7[%dma_start3A_1392, %dma_start3A_1394, %dma_start3A_1395] : memref<2x4096x8xf32, #tpu.memory_space<vmem>> -> memref<1x4096x8xf32, #tpu.memory_space<vmem>>
    %dma_start3A_1397 = tpu.memref_squeeze %dma_start3A_1396 : memref<1x4096x8xf32, #tpu.memory_space<vmem>> -> memref<4096x8xf32, #tpu.memory_space<vmem>>
    %dma_start3A_1398 = arith.constant 0 : i32
    %dma_start3A_1399 = tpu.memref_slice %arg6[%dma_start3A_1393, %dma_start3A_1398] : memref<2x4096xi32, #tpu.memory_space<vmem>> -> memref<1x4096xi32, #tpu.memory_space<vmem>>
    %dma_start3A_1400 = tpu.memref_squeeze %dma_start3A_1399 : memref<1x4096xi32, #tpu.memory_space<vmem>> -> memref<4096xi32, #tpu.memory_space<vmem>>
    %dma_start3A_1401 = arith.constant 0 : i32
    %dma_start3A_1402 = arith.constant 0 : i32
    %dma_start3A_1403 = tpu.memref_slice %arg14[%dma_start3A_1401, %dma_start3A_1402] : memref<65536x8xf32, #tpu.memory_space<vmem_shared>> -> memref<65536x8xf32, #tpu.memory_space<vmem_shared>>
    tpu.enqueue_indirect_dma source(%dma_start3A_1397 : memref<4096x8xf32, #tpu.memory_space<vmem>>) target(%dma_start3A_1403 : memref<65536x8xf32, #tpu.memory_space<vmem_shared>>) offsets(%dma_start3A_1400 : memref<4096xi32, #tpu.memory_space<vmem>>) semaphore(%arg12 : memref<!tpu.dma_semaphore, #tpu.memory_space<semaphore_mem>>) {add = true}
    %dma_wait3A_1404 = arith.constant 1 : i32
    %dma_wait3A_1405 = arith.constant 1 : i32
    %dma_wait3A_1406 = arith.constant 0 : i32
    %dma_wait3A_1407 = arith.constant 0 : i32
    %dma_wait3A_1408 = tpu.memref_slice %arg7[%dma_wait3A_1404, %dma_wait3A_1406, %dma_wait3A_1407] : memref<2x4096x8xf32, #tpu.memory_space<vmem>> -> memref<1x4096x8xf32, #tpu.memory_space<vmem>>
    %dma_wait3A_1409 = tpu.memref_squeeze %dma_wait3A_1408 : memref<1x4096x8xf32, #tpu.memory_space<vmem>> -> memref<4096x8xf32, #tpu.memory_space<vmem>>
    %dma_wait3A_1410 = arith.constant 0 : i32
    %dma_wait3A_1411 = tpu.memref_slice %arg6[%dma_wait3A_1405, %dma_wait3A_1410] : memref<2x4096xi32, #tpu.memory_space<vmem>> -> memref<1x4096xi32, #tpu.memory_space<vmem>>
    %dma_wait3A_1412 = tpu.memref_squeeze %dma_wait3A_1411 : memref<1x4096xi32, #tpu.memory_space<vmem>> -> memref<4096xi32, #tpu.memory_space<vmem>>
    %dma_wait3A_1413 = arith.constant 0 : i32
    %dma_wait3A_1414 = arith.constant 0 : i32
    %dma_wait3A_1415 = tpu.memref_slice %arg14[%dma_wait3A_1413, %dma_wait3A_1414] : memref<65536x8xf32, #tpu.memory_space<vmem_shared>> -> memref<65536x8xf32, #tpu.memory_space<vmem_shared>>
    tpu.wait_indirect_dma semaphore(%arg13 : memref<!tpu.dma_semaphore, #tpu.memory_space<semaphore_mem>>) src(%dma_wait3A_1409 : memref<4096x8xf32, #tpu.memory_space<vmem>>) dst(%dma_wait3A_1415 : memref<65536x8xf32, #tpu.memory_space<vmem_shared>>)
    %add3A_1416 = arith.constant 86016 : i32
    %add3A_1417 = arith.addi %mul3A_2, %add3A_1416 : i32
    %dma_start3A_1418 = arith.constant 1 : i32
    %dma_start3A_1419 = arith.constant 0 : i32
    %dma_start3A_1420 = tpu.memref_slice %arg6[%dma_start3A_1418, %dma_start3A_1419] : memref<2x4096xi32, #tpu.memory_space<vmem>> -> memref<1x4096xi32, #tpu.memory_space<vmem>>
    %dma_start3A_1421 = tpu.memref_squeeze %dma_start3A_1420 : memref<1x4096xi32, #tpu.memory_space<vmem>> -> memref<4096xi32, #tpu.memory_space<vmem>>
    %dma_start3A_1422 = tpu.memref_slice %arg3[%add3A_1417] : memref<1769472xi32, #tpu.memory_space<hbm>> -> memref<4096xi32, #tpu.memory_space<hbm>>
    %dma_start3A_1423 = arith.constant 0 : i32
    %dma_start3A_1424 = tpu.memref_slice %arg6[%dma_start3A_1418, %dma_start3A_1423] : memref<2x4096xi32, #tpu.memory_space<vmem>> -> memref<1x4096xi32, #tpu.memory_space<vmem>>
    %dma_start3A_1425 = tpu.memref_squeeze %dma_start3A_1424 : memref<1x4096xi32, #tpu.memory_space<vmem>> -> memref<4096xi32, #tpu.memory_space<vmem>>
    %dma_start3A_1426 = tpu.memref_slice %arg3[%add3A_1417] : memref<1769472xi32, #tpu.memory_space<hbm>> -> memref<4096xi32, #tpu.memory_space<hbm>>
    tpu.enqueue_dma source(%dma_start3A_1426 : memref<4096xi32, #tpu.memory_space<hbm>>) target(%dma_start3A_1425 : memref<4096xi32, #tpu.memory_space<vmem>>) target_semaphore(%arg9 : memref<!tpu.dma_semaphore, #tpu.memory_space<semaphore_mem>>)
    %mul3A_1427 = arith.constant 8 : i32
    %mul3A_1428 = arith.muli %arg0, %mul3A_1427 : i32
    %dma_start3A_1429 = arith.constant 1 : i32
    %dma_start3A_1430 = arith.constant 0 : i32
    %dma_start3A_1431 = arith.constant 0 : i32
    %dma_start3A_1432 = tpu.memref_slice %arg7[%dma_start3A_1429, %dma_start3A_1430, %dma_start3A_1431] : memref<2x4096x8xf32, #tpu.memory_space<vmem>> -> memref<1x4096x8xf32, #tpu.memory_space<vmem>>
    %dma_start3A_1433 = tpu.memref_squeeze %dma_start3A_1432 : memref<1x4096x8xf32, #tpu.memory_space<vmem>> -> memref<4096x8xf32, #tpu.memory_space<vmem>>
    %dma_start3A_1434 = tpu.memref_slice %arg2[%add3A_1417, %mul3A_1428] : memref<1769472x16xf32, #tpu.memory_space<hbm>> -> memref<4096x8xf32, #tpu.memory_space<hbm>>
    %dma_start3A_1435 = arith.constant 0 : i32
    %dma_start3A_1436 = arith.constant 0 : i32
    %dma_start3A_1437 = tpu.memref_slice %arg7[%dma_start3A_1429, %dma_start3A_1435, %dma_start3A_1436] : memref<2x4096x8xf32, #tpu.memory_space<vmem>> -> memref<1x4096x8xf32, #tpu.memory_space<vmem>>
    %dma_start3A_1438 = tpu.memref_squeeze %dma_start3A_1437 : memref<1x4096x8xf32, #tpu.memory_space<vmem>> -> memref<4096x8xf32, #tpu.memory_space<vmem>>
    %dma_start3A_1439 = tpu.memref_slice %arg2[%add3A_1417, %mul3A_1428] : memref<1769472x16xf32, #tpu.memory_space<hbm>> -> memref<4096x8xf32, #tpu.memory_space<hbm>>
    tpu.enqueue_dma source(%dma_start3A_1439 : memref<4096x8xf32, #tpu.memory_space<hbm>>) target(%dma_start3A_1438 : memref<4096x8xf32, #tpu.memory_space<vmem>>) target_semaphore(%arg11 : memref<!tpu.dma_semaphore, #tpu.memory_space<semaphore_mem>>)
    %dma_wait3A_1440 = arith.constant 1 : i32
    %dma_wait3A_1441 = arith.constant 0 : i32
    %dma_wait3A_1442 = tpu.memref_slice %arg6[%dma_wait3A_1440, %dma_wait3A_1441] : memref<2x4096xi32, #tpu.memory_space<vmem>> -> memref<1x4096xi32, #tpu.memory_space<vmem>>
    %dma_wait3A_1443 = tpu.memref_squeeze %dma_wait3A_1442 : memref<1x4096xi32, #tpu.memory_space<vmem>> -> memref<4096xi32, #tpu.memory_space<vmem>>
    %dma_wait3A_1444 = tpu.memref_slice %arg3[%add3A_1417] : memref<1769472xi32, #tpu.memory_space<hbm>> -> memref<4096xi32, #tpu.memory_space<hbm>>
    %dma_wait3A_1445 = arith.constant 0 : i32
    %dma_wait3A_1446 = tpu.memref_slice %arg6[%dma_wait3A_1440, %dma_wait3A_1445] : memref<2x4096xi32, #tpu.memory_space<vmem>> -> memref<1x4096xi32, #tpu.memory_space<vmem>>
    %dma_wait3A_1447 = tpu.memref_squeeze %dma_wait3A_1446 : memref<1x4096xi32, #tpu.memory_space<vmem>> -> memref<4096xi32, #tpu.memory_space<vmem>>
    %dma_wait3A_1448 = tpu.memref_slice %arg3[%add3A_1417] : memref<1769472xi32, #tpu.memory_space<hbm>> -> memref<4096xi32, #tpu.memory_space<hbm>>
    tpu.wait_dma2 semaphore(%arg9 : memref<!tpu.dma_semaphore, #tpu.memory_space<semaphore_mem>>) src(%dma_wait3A_1448 : memref<4096xi32, #tpu.memory_space<hbm>>) dst(%dma_wait3A_1447 : memref<4096xi32, #tpu.memory_space<vmem>>)
    %dma_wait3A_1449 = arith.constant 1 : i32
    %dma_wait3A_1450 = arith.constant 0 : i32
    %dma_wait3A_1451 = arith.constant 0 : i32
    %dma_wait3A_1452 = tpu.memref_slice %arg7[%dma_wait3A_1449, %dma_wait3A_1450, %dma_wait3A_1451] : memref<2x4096x8xf32, #tpu.memory_space<vmem>> -> memref<1x4096x8xf32, #tpu.memory_space<vmem>>
    %dma_wait3A_1453 = tpu.memref_squeeze %dma_wait3A_1452 : memref<1x4096x8xf32, #tpu.memory_space<vmem>> -> memref<4096x8xf32, #tpu.memory_space<vmem>>
    %dma_wait3A_1454 = tpu.memref_slice %arg2[%add3A_1417, %mul3A_1428] : memref<1769472x16xf32, #tpu.memory_space<hbm>> -> memref<4096x8xf32, #tpu.memory_space<hbm>>
    %dma_wait3A_1455 = arith.constant 0 : i32
    %dma_wait3A_1456 = arith.constant 0 : i32
    %dma_wait3A_1457 = tpu.memref_slice %arg7[%dma_wait3A_1449, %dma_wait3A_1455, %dma_wait3A_1456] : memref<2x4096x8xf32, #tpu.memory_space<vmem>> -> memref<1x4096x8xf32, #tpu.memory_space<vmem>>
    %dma_wait3A_1458 = tpu.memref_squeeze %dma_wait3A_1457 : memref<1x4096x8xf32, #tpu.memory_space<vmem>> -> memref<4096x8xf32, #tpu.memory_space<vmem>>
    %dma_wait3A_1459 = tpu.memref_slice %arg2[%add3A_1417, %mul3A_1428] : memref<1769472x16xf32, #tpu.memory_space<hbm>> -> memref<4096x8xf32, #tpu.memory_space<hbm>>
    tpu.wait_dma2 semaphore(%arg11 : memref<!tpu.dma_semaphore, #tpu.memory_space<semaphore_mem>>) src(%dma_wait3A_1459 : memref<4096x8xf32, #tpu.memory_space<hbm>>) dst(%dma_wait3A_1458 : memref<4096x8xf32, #tpu.memory_space<vmem>>)
    %dma_start3A_1460 = arith.constant 1 : i32
    %dma_start3A_1461 = arith.constant 1 : i32
    %dma_start3A_1462 = arith.constant 0 : i32
    %dma_start3A_1463 = arith.constant 0 : i32
    %dma_start3A_1464 = tpu.memref_slice %arg7[%dma_start3A_1460, %dma_start3A_1462, %dma_start3A_1463] : memref<2x4096x8xf32, #tpu.memory_space<vmem>> -> memref<1x4096x8xf32, #tpu.memory_space<vmem>>
    %dma_start3A_1465 = tpu.memref_squeeze %dma_start3A_1464 : memref<1x4096x8xf32, #tpu.memory_space<vmem>> -> memref<4096x8xf32, #tpu.memory_space<vmem>>
    %dma_start3A_1466 = arith.constant 0 : i32
    %dma_start3A_1467 = tpu.memref_slice %arg6[%dma_start3A_1461, %dma_start3A_1466] : memref<2x4096xi32, #tpu.memory_space<vmem>> -> memref<1x4096xi32, #tpu.memory_space<vmem>>
    %dma_start3A_1468 = tpu.memref_squeeze %dma_start3A_1467 : memref<1x4096xi32, #tpu.memory_space<vmem>> -> memref<4096xi32, #tpu.memory_space<vmem>>
    %dma_start3A_1469 = arith.constant 0 : i32
    %dma_start3A_1470 = arith.constant 0 : i32
    %dma_start3A_1471 = tpu.memref_slice %arg14[%dma_start3A_1469, %dma_start3A_1470] : memref<65536x8xf32, #tpu.memory_space<vmem_shared>> -> memref<65536x8xf32, #tpu.memory_space<vmem_shared>>
    tpu.enqueue_indirect_dma source(%dma_start3A_1465 : memref<4096x8xf32, #tpu.memory_space<vmem>>) target(%dma_start3A_1471 : memref<65536x8xf32, #tpu.memory_space<vmem_shared>>) offsets(%dma_start3A_1468 : memref<4096xi32, #tpu.memory_space<vmem>>) semaphore(%arg13 : memref<!tpu.dma_semaphore, #tpu.memory_space<semaphore_mem>>) {add = true}
    %dma_wait3A_1472 = arith.constant 0 : i32
    %dma_wait3A_1473 = arith.constant 0 : i32
    %dma_wait3A_1474 = arith.constant 0 : i32
    %dma_wait3A_1475 = arith.constant 0 : i32
    %dma_wait3A_1476 = tpu.memref_slice %arg7[%dma_wait3A_1472, %dma_wait3A_1474, %dma_wait3A_1475] : memref<2x4096x8xf32, #tpu.memory_space<vmem>> -> memref<1x4096x8xf32, #tpu.memory_space<vmem>>
    %dma_wait3A_1477 = tpu.memref_squeeze %dma_wait3A_1476 : memref<1x4096x8xf32, #tpu.memory_space<vmem>> -> memref<4096x8xf32, #tpu.memory_space<vmem>>
    %dma_wait3A_1478 = arith.constant 0 : i32
    %dma_wait3A_1479 = tpu.memref_slice %arg6[%dma_wait3A_1473, %dma_wait3A_1478] : memref<2x4096xi32, #tpu.memory_space<vmem>> -> memref<1x4096xi32, #tpu.memory_space<vmem>>
    %dma_wait3A_1480 = tpu.memref_squeeze %dma_wait3A_1479 : memref<1x4096xi32, #tpu.memory_space<vmem>> -> memref<4096xi32, #tpu.memory_space<vmem>>
    %dma_wait3A_1481 = arith.constant 0 : i32
    %dma_wait3A_1482 = arith.constant 0 : i32
    %dma_wait3A_1483 = tpu.memref_slice %arg14[%dma_wait3A_1481, %dma_wait3A_1482] : memref<65536x8xf32, #tpu.memory_space<vmem_shared>> -> memref<65536x8xf32, #tpu.memory_space<vmem_shared>>
    tpu.wait_indirect_dma semaphore(%arg12 : memref<!tpu.dma_semaphore, #tpu.memory_space<semaphore_mem>>) src(%dma_wait3A_1477 : memref<4096x8xf32, #tpu.memory_space<vmem>>) dst(%dma_wait3A_1483 : memref<65536x8xf32, #tpu.memory_space<vmem_shared>>)
    %add3A_1484 = arith.constant 90112 : i32
    %add3A_1485 = arith.addi %mul3A_2, %add3A_1484 : i32
    %dma_start3A_1486 = arith.constant 0 : i32
    %dma_start3A_1487 = arith.constant 0 : i32
    %dma_start3A_1488 = tpu.memref_slice %arg6[%dma_start3A_1486, %dma_start3A_1487] : memref<2x4096xi32, #tpu.memory_space<vmem>> -> memref<1x4096xi32, #tpu.memory_space<vmem>>
    %dma_start3A_1489 = tpu.memref_squeeze %dma_start3A_1488 : memref<1x4096xi32, #tpu.memory_space<vmem>> -> memref<4096xi32, #tpu.memory_space<vmem>>
    %dma_start3A_1490 = tpu.memref_slice %arg3[%add3A_1485] : memref<1769472xi32, #tpu.memory_space<hbm>> -> memref<4096xi32, #tpu.memory_space<hbm>>
    %dma_start3A_1491 = arith.constant 0 : i32
    %dma_start3A_1492 = tpu.memref_slice %arg6[%dma_start3A_1486, %dma_start3A_1491] : memref<2x4096xi32, #tpu.memory_space<vmem>> -> memref<1x4096xi32, #tpu.memory_space<vmem>>
    %dma_start3A_1493 = tpu.memref_squeeze %dma_start3A_1492 : memref<1x4096xi32, #tpu.memory_space<vmem>> -> memref<4096xi32, #tpu.memory_space<vmem>>
    %dma_start3A_1494 = tpu.memref_slice %arg3[%add3A_1485] : memref<1769472xi32, #tpu.memory_space<hbm>> -> memref<4096xi32, #tpu.memory_space<hbm>>
    tpu.enqueue_dma source(%dma_start3A_1494 : memref<4096xi32, #tpu.memory_space<hbm>>) target(%dma_start3A_1493 : memref<4096xi32, #tpu.memory_space<vmem>>) target_semaphore(%arg8 : memref<!tpu.dma_semaphore, #tpu.memory_space<semaphore_mem>>)
    %mul3A_1495 = arith.constant 8 : i32
    %mul3A_1496 = arith.muli %arg0, %mul3A_1495 : i32
    %dma_start3A_1497 = arith.constant 0 : i32
    %dma_start3A_1498 = arith.constant 0 : i32
    %dma_start3A_1499 = arith.constant 0 : i32
    %dma_start3A_1500 = tpu.memref_slice %arg7[%dma_start3A_1497, %dma_start3A_1498, %dma_start3A_1499] : memref<2x4096x8xf32, #tpu.memory_space<vmem>> -> memref<1x4096x8xf32, #tpu.memory_space<vmem>>
    %dma_start3A_1501 = tpu.memref_squeeze %dma_start3A_1500 : memref<1x4096x8xf32, #tpu.memory_space<vmem>> -> memref<4096x8xf32, #tpu.memory_space<vmem>>
    %dma_start3A_1502 = tpu.memref_slice %arg2[%add3A_1485, %mul3A_1496] : memref<1769472x16xf32, #tpu.memory_space<hbm>> -> memref<4096x8xf32, #tpu.memory_space<hbm>>
    %dma_start3A_1503 = arith.constant 0 : i32
    %dma_start3A_1504 = arith.constant 0 : i32
    %dma_start3A_1505 = tpu.memref_slice %arg7[%dma_start3A_1497, %dma_start3A_1503, %dma_start3A_1504] : memref<2x4096x8xf32, #tpu.memory_space<vmem>> -> memref<1x4096x8xf32, #tpu.memory_space<vmem>>
    %dma_start3A_1506 = tpu.memref_squeeze %dma_start3A_1505 : memref<1x4096x8xf32, #tpu.memory_space<vmem>> -> memref<4096x8xf32, #tpu.memory_space<vmem>>
    %dma_start3A_1507 = tpu.memref_slice %arg2[%add3A_1485, %mul3A_1496] : memref<1769472x16xf32, #tpu.memory_space<hbm>> -> memref<4096x8xf32, #tpu.memory_space<hbm>>
    tpu.enqueue_dma source(%dma_start3A_1507 : memref<4096x8xf32, #tpu.memory_space<hbm>>) target(%dma_start3A_1506 : memref<4096x8xf32, #tpu.memory_space<vmem>>) target_semaphore(%arg10 : memref<!tpu.dma_semaphore, #tpu.memory_space<semaphore_mem>>)
    %dma_wait3A_1508 = arith.constant 0 : i32
    %dma_wait3A_1509 = arith.constant 0 : i32
    %dma_wait3A_1510 = tpu.memref_slice %arg6[%dma_wait3A_1508, %dma_wait3A_1509] : memref<2x4096xi32, #tpu.memory_space<vmem>> -> memref<1x4096xi32, #tpu.memory_space<vmem>>
    %dma_wait3A_1511 = tpu.memref_squeeze %dma_wait3A_1510 : memref<1x4096xi32, #tpu.memory_space<vmem>> -> memref<4096xi32, #tpu.memory_space<vmem>>
    %dma_wait3A_1512 = tpu.memref_slice %arg3[%add3A_1485] : memref<1769472xi32, #tpu.memory_space<hbm>> -> memref<4096xi32, #tpu.memory_space<hbm>>
    %dma_wait3A_1513 = arith.constant 0 : i32
    %dma_wait3A_1514 = tpu.memref_slice %arg6[%dma_wait3A_1508, %dma_wait3A_1513] : memref<2x4096xi32, #tpu.memory_space<vmem>> -> memref<1x4096xi32, #tpu.memory_space<vmem>>
    %dma_wait3A_1515 = tpu.memref_squeeze %dma_wait3A_1514 : memref<1x4096xi32, #tpu.memory_space<vmem>> -> memref<4096xi32, #tpu.memory_space<vmem>>
    %dma_wait3A_1516 = tpu.memref_slice %arg3[%add3A_1485] : memref<1769472xi32, #tpu.memory_space<hbm>> -> memref<4096xi32, #tpu.memory_space<hbm>>
    tpu.wait_dma2 semaphore(%arg8 : memref<!tpu.dma_semaphore, #tpu.memory_space<semaphore_mem>>) src(%dma_wait3A_1516 : memref<4096xi32, #tpu.memory_space<hbm>>) dst(%dma_wait3A_1515 : memref<4096xi32, #tpu.memory_space<vmem>>)
    %dma_wait3A_1517 = arith.constant 0 : i32
    %dma_wait3A_1518 = arith.constant 0 : i32
    %dma_wait3A_1519 = arith.constant 0 : i32
    %dma_wait3A_1520 = tpu.memref_slice %arg7[%dma_wait3A_1517, %dma_wait3A_1518, %dma_wait3A_1519] : memref<2x4096x8xf32, #tpu.memory_space<vmem>> -> memref<1x4096x8xf32, #tpu.memory_space<vmem>>
    %dma_wait3A_1521 = tpu.memref_squeeze %dma_wait3A_1520 : memref<1x4096x8xf32, #tpu.memory_space<vmem>> -> memref<4096x8xf32, #tpu.memory_space<vmem>>
    %dma_wait3A_1522 = tpu.memref_slice %arg2[%add3A_1485, %mul3A_1496] : memref<1769472x16xf32, #tpu.memory_space<hbm>> -> memref<4096x8xf32, #tpu.memory_space<hbm>>
    %dma_wait3A_1523 = arith.constant 0 : i32
    %dma_wait3A_1524 = arith.constant 0 : i32
    %dma_wait3A_1525 = tpu.memref_slice %arg7[%dma_wait3A_1517, %dma_wait3A_1523, %dma_wait3A_1524] : memref<2x4096x8xf32, #tpu.memory_space<vmem>> -> memref<1x4096x8xf32, #tpu.memory_space<vmem>>
    %dma_wait3A_1526 = tpu.memref_squeeze %dma_wait3A_1525 : memref<1x4096x8xf32, #tpu.memory_space<vmem>> -> memref<4096x8xf32, #tpu.memory_space<vmem>>
    %dma_wait3A_1527 = tpu.memref_slice %arg2[%add3A_1485, %mul3A_1496] : memref<1769472x16xf32, #tpu.memory_space<hbm>> -> memref<4096x8xf32, #tpu.memory_space<hbm>>
    tpu.wait_dma2 semaphore(%arg10 : memref<!tpu.dma_semaphore, #tpu.memory_space<semaphore_mem>>) src(%dma_wait3A_1527 : memref<4096x8xf32, #tpu.memory_space<hbm>>) dst(%dma_wait3A_1526 : memref<4096x8xf32, #tpu.memory_space<vmem>>)
    %dma_start3A_1528 = arith.constant 0 : i32
    %dma_start3A_1529 = arith.constant 0 : i32
    %dma_start3A_1530 = arith.constant 0 : i32
    %dma_start3A_1531 = arith.constant 0 : i32
    %dma_start3A_1532 = tpu.memref_slice %arg7[%dma_start3A_1528, %dma_start3A_1530, %dma_start3A_1531] : memref<2x4096x8xf32, #tpu.memory_space<vmem>> -> memref<1x4096x8xf32, #tpu.memory_space<vmem>>
    %dma_start3A_1533 = tpu.memref_squeeze %dma_start3A_1532 : memref<1x4096x8xf32, #tpu.memory_space<vmem>> -> memref<4096x8xf32, #tpu.memory_space<vmem>>
    %dma_start3A_1534 = arith.constant 0 : i32
    %dma_start3A_1535 = tpu.memref_slice %arg6[%dma_start3A_1529, %dma_start3A_1534] : memref<2x4096xi32, #tpu.memory_space<vmem>> -> memref<1x4096xi32, #tpu.memory_space<vmem>>
    %dma_start3A_1536 = tpu.memref_squeeze %dma_start3A_1535 : memref<1x4096xi32, #tpu.memory_space<vmem>> -> memref<4096xi32, #tpu.memory_space<vmem>>
    %dma_start3A_1537 = arith.constant 0 : i32
    %dma_start3A_1538 = arith.constant 0 : i32
    %dma_start3A_1539 = tpu.memref_slice %arg14[%dma_start3A_1537, %dma_start3A_1538] : memref<65536x8xf32, #tpu.memory_space<vmem_shared>> -> memref<65536x8xf32, #tpu.memory_space<vmem_shared>>
    tpu.enqueue_indirect_dma source(%dma_start3A_1533 : memref<4096x8xf32, #tpu.memory_space<vmem>>) target(%dma_start3A_1539 : memref<65536x8xf32, #tpu.memory_space<vmem_shared>>) offsets(%dma_start3A_1536 : memref<4096xi32, #tpu.memory_space<vmem>>) semaphore(%arg12 : memref<!tpu.dma_semaphore, #tpu.memory_space<semaphore_mem>>) {add = true}
    %dma_wait3A_1540 = arith.constant 1 : i32
    %dma_wait3A_1541 = arith.constant 1 : i32
    %dma_wait3A_1542 = arith.constant 0 : i32
    %dma_wait3A_1543 = arith.constant 0 : i32
    %dma_wait3A_1544 = tpu.memref_slice %arg7[%dma_wait3A_1540, %dma_wait3A_1542, %dma_wait3A_1543] : memref<2x4096x8xf32, #tpu.memory_space<vmem>> -> memref<1x4096x8xf32, #tpu.memory_space<vmem>>
    %dma_wait3A_1545 = tpu.memref_squeeze %dma_wait3A_1544 : memref<1x4096x8xf32, #tpu.memory_space<vmem>> -> memref<4096x8xf32, #tpu.memory_space<vmem>>
    %dma_wait3A_1546 = arith.constant 0 : i32
    %dma_wait3A_1547 = tpu.memref_slice %arg6[%dma_wait3A_1541, %dma_wait3A_1546] : memref<2x4096xi32, #tpu.memory_space<vmem>> -> memref<1x4096xi32, #tpu.memory_space<vmem>>
    %dma_wait3A_1548 = tpu.memref_squeeze %dma_wait3A_1547 : memref<1x4096xi32, #tpu.memory_space<vmem>> -> memref<4096xi32, #tpu.memory_space<vmem>>
    %dma_wait3A_1549 = arith.constant 0 : i32
    %dma_wait3A_1550 = arith.constant 0 : i32
    %dma_wait3A_1551 = tpu.memref_slice %arg14[%dma_wait3A_1549, %dma_wait3A_1550] : memref<65536x8xf32, #tpu.memory_space<vmem_shared>> -> memref<65536x8xf32, #tpu.memory_space<vmem_shared>>
    tpu.wait_indirect_dma semaphore(%arg13 : memref<!tpu.dma_semaphore, #tpu.memory_space<semaphore_mem>>) src(%dma_wait3A_1545 : memref<4096x8xf32, #tpu.memory_space<vmem>>) dst(%dma_wait3A_1551 : memref<65536x8xf32, #tpu.memory_space<vmem_shared>>)
    %add3A_1552 = arith.constant 94208 : i32
    %add3A_1553 = arith.addi %mul3A_2, %add3A_1552 : i32
    %dma_start3A_1554 = arith.constant 1 : i32
    %dma_start3A_1555 = arith.constant 0 : i32
    %dma_start3A_1556 = tpu.memref_slice %arg6[%dma_start3A_1554, %dma_start3A_1555] : memref<2x4096xi32, #tpu.memory_space<vmem>> -> memref<1x4096xi32, #tpu.memory_space<vmem>>
    %dma_start3A_1557 = tpu.memref_squeeze %dma_start3A_1556 : memref<1x4096xi32, #tpu.memory_space<vmem>> -> memref<4096xi32, #tpu.memory_space<vmem>>
    %dma_start3A_1558 = tpu.memref_slice %arg3[%add3A_1553] : memref<1769472xi32, #tpu.memory_space<hbm>> -> memref<4096xi32, #tpu.memory_space<hbm>>
    %dma_start3A_1559 = arith.constant 0 : i32
    %dma_start3A_1560 = tpu.memref_slice %arg6[%dma_start3A_1554, %dma_start3A_1559] : memref<2x4096xi32, #tpu.memory_space<vmem>> -> memref<1x4096xi32, #tpu.memory_space<vmem>>
    %dma_start3A_1561 = tpu.memref_squeeze %dma_start3A_1560 : memref<1x4096xi32, #tpu.memory_space<vmem>> -> memref<4096xi32, #tpu.memory_space<vmem>>
    %dma_start3A_1562 = tpu.memref_slice %arg3[%add3A_1553] : memref<1769472xi32, #tpu.memory_space<hbm>> -> memref<4096xi32, #tpu.memory_space<hbm>>
    tpu.enqueue_dma source(%dma_start3A_1562 : memref<4096xi32, #tpu.memory_space<hbm>>) target(%dma_start3A_1561 : memref<4096xi32, #tpu.memory_space<vmem>>) target_semaphore(%arg9 : memref<!tpu.dma_semaphore, #tpu.memory_space<semaphore_mem>>)
    %mul3A_1563 = arith.constant 8 : i32
    %mul3A_1564 = arith.muli %arg0, %mul3A_1563 : i32
    %dma_start3A_1565 = arith.constant 1 : i32
    %dma_start3A_1566 = arith.constant 0 : i32
    %dma_start3A_1567 = arith.constant 0 : i32
    %dma_start3A_1568 = tpu.memref_slice %arg7[%dma_start3A_1565, %dma_start3A_1566, %dma_start3A_1567] : memref<2x4096x8xf32, #tpu.memory_space<vmem>> -> memref<1x4096x8xf32, #tpu.memory_space<vmem>>
    %dma_start3A_1569 = tpu.memref_squeeze %dma_start3A_1568 : memref<1x4096x8xf32, #tpu.memory_space<vmem>> -> memref<4096x8xf32, #tpu.memory_space<vmem>>
    %dma_start3A_1570 = tpu.memref_slice %arg2[%add3A_1553, %mul3A_1564] : memref<1769472x16xf32, #tpu.memory_space<hbm>> -> memref<4096x8xf32, #tpu.memory_space<hbm>>
    %dma_start3A_1571 = arith.constant 0 : i32
    %dma_start3A_1572 = arith.constant 0 : i32
    %dma_start3A_1573 = tpu.memref_slice %arg7[%dma_start3A_1565, %dma_start3A_1571, %dma_start3A_1572] : memref<2x4096x8xf32, #tpu.memory_space<vmem>> -> memref<1x4096x8xf32, #tpu.memory_space<vmem>>
    %dma_start3A_1574 = tpu.memref_squeeze %dma_start3A_1573 : memref<1x4096x8xf32, #tpu.memory_space<vmem>> -> memref<4096x8xf32, #tpu.memory_space<vmem>>
    %dma_start3A_1575 = tpu.memref_slice %arg2[%add3A_1553, %mul3A_1564] : memref<1769472x16xf32, #tpu.memory_space<hbm>> -> memref<4096x8xf32, #tpu.memory_space<hbm>>
    tpu.enqueue_dma source(%dma_start3A_1575 : memref<4096x8xf32, #tpu.memory_space<hbm>>) target(%dma_start3A_1574 : memref<4096x8xf32, #tpu.memory_space<vmem>>) target_semaphore(%arg11 : memref<!tpu.dma_semaphore, #tpu.memory_space<semaphore_mem>>)
    %dma_wait3A_1576 = arith.constant 1 : i32
    %dma_wait3A_1577 = arith.constant 0 : i32
    %dma_wait3A_1578 = tpu.memref_slice %arg6[%dma_wait3A_1576, %dma_wait3A_1577] : memref<2x4096xi32, #tpu.memory_space<vmem>> -> memref<1x4096xi32, #tpu.memory_space<vmem>>
    %dma_wait3A_1579 = tpu.memref_squeeze %dma_wait3A_1578 : memref<1x4096xi32, #tpu.memory_space<vmem>> -> memref<4096xi32, #tpu.memory_space<vmem>>
    %dma_wait3A_1580 = tpu.memref_slice %arg3[%add3A_1553] : memref<1769472xi32, #tpu.memory_space<hbm>> -> memref<4096xi32, #tpu.memory_space<hbm>>
    %dma_wait3A_1581 = arith.constant 0 : i32
    %dma_wait3A_1582 = tpu.memref_slice %arg6[%dma_wait3A_1576, %dma_wait3A_1581] : memref<2x4096xi32, #tpu.memory_space<vmem>> -> memref<1x4096xi32, #tpu.memory_space<vmem>>
    %dma_wait3A_1583 = tpu.memref_squeeze %dma_wait3A_1582 : memref<1x4096xi32, #tpu.memory_space<vmem>> -> memref<4096xi32, #tpu.memory_space<vmem>>
    %dma_wait3A_1584 = tpu.memref_slice %arg3[%add3A_1553] : memref<1769472xi32, #tpu.memory_space<hbm>> -> memref<4096xi32, #tpu.memory_space<hbm>>
    tpu.wait_dma2 semaphore(%arg9 : memref<!tpu.dma_semaphore, #tpu.memory_space<semaphore_mem>>) src(%dma_wait3A_1584 : memref<4096xi32, #tpu.memory_space<hbm>>) dst(%dma_wait3A_1583 : memref<4096xi32, #tpu.memory_space<vmem>>)
    %dma_wait3A_1585 = arith.constant 1 : i32
    %dma_wait3A_1586 = arith.constant 0 : i32
    %dma_wait3A_1587 = arith.constant 0 : i32
    %dma_wait3A_1588 = tpu.memref_slice %arg7[%dma_wait3A_1585, %dma_wait3A_1586, %dma_wait3A_1587] : memref<2x4096x8xf32, #tpu.memory_space<vmem>> -> memref<1x4096x8xf32, #tpu.memory_space<vmem>>
    %dma_wait3A_1589 = tpu.memref_squeeze %dma_wait3A_1588 : memref<1x4096x8xf32, #tpu.memory_space<vmem>> -> memref<4096x8xf32, #tpu.memory_space<vmem>>
    %dma_wait3A_1590 = tpu.memref_slice %arg2[%add3A_1553, %mul3A_1564] : memref<1769472x16xf32, #tpu.memory_space<hbm>> -> memref<4096x8xf32, #tpu.memory_space<hbm>>
    %dma_wait3A_1591 = arith.constant 0 : i32
    %dma_wait3A_1592 = arith.constant 0 : i32
    %dma_wait3A_1593 = tpu.memref_slice %arg7[%dma_wait3A_1585, %dma_wait3A_1591, %dma_wait3A_1592] : memref<2x4096x8xf32, #tpu.memory_space<vmem>> -> memref<1x4096x8xf32, #tpu.memory_space<vmem>>
    %dma_wait3A_1594 = tpu.memref_squeeze %dma_wait3A_1593 : memref<1x4096x8xf32, #tpu.memory_space<vmem>> -> memref<4096x8xf32, #tpu.memory_space<vmem>>
    %dma_wait3A_1595 = tpu.memref_slice %arg2[%add3A_1553, %mul3A_1564] : memref<1769472x16xf32, #tpu.memory_space<hbm>> -> memref<4096x8xf32, #tpu.memory_space<hbm>>
    tpu.wait_dma2 semaphore(%arg11 : memref<!tpu.dma_semaphore, #tpu.memory_space<semaphore_mem>>) src(%dma_wait3A_1595 : memref<4096x8xf32, #tpu.memory_space<hbm>>) dst(%dma_wait3A_1594 : memref<4096x8xf32, #tpu.memory_space<vmem>>)
    %dma_start3A_1596 = arith.constant 1 : i32
    %dma_start3A_1597 = arith.constant 1 : i32
    %dma_start3A_1598 = arith.constant 0 : i32
    %dma_start3A_1599 = arith.constant 0 : i32
    %dma_start3A_1600 = tpu.memref_slice %arg7[%dma_start3A_1596, %dma_start3A_1598, %dma_start3A_1599] : memref<2x4096x8xf32, #tpu.memory_space<vmem>> -> memref<1x4096x8xf32, #tpu.memory_space<vmem>>
    %dma_start3A_1601 = tpu.memref_squeeze %dma_start3A_1600 : memref<1x4096x8xf32, #tpu.memory_space<vmem>> -> memref<4096x8xf32, #tpu.memory_space<vmem>>
    %dma_start3A_1602 = arith.constant 0 : i32
    %dma_start3A_1603 = tpu.memref_slice %arg6[%dma_start3A_1597, %dma_start3A_1602] : memref<2x4096xi32, #tpu.memory_space<vmem>> -> memref<1x4096xi32, #tpu.memory_space<vmem>>
    %dma_start3A_1604 = tpu.memref_squeeze %dma_start3A_1603 : memref<1x4096xi32, #tpu.memory_space<vmem>> -> memref<4096xi32, #tpu.memory_space<vmem>>
    %dma_start3A_1605 = arith.constant 0 : i32
    %dma_start3A_1606 = arith.constant 0 : i32
    %dma_start3A_1607 = tpu.memref_slice %arg14[%dma_start3A_1605, %dma_start3A_1606] : memref<65536x8xf32, #tpu.memory_space<vmem_shared>> -> memref<65536x8xf32, #tpu.memory_space<vmem_shared>>
    tpu.enqueue_indirect_dma source(%dma_start3A_1601 : memref<4096x8xf32, #tpu.memory_space<vmem>>) target(%dma_start3A_1607 : memref<65536x8xf32, #tpu.memory_space<vmem_shared>>) offsets(%dma_start3A_1604 : memref<4096xi32, #tpu.memory_space<vmem>>) semaphore(%arg13 : memref<!tpu.dma_semaphore, #tpu.memory_space<semaphore_mem>>) {add = true}
    %dma_wait3A_1608 = arith.constant 0 : i32
    %dma_wait3A_1609 = arith.constant 0 : i32
    %dma_wait3A_1610 = arith.constant 0 : i32
    %dma_wait3A_1611 = arith.constant 0 : i32
    %dma_wait3A_1612 = tpu.memref_slice %arg7[%dma_wait3A_1608, %dma_wait3A_1610, %dma_wait3A_1611] : memref<2x4096x8xf32, #tpu.memory_space<vmem>> -> memref<1x4096x8xf32, #tpu.memory_space<vmem>>
    %dma_wait3A_1613 = tpu.memref_squeeze %dma_wait3A_1612 : memref<1x4096x8xf32, #tpu.memory_space<vmem>> -> memref<4096x8xf32, #tpu.memory_space<vmem>>
    %dma_wait3A_1614 = arith.constant 0 : i32
    %dma_wait3A_1615 = tpu.memref_slice %arg6[%dma_wait3A_1609, %dma_wait3A_1614] : memref<2x4096xi32, #tpu.memory_space<vmem>> -> memref<1x4096xi32, #tpu.memory_space<vmem>>
    %dma_wait3A_1616 = tpu.memref_squeeze %dma_wait3A_1615 : memref<1x4096xi32, #tpu.memory_space<vmem>> -> memref<4096xi32, #tpu.memory_space<vmem>>
    %dma_wait3A_1617 = arith.constant 0 : i32
    %dma_wait3A_1618 = arith.constant 0 : i32
    %dma_wait3A_1619 = tpu.memref_slice %arg14[%dma_wait3A_1617, %dma_wait3A_1618] : memref<65536x8xf32, #tpu.memory_space<vmem_shared>> -> memref<65536x8xf32, #tpu.memory_space<vmem_shared>>
    tpu.wait_indirect_dma semaphore(%arg12 : memref<!tpu.dma_semaphore, #tpu.memory_space<semaphore_mem>>) src(%dma_wait3A_1613 : memref<4096x8xf32, #tpu.memory_space<vmem>>) dst(%dma_wait3A_1619 : memref<65536x8xf32, #tpu.memory_space<vmem_shared>>)
    %add3A_1620 = arith.constant 98304 : i32
    %add3A_1621 = arith.addi %mul3A_2, %add3A_1620 : i32
    %dma_start3A_1622 = arith.constant 0 : i32
    %dma_start3A_1623 = arith.constant 0 : i32
    %dma_start3A_1624 = tpu.memref_slice %arg6[%dma_start3A_1622, %dma_start3A_1623] : memref<2x4096xi32, #tpu.memory_space<vmem>> -> memref<1x4096xi32, #tpu.memory_space<vmem>>
    %dma_start3A_1625 = tpu.memref_squeeze %dma_start3A_1624 : memref<1x4096xi32, #tpu.memory_space<vmem>> -> memref<4096xi32, #tpu.memory_space<vmem>>
    %dma_start3A_1626 = tpu.memref_slice %arg3[%add3A_1621] : memref<1769472xi32, #tpu.memory_space<hbm>> -> memref<4096xi32, #tpu.memory_space<hbm>>
    %dma_start3A_1627 = arith.constant 0 : i32
    %dma_start3A_1628 = tpu.memref_slice %arg6[%dma_start3A_1622, %dma_start3A_1627] : memref<2x4096xi32, #tpu.memory_space<vmem>> -> memref<1x4096xi32, #tpu.memory_space<vmem>>
    %dma_start3A_1629 = tpu.memref_squeeze %dma_start3A_1628 : memref<1x4096xi32, #tpu.memory_space<vmem>> -> memref<4096xi32, #tpu.memory_space<vmem>>
    %dma_start3A_1630 = tpu.memref_slice %arg3[%add3A_1621] : memref<1769472xi32, #tpu.memory_space<hbm>> -> memref<4096xi32, #tpu.memory_space<hbm>>
    tpu.enqueue_dma source(%dma_start3A_1630 : memref<4096xi32, #tpu.memory_space<hbm>>) target(%dma_start3A_1629 : memref<4096xi32, #tpu.memory_space<vmem>>) target_semaphore(%arg8 : memref<!tpu.dma_semaphore, #tpu.memory_space<semaphore_mem>>)
    %mul3A_1631 = arith.constant 8 : i32
    %mul3A_1632 = arith.muli %arg0, %mul3A_1631 : i32
    %dma_start3A_1633 = arith.constant 0 : i32
    %dma_start3A_1634 = arith.constant 0 : i32
    %dma_start3A_1635 = arith.constant 0 : i32
    %dma_start3A_1636 = tpu.memref_slice %arg7[%dma_start3A_1633, %dma_start3A_1634, %dma_start3A_1635] : memref<2x4096x8xf32, #tpu.memory_space<vmem>> -> memref<1x4096x8xf32, #tpu.memory_space<vmem>>
    %dma_start3A_1637 = tpu.memref_squeeze %dma_start3A_1636 : memref<1x4096x8xf32, #tpu.memory_space<vmem>> -> memref<4096x8xf32, #tpu.memory_space<vmem>>
    %dma_start3A_1638 = tpu.memref_slice %arg2[%add3A_1621, %mul3A_1632] : memref<1769472x16xf32, #tpu.memory_space<hbm>> -> memref<4096x8xf32, #tpu.memory_space<hbm>>
    %dma_start3A_1639 = arith.constant 0 : i32
    %dma_start3A_1640 = arith.constant 0 : i32
    %dma_start3A_1641 = tpu.memref_slice %arg7[%dma_start3A_1633, %dma_start3A_1639, %dma_start3A_1640] : memref<2x4096x8xf32, #tpu.memory_space<vmem>> -> memref<1x4096x8xf32, #tpu.memory_space<vmem>>
    %dma_start3A_1642 = tpu.memref_squeeze %dma_start3A_1641 : memref<1x4096x8xf32, #tpu.memory_space<vmem>> -> memref<4096x8xf32, #tpu.memory_space<vmem>>
    %dma_start3A_1643 = tpu.memref_slice %arg2[%add3A_1621, %mul3A_1632] : memref<1769472x16xf32, #tpu.memory_space<hbm>> -> memref<4096x8xf32, #tpu.memory_space<hbm>>
    tpu.enqueue_dma source(%dma_start3A_1643 : memref<4096x8xf32, #tpu.memory_space<hbm>>) target(%dma_start3A_1642 : memref<4096x8xf32, #tpu.memory_space<vmem>>) target_semaphore(%arg10 : memref<!tpu.dma_semaphore, #tpu.memory_space<semaphore_mem>>)
    %dma_wait3A_1644 = arith.constant 0 : i32
    %dma_wait3A_1645 = arith.constant 0 : i32
    %dma_wait3A_1646 = tpu.memref_slice %arg6[%dma_wait3A_1644, %dma_wait3A_1645] : memref<2x4096xi32, #tpu.memory_space<vmem>> -> memref<1x4096xi32, #tpu.memory_space<vmem>>
    %dma_wait3A_1647 = tpu.memref_squeeze %dma_wait3A_1646 : memref<1x4096xi32, #tpu.memory_space<vmem>> -> memref<4096xi32, #tpu.memory_space<vmem>>
    %dma_wait3A_1648 = tpu.memref_slice %arg3[%add3A_1621] : memref<1769472xi32, #tpu.memory_space<hbm>> -> memref<4096xi32, #tpu.memory_space<hbm>>
    %dma_wait3A_1649 = arith.constant 0 : i32
    %dma_wait3A_1650 = tpu.memref_slice %arg6[%dma_wait3A_1644, %dma_wait3A_1649] : memref<2x4096xi32, #tpu.memory_space<vmem>> -> memref<1x4096xi32, #tpu.memory_space<vmem>>
    %dma_wait3A_1651 = tpu.memref_squeeze %dma_wait3A_1650 : memref<1x4096xi32, #tpu.memory_space<vmem>> -> memref<4096xi32, #tpu.memory_space<vmem>>
    %dma_wait3A_1652 = tpu.memref_slice %arg3[%add3A_1621] : memref<1769472xi32, #tpu.memory_space<hbm>> -> memref<4096xi32, #tpu.memory_space<hbm>>
    tpu.wait_dma2 semaphore(%arg8 : memref<!tpu.dma_semaphore, #tpu.memory_space<semaphore_mem>>) src(%dma_wait3A_1652 : memref<4096xi32, #tpu.memory_space<hbm>>) dst(%dma_wait3A_1651 : memref<4096xi32, #tpu.memory_space<vmem>>)
    %dma_wait3A_1653 = arith.constant 0 : i32
    %dma_wait3A_1654 = arith.constant 0 : i32
    %dma_wait3A_1655 = arith.constant 0 : i32
    %dma_wait3A_1656 = tpu.memref_slice %arg7[%dma_wait3A_1653, %dma_wait3A_1654, %dma_wait3A_1655] : memref<2x4096x8xf32, #tpu.memory_space<vmem>> -> memref<1x4096x8xf32, #tpu.memory_space<vmem>>
    %dma_wait3A_1657 = tpu.memref_squeeze %dma_wait3A_1656 : memref<1x4096x8xf32, #tpu.memory_space<vmem>> -> memref<4096x8xf32, #tpu.memory_space<vmem>>
    %dma_wait3A_1658 = tpu.memref_slice %arg2[%add3A_1621, %mul3A_1632] : memref<1769472x16xf32, #tpu.memory_space<hbm>> -> memref<4096x8xf32, #tpu.memory_space<hbm>>
    %dma_wait3A_1659 = arith.constant 0 : i32
    %dma_wait3A_1660 = arith.constant 0 : i32
    %dma_wait3A_1661 = tpu.memref_slice %arg7[%dma_wait3A_1653, %dma_wait3A_1659, %dma_wait3A_1660] : memref<2x4096x8xf32, #tpu.memory_space<vmem>> -> memref<1x4096x8xf32, #tpu.memory_space<vmem>>
    %dma_wait3A_1662 = tpu.memref_squeeze %dma_wait3A_1661 : memref<1x4096x8xf32, #tpu.memory_space<vmem>> -> memref<4096x8xf32, #tpu.memory_space<vmem>>
    %dma_wait3A_1663 = tpu.memref_slice %arg2[%add3A_1621, %mul3A_1632] : memref<1769472x16xf32, #tpu.memory_space<hbm>> -> memref<4096x8xf32, #tpu.memory_space<hbm>>
    tpu.wait_dma2 semaphore(%arg10 : memref<!tpu.dma_semaphore, #tpu.memory_space<semaphore_mem>>) src(%dma_wait3A_1663 : memref<4096x8xf32, #tpu.memory_space<hbm>>) dst(%dma_wait3A_1662 : memref<4096x8xf32, #tpu.memory_space<vmem>>)
    %dma_start3A_1664 = arith.constant 0 : i32
    %dma_start3A_1665 = arith.constant 0 : i32
    %dma_start3A_1666 = arith.constant 0 : i32
    %dma_start3A_1667 = arith.constant 0 : i32
    %dma_start3A_1668 = tpu.memref_slice %arg7[%dma_start3A_1664, %dma_start3A_1666, %dma_start3A_1667] : memref<2x4096x8xf32, #tpu.memory_space<vmem>> -> memref<1x4096x8xf32, #tpu.memory_space<vmem>>
    %dma_start3A_1669 = tpu.memref_squeeze %dma_start3A_1668 : memref<1x4096x8xf32, #tpu.memory_space<vmem>> -> memref<4096x8xf32, #tpu.memory_space<vmem>>
    %dma_start3A_1670 = arith.constant 0 : i32
    %dma_start3A_1671 = tpu.memref_slice %arg6[%dma_start3A_1665, %dma_start3A_1670] : memref<2x4096xi32, #tpu.memory_space<vmem>> -> memref<1x4096xi32, #tpu.memory_space<vmem>>
    %dma_start3A_1672 = tpu.memref_squeeze %dma_start3A_1671 : memref<1x4096xi32, #tpu.memory_space<vmem>> -> memref<4096xi32, #tpu.memory_space<vmem>>
    %dma_start3A_1673 = arith.constant 0 : i32
    %dma_start3A_1674 = arith.constant 0 : i32
    %dma_start3A_1675 = tpu.memref_slice %arg14[%dma_start3A_1673, %dma_start3A_1674] : memref<65536x8xf32, #tpu.memory_space<vmem_shared>> -> memref<65536x8xf32, #tpu.memory_space<vmem_shared>>
    tpu.enqueue_indirect_dma source(%dma_start3A_1669 : memref<4096x8xf32, #tpu.memory_space<vmem>>) target(%dma_start3A_1675 : memref<65536x8xf32, #tpu.memory_space<vmem_shared>>) offsets(%dma_start3A_1672 : memref<4096xi32, #tpu.memory_space<vmem>>) semaphore(%arg12 : memref<!tpu.dma_semaphore, #tpu.memory_space<semaphore_mem>>) {add = true}
    %dma_wait3A_1676 = arith.constant 1 : i32
    %dma_wait3A_1677 = arith.constant 1 : i32
    %dma_wait3A_1678 = arith.constant 0 : i32
    %dma_wait3A_1679 = arith.constant 0 : i32
    %dma_wait3A_1680 = tpu.memref_slice %arg7[%dma_wait3A_1676, %dma_wait3A_1678, %dma_wait3A_1679] : memref<2x4096x8xf32, #tpu.memory_space<vmem>> -> memref<1x4096x8xf32, #tpu.memory_space<vmem>>
    %dma_wait3A_1681 = tpu.memref_squeeze %dma_wait3A_1680 : memref<1x4096x8xf32, #tpu.memory_space<vmem>> -> memref<4096x8xf32, #tpu.memory_space<vmem>>
    %dma_wait3A_1682 = arith.constant 0 : i32
    %dma_wait3A_1683 = tpu.memref_slice %arg6[%dma_wait3A_1677, %dma_wait3A_1682] : memref<2x4096xi32, #tpu.memory_space<vmem>> -> memref<1x4096xi32, #tpu.memory_space<vmem>>
    %dma_wait3A_1684 = tpu.memref_squeeze %dma_wait3A_1683 : memref<1x4096xi32, #tpu.memory_space<vmem>> -> memref<4096xi32, #tpu.memory_space<vmem>>
    %dma_wait3A_1685 = arith.constant 0 : i32
    %dma_wait3A_1686 = arith.constant 0 : i32
    %dma_wait3A_1687 = tpu.memref_slice %arg14[%dma_wait3A_1685, %dma_wait3A_1686] : memref<65536x8xf32, #tpu.memory_space<vmem_shared>> -> memref<65536x8xf32, #tpu.memory_space<vmem_shared>>
    tpu.wait_indirect_dma semaphore(%arg13 : memref<!tpu.dma_semaphore, #tpu.memory_space<semaphore_mem>>) src(%dma_wait3A_1681 : memref<4096x8xf32, #tpu.memory_space<vmem>>) dst(%dma_wait3A_1687 : memref<65536x8xf32, #tpu.memory_space<vmem_shared>>)
    %add3A_1688 = arith.constant 102400 : i32
    %add3A_1689 = arith.addi %mul3A_2, %add3A_1688 : i32
    %dma_start3A_1690 = arith.constant 1 : i32
    %dma_start3A_1691 = arith.constant 0 : i32
    %dma_start3A_1692 = tpu.memref_slice %arg6[%dma_start3A_1690, %dma_start3A_1691] : memref<2x4096xi32, #tpu.memory_space<vmem>> -> memref<1x4096xi32, #tpu.memory_space<vmem>>
    %dma_start3A_1693 = tpu.memref_squeeze %dma_start3A_1692 : memref<1x4096xi32, #tpu.memory_space<vmem>> -> memref<4096xi32, #tpu.memory_space<vmem>>
    %dma_start3A_1694 = tpu.memref_slice %arg3[%add3A_1689] : memref<1769472xi32, #tpu.memory_space<hbm>> -> memref<4096xi32, #tpu.memory_space<hbm>>
    %dma_start3A_1695 = arith.constant 0 : i32
    %dma_start3A_1696 = tpu.memref_slice %arg6[%dma_start3A_1690, %dma_start3A_1695] : memref<2x4096xi32, #tpu.memory_space<vmem>> -> memref<1x4096xi32, #tpu.memory_space<vmem>>
    %dma_start3A_1697 = tpu.memref_squeeze %dma_start3A_1696 : memref<1x4096xi32, #tpu.memory_space<vmem>> -> memref<4096xi32, #tpu.memory_space<vmem>>
    %dma_start3A_1698 = tpu.memref_slice %arg3[%add3A_1689] : memref<1769472xi32, #tpu.memory_space<hbm>> -> memref<4096xi32, #tpu.memory_space<hbm>>
    tpu.enqueue_dma source(%dma_start3A_1698 : memref<4096xi32, #tpu.memory_space<hbm>>) target(%dma_start3A_1697 : memref<4096xi32, #tpu.memory_space<vmem>>) target_semaphore(%arg9 : memref<!tpu.dma_semaphore, #tpu.memory_space<semaphore_mem>>)
    %mul3A_1699 = arith.constant 8 : i32
    %mul3A_1700 = arith.muli %arg0, %mul3A_1699 : i32
    %dma_start3A_1701 = arith.constant 1 : i32
    %dma_start3A_1702 = arith.constant 0 : i32
    %dma_start3A_1703 = arith.constant 0 : i32
    %dma_start3A_1704 = tpu.memref_slice %arg7[%dma_start3A_1701, %dma_start3A_1702, %dma_start3A_1703] : memref<2x4096x8xf32, #tpu.memory_space<vmem>> -> memref<1x4096x8xf32, #tpu.memory_space<vmem>>
    %dma_start3A_1705 = tpu.memref_squeeze %dma_start3A_1704 : memref<1x4096x8xf32, #tpu.memory_space<vmem>> -> memref<4096x8xf32, #tpu.memory_space<vmem>>
    %dma_start3A_1706 = tpu.memref_slice %arg2[%add3A_1689, %mul3A_1700] : memref<1769472x16xf32, #tpu.memory_space<hbm>> -> memref<4096x8xf32, #tpu.memory_space<hbm>>
    %dma_start3A_1707 = arith.constant 0 : i32
    %dma_start3A_1708 = arith.constant 0 : i32
    %dma_start3A_1709 = tpu.memref_slice %arg7[%dma_start3A_1701, %dma_start3A_1707, %dma_start3A_1708] : memref<2x4096x8xf32, #tpu.memory_space<vmem>> -> memref<1x4096x8xf32, #tpu.memory_space<vmem>>
    %dma_start3A_1710 = tpu.memref_squeeze %dma_start3A_1709 : memref<1x4096x8xf32, #tpu.memory_space<vmem>> -> memref<4096x8xf32, #tpu.memory_space<vmem>>
    %dma_start3A_1711 = tpu.memref_slice %arg2[%add3A_1689, %mul3A_1700] : memref<1769472x16xf32, #tpu.memory_space<hbm>> -> memref<4096x8xf32, #tpu.memory_space<hbm>>
    tpu.enqueue_dma source(%dma_start3A_1711 : memref<4096x8xf32, #tpu.memory_space<hbm>>) target(%dma_start3A_1710 : memref<4096x8xf32, #tpu.memory_space<vmem>>) target_semaphore(%arg11 : memref<!tpu.dma_semaphore, #tpu.memory_space<semaphore_mem>>)
    %dma_wait3A_1712 = arith.constant 1 : i32
    %dma_wait3A_1713 = arith.constant 0 : i32
    %dma_wait3A_1714 = tpu.memref_slice %arg6[%dma_wait3A_1712, %dma_wait3A_1713] : memref<2x4096xi32, #tpu.memory_space<vmem>> -> memref<1x4096xi32, #tpu.memory_space<vmem>>
    %dma_wait3A_1715 = tpu.memref_squeeze %dma_wait3A_1714 : memref<1x4096xi32, #tpu.memory_space<vmem>> -> memref<4096xi32, #tpu.memory_space<vmem>>
    %dma_wait3A_1716 = tpu.memref_slice %arg3[%add3A_1689] : memref<1769472xi32, #tpu.memory_space<hbm>> -> memref<4096xi32, #tpu.memory_space<hbm>>
    %dma_wait3A_1717 = arith.constant 0 : i32
    %dma_wait3A_1718 = tpu.memref_slice %arg6[%dma_wait3A_1712, %dma_wait3A_1717] : memref<2x4096xi32, #tpu.memory_space<vmem>> -> memref<1x4096xi32, #tpu.memory_space<vmem>>
    %dma_wait3A_1719 = tpu.memref_squeeze %dma_wait3A_1718 : memref<1x4096xi32, #tpu.memory_space<vmem>> -> memref<4096xi32, #tpu.memory_space<vmem>>
    %dma_wait3A_1720 = tpu.memref_slice %arg3[%add3A_1689] : memref<1769472xi32, #tpu.memory_space<hbm>> -> memref<4096xi32, #tpu.memory_space<hbm>>
    tpu.wait_dma2 semaphore(%arg9 : memref<!tpu.dma_semaphore, #tpu.memory_space<semaphore_mem>>) src(%dma_wait3A_1720 : memref<4096xi32, #tpu.memory_space<hbm>>) dst(%dma_wait3A_1719 : memref<4096xi32, #tpu.memory_space<vmem>>)
    %dma_wait3A_1721 = arith.constant 1 : i32
    %dma_wait3A_1722 = arith.constant 0 : i32
    %dma_wait3A_1723 = arith.constant 0 : i32
    %dma_wait3A_1724 = tpu.memref_slice %arg7[%dma_wait3A_1721, %dma_wait3A_1722, %dma_wait3A_1723] : memref<2x4096x8xf32, #tpu.memory_space<vmem>> -> memref<1x4096x8xf32, #tpu.memory_space<vmem>>
    %dma_wait3A_1725 = tpu.memref_squeeze %dma_wait3A_1724 : memref<1x4096x8xf32, #tpu.memory_space<vmem>> -> memref<4096x8xf32, #tpu.memory_space<vmem>>
    %dma_wait3A_1726 = tpu.memref_slice %arg2[%add3A_1689, %mul3A_1700] : memref<1769472x16xf32, #tpu.memory_space<hbm>> -> memref<4096x8xf32, #tpu.memory_space<hbm>>
    %dma_wait3A_1727 = arith.constant 0 : i32
    %dma_wait3A_1728 = arith.constant 0 : i32
    %dma_wait3A_1729 = tpu.memref_slice %arg7[%dma_wait3A_1721, %dma_wait3A_1727, %dma_wait3A_1728] : memref<2x4096x8xf32, #tpu.memory_space<vmem>> -> memref<1x4096x8xf32, #tpu.memory_space<vmem>>
    %dma_wait3A_1730 = tpu.memref_squeeze %dma_wait3A_1729 : memref<1x4096x8xf32, #tpu.memory_space<vmem>> -> memref<4096x8xf32, #tpu.memory_space<vmem>>
    %dma_wait3A_1731 = tpu.memref_slice %arg2[%add3A_1689, %mul3A_1700] : memref<1769472x16xf32, #tpu.memory_space<hbm>> -> memref<4096x8xf32, #tpu.memory_space<hbm>>
    tpu.wait_dma2 semaphore(%arg11 : memref<!tpu.dma_semaphore, #tpu.memory_space<semaphore_mem>>) src(%dma_wait3A_1731 : memref<4096x8xf32, #tpu.memory_space<hbm>>) dst(%dma_wait3A_1730 : memref<4096x8xf32, #tpu.memory_space<vmem>>)
    %dma_start3A_1732 = arith.constant 1 : i32
    %dma_start3A_1733 = arith.constant 1 : i32
    %dma_start3A_1734 = arith.constant 0 : i32
    %dma_start3A_1735 = arith.constant 0 : i32
    %dma_start3A_1736 = tpu.memref_slice %arg7[%dma_start3A_1732, %dma_start3A_1734, %dma_start3A_1735] : memref<2x4096x8xf32, #tpu.memory_space<vmem>> -> memref<1x4096x8xf32, #tpu.memory_space<vmem>>
    %dma_start3A_1737 = tpu.memref_squeeze %dma_start3A_1736 : memref<1x4096x8xf32, #tpu.memory_space<vmem>> -> memref<4096x8xf32, #tpu.memory_space<vmem>>
    %dma_start3A_1738 = arith.constant 0 : i32
    %dma_start3A_1739 = tpu.memref_slice %arg6[%dma_start3A_1733, %dma_start3A_1738] : memref<2x4096xi32, #tpu.memory_space<vmem>> -> memref<1x4096xi32, #tpu.memory_space<vmem>>
    %dma_start3A_1740 = tpu.memref_squeeze %dma_start3A_1739 : memref<1x4096xi32, #tpu.memory_space<vmem>> -> memref<4096xi32, #tpu.memory_space<vmem>>
    %dma_start3A_1741 = arith.constant 0 : i32
    %dma_start3A_1742 = arith.constant 0 : i32
    %dma_start3A_1743 = tpu.memref_slice %arg14[%dma_start3A_1741, %dma_start3A_1742] : memref<65536x8xf32, #tpu.memory_space<vmem_shared>> -> memref<65536x8xf32, #tpu.memory_space<vmem_shared>>
    tpu.enqueue_indirect_dma source(%dma_start3A_1737 : memref<4096x8xf32, #tpu.memory_space<vmem>>) target(%dma_start3A_1743 : memref<65536x8xf32, #tpu.memory_space<vmem_shared>>) offsets(%dma_start3A_1740 : memref<4096xi32, #tpu.memory_space<vmem>>) semaphore(%arg13 : memref<!tpu.dma_semaphore, #tpu.memory_space<semaphore_mem>>) {add = true}
    %dma_wait3A_1744 = arith.constant 0 : i32
    %dma_wait3A_1745 = arith.constant 0 : i32
    %dma_wait3A_1746 = arith.constant 0 : i32
    %dma_wait3A_1747 = arith.constant 0 : i32
    %dma_wait3A_1748 = tpu.memref_slice %arg7[%dma_wait3A_1744, %dma_wait3A_1746, %dma_wait3A_1747] : memref<2x4096x8xf32, #tpu.memory_space<vmem>> -> memref<1x4096x8xf32, #tpu.memory_space<vmem>>
    %dma_wait3A_1749 = tpu.memref_squeeze %dma_wait3A_1748 : memref<1x4096x8xf32, #tpu.memory_space<vmem>> -> memref<4096x8xf32, #tpu.memory_space<vmem>>
    %dma_wait3A_1750 = arith.constant 0 : i32
    %dma_wait3A_1751 = tpu.memref_slice %arg6[%dma_wait3A_1745, %dma_wait3A_1750] : memref<2x4096xi32, #tpu.memory_space<vmem>> -> memref<1x4096xi32, #tpu.memory_space<vmem>>
    %dma_wait3A_1752 = tpu.memref_squeeze %dma_wait3A_1751 : memref<1x4096xi32, #tpu.memory_space<vmem>> -> memref<4096xi32, #tpu.memory_space<vmem>>
    %dma_wait3A_1753 = arith.constant 0 : i32
    %dma_wait3A_1754 = arith.constant 0 : i32
    %dma_wait3A_1755 = tpu.memref_slice %arg14[%dma_wait3A_1753, %dma_wait3A_1754] : memref<65536x8xf32, #tpu.memory_space<vmem_shared>> -> memref<65536x8xf32, #tpu.memory_space<vmem_shared>>
    tpu.wait_indirect_dma semaphore(%arg12 : memref<!tpu.dma_semaphore, #tpu.memory_space<semaphore_mem>>) src(%dma_wait3A_1749 : memref<4096x8xf32, #tpu.memory_space<vmem>>) dst(%dma_wait3A_1755 : memref<65536x8xf32, #tpu.memory_space<vmem_shared>>)
    %add3A_1756 = arith.constant 106496 : i32
    %add3A_1757 = arith.addi %mul3A_2, %add3A_1756 : i32
    %dma_start3A_1758 = arith.constant 0 : i32
    %dma_start3A_1759 = arith.constant 0 : i32
    %dma_start3A_1760 = tpu.memref_slice %arg6[%dma_start3A_1758, %dma_start3A_1759] : memref<2x4096xi32, #tpu.memory_space<vmem>> -> memref<1x4096xi32, #tpu.memory_space<vmem>>
    %dma_start3A_1761 = tpu.memref_squeeze %dma_start3A_1760 : memref<1x4096xi32, #tpu.memory_space<vmem>> -> memref<4096xi32, #tpu.memory_space<vmem>>
    %dma_start3A_1762 = tpu.memref_slice %arg3[%add3A_1757] : memref<1769472xi32, #tpu.memory_space<hbm>> -> memref<4096xi32, #tpu.memory_space<hbm>>
    %dma_start3A_1763 = arith.constant 0 : i32
    %dma_start3A_1764 = tpu.memref_slice %arg6[%dma_start3A_1758, %dma_start3A_1763] : memref<2x4096xi32, #tpu.memory_space<vmem>> -> memref<1x4096xi32, #tpu.memory_space<vmem>>
    %dma_start3A_1765 = tpu.memref_squeeze %dma_start3A_1764 : memref<1x4096xi32, #tpu.memory_space<vmem>> -> memref<4096xi32, #tpu.memory_space<vmem>>
    %dma_start3A_1766 = tpu.memref_slice %arg3[%add3A_1757] : memref<1769472xi32, #tpu.memory_space<hbm>> -> memref<4096xi32, #tpu.memory_space<hbm>>
    tpu.enqueue_dma source(%dma_start3A_1766 : memref<4096xi32, #tpu.memory_space<hbm>>) target(%dma_start3A_1765 : memref<4096xi32, #tpu.memory_space<vmem>>) target_semaphore(%arg8 : memref<!tpu.dma_semaphore, #tpu.memory_space<semaphore_mem>>)
    %mul3A_1767 = arith.constant 8 : i32
    %mul3A_1768 = arith.muli %arg0, %mul3A_1767 : i32
    %dma_start3A_1769 = arith.constant 0 : i32
    %dma_start3A_1770 = arith.constant 0 : i32
    %dma_start3A_1771 = arith.constant 0 : i32
    %dma_start3A_1772 = tpu.memref_slice %arg7[%dma_start3A_1769, %dma_start3A_1770, %dma_start3A_1771] : memref<2x4096x8xf32, #tpu.memory_space<vmem>> -> memref<1x4096x8xf32, #tpu.memory_space<vmem>>
    %dma_start3A_1773 = tpu.memref_squeeze %dma_start3A_1772 : memref<1x4096x8xf32, #tpu.memory_space<vmem>> -> memref<4096x8xf32, #tpu.memory_space<vmem>>
    %dma_start3A_1774 = tpu.memref_slice %arg2[%add3A_1757, %mul3A_1768] : memref<1769472x16xf32, #tpu.memory_space<hbm>> -> memref<4096x8xf32, #tpu.memory_space<hbm>>
    %dma_start3A_1775 = arith.constant 0 : i32
    %dma_start3A_1776 = arith.constant 0 : i32
    %dma_start3A_1777 = tpu.memref_slice %arg7[%dma_start3A_1769, %dma_start3A_1775, %dma_start3A_1776] : memref<2x4096x8xf32, #tpu.memory_space<vmem>> -> memref<1x4096x8xf32, #tpu.memory_space<vmem>>
    %dma_start3A_1778 = tpu.memref_squeeze %dma_start3A_1777 : memref<1x4096x8xf32, #tpu.memory_space<vmem>> -> memref<4096x8xf32, #tpu.memory_space<vmem>>
    %dma_start3A_1779 = tpu.memref_slice %arg2[%add3A_1757, %mul3A_1768] : memref<1769472x16xf32, #tpu.memory_space<hbm>> -> memref<4096x8xf32, #tpu.memory_space<hbm>>
    tpu.enqueue_dma source(%dma_start3A_1779 : memref<4096x8xf32, #tpu.memory_space<hbm>>) target(%dma_start3A_1778 : memref<4096x8xf32, #tpu.memory_space<vmem>>) target_semaphore(%arg10 : memref<!tpu.dma_semaphore, #tpu.memory_space<semaphore_mem>>)
    %dma_wait3A_1780 = arith.constant 0 : i32
    %dma_wait3A_1781 = arith.constant 0 : i32
    %dma_wait3A_1782 = tpu.memref_slice %arg6[%dma_wait3A_1780, %dma_wait3A_1781] : memref<2x4096xi32, #tpu.memory_space<vmem>> -> memref<1x4096xi32, #tpu.memory_space<vmem>>
    %dma_wait3A_1783 = tpu.memref_squeeze %dma_wait3A_1782 : memref<1x4096xi32, #tpu.memory_space<vmem>> -> memref<4096xi32, #tpu.memory_space<vmem>>
    %dma_wait3A_1784 = tpu.memref_slice %arg3[%add3A_1757] : memref<1769472xi32, #tpu.memory_space<hbm>> -> memref<4096xi32, #tpu.memory_space<hbm>>
    %dma_wait3A_1785 = arith.constant 0 : i32
    %dma_wait3A_1786 = tpu.memref_slice %arg6[%dma_wait3A_1780, %dma_wait3A_1785] : memref<2x4096xi32, #tpu.memory_space<vmem>> -> memref<1x4096xi32, #tpu.memory_space<vmem>>
    %dma_wait3A_1787 = tpu.memref_squeeze %dma_wait3A_1786 : memref<1x4096xi32, #tpu.memory_space<vmem>> -> memref<4096xi32, #tpu.memory_space<vmem>>
    %dma_wait3A_1788 = tpu.memref_slice %arg3[%add3A_1757] : memref<1769472xi32, #tpu.memory_space<hbm>> -> memref<4096xi32, #tpu.memory_space<hbm>>
    tpu.wait_dma2 semaphore(%arg8 : memref<!tpu.dma_semaphore, #tpu.memory_space<semaphore_mem>>) src(%dma_wait3A_1788 : memref<4096xi32, #tpu.memory_space<hbm>>) dst(%dma_wait3A_1787 : memref<4096xi32, #tpu.memory_space<vmem>>)
    %dma_wait3A_1789 = arith.constant 0 : i32
    %dma_wait3A_1790 = arith.constant 0 : i32
    %dma_wait3A_1791 = arith.constant 0 : i32
    %dma_wait3A_1792 = tpu.memref_slice %arg7[%dma_wait3A_1789, %dma_wait3A_1790, %dma_wait3A_1791] : memref<2x4096x8xf32, #tpu.memory_space<vmem>> -> memref<1x4096x8xf32, #tpu.memory_space<vmem>>
    %dma_wait3A_1793 = tpu.memref_squeeze %dma_wait3A_1792 : memref<1x4096x8xf32, #tpu.memory_space<vmem>> -> memref<4096x8xf32, #tpu.memory_space<vmem>>
    %dma_wait3A_1794 = tpu.memref_slice %arg2[%add3A_1757, %mul3A_1768] : memref<1769472x16xf32, #tpu.memory_space<hbm>> -> memref<4096x8xf32, #tpu.memory_space<hbm>>
    %dma_wait3A_1795 = arith.constant 0 : i32
    %dma_wait3A_1796 = arith.constant 0 : i32
    %dma_wait3A_1797 = tpu.memref_slice %arg7[%dma_wait3A_1789, %dma_wait3A_1795, %dma_wait3A_1796] : memref<2x4096x8xf32, #tpu.memory_space<vmem>> -> memref<1x4096x8xf32, #tpu.memory_space<vmem>>
    %dma_wait3A_1798 = tpu.memref_squeeze %dma_wait3A_1797 : memref<1x4096x8xf32, #tpu.memory_space<vmem>> -> memref<4096x8xf32, #tpu.memory_space<vmem>>
    %dma_wait3A_1799 = tpu.memref_slice %arg2[%add3A_1757, %mul3A_1768] : memref<1769472x16xf32, #tpu.memory_space<hbm>> -> memref<4096x8xf32, #tpu.memory_space<hbm>>
    tpu.wait_dma2 semaphore(%arg10 : memref<!tpu.dma_semaphore, #tpu.memory_space<semaphore_mem>>) src(%dma_wait3A_1799 : memref<4096x8xf32, #tpu.memory_space<hbm>>) dst(%dma_wait3A_1798 : memref<4096x8xf32, #tpu.memory_space<vmem>>)
    %dma_start3A_1800 = arith.constant 0 : i32
    %dma_start3A_1801 = arith.constant 0 : i32
    %dma_start3A_1802 = arith.constant 0 : i32
    %dma_start3A_1803 = arith.constant 0 : i32
    %dma_start3A_1804 = tpu.memref_slice %arg7[%dma_start3A_1800, %dma_start3A_1802, %dma_start3A_1803] : memref<2x4096x8xf32, #tpu.memory_space<vmem>> -> memref<1x4096x8xf32, #tpu.memory_space<vmem>>
    %dma_start3A_1805 = tpu.memref_squeeze %dma_start3A_1804 : memref<1x4096x8xf32, #tpu.memory_space<vmem>> -> memref<4096x8xf32, #tpu.memory_space<vmem>>
    %dma_start3A_1806 = arith.constant 0 : i32
    %dma_start3A_1807 = tpu.memref_slice %arg6[%dma_start3A_1801, %dma_start3A_1806] : memref<2x4096xi32, #tpu.memory_space<vmem>> -> memref<1x4096xi32, #tpu.memory_space<vmem>>
    %dma_start3A_1808 = tpu.memref_squeeze %dma_start3A_1807 : memref<1x4096xi32, #tpu.memory_space<vmem>> -> memref<4096xi32, #tpu.memory_space<vmem>>
    %dma_start3A_1809 = arith.constant 0 : i32
    %dma_start3A_1810 = arith.constant 0 : i32
    %dma_start3A_1811 = tpu.memref_slice %arg14[%dma_start3A_1809, %dma_start3A_1810] : memref<65536x8xf32, #tpu.memory_space<vmem_shared>> -> memref<65536x8xf32, #tpu.memory_space<vmem_shared>>
    tpu.enqueue_indirect_dma source(%dma_start3A_1805 : memref<4096x8xf32, #tpu.memory_space<vmem>>) target(%dma_start3A_1811 : memref<65536x8xf32, #tpu.memory_space<vmem_shared>>) offsets(%dma_start3A_1808 : memref<4096xi32, #tpu.memory_space<vmem>>) semaphore(%arg12 : memref<!tpu.dma_semaphore, #tpu.memory_space<semaphore_mem>>) {add = true}
    %dma_wait3A_1812 = arith.constant 1 : i32
    %dma_wait3A_1813 = arith.constant 1 : i32
    %dma_wait3A_1814 = arith.constant 0 : i32
    %dma_wait3A_1815 = arith.constant 0 : i32
    %dma_wait3A_1816 = tpu.memref_slice %arg7[%dma_wait3A_1812, %dma_wait3A_1814, %dma_wait3A_1815] : memref<2x4096x8xf32, #tpu.memory_space<vmem>> -> memref<1x4096x8xf32, #tpu.memory_space<vmem>>
    %dma_wait3A_1817 = tpu.memref_squeeze %dma_wait3A_1816 : memref<1x4096x8xf32, #tpu.memory_space<vmem>> -> memref<4096x8xf32, #tpu.memory_space<vmem>>
    %dma_wait3A_1818 = arith.constant 0 : i32
    %dma_wait3A_1819 = tpu.memref_slice %arg6[%dma_wait3A_1813, %dma_wait3A_1818] : memref<2x4096xi32, #tpu.memory_space<vmem>> -> memref<1x4096xi32, #tpu.memory_space<vmem>>
    %dma_wait3A_1820 = tpu.memref_squeeze %dma_wait3A_1819 : memref<1x4096xi32, #tpu.memory_space<vmem>> -> memref<4096xi32, #tpu.memory_space<vmem>>
    %dma_wait3A_1821 = arith.constant 0 : i32
    %dma_wait3A_1822 = arith.constant 0 : i32
    %dma_wait3A_1823 = tpu.memref_slice %arg14[%dma_wait3A_1821, %dma_wait3A_1822] : memref<65536x8xf32, #tpu.memory_space<vmem_shared>> -> memref<65536x8xf32, #tpu.memory_space<vmem_shared>>
    tpu.wait_indirect_dma semaphore(%arg13 : memref<!tpu.dma_semaphore, #tpu.memory_space<semaphore_mem>>) src(%dma_wait3A_1817 : memref<4096x8xf32, #tpu.memory_space<vmem>>) dst(%dma_wait3A_1823 : memref<65536x8xf32, #tpu.memory_space<vmem_shared>>)
    %dma_wait3A_1824 = arith.constant 0 : i32
    %dma_wait3A_1825 = arith.constant 0 : i32
    %dma_wait3A_1826 = arith.constant 0 : i32
    %dma_wait3A_1827 = arith.constant 0 : i32
    %dma_wait3A_1828 = tpu.memref_slice %arg7[%dma_wait3A_1824, %dma_wait3A_1826, %dma_wait3A_1827] : memref<2x4096x8xf32, #tpu.memory_space<vmem>> -> memref<1x4096x8xf32, #tpu.memory_space<vmem>>
    %dma_wait3A_1829 = tpu.memref_squeeze %dma_wait3A_1828 : memref<1x4096x8xf32, #tpu.memory_space<vmem>> -> memref<4096x8xf32, #tpu.memory_space<vmem>>
    %dma_wait3A_1830 = arith.constant 0 : i32
    %dma_wait3A_1831 = tpu.memref_slice %arg6[%dma_wait3A_1825, %dma_wait3A_1830] : memref<2x4096xi32, #tpu.memory_space<vmem>> -> memref<1x4096xi32, #tpu.memory_space<vmem>>
    %dma_wait3A_1832 = tpu.memref_squeeze %dma_wait3A_1831 : memref<1x4096xi32, #tpu.memory_space<vmem>> -> memref<4096xi32, #tpu.memory_space<vmem>>
    %dma_wait3A_1833 = arith.constant 0 : i32
    %dma_wait3A_1834 = arith.constant 0 : i32
    %dma_wait3A_1835 = tpu.memref_slice %arg14[%dma_wait3A_1833, %dma_wait3A_1834] : memref<65536x8xf32, #tpu.memory_space<vmem_shared>> -> memref<65536x8xf32, #tpu.memory_space<vmem_shared>>
    tpu.wait_indirect_dma semaphore(%arg12 : memref<!tpu.dma_semaphore, #tpu.memory_space<semaphore_mem>>) src(%dma_wait3A_1829 : memref<4096x8xf32, #tpu.memory_space<vmem>>) dst(%dma_wait3A_1835 : memref<65536x8xf32, #tpu.memory_space<vmem_shared>>)
    %barrier3A_1836 = arith.constant 0 : index
    tpu.barrier barrier_id(%barrier3A_1836)
    %mul3A_1837 = arith.constant 4096 : i32
    %mul3A_1838 = arith.muli %arg1, %mul3A_1837 : i32
    "tpu.region"() ({
      %run_scoped3A = tpu.sem_alloc : memref<!tpu.dma_semaphore, #tpu.memory_space<semaphore_mem>>
      %dma_start3A_1839 = arith.constant 0 : i32
      %dma_start3A_1840 = tpu.memref_slice %arg5[%arg0, %mul3A_1838, %dma_start3A_1839] : memref<2x65536x8xf32, #tpu.memory_space<hbm>> -> memref<1x4096x8xf32, #tpu.memory_space<hbm>>
      %dma_start3A_1841 = tpu.memref_squeeze %dma_start3A_1840 : memref<1x4096x8xf32, #tpu.memory_space<hbm>> -> memref<4096x8xf32, #tpu.memory_space<hbm>>
      %dma_start3A_1842 = arith.constant 0 : i32
      %dma_start3A_1843 = tpu.memref_slice %arg14[%mul3A_1838, %dma_start3A_1842] : memref<65536x8xf32, #tpu.memory_space<vmem_shared>> -> memref<4096x8xf32, #tpu.memory_space<vmem_shared>>
      tpu.enqueue_dma source(%dma_start3A_1843 : memref<4096x8xf32, #tpu.memory_space<vmem_shared>>) target(%dma_start3A_1841 : memref<4096x8xf32, #tpu.memory_space<hbm>>) target_semaphore(%run_scoped3A : memref<!tpu.dma_semaphore, #tpu.memory_space<semaphore_mem>>)
      %dma_wait3A_1844 = arith.constant 0 : i32
      %dma_wait3A_1845 = tpu.memref_slice %arg5[%arg0, %mul3A_1838, %dma_wait3A_1844] : memref<2x65536x8xf32, #tpu.memory_space<hbm>> -> memref<1x4096x8xf32, #tpu.memory_space<hbm>>
      %dma_wait3A_1846 = tpu.memref_squeeze %dma_wait3A_1845 : memref<1x4096x8xf32, #tpu.memory_space<hbm>> -> memref<4096x8xf32, #tpu.memory_space<hbm>>
      %dma_wait3A_1847 = arith.constant 0 : i32
      %dma_wait3A_1848 = tpu.memref_slice %arg14[%mul3A_1838, %dma_wait3A_1847] : memref<65536x8xf32, #tpu.memory_space<vmem_shared>> -> memref<4096x8xf32, #tpu.memory_space<vmem_shared>>
      tpu.wait_dma2 semaphore(%run_scoped3A : memref<!tpu.dma_semaphore, #tpu.memory_space<semaphore_mem>>) src(%dma_wait3A_1848 : memref<4096x8xf32, #tpu.memory_space<vmem_shared>>) dst(%dma_wait3A_1846 : memref<4096x8xf32, #tpu.memory_space<hbm>>)
      tpu.yield
    }) : () -> ()
    return
  }
}

</mosaic_0001>

<sc_bundles>
// kernel: kernel.3.cloned.1.call-start
scs
__scs_entry_jumppad:
0x0: {  	(pc) =	sbr.rel $0x88, $3  }
0x1: {  	(tag) =	ssettag $0x0;
	lr =	simm.s32 $0x1  }
0x2: {  	[smem:$0x3F9F] =	sst lr;
	_ =	strace $0xD0000000  }
0x3: {  	_ = 	snop  }
0x4: {  	_ = 	snop  }
0x5: {  	_ = 	snop  }
0x6: {  	_ = 	snop  }
0x7: {  	_ = 	snop  }
__scs_overlays_trampoline_lowered:
0x8: {  	[smem:$0x3FAE] =	sst s0  }
0x9: {  	[smem:$0x3FAF] =	sst s1  }
0xa: {  	[smem:$0x3FB0] =	sst s2  }
0xb: {  	[smem:$0x3FB1] =	sst s3  }
0xc: {  	[smem:$0x3FB2] =	sst s4  }
0xd: {  	[smem:$0x3FB3] =	sst s5  }
0xe: {  	[smem:$0x3FB4] =	sst s6  }
0xf: {  	[smem:$0x3FB5] =	sst s7  }
0x10: {  	[smem:$0x3FB6] =	sst s8  }
0x11: {  	[smem:$0x3FB7] =	sst s9;
	s0 =	simm.s32 @!p0 $0x0  }
0x12: {  	s1 =	sld [smem:$0x3F9D];
	s0 =	simm.s32 @p0 $0x1  }
0x13: {  	[smem:$0x3FB8] =	sst s0;
	s0 =	simm.s32 @!p1 $0x0  }
0x14: {  	s2 =	sld [smem:$0x3F9C];
	s0 =	simm.s32 @p1 $0x1  }
0x15: {  	[smem:$0x3FB9] =	sst s0;
	s0 =	simm.s32 @!p2 $0x0  }
0x16: {  	s3 =	sld [smem:$0x3FDB];
	s0 =	simm.s32 @p2 $0x1  }
0x17: {  	s4 =	simm.s32 $0x1BF5;
	[smem:$0x3FBB] =	sst s0  }
0x18: {  	s0 =	sld [smem:$0x3F9E];
	_ =	swait.ge [sflag:s4], $0x0  }
0x19: {  	s7 =	sld [smem:$0x3F9F]  }
0x1a: {  	s8 =	sadd.s32 $0xFFFFE003, lr  }
0x1b: {  	s9 =	sadd.s32 $0xFFFFFEF7, lr;
	s5 =	simm.s32 $0xFFFFFFFF;
	p2 =	slt.u32 s8, $0xFFFFF086  }
0x1c: {  	p1 =	slt.u32 s9, $0xF7A;
	s5 =	simm.s32 @!p2 $0x0  }
0x1d: {  	s5 =	simm.s32 @p1 $0x1;
	p0 =	seq.s32 s7, s2  }
0x1e: {  	s7 =	smul.u32 @!p0 $0xF7A, s2;
	p2 =	seq.s32 @!p0 s5, $0x0  }
0x1f: {  	s9 =	smul.u32 $0xF7A, s1;
	s8 =	simm.s32 @!p0 $0x1BF5;
	p2 =	por !p2, p0  }
0x20: {  	[sflag:s8] =	ssyncset.s32 @!p0 $0xFFFFF086;
	s6 =	sadd.s32 @!p0 s3, s7;
	s7 =	simm.s32 @!p0 $0x108  }
0x21: {  	s3 =	sadd.s32 s3, s9;
	s6 =	sadd.s32 @!p0 $0x88, s6;
	s7 =	simm.s32 @p2 $0x1082  }
0x22: {  	[simem:s7], [sflag:s8] =	dma.local @!p0 [hbm:s6], $0xF7A  }
0x23: {  	s9 =	sor.u32 $0xD0000000, s2;
	s6 =	simm.s32 $0x108;
	_ =	swait.ge @!p0 [sflag:s8], $0x0  }
0x24: {  	s3 =	sadd.s32 $0x88, s3;
	s6 =	simm.s32 @!p1 $0x1082;
	[sflag:s4] =	ssyncset.s32 $0xFFFFF086  }
0x25: {  	[simem:s6], [sflag:s4] =	dma.local [hbm:s3], $0xF7A  }
0x26: {  	[smem:$0x3F9F] =	sst s1;
	(tag) =	ssettag s2;
	_ =	strace s9  }
0x27: {  	s1 =	sld [smem:$0x3FAF]  }
0x28: {  	s2 =	sld [smem:$0x3FB0]  }
0x29: {  	s4 =	sld [smem:$0x3FB2]  }
0x2a: {  	p0 =	seq.s32 s5, $0x0;
	s5 =	sld [smem:$0x3FB3]  }
0x2b: {  	s6 =	sld [smem:$0x3FB4]  }
0x2c: {  	s7 =	sld [smem:$0x3FB5]  }
0x2d: {  	s3 =	simm.s32 $0x108;
	s8 =	sld [smem:$0x3FB6]  }
0x2e: {  	s3 =	simm.s32 @!p0 $0x1082;
	s9 =	sld [smem:$0x3FB7]  }
0x2f: {  	lr =	sadd.s32 s0, s3;
	s0 =	sld [smem:$0x3FAE]  }
0x30: {  	s3 =	sld [smem:$0x3FB1]  }
0x31: {  	[smem:$0x3FBA] =	sst s10  }
0x32: {  	s10 =	sld [smem:$0x3FB8];
	_ =	sdelay $0x3  }
0x33: {  	p0 =	seq.s32 s10, $0x1;
	s10 =	sld [smem:$0x3FBA];
	_ =	sdelay $0x3  }
0x34: {  	[smem:$0x3FBA] =	sst s10  }
0x35: {  	s10 =	sld [smem:$0x3FB9];
	_ =	sdelay $0x3  }
0x36: {  	p1 =	seq.s32 s10, $0x1;
	s10 =	sld [smem:$0x3FBA];
	_ =	sdelay $0x3  }
0x37: {  	[smem:$0x3FBA] =	sst s10  }
0x38: {  	s10 =	sld [smem:$0x3FBB]  }
0x39: {  	_ = 	snop;
	(pc) =	sbr.ind lr, $3  }
0x3a: {  	_ = 	snop  }
0x3b: {  	_ = 	snop  }
0x3c: {  	p2 =	seq.s32 s10, $0x1;
	s10 =	sld [smem:$0x3FBA]  }
0x3d: {  	_ =	shalt  }
0x3e: {  	_ =	shalt  }
0x3f: {  	_ =	shalt  }
0x40: {  	_ =	shalt  }
0x41: {  	_ =	shalt  }
0x42: {  	_ =	shalt  }
0x43: {  	_ =	shalt  }
0x44: {  	_ =	shalt  }
0x45: {  	_ =	shalt  }
0x46: {  	_ =	shalt  }
0x47: {  	_ =	shalt  }
0x48: {  	_ =	shalt  }
0x49: {  	_ =	shalt  }
0x4a: {  	_ =	shalt  }
0x4b: {  	_ =	shalt  }
0x4c: {  	_ =	shalt  }
0x4d: {  	_ =	shalt  }
0x4e: {  	_ =	shalt  }
0x4f: {  	_ =	shalt  }
0x50: {  	_ =	shalt  }
0x51: {  	_ =	shalt  }
0x52: {  	_ =	shalt  }
0x53: {  	_ =	shalt  }
0x54: {  	_ =	shalt  }
0x55: {  	_ =	shalt  }
0x56: {  	_ =	shalt  }
0x57: {  	_ =	shalt  }
0x58: {  	_ =	shalt  }
0x59: {  	_ =	shalt  }
0x5a: {  	_ =	shalt  }
0x5b: {  	_ =	shalt  }
0x5c: {  	_ =	shalt  }
0x5d: {  	_ =	shalt  }
0x5e: {  	_ =	shalt  }
0x5f: {  	_ =	shalt  }
0x60: {  	_ =	shalt  }
0x61: {  	_ =	shalt  }
0x62: {  	_ =	shalt  }
0x63: {  	_ =	shalt  }
0x64: {  	_ =	shalt  }
0x65: {  	_ =	shalt  }
0x66: {  	_ =	shalt  }
0x67: {  	_ =	shalt  }
0x68: {  	_ =	shalt  }
0x69: {  	_ =	shalt  }
0x6a: {  	_ =	shalt  }
0x6b: {  	_ =	shalt  }
0x6c: {  	_ =	shalt  }
0x6d: {  	_ =	shalt  }
0x6e: {  	_ =	shalt  }
0x6f: {  	_ =	shalt  }
0x70: {  	_ =	shalt  }
0x71: {  	_ =	shalt  }
0x72: {  	_ =	shalt  }
0x73: {  	_ =	shalt  }
0x74: {  	_ =	shalt  }
0x75: {  	_ =	shalt  }
0x76: {  	_ =	shalt  }
0x77: {  	_ =	shalt  }
0x78: {  	_ =	shalt  }
0x79: {  	_ =	shalt  }
0x7a: {  	_ =	shalt  }
0x7b: {  	_ =	shalt  }
0x7c: {  	_ =	shalt  }
0x7d: {  	_ =	shalt  }
0x7e: {  	_ =	shalt  }
0x7f: {  	_ =	shalt  }
0x80: {  	_ =	shalt  }
0x81: {  	_ =	shalt  }
0x82: {  	_ =	shalt  }
0x83: {  	_ =	shalt  }
0x84: {  	_ =	shalt  }
0x85: {  	_ =	shalt  }
0x86: {  	_ =	shalt  }
0x87: {  	_ =	shalt  }
.Lfunc_end0:
.L_simem_size_0:
called_computation.1_lowered:
.L_overlay_start_0:
0x88: {  	s2 =	sld [smem:$0x3FD9]  }
0x89: {  	s3 =	sld [smem:$0x3FFE];
	_ =	sdelay $0x1  }
0x8a: {  	s1 =	srdreg.scid  }
0x8b: {  	s0 =	sand.u32 $0x1, s1  }
0x8c: {  	s17 =	sshll.u32 s0, $0xA;
	s2 =	sadd.s32 s3, s2  }
0x8d: {  	s2 =	sadd.s32 s2, s17  }
0x8e: {  	[smem:$0x3FC6] =	sst s2  }
0x8f: {  	_ = 	snop  }
0x90: {  	s2 =	sld [smem:$0x3FD0];
	(tm) =	ssettm $0x1  }
0x91: {  	s18 =	sld [smem:$0x3FFB];
	_ =	sdelay $0x3  }
0x92: {  	_ =	strace s18  }
0x93: {  	s3 =	sld [smem:$0x3FFC];
	_ =	sdelay $0x3  }
0x94: {  	_ =	strace s3  }
0x95: {  	s3 =	sld [smem:$0x3FFD];
	_ =	sdelay $0x3  }
0x96: {  	_ =	strace s3  }
0x97: {  	_ =	strace $0x8FFFFFFF  }
0x98: {  	s19 =	sld [smem:$0x3FDB];
	_ =	sdelay $0x1  }
0x99: {  	s4 =	simm.s32 $_scs_section_size  }
0x9a: {  	s5 =	simm.s32 $_size__tile_overlayer_lowered;
	s6 =	simm.s32 $_tile_overlayer_lowered  }
0x9b: {  	s22 =	simm.s32 $0x1BFF;
	s21 =	sshll.u32 s6, $0x1;
	s3 =	sadd.s32 s4, s19  }
0x9c: {  	s7 =	simm.s32 $0x0;
	s20 =	sshll.u32 s5, $0x1;
	s5 =	sadd.s32 s21, s3  }
0x9d: {  	[timem:s7], [sflag:s22] =	dma.local [hbm:s5], s20  }
0x9e: {  	_ =	swait.ge [sflag:s22], s20  }
0x9f: {  	s4 =	ssub.s32 $0x0, s20;
	[sflag:s22] =	ssyncset.done $0x0  }
0xa0: {  	[sflag:s22] =	ssyncadd.s32 s4;
	_ =	sdelay $0x1  }
0xa1: {  	s23 =	simm.s32 $0x1B8B  }
0xa2: {  	_ =	swait.ge [sflag:s23], $0x1  }
0xa3: {  	[sflag:s23] =	ssyncset.done $0x0  }
0xa4: {  	s25 =	simm.s32 $0x1B8E;
	s24 =	sld [smem:$0x3FFE];
	[sflag:s23] =	ssyncadd.s32 $0xFFFFFFFF  }
0xa5: {  	s26 =	simm.s32 $execute0_lowered;
	[smem:$0x3FD2] =	sst s25  }
0xa6: {  	s5 =	sshll.u32 s26, $0x1;
	_ =	strace $0x80000049;
	[dreg:$0x1] =	wrdreg $0xFFFFFFFF  }
0xa7: {  	s28 =	simm.s32 $_size_execute0_lowered;
	s3 =	sadd.s32 s3, s5;
	[dreg:$0x0] =	wrdreg $0x0  }
0xa8: {  	s5 =	sshll.u32 s28, $0x1;
	[dreg:$0x2] =	wrdreg s3  }
0xa9: {  	[dreg:$0x3] =	wrdreg s5  }
0xaa: {  	[dreg:$0x4] =	wrdreg $0xC0  }
0xab: {  	_ =	task [dreg:s7], $0x5FFFF  }
0xac: {  	[dreg:$0x1] =	wrdreg $0xFFFFFFFF  }
0xad: {  	[dreg:$0x0] =	wrdreg $0x60  }
0xae: {  	[dreg:$0x2] =	wrdreg s24  }
0xaf: {  	[dreg:$0x3] =	wrdreg s2  }
0xb0: {  	[dreg:$0x4] =	wrdreg $0x120000  }
0xb1: {  	[dreg:$0x5] =	wrdreg $0x9  }
0xb2: {  	_ =	task.clear_ibuf [dreg:s7], $0x6FFFF;
	_ =	strace $0x90000049  }
0xb3: {  	s29 =	simm.s32 $0x9;
	_ =	strace $0x8000004B  }
0xb4: {  	_ =	swait.ge [sflag:s29], $0x1  }
0xb5: {  	[sflag:s29] =	ssyncadd.s32 $0xFFFFFFFF  }
0xb6: {  	_ =	strace $0x9000004B  }
0xb7: {  	_ =	sfence  }
0xb8: {  	s30 =	sld [smem:$0x0];
	_ =	sdelay $0x2  }
0xb9: {  	s31 =	sshll.u32 s1, $0xD;
	s1 =	sshrl.u32 s1, $0x2  }
0xba: {  	s3 =	sand.u32 $0x4000, s31;
	s1 =	sadd.s32 s1, s30  }
0xbb: {  	s0 =	sor.u32 s3, s0;
	s1 =	sshll.u32 s1, $0x11  }
0xbc: {  	s0 =	sor.u32 s1, s0  }
0xbd: {  	s0 =	sadd.s32 $0x8F2B, s0  }
0xbe: {  	[sflag:s0] =	ssyncadd.remote.s32 $0x1  }
0xbf: {  	_ =	sfence.sel $0xFFFF  }
0xc0: {  	[dreg:$0x0] =	wrdreg $0xFFFFFFFF;
	(pc) =	sbr.abs _section_cstart, $3  }
0xc1: {  	[dreg:$0x1] =	wrdreg $0xFFFFFFFF  }
0xc2: {  	_ =	task.clear_ibuf [dreg:s7], $0x2FFFF;
	_ =	strace $0x9FFFFFFF  }
0xc3: {  	(tm) =	ssettm $0x7FFFFFFF  }
tec
execute0_lowered:
.L_overlay_start_1:
0x0: {  	(tag) =	ssettag $0x1  }
0x1: {  	s1 =	rddreg [dreg:$0x0]  }
0x2: {  	s0 =	rddreg [dreg:$0x1]  }
0x3: {  	s2 =	rddreg [dreg:$0x2];
	s3 =	simm.s32 $0x0;
	s4 =	srdreg.scid  }
0x4: {  	s13 =	stileid.u32;
	p0 =	por $0x0, $0x0;
	s28 =	simm.s32 $0x2  }
0x5: {  	[smem:$0x7FF] =	sst s3;
	s6 =	smul.u32 $0x1B000, s13;
	s5 =	sadd.s32 $0x1B00A00, s1  }
0x6: {  	s7 =	sand.u32 $0x1, s4;
	s10 =	smul.u32 $0x36000, s13;
	_ =	strace $0x8000004A  }
0x7: {  	s4 =	sadd.s32 s7, s1;
	s1 =	sadd.s32 $0xA00, s1;
	s8 =	sshrl.u32 s6, $0x3  }
0x8: {  	[dreg:$0x4] =	wrdreg s1;
	s9 =	sadd.s32 $0x1B36A00, s4;
	s16 =	sadd.s32 $0x1000, s6  }
0x9: {  	s18 =	sadd.s32 $0x2000, s6;
	s24 =	sadd.s32 $0x3000, s6;
	s26 =	sadd.s32 $0x4000, s6  }
0xa: {  	s14 =	sadd.s32 s5, s8;
	s15 =	sadd.s32 s10, s9;
	s17 =	sshrl.u32 s16, $0x3  }
0xb: {  	s4 =	sshll.u32 s16, $0x1;
	s20 =	sshrl.u32 s18, $0x3;
	s22 =	sshll.u32 s18, $0x1  }
0xc: {  	s25 =	sshrl.u32 s24, $0x3;
	s11 =	sshrl.u32 s26, $0x3;
	s16 =	sadd.s32 $0x5000, s6  }
0xd: {  	s18 =	sadd.s32 $0x6000, s6;
	s8 =	ssub.s32 $0x2, s7;
	[dreg:$0x5] =	wrdreg s14  }
0xe: {  	s7 =	sshll.u32 s7, $0x13;
	[dreg:$0x6] =	wrdreg s15;
	s1 =	sadd.s32 s5, s17  }
0xf: {  	s19 =	sadd.s32 s4, s9;
	s21 =	sadd.s32 s5, s20;
	s23 =	sadd.s32 s22, s9  }
0x10: {  	s4 =	sshll.u32 s24, $0x1;
	s12 =	sadd.s32 s5, s11;
	s14 =	sshll.u32 s26, $0x1  }
0x11: {  	s17 =	sshrl.u32 s16, $0x3;
	s20 =	sshrl.u32 s18, $0x3;
	[dreg:$0x7] =	wrdreg s1  }
0x12: {  	s22 =	sshll.u32 s18, $0x1;
	s24 =	sadd.s32 $0x7000, s6;
	[dreg:$0x8] =	wrdreg s19  }
0x13: {  	s26 =	sadd.s32 $0x8000, s6;
	s18 =	sadd.s32 $0xA000, s6;
	[dreg:$0x9] =	wrdreg s21  }
0x14: {  	[dreg:$0xa] =	wrdreg s23;
	s1 =	sadd.s32 s5, s25;
	s10 =	sadd.s32 s4, s9  }
0x15: {  	[dreg:$0xd] =	wrdreg s12;
	s15 =	sadd.s32 s14, s9;
	s4 =	sshll.u32 s16, $0x1  }
0x16: {  	s21 =	sadd.s32 s5, s20;
	s23 =	sadd.s32 s22, s9;
	s25 =	sshrl.u32 s24, $0x3  }
0x17: {  	s11 =	sshrl.u32 s26, $0x3;
	s14 =	sshll.u32 s26, $0x1;
	[dreg:$0xb] =	wrdreg s1  }
0x18: {  	s16 =	sadd.s32 $0x9000, s6;
	s20 =	sshrl.u32 s18, $0x3;
	[dreg:$0xc] =	wrdreg s10  }
0x19: {  	s22 =	sshll.u32 s18, $0x1;
	s26 =	sadd.s32 $0xC000, s6;
	[dreg:$0xe] =	wrdreg s15  }
0x1a: {  	s1 =	sadd.s32 s5, s17;
	s19 =	sadd.s32 s4, s9;
	[dreg:$0x11] =	wrdreg s21  }
0x1b: {  	[dreg:$0x12] =	wrdreg s23;
	s4 =	sshll.u32 s24, $0x1;
	s12 =	sadd.s32 s5, s11  }
0x1c: {  	s15 =	sadd.s32 s14, s9;
	s17 =	sshrl.u32 s16, $0x3;
	[dreg:$0xf] =	wrdreg s1  }
0x1d: {  	s21 =	sadd.s32 s5, s20;
	s23 =	sadd.s32 s22, s9;
	[dreg:$0x10] =	wrdreg s19  }
0x1e: {  	s24 =	sadd.s32 $0xB000, s6;
	s11 =	sshrl.u32 s26, $0x3;
	[dreg:$0x15] =	wrdreg s12  }
0x1f: {  	s14 =	sshll.u32 s26, $0x1;
	s26 =	sadd.s32 $0x10000, s6;
	[dreg:$0x16] =	wrdreg s15  }
0x20: {  	s1 =	sadd.s32 s5, s25;
	s10 =	sadd.s32 s4, s9;
	[dreg:$0x19] =	wrdreg s21  }
0x21: {  	s4 =	sshll.u32 s16, $0x1;
	[dreg:$0x1a] =	wrdreg s23;
	s25 =	sshrl.u32 s24, $0x3  }
0x22: {  	s12 =	sadd.s32 s5, s11;
	s15 =	sadd.s32 s14, s9;
	s16 =	sadd.s32 $0xD000, s6  }
0x23: {  	s11 =	sadd.s32 $0xE000, s6;
	s14 =	sshll.u32 s26, $0x1;
	[dreg:$0x13] =	wrdreg s1  }
0x24: {  	[dreg:$0x14] =	wrdreg s10;
	s1 =	sadd.s32 s5, s17;
	s19 =	sadd.s32 s4, s9  }
0x25: {  	s4 =	sshll.u32 s24, $0x1;
	[dreg:$0x1d] =	wrdreg s12;
	s17 =	sshrl.u32 s8, $0x1  }
0x26: {  	[dreg:$0x1e] =	wrdreg s15;
	s18 =	sshrl.u32 s16, $0x3;
	s20 =	sshrl.u32 s11, $0x3  }
0x27: {  	s22 =	sshll.u32 s11, $0x1;
	s24 =	sadd.s32 $0xF000, s6;
	[dreg:$0x17] =	wrdreg s1  }
0x28: {  	s11 =	sshrl.u32 s26, $0x3;
	s15 =	sadd.s32 s14, s9;
	[dreg:$0x18] =	wrdreg s19  }
0x29: {  	s26 =	sadd.s32 $0x14000, s6;
	s1 =	sadd.s32 s5, s25;
	[smem:$0x7F5] =	sst s15  }
0x2a: {  	s4 =	sadd.s32 s4, s9;
	s21 =	sadd.s32 s5, s20;
	[dreg:$0x1b] =	wrdreg s1  }
0x2b: {  	s23 =	sadd.s32 s22, s9;
	s10 =	ssub.s32 s8, s17;
	[dreg:$0x1c] =	wrdreg s4  }
0x2c: {  	s25 =	sshrl.u32 s24, $0x3;
	s12 =	sadd.s32 s5, s11;
	[smem:$0x7F0] =	sst s21  }
0x2d: {  	s8 =	sshll.u32 s13, $0xF;
	s14 =	sshrl.u32 s26, $0x3;
	[smem:$0x7F1] =	sst s23  }
0x2e: {  	s1 =	sadd.s32 s5, s18;
	s4 =	sshll.u32 s16, $0x1;
	[smem:$0x7F4] =	sst s12  }
0x2f: {  	s16 =	sadd.s32 $0x11000, s6;
	s18 =	sadd.s32 $0x12000, s6;
	s12 =	sadd.s32 s8, s2  }
0x30: {  	s15 =	sadd.s32 s5, s14;
	[dreg:$0x1f] =	wrdreg s1;
	s19 =	sadd.s32 s4, s9  }
0x31: {  	s1 =	sadd.s32 s5, s25;
	s4 =	sshll.u32 s24, $0x1;
	s17 =	sshrl.u32 s16, $0x3  }
0x32: {  	s20 =	sshrl.u32 s18, $0x3;
	s22 =	sshll.u32 s18, $0x1;
	[smem:$0x7FC] =	sst s15  }
0x33: {  	s24 =	sadd.s32 $0x13000, s6;
	s15 =	sadd.s32 $0x19000, s6;
	[smem:$0x7EF] =	sst s19  }
0x34: {  	[smem:$0x7F2] =	sst s1;
	s4 =	sadd.s32 s4, s9;
	s1 =	sadd.s32 s5, s17  }
0x35: {  	s21 =	sadd.s32 s5, s20;
	s23 =	sadd.s32 s22, s9;
	[smem:$0x7F3] =	sst s4  }
0x36: {  	s25 =	sshrl.u32 s24, $0x3;
	s17 =	sshll.u32 s13, $0x6;
	[smem:$0x7F6] =	sst s1  }
0x37: {  	s13 =	sadd.s32 $0x18000, s6;
	s4 =	sshll.u32 s16, $0x1;
	[smem:$0x7F8] =	sst s21  }
0x38: {  	[smem:$0x7F9] =	sst s23;
	s1 =	sadd.s32 s5, s25;
	s16 =	sshll.u32 s26, $0x1  }
0x39: {  	s21 =	sadd.s32 $0x16000, s6;
	s14 =	sshrl.u32 s13, $0x3;
	s19 =	sadd.s32 s4, s9  }
0x3a: {  	s4 =	sshll.u32 s24, $0x1;
	[smem:$0x7FA] =	sst s1;
	s18 =	sadd.s32 s16, s9  }
0x3b: {  	s22 =	sshrl.u32 s21, $0x3;
	s23 =	sshll.u32 s21, $0x1;
	s24 =	sadd.s32 $0x17000, s6  }
0x3c: {  	s16 =	sshrl.u32 s15, $0x3;
	[smem:$0x7F7] =	sst s19;
	s4 =	sadd.s32 s4, s9  }
0x3d: {  	[smem:$0x7FD] =	sst s18;
	s19 =	sadd.s32 $0x15000, s6;
	s26 =	sadd.s32 s5, s22  }
0x3e: {  	s29 =	sadd.s32 s23, s9;
	s25 =	sshrl.u32 s24, $0x3;
	s11 =	sshll.u32 s24, $0x1  }
0x3f: {  	s18 =	sadd.s32 $0x1A000, s6;
	[smem:$0x7FB] =	sst s4;
	s4 =	sor.u32 $0x1C07, s17  }
0x40: {  	s20 =	sshrl.u32 s19, $0x3;
	s1 =	sshll.u32 s19, $0x1;
	s22 =	sadd.s32 s5, s25  }
0x41: {  	s23 =	sadd.s32 s11, s9;
	s11 =	sadd.s32 s5, s16;
	s17 =	sshll.u32 s15, $0x1  }
0x42: {  	s19 =	sor.u32 s8, s7;
	s24 =	sshrl.u32 s18, $0x3;
	s25 =	smax.u32 s10, $0x1  }
0x43: {  	s7 =	sshrl.u32 s12, $0x3;
	s15 =	simm.s32 $0x8;
	s10 =	simm.s32 $0x2000  }
0x44: {  	s16 =	simm.s32 $0x1;
	s12 =	simm.s32 $0x3;
	s30 =	sadd.s32 s5, s20  }
0x45: {  	s31 =	sadd.s32 s1, s9;
	s1 =	sshll.u32 s13, $0x1;
	s20 =	sadd.s32 s5, s14  }
0x46: {  	s14 =	sadd.s32 s17, s9;
	s6 =	sshrl.u32 s19, $0x3;
	p1 =	sne.s32 s25, $0x1  }
.Ltmp0:
0x47: {  	s8 =	sadd.s32 s5, s24;
	s17 =	simm.s32 $0x10;
	(pc) =	sbr.rel @!p1 .LBB2_3-.Ltmp0, $4  }
0x48: {  	s24 =	simm.s32 $0xA000;
	s13 =	simm.s32 $0x5;
	s19 =	simm.s32 $0x6  }
0x49: {  	s21 =	sadd.s32 s1, s9;
	s1 =	sshll.u32 s18, $0x1;
	s5 =	sadd.s32 s0, s6  }
0x4a: {  	s6 =	simm.s32 $0x7;
	s0 =	sadd.s32 $0xFFFFFFFF, s25;
	s18 =	simm.s32 $0x1000  }
0x4b: {  	s25 =	simm.s32 $0x4;
	s9 =	sadd.s32 s1, s9;
	s1 =	rddreg [dreg:$0x4]  }
0x4c: {  	[spmem:s7], [sflag:s4] =	dma.local [hbm:s1], $0x1000  }
0x4d: {  	_ =	swait.ge [sflag:s6], $0x1000  }
0x4e: {  	[sflag:s6] =	ssyncset.done $0x0  }
0x4f: {  	[sflag:s6] =	ssyncadd.s32 $0xFFFFF000  }
0x50: {  	[bflag:$0x0] =	sbarrier.arrive $0xFFFF  }
0x51: {  	s1 =	rddreg [dreg:$0x5]  }
0x52: {  	[smem:$0x7EE] =	sst s0  }
0x53: {  	[tilespmem:s3], [sflag:$0x1] =	stream.linear.gather [hbm4b:s1+s3], $0x1000, $0x38;
	[tilespmem:$0x1A000] =	vst v63  }
0x54: {  	s0 =	rddreg [dreg:$0x6]  }
0x55: {  	[tilespmem:s10], [sflag:$0x3] =	stream.strided.gather [hbm4b:s0+s15], $0x8000, s17, s15, $0x38;
	[tilespmem:$0x1A000] =	vst v63  }
0x56: {  	_ =	swait.ge [sflag:s16], $0x1000  }
0x57: {  	[sflag:s16] =	ssyncset.done $0x0  }
0x58: {  	[sflag:s16] =	ssyncadd.s32 $0xFFFFF000  }
0x59: {  	_ =	swait.ge [sflag:s12], $0x8000  }
0x5a: {  	[sflag:s12] =	ssyncset.done $0x0  }
0x5b: {  	[sflag:s12] =	ssyncadd.s32 $0xFFFF8000  }
0x5c: {  	[spmem:s2] =	stream.indirect.scatter.add.f32 [tilespmem:s10], [sflag:$0x5], $0x8, s3, s18, $0xb8;
	[tilespmem:$0x1A000] =	vst v63  }
0x5d: {  	s0 =	rddreg [dreg:$0x7]  }
0x5e: {  	[tilespmem:s18], [sflag:$0x2] =	stream.linear.gather [hbm4b:s0+s3], $0x1000, $0x38;
	[tilespmem:$0x1A000] =	vst v63  }
0x5f: {  	s1 =	rddreg [dreg:$0x8]  }
0x60: {  	[tilespmem:s24], [sflag:$0x4] =	stream.strided.gather [hbm4b:s1+s15], $0x8000, s17, s15, $0x38;
	[tilespmem:$0x1A000] =	vst v63  }
0x61: {  	_ =	swait.ge [sflag:s28], $0x1000  }
0x62: {  	[sflag:s28] =	ssyncset.done $0x0  }
0x63: {  	[sflag:s28] =	ssyncadd.s32 $0xFFFFF000  }
0x64: {  	_ =	swait.ge [sflag:s25], $0x8000  }
0x65: {  	[sflag:s25] =	ssyncset.done $0x0  }
0x66: {  	[sflag:s25] =	ssyncadd.s32 $0xFFFF8000  }
0x67: {  	[spmem:s2] =	stream.indirect.scatter.add.f32 [tilespmem:s24], [sflag:$0x6], $0x8, s18, s18, $0xb8;
	[tilespmem:$0x1A000] =	vst v63  }
0x68: {  	_ =	swait.ge [sflag:s13], $0x8000  }
0x69: {  	[sflag:s13] =	ssyncset.done $0x0  }
0x6a: {  	s0 =	rddreg [dreg:$0x9];
	[sflag:s13] =	ssyncadd.s32 $0xFFFF8000  }
0x6b: {  	[tilespmem:s3], [sflag:$0x1] =	stream.linear.gather [hbm4b:s0+s3], $0x1000, $0x38;
	[tilespmem:$0x1A000] =	vst v63  }
0x6c: {  	s1 =	rddreg [dreg:$0xa]  }
0x6d: {  	[tilespmem:s10], [sflag:$0x3] =	stream.strided.gather [hbm4b:s1+s15], $0x8000, s17, s15, $0x38;
	[tilespmem:$0x1A000] =	vst v63  }
0x6e: {  	_ =	swait.ge [sflag:s16], $0x1000  }
0x6f: {  	[sflag:s16] =	ssyncset.done $0x0  }
0x70: {  	[sflag:s16] =	ssyncadd.s32 $0xFFFFF000  }
0x71: {  	_ =	swait.ge [sflag:s12], $0x8000  }
0x72: {  	[sflag:s12] =	ssyncset.done $0x0  }
0x73: {  	[sflag:s12] =	ssyncadd.s32 $0xFFFF8000  }
0x74: {  	[spmem:s2] =	stream.indirect.scatter.add.f32 [tilespmem:s10], [sflag:$0x5], $0x8, s3, s18, $0xb8;
	[tilespmem:$0x1A000] =	vst v63  }
0x75: {  	_ =	swait.ge [sflag:s19], $0x8000  }
0x76: {  	[sflag:s19] =	ssyncset.done $0x0  }
0x77: {  	s0 =	rddreg [dreg:$0xb];
	[sflag:s19] =	ssyncadd.s32 $0xFFFF8000  }
0x78: {  	[tilespmem:s18], [sflag:$0x2] =	stream.linear.gather [hbm4b:s0+s3], $0x1000, $0x38;
	[tilespmem:$0x1A000] =	vst v63  }
0x79: {  	s1 =	rddreg [dreg:$0xc]  }
0x7a: {  	[tilespmem:s24], [sflag:$0x4] =	stream.strided.gather [hbm4b:s1+s15], $0x8000, s17, s15, $0x38;
	[tilespmem:$0x1A000] =	vst v63  }
0x7b: {  	_ =	swait.ge [sflag:s28], $0x1000  }
0x7c: {  	[sflag:s28] =	ssyncset.done $0x0  }
0x7d: {  	[sflag:s28] =	ssyncadd.s32 $0xFFFFF000  }
0x7e: {  	_ =	swait.ge [sflag:s25], $0x8000  }
0x7f: {  	[sflag:s25] =	ssyncset.done $0x0  }
0x80: {  	[sflag:s25] =	ssyncadd.s32 $0xFFFF8000  }
0x81: {  	[spmem:s2] =	stream.indirect.scatter.add.f32 [tilespmem:s24], [sflag:$0x6], $0x8, s18, s18, $0xb8;
	[tilespmem:$0x1A000] =	vst v63  }
0x82: {  	_ =	swait.ge [sflag:s13], $0x8000  }
0x83: {  	[sflag:s13] =	ssyncset.done $0x0  }
0x84: {  	s0 =	rddreg [dreg:$0xd];
	[sflag:s13] =	ssyncadd.s32 $0xFFFF8000  }
0x85: {  	[tilespmem:s3], [sflag:$0x1] =	stream.linear.gather [hbm4b:s0+s3], $0x1000, $0x38;
	[tilespmem:$0x1A000] =	vst v63  }
0x86: {  	s1 =	rddreg [dreg:$0xe]  }
0x87: {  	[tilespmem:s10], [sflag:$0x3] =	stream.strided.gather [hbm4b:s1+s15], $0x8000, s17, s15, $0x38;
	[tilespmem:$0x1A000] =	vst v63  }
0x88: {  	_ =	swait.ge [sflag:s16], $0x1000  }
0x89: {  	[sflag:s16] =	ssyncset.done $0x0  }
0x8a: {  	[sflag:s16] =	ssyncadd.s32 $0xFFFFF000  }
0x8b: {  	_ =	swait.ge [sflag:s12], $0x8000  }
0x8c: {  	[sflag:s12] =	ssyncset.done $0x0  }
0x8d: {  	[sflag:s12] =	ssyncadd.s32 $0xFFFF8000  }
0x8e: {  	[spmem:s2] =	stream.indirect.scatter.add.f32 [tilespmem:s10], [sflag:$0x5], $0x8, s3, s18, $0xb8;
	[tilespmem:$0x1A000] =	vst v63  }
0x8f: {  	_ =	swait.ge [sflag:s19], $0x8000  }
0x90: {  	[sflag:s19] =	ssyncset.done $0x0  }
0x91: {  	s0 =	rddreg [dreg:$0xf];
	[sflag:s19] =	ssyncadd.s32 $0xFFFF8000  }
0x92: {  	[tilespmem:s18], [sflag:$0x2] =	stream.linear.gather [hbm4b:s0+s3], $0x1000, $0x38;
	[tilespmem:$0x1A000] =	vst v63  }
0x93: {  	s1 =	rddreg [dreg:$0x10]  }
0x94: {  	[tilespmem:s24], [sflag:$0x4] =	stream.strided.gather [hbm4b:s1+s15], $0x8000, s17, s15, $0x38;
	[tilespmem:$0x1A000] =	vst v63  }
0x95: {  	_ =	swait.ge [sflag:s28], $0x1000  }
0x96: {  	[sflag:s28] =	ssyncset.done $0x0  }
0x97: {  	[sflag:s28] =	ssyncadd.s32 $0xFFFFF000  }
0x98: {  	_ =	swait.ge [sflag:s25], $0x8000  }
0x99: {  	[sflag:s25] =	ssyncset.done $0x0  }
0x9a: {  	[sflag:s25] =	ssyncadd.s32 $0xFFFF8000  }
0x9b: {  	[spmem:s2] =	stream.indirect.scatter.add.f32 [tilespmem:s24], [sflag:$0x6], $0x8, s18, s18, $0xb8;
	[tilespmem:$0x1A000] =	vst v63  }
0x9c: {  	_ =	swait.ge [sflag:s13], $0x8000  }
0x9d: {  	[sflag:s13] =	ssyncset.done $0x0  }
0x9e: {  	s0 =	rddreg [dreg:$0x11];
	[sflag:s13] =	ssyncadd.s32 $0xFFFF8000  }
0x9f: {  	[tilespmem:s3], [sflag:$0x1] =	stream.linear.gather [hbm4b:s0+s3], $0x1000, $0x38;
	[tilespmem:$0x1A000] =	vst v63  }
0xa0: {  	s1 =	rddreg [dreg:$0x12]  }
0xa1: {  	[tilespmem:s10], [sflag:$0x3] =	stream.strided.gather [hbm4b:s1+s15], $0x8000, s17, s15, $0x38;
	[tilespmem:$0x1A000] =	vst v63  }
0xa2: {  	_ =	swait.ge [sflag:s16], $0x1000  }
0xa3: {  	[sflag:s16] =	ssyncset.done $0x0  }
0xa4: {  	[sflag:s16] =	ssyncadd.s32 $0xFFFFF000  }
0xa5: {  	_ =	swait.ge [sflag:s12], $0x8000  }
0xa6: {  	[sflag:s12] =	ssyncset.done $0x0  }
0xa7: {  	[sflag:s12] =	ssyncadd.s32 $0xFFFF8000  }
0xa8: {  	[spmem:s2] =	stream.indirect.scatter.add.f32 [tilespmem:s10], [sflag:$0x5], $0x8, s3, s18, $0xb8;
	[tilespmem:$0x1A000] =	vst v63  }
0xa9: {  	_ =	swait.ge [sflag:s19], $0x8000  }
0xaa: {  	[sflag:s19] =	ssyncset.done $0x0  }
0xab: {  	s0 =	rddreg [dreg:$0x13];
	[sflag:s19] =	ssyncadd.s32 $0xFFFF8000  }
0xac: {  	[tilespmem:s18], [sflag:$0x2] =	stream.linear.gather [hbm4b:s0+s3], $0x1000, $0x38;
	[tilespmem:$0x1A000] =	vst v63  }
0xad: {  	s1 =	rddreg [dreg:$0x14]  }
0xae: {  	[tilespmem:s24], [sflag:$0x4] =	stream.strided.gather [hbm4b:s1+s15], $0x8000, s17, s15, $0x38;
	[tilespmem:$0x1A000] =	vst v63  }
0xaf: {  	_ =	swait.ge [sflag:s28], $0x1000  }
0xb0: {  	[sflag:s28] =	ssyncset.done $0x0  }
0xb1: {  	[sflag:s28] =	ssyncadd.s32 $0xFFFFF000  }
0xb2: {  	_ =	swait.ge [sflag:s25], $0x8000  }
0xb3: {  	[sflag:s25] =	ssyncset.done $0x0  }
0xb4: {  	[sflag:s25] =	ssyncadd.s32 $0xFFFF8000  }
0xb5: {  	[spmem:s2] =	stream.indirect.scatter.add.f32 [tilespmem:s24], [sflag:$0x6], $0x8, s18, s18, $0xb8;
	[tilespmem:$0x1A000] =	vst v63  }
0xb6: {  	_ =	swait.ge [sflag:s13], $0x8000  }
0xb7: {  	[sflag:s13] =	ssyncset.done $0x0  }
0xb8: {  	s0 =	rddreg [dreg:$0x15];
	[sflag:s13] =	ssyncadd.s32 $0xFFFF8000  }
0xb9: {  	[tilespmem:s3], [sflag:$0x1] =	stream.linear.gather [hbm4b:s0+s3], $0x1000, $0x38;
	[tilespmem:$0x1A000] =	vst v63  }
0xba: {  	s1 =	rddreg [dreg:$0x16]  }
0xbb: {  	[tilespmem:s10], [sflag:$0x3] =	stream.strided.gather [hbm4b:s1+s15], $0x8000, s17, s15, $0x38;
	[tilespmem:$0x1A000] =	vst v63  }
0xbc: {  	_ =	swait.ge [sflag:s16], $0x1000  }
0xbd: {  	[sflag:s16] =	ssyncset.done $0x0  }
0xbe: {  	[sflag:s16] =	ssyncadd.s32 $0xFFFFF000  }
0xbf: {  	_ =	swait.ge [sflag:s12], $0x8000  }
0xc0: {  	[sflag:s12] =	ssyncset.done $0x0  }
0xc1: {  	[sflag:s12] =	ssyncadd.s32 $0xFFFF8000  }
0xc2: {  	[spmem:s2] =	stream.indirect.scatter.add.f32 [tilespmem:s10], [sflag:$0x5], $0x8, s3, s18, $0xb8;
	[tilespmem:$0x1A000] =	vst v63  }
0xc3: {  	_ =	swait.ge [sflag:s19], $0x8000  }
0xc4: {  	[sflag:s19] =	ssyncset.done $0x0  }
0xc5: {  	s0 =	rddreg [dreg:$0x17];
	[sflag:s19] =	ssyncadd.s32 $0xFFFF8000  }
0xc6: {  	[tilespmem:s18], [sflag:$0x2] =	stream.linear.gather [hbm4b:s0+s3], $0x1000, $0x38;
	[tilespmem:$0x1A000] =	vst v63  }
0xc7: {  	s1 =	rddreg [dreg:$0x18]  }
0xc8: {  	[tilespmem:s24], [sflag:$0x4] =	stream.strided.gather [hbm4b:s1+s15], $0x8000, s17, s15, $0x38;
	[tilespmem:$0x1A000] =	vst v63  }
0xc9: {  	_ =	swait.ge [sflag:s28], $0x1000  }
0xca: {  	[sflag:s28] =	ssyncset.done $0x0  }
0xcb: {  	[sflag:s28] =	ssyncadd.s32 $0xFFFFF000  }
0xcc: {  	_ =	swait.ge [sflag:s25], $0x8000  }
0xcd: {  	[sflag:s25] =	ssyncset.done $0x0  }
0xce: {  	[sflag:s25] =	ssyncadd.s32 $0xFFFF8000  }
0xcf: {  	[spmem:s2] =	stream.indirect.scatter.add.f32 [tilespmem:s24], [sflag:$0x6], $0x8, s18, s18, $0xb8;
	[tilespmem:$0x1A000] =	vst v63  }
0xd0: {  	_ =	swait.ge [sflag:s13], $0x8000  }
0xd1: {  	[sflag:s13] =	ssyncset.done $0x0  }
0xd2: {  	s0 =	rddreg [dreg:$0x19];
	[sflag:s13] =	ssyncadd.s32 $0xFFFF8000  }
0xd3: {  	[tilespmem:s3], [sflag:$0x1] =	stream.linear.gather [hbm4b:s0+s3], $0x1000, $0x38;
	[tilespmem:$0x1A000] =	vst v63  }
0xd4: {  	s1 =	rddreg [dreg:$0x1a]  }
0xd5: {  	[tilespmem:s10], [sflag:$0x3] =	stream.strided.gather [hbm4b:s1+s15], $0x8000, s17, s15, $0x38;
	[tilespmem:$0x1A000] =	vst v63  }
0xd6: {  	_ =	swait.ge [sflag:s16], $0x1000  }
0xd7: {  	[sflag:s16] =	ssyncset.done $0x0  }
0xd8: {  	[sflag:s16] =	ssyncadd.s32 $0xFFFFF000  }
0xd9: {  	_ =	swait.ge [sflag:s12], $0x8000  }
0xda: {  	[sflag:s12] =	ssyncset.done $0x0  }
0xdb: {  	[sflag:s12] =	ssyncadd.s32 $0xFFFF8000  }
0xdc: {  	[spmem:s2] =	stream.indirect.scatter.add.f32 [tilespmem:s10], [sflag:$0x5], $0x8, s3, s18, $0xb8;
	[tilespmem:$0x1A000] =	vst v63  }
0xdd: {  	_ =	swait.ge [sflag:s19], $0x8000  }
0xde: {  	[sflag:s19] =	ssyncset.done $0x0  }
0xdf: {  	s0 =	rddreg [dreg:$0x1b];
	[sflag:s19] =	ssyncadd.s32 $0xFFFF8000  }
0xe0: {  	[tilespmem:s18], [sflag:$0x2] =	stream.linear.gather [hbm4b:s0+s3], $0x1000, $0x38;
	[tilespmem:$0x1A000] =	vst v63  }
0xe1: {  	s1 =	rddreg [dreg:$0x1c]  }
0xe2: {  	[tilespmem:s24], [sflag:$0x4] =	stream.strided.gather [hbm4b:s1+s15], $0x8000, s17, s15, $0x38;
	[tilespmem:$0x1A000] =	vst v63  }
0xe3: {  	_ =	swait.ge [sflag:s28], $0x1000  }
0xe4: {  	[sflag:s28] =	ssyncset.done $0x0  }
0xe5: {  	[sflag:s28] =	ssyncadd.s32 $0xFFFFF000  }
0xe6: {  	_ =	swait.ge [sflag:s25], $0x8000  }
0xe7: {  	[sflag:s25] =	ssyncset.done $0x0  }
0xe8: {  	[sflag:s25] =	ssyncadd.s32 $0xFFFF8000  }
0xe9: {  	[spmem:s2] =	stream.indirect.scatter.add.f32 [tilespmem:s24], [sflag:$0x6], $0x8, s18, s18, $0xb8;
	[tilespmem:$0x1A000] =	vst v63  }
0xea: {  	_ =	swait.ge [sflag:s13], $0x8000  }
0xeb: {  	[sflag:s13] =	ssyncset.done $0x0  }
0xec: {  	s0 =	rddreg [dreg:$0x1d];
	[sflag:s13] =	ssyncadd.s32 $0xFFFF8000  }
0xed: {  	[tilespmem:s3], [sflag:$0x1] =	stream.linear.gather [hbm4b:s0+s3], $0x1000, $0x38;
	[tilespmem:$0x1A000] =	vst v63  }
0xee: {  	s1 =	rddreg [dreg:$0x1e]  }
0xef: {  	[tilespmem:s10], [sflag:$0x3] =	stream.strided.gather [hbm4b:s1+s15], $0x8000, s17, s15, $0x38;
	[tilespmem:$0x1A000] =	vst v63  }
0xf0: {  	_ =	swait.ge [sflag:s16], $0x1000  }
0xf1: {  	[sflag:s16] =	ssyncset.done $0x0  }
0xf2: {  	[sflag:s16] =	ssyncadd.s32 $0xFFFFF000  }
0xf3: {  	_ =	swait.ge [sflag:s12], $0x8000  }
0xf4: {  	[sflag:s12] =	ssyncset.done $0x0  }
0xf5: {  	[sflag:s12] =	ssyncadd.s32 $0xFFFF8000  }
0xf6: {  	[spmem:s2] =	stream.indirect.scatter.add.f32 [tilespmem:s10], [sflag:$0x5], $0x8, s3, s18, $0xb8;
	[tilespmem:$0x1A000] =	vst v63  }
0xf7: {  	_ =	swait.ge [sflag:s19], $0x8000  }
0xf8: {  	s0 =	rddreg [dreg:$0x1f];
	[sflag:s19] =	ssyncset.done $0x0  }
0xf9: {  	s1 =	sld [smem:$0x7EF];
	[sflag:s19] =	ssyncadd.s32 $0xFFFF8000  }
0xfa: {  	[tilespmem:s18], [sflag:$0x2] =	stream.linear.gather [hbm4b:s0+s3], $0x1000, $0x38;
	[tilespmem:$0x1A000] =	vst v63  }
0xfb: {  	_ = 	snop  }
0xfc: {  	[tilespmem:s24], [sflag:$0x4] =	stream.strided.gather [hbm4b:s1+s15], $0x8000, s17, s15, $0x38;
	[tilespmem:$0x1A000] =	vst v63  }
0xfd: {  	_ =	swait.ge [sflag:s28], $0x1000  }
0xfe: {  	[sflag:s28] =	ssyncset.done $0x0  }
0xff: {  	[sflag:s28] =	ssyncadd.s32 $0xFFFFF000  }
0x100: {  	_ =	swait.ge [sflag:s25], $0x8000  }
0x101: {  	[sflag:s25] =	ssyncset.done $0x0  }
0x102: {  	[sflag:s25] =	ssyncadd.s32 $0xFFFF8000  }
0x103: {  	[spmem:s2] =	stream.indirect.scatter.add.f32 [tilespmem:s24], [sflag:$0x6], $0x8, s18, s18, $0xb8;
	[tilespmem:$0x1A000] =	vst v63  }
0x104: {  	_ =	swait.ge [sflag:s13], $0x8000  }
0x105: {  	s0 =	sld [smem:$0x7F0]  }
0x106: {  	[sflag:s13] =	ssyncset.done $0x0  }
0x107: {  	s1 =	sld [smem:$0x7F1];
	[sflag:s13] =	ssyncadd.s32 $0xFFFF8000  }
0x108: {  	[tilespmem:s3], [sflag:$0x1] =	stream.linear.gather [hbm4b:s0+s3], $0x1000, $0x38;
	[tilespmem:$0x1A000] =	vst v63  }
0x109: {  	_ = 	snop  }
0x10a: {  	[tilespmem:s10], [sflag:$0x3] =	stream.strided.gather [hbm4b:s1+s15], $0x8000, s17, s15, $0x38;
	[tilespmem:$0x1A000] =	vst v63  }
0x10b: {  	_ =	swait.ge [sflag:s16], $0x1000  }
0x10c: {  	[sflag:s16] =	ssyncset.done $0x0  }
0x10d: {  	[sflag:s16] =	ssyncadd.s32 $0xFFFFF000  }
0x10e: {  	_ =	swait.ge [sflag:s12], $0x8000  }
0x10f: {  	[sflag:s12] =	ssyncset.done $0x0  }
0x110: {  	[sflag:s12] =	ssyncadd.s32 $0xFFFF8000  }
0x111: {  	[spmem:s2] =	stream.indirect.scatter.add.f32 [tilespmem:s10], [sflag:$0x5], $0x8, s3, s18, $0xb8;
	[tilespmem:$0x1A000] =	vst v63  }
0x112: {  	_ =	swait.ge [sflag:s19], $0x8000  }
0x113: {  	s0 =	sld [smem:$0x7F2]  }
0x114: {  	[sflag:s19] =	ssyncset.done $0x0  }
0x115: {  	s1 =	sld [smem:$0x7F3];
	[sflag:s19] =	ssyncadd.s32 $0xFFFF8000  }
0x116: {  	[tilespmem:s18], [sflag:$0x2] =	stream.linear.gather [hbm4b:s0+s3], $0x1000, $0x38;
	[tilespmem:$0x1A000] =	vst v63  }
0x117: {  	_ = 	snop  }
0x118: {  	[tilespmem:s24], [sflag:$0x4] =	stream.strided.gather [hbm4b:s1+s15], $0x8000, s17, s15, $0x38;
	[tilespmem:$0x1A000] =	vst v63  }
0x119: {  	_ =	swait.ge [sflag:s28], $0x1000  }
0x11a: {  	[sflag:s28] =	ssyncset.done $0x0  }
0x11b: {  	[sflag:s28] =	ssyncadd.s32 $0xFFFFF000  }
0x11c: {  	_ =	swait.ge [sflag:s25], $0x8000  }
0x11d: {  	[sflag:s25] =	ssyncset.done $0x0  }
0x11e: {  	[sflag:s25] =	ssyncadd.s32 $0xFFFF8000  }
0x11f: {  	[spmem:s2] =	stream.indirect.scatter.add.f32 [tilespmem:s24], [sflag:$0x6], $0x8, s18, s18, $0xb8;
	[tilespmem:$0x1A000] =	vst v63  }
0x120: {  	_ =	swait.ge [sflag:s13], $0x8000  }
0x121: {  	s0 =	sld [smem:$0x7F4]  }
0x122: {  	[sflag:s13] =	ssyncset.done $0x0  }
0x123: {  	s1 =	sld [smem:$0x7F5];
	[sflag:s13] =	ssyncadd.s32 $0xFFFF8000  }
0x124: {  	[tilespmem:s3], [sflag:$0x1] =	stream.linear.gather [hbm4b:s0+s3], $0x1000, $0x38;
	[tilespmem:$0x1A000] =	vst v63  }
0x125: {  	_ = 	snop  }
0x126: {  	[tilespmem:s10], [sflag:$0x3] =	stream.strided.gather [hbm4b:s1+s15], $0x8000, s17, s15, $0x38;
	[tilespmem:$0x1A000] =	vst v63  }
0x127: {  	_ =	swait.ge [sflag:s16], $0x1000  }
0x128: {  	[sflag:s16] =	ssyncset.done $0x0  }
0x129: {  	[sflag:s16] =	ssyncadd.s32 $0xFFFFF000  }
0x12a: {  	_ =	swait.ge [sflag:s12], $0x8000  }
0x12b: {  	[sflag:s12] =	ssyncset.done $0x0  }
0x12c: {  	[sflag:s12] =	ssyncadd.s32 $0xFFFF8000  }
0x12d: {  	[spmem:s2] =	stream.indirect.scatter.add.f32 [tilespmem:s10], [sflag:$0x5], $0x8, s3, s18, $0xb8;
	[tilespmem:$0x1A000] =	vst v63  }
0x12e: {  	_ =	swait.ge [sflag:s19], $0x8000  }
0x12f: {  	s0 =	sld [smem:$0x7F6]  }
0x130: {  	[sflag:s19] =	ssyncset.done $0x0  }
0x131: {  	s1 =	sld [smem:$0x7F7];
	[sflag:s19] =	ssyncadd.s32 $0xFFFF8000  }
0x132: {  	[tilespmem:s18], [sflag:$0x2] =	stream.linear.gather [hbm4b:s0+s3], $0x1000, $0x38;
	[tilespmem:$0x1A000] =	vst v63  }
0x133: {  	_ = 	snop  }
0x134: {  	[tilespmem:s24], [sflag:$0x4] =	stream.strided.gather [hbm4b:s1+s15], $0x8000, s17, s15, $0x38;
	[tilespmem:$0x1A000] =	vst v63  }
0x135: {  	_ =	swait.ge [sflag:s28], $0x1000  }
0x136: {  	[sflag:s28] =	ssyncset.done $0x0  }
0x137: {  	[sflag:s28] =	ssyncadd.s32 $0xFFFFF000  }
0x138: {  	_ =	swait.ge [sflag:s25], $0x8000  }
0x139: {  	[sflag:s25] =	ssyncset.done $0x0  }
0x13a: {  	[sflag:s25] =	ssyncadd.s32 $0xFFFF8000  }
0x13b: {  	[spmem:s2] =	stream.indirect.scatter.add.f32 [tilespmem:s24], [sflag:$0x6], $0x8, s18, s18, $0xb8;
	[tilespmem:$0x1A000] =	vst v63  }
0x13c: {  	_ =	swait.ge [sflag:s13], $0x8000  }
0x13d: {  	s0 =	sld [smem:$0x7F8]  }
0x13e: {  	[sflag:s13] =	ssyncset.done $0x0  }
0x13f: {  	s1 =	sld [smem:$0x7F9];
	[sflag:s13] =	ssyncadd.s32 $0xFFFF8000  }
0x140: {  	[tilespmem:s3], [sflag:$0x1] =	stream.linear.gather [hbm4b:s0+s3], $0x1000, $0x38;
	[tilespmem:$0x1A000] =	vst v63  }
0x141: {  	_ = 	snop  }
0x142: {  	[tilespmem:s10], [sflag:$0x3] =	stream.strided.gather [hbm4b:s1+s15], $0x8000, s17, s15, $0x38;
	[tilespmem:$0x1A000] =	vst v63  }
0x143: {  	_ =	swait.ge [sflag:s16], $0x1000  }
0x144: {  	[sflag:s16] =	ssyncset.done $0x0  }
0x145: {  	[sflag:s16] =	ssyncadd.s32 $0xFFFFF000  }
0x146: {  	_ =	swait.ge [sflag:s12], $0x8000  }
0x147: {  	[sflag:s12] =	ssyncset.done $0x0  }
0x148: {  	[sflag:s12] =	ssyncadd.s32 $0xFFFF8000  }
0x149: {  	[spmem:s2] =	stream.indirect.scatter.add.f32 [tilespmem:s10], [sflag:$0x5], $0x8, s3, s18, $0xb8;
	[tilespmem:$0x1A000] =	vst v63  }
0x14a: {  	_ =	swait.ge [sflag:s19], $0x8000  }
0x14b: {  	s0 =	sld [smem:$0x7FA]  }
0x14c: {  	[sflag:s19] =	ssyncset.done $0x0  }
0x14d: {  	s1 =	sld [smem:$0x7FB];
	[sflag:s19] =	ssyncadd.s32 $0xFFFF8000  }
0x14e: {  	[tilespmem:s18], [sflag:$0x2] =	stream.linear.gather [hbm4b:s0+s3], $0x1000, $0x38;
	[tilespmem:$0x1A000] =	vst v63  }
0x14f: {  	_ = 	snop  }
0x150: {  	[tilespmem:s24], [sflag:$0x4] =	stream.strided.gather [hbm4b:s1+s15], $0x8000, s17, s15, $0x38;
	[tilespmem:$0x1A000] =	vst v63  }
0x151: {  	_ =	swait.ge [sflag:s28], $0x1000  }
0x152: {  	[sflag:s28] =	ssyncset.done $0x0  }
0x153: {  	[sflag:s28] =	ssyncadd.s32 $0xFFFFF000  }
0x154: {  	_ =	swait.ge [sflag:s25], $0x8000  }
0x155: {  	[sflag:s25] =	ssyncset.done $0x0  }
0x156: {  	[sflag:s25] =	ssyncadd.s32 $0xFFFF8000  }
0x157: {  	[spmem:s2] =	stream.indirect.scatter.add.f32 [tilespmem:s24], [sflag:$0x6], $0x8, s18, s18, $0xb8;
	[tilespmem:$0x1A000] =	vst v63  }
0x158: {  	_ =	swait.ge [sflag:s13], $0x8000  }
0x159: {  	s0 =	sld [smem:$0x7FC]  }
0x15a: {  	[sflag:s13] =	ssyncset.done $0x0  }
0x15b: {  	s1 =	sld [smem:$0x7FD];
	[sflag:s13] =	ssyncadd.s32 $0xFFFF8000  }
0x15c: {  	[tilespmem:s3], [sflag:$0x1] =	stream.linear.gather [hbm4b:s0+s3], $0x1000, $0x38;
	[tilespmem:$0x1A000] =	vst v63  }
0x15d: {  	_ = 	snop  }
0x15e: {  	[tilespmem:s10], [sflag:$0x3] =	stream.strided.gather [hbm4b:s1+s15], $0x8000, s17, s15, $0x38;
	[tilespmem:$0x1A000] =	vst v63  }
0x15f: {  	_ =	swait.ge [sflag:s16], $0x1000  }
0x160: {  	[sflag:s16] =	ssyncset.done $0x0  }
0x161: {  	[sflag:s16] =	ssyncadd.s32 $0xFFFFF000  }
0x162: {  	_ =	swait.ge [sflag:s12], $0x8000  }
0x163: {  	[sflag:s12] =	ssyncset.done $0x0  }
0x164: {  	[sflag:s12] =	ssyncadd.s32 $0xFFFF8000  }
0x165: {  	[spmem:s2] =	stream.indirect.scatter.add.f32 [tilespmem:s10], [sflag:$0x5], $0x8, s3, s18, $0xb8;
	[tilespmem:$0x1A000] =	vst v63  }
0x166: {  	_ =	swait.ge [sflag:s19], $0x8000  }
0x167: {  	[sflag:s19] =	ssyncset.done $0x0  }
0x168: {  	[sflag:s19] =	ssyncadd.s32 $0xFFFF8000  }
0x169: {  	[tilespmem:s18], [sflag:$0x2] =	stream.linear.gather [hbm4b:s30+s3], $0x1000, $0x38;
	[tilespmem:$0x1A000] =	vst v63  }
0x16a: {  	_ = 	snop  }
0x16b: {  	[tilespmem:s24], [sflag:$0x4] =	stream.strided.gather [hbm4b:s31+s15], $0x8000, s17, s15, $0x38;
	[tilespmem:$0x1A000] =	vst v63  }
0x16c: {  	_ =	swait.ge [sflag:s28], $0x1000  }
0x16d: {  	[sflag:s28] =	ssyncset.done $0x0  }
0x16e: {  	[sflag:s28] =	ssyncadd.s32 $0xFFFFF000  }
0x16f: {  	_ =	swait.ge [sflag:s25], $0x8000  }
0x170: {  	[sflag:s25] =	ssyncset.done $0x0  }
0x171: {  	[sflag:s25] =	ssyncadd.s32 $0xFFFF8000  }
0x172: {  	[spmem:s2] =	stream.indirect.scatter.add.f32 [tilespmem:s24], [sflag:$0x6], $0x8, s18, s18, $0xb8;
	[tilespmem:$0x1A000] =	vst v63  }
0x173: {  	_ =	swait.ge [sflag:s13], $0x8000  }
0x174: {  	[sflag:s13] =	ssyncset.done $0x0  }
0x175: {  	[sflag:s13] =	ssyncadd.s32 $0xFFFF8000  }
0x176: {  	[tilespmem:s3], [sflag:$0x1] =	stream.linear.gather [hbm4b:s26+s3], $0x1000, $0x38;
	[tilespmem:$0x1A000] =	vst v63  }
0x177: {  	_ = 	snop  }
0x178: {  	[tilespmem:s10], [sflag:$0x3] =	stream.strided.gather [hbm4b:s29+s15], $0x8000, s17, s15, $0x38;
	[tilespmem:$0x1A000] =	vst v63  }
0x179: {  	_ =	swait.ge [sflag:s16], $0x1000  }
0x17a: {  	[sflag:s16] =	ssyncset.done $0x0  }
0x17b: {  	[sflag:s16] =	ssyncadd.s32 $0xFFFFF000  }
0x17c: {  	_ =	swait.ge [sflag:s12], $0x8000  }
0x17d: {  	[sflag:s12] =	ssyncset.done $0x0  }
0x17e: {  	[sflag:s12] =	ssyncadd.s32 $0xFFFF8000  }
0x17f: {  	[spmem:s2] =	stream.indirect.scatter.add.f32 [tilespmem:s10], [sflag:$0x5], $0x8, s3, s18, $0xb8;
	[tilespmem:$0x1A000] =	vst v63  }
0x180: {  	_ =	swait.ge [sflag:s19], $0x8000  }
0x181: {  	[sflag:s19] =	ssyncset.done $0x0  }
0x182: {  	[sflag:s19] =	ssyncadd.s32 $0xFFFF8000  }
0x183: {  	[tilespmem:s18], [sflag:$0x2] =	stream.linear.gather [hbm4b:s22+s3], $0x1000, $0x38;
	[tilespmem:$0x1A000] =	vst v63  }
0x184: {  	_ = 	snop  }
0x185: {  	[tilespmem:s24], [sflag:$0x4] =	stream.strided.gather [hbm4b:s23+s15], $0x8000, s17, s15, $0x38;
	[tilespmem:$0x1A000] =	vst v63  }
0x186: {  	_ =	swait.ge [sflag:s28], $0x1000  }
0x187: {  	[sflag:s28] =	ssyncset.done $0x0  }
0x188: {  	[sflag:s28] =	ssyncadd.s32 $0xFFFFF000  }
0x189: {  	_ =	swait.ge [sflag:s25], $0x8000  }
0x18a: {  	[sflag:s25] =	ssyncset.done $0x0  }
0x18b: {  	[sflag:s25] =	ssyncadd.s32 $0xFFFF8000  }
0x18c: {  	[spmem:s2] =	stream.indirect.scatter.add.f32 [tilespmem:s24], [sflag:$0x6], $0x8, s18, s18, $0xb8;
	[tilespmem:$0x1A000] =	vst v63  }
0x18d: {  	_ =	swait.ge [sflag:s13], $0x8000  }
0x18e: {  	[sflag:s13] =	ssyncset.done $0x0  }
0x18f: {  	[sflag:s13] =	ssyncadd.s32 $0xFFFF8000  }
0x190: {  	[tilespmem:s3], [sflag:$0x1] =	stream.linear.gather [hbm4b:s20+s3], $0x1000, $0x38;
	[tilespmem:$0x1A000] =	vst v63  }
0x191: {  	_ = 	snop  }
0x192: {  	[tilespmem:s10], [sflag:$0x3] =	stream.strided.gather [hbm4b:s21+s15], $0x8000, s17, s15, $0x38;
	[tilespmem:$0x1A000] =	vst v63  }
0x193: {  	_ =	swait.ge [sflag:s16], $0x1000  }
0x194: {  	[sflag:s16] =	ssyncset.done $0x0  }
0x195: {  	[sflag:s16] =	ssyncadd.s32 $0xFFFFF000  }
0x196: {  	_ =	swait.ge [sflag:s12], $0x8000  }
0x197: {  	[sflag:s12] =	ssyncset.done $0x0  }
0x198: {  	[sflag:s12] =	ssyncadd.s32 $0xFFFF8000  }
0x199: {  	[spmem:s2] =	stream.indirect.scatter.add.f32 [tilespmem:s10], [sflag:$0x5], $0x8, s3, s18, $0xb8;
	[tilespmem:$0x1A000] =	vst v63  }
0x19a: {  	_ =	swait.ge [sflag:s19], $0x8000  }
0x19b: {  	[sflag:s19] =	ssyncset.done $0x0  }
0x19c: {  	[sflag:s19] =	ssyncadd.s32 $0xFFFF8000  }
0x19d: {  	[tilespmem:s18], [sflag:$0x2] =	stream.linear.gather [hbm4b:s11+s3], $0x1000, $0x38;
	[tilespmem:$0x1A000] =	vst v63  }
0x19e: {  	_ = 	snop  }
0x19f: {  	[tilespmem:s24], [sflag:$0x4] =	stream.strided.gather [hbm4b:s14+s15], $0x8000, s17, s15, $0x38;
	[tilespmem:$0x1A000] =	vst v63  }
0x1a0: {  	_ =	swait.ge [sflag:s28], $0x1000  }
0x1a1: {  	[sflag:s28] =	ssyncset.done $0x0  }
0x1a2: {  	[sflag:s28] =	ssyncadd.s32 $0xFFFFF000  }
0x1a3: {  	_ =	swait.ge [sflag:s25], $0x8000  }
0x1a4: {  	[sflag:s25] =	ssyncset.done $0x0  }
0x1a5: {  	[sflag:s25] =	ssyncadd.s32 $0xFFFF8000  }
0x1a6: {  	[spmem:s2] =	stream.indirect.scatter.add.f32 [tilespmem:s24], [sflag:$0x6], $0x8, s18, s18, $0xb8;
	[tilespmem:$0x1A000] =	vst v63  }
0x1a7: {  	_ =	swait.ge [sflag:s13], $0x8000  }
0x1a8: {  	[sflag:s13] =	ssyncset.done $0x0  }
0x1a9: {  	[sflag:s13] =	ssyncadd.s32 $0xFFFF8000  }
0x1aa: {  	[tilespmem:s3], [sflag:$0x1] =	stream.linear.gather [hbm4b:s8+s3], $0x1000, $0x38;
	[tilespmem:$0x1A000] =	vst v63  }
0x1ab: {  	_ = 	snop  }
0x1ac: {  	[tilespmem:s10], [sflag:$0x3] =	stream.strided.gather [hbm4b:s9+s15], $0x8000, s17, s15, $0x38;
	[tilespmem:$0x1A000] =	vst v63  }
0x1ad: {  	_ =	swait.ge [sflag:s16], $0x1000  }
0x1ae: {  	[sflag:s16] =	ssyncset.done $0x0  }
0x1af: {  	[sflag:s16] =	ssyncadd.s32 $0xFFFFF000  }
0x1b0: {  	_ =	swait.ge [sflag:s12], $0x8000  }
0x1b1: {  	[sflag:s12] =	ssyncset.done $0x0  }
0x1b2: {  	[sflag:s12] =	ssyncadd.s32 $0xFFFF8000  }
0x1b3: {  	[spmem:s2] =	stream.indirect.scatter.add.f32 [tilespmem:s10], [sflag:$0x5], $0x8, s3, s18, $0xb8;
	[tilespmem:$0x1A000] =	vst v63  }
0x1b4: {  	_ =	swait.ge [sflag:s19], $0x8000  }
0x1b5: {  	[sflag:s19] =	ssyncset.done $0x0  }
0x1b6: {  	[sflag:s19] =	ssyncadd.s32 $0xFFFF8000  }
0x1b7: {  	_ =	swait.ge [sflag:s13], $0x8000  }
0x1b8: {  	[sflag:s13] =	ssyncset.done $0x0  }
0x1b9: {  	[sflag:s13] =	ssyncadd.s32 $0xFFFF8000  }
0x1ba: {  	[bflag:$0x0] =	sbarrier.arrive $0xFFFF  }
0x1bb: {  	[hbm:s5], [sflag:s4] =	dma.local [spmem:s7], $0x1000  }
0x1bc: {  	s1 =	sld [smem:$0x7EE];
	_ =	sdelay $0x2  }
0x1bd: {  	p1 =	sne.s32 s1, $0x1  }
.Ltmp1:
0x1be: {  	_ = 	snop;
	(pc) =	sbr.rel @!p1 .LBB2_3-.Ltmp1, $3  }
0x1bf: {  	_ =	sdelay $0x1  }
0x1c0: {  	p0 =	por $0x1, $0x1;
	_ =	swait.ge [sflag:s6], $0x1000  }
0x1c1: {  	[sflag:s6] =	ssyncset.done $0x0;
	s0 =	sadd.s32 $0xFFFFFFFF, s1;
	s1 =	rddreg [dreg:$0x4]  }
.LBB2_2:
0x1c2: {  	[sflag:s6] =	ssyncadd.s32 $0xFFFFF000  }
0x1c3: {  	[spmem:s7], [sflag:s4] =	dma.local [hbm:s1], $0x1000  }
0x1c4: {  	_ =	swait.ge [sflag:s6], $0x1000  }
0x1c5: {  	[sflag:s6] =	ssyncset.done $0x0  }
0x1c6: {  	[sflag:s6] =	ssyncadd.s32 $0xFFFFF000  }
0x1c7: {  	s6 =	smov.u32 s7;
	s7 =	smov.u32 s4;
	s4 =	smov.u32 s31  }
0x1c8: {  	s31 =	smov.u32 s30;
	s30 =	smov.u32 s29;
	s29 =	smov.u32 s26  }
0x1c9: {  	s26 =	smov.u32 s23;
	s23 =	smov.u32 s22;
	s22 =	smov.u32 s21  }
0x1ca: {  	s21 =	smov.u32 s20;
	s20 =	smov.u32 s14;
	[bflag:$0x0] =	sbarrier.arrive $0xFFFF  }
0x1cb: {  	s14 =	smov.u32 s11;
	s11 =	smov.u32 s9;
	s1 =	rddreg [dreg:$0x5]  }
0x1cc: {  	[tilespmem:s3], [sflag:$0x1] =	stream.linear.gather [hbm4b:s1+s3], $0x1000, $0x38;
	[tilespmem:$0x1A000] =	vst v63  }
0x1cd: {  	s9 =	smov.u32 s8;
	s8 =	smov.u32 s5;
	s5 =	rddreg [dreg:$0x6]  }
0x1ce: {  	[tilespmem:s10], [sflag:$0x3] =	stream.strided.gather [hbm4b:s5+s15], $0x8000, s17, s15, $0x38;
	[tilespmem:$0x1A000] =	vst v63  }
0x1cf: {  	_ =	swait.ge [sflag:s16], $0x1000  }
0x1d0: {  	[sflag:s16] =	ssyncset.done $0x0  }
0x1d1: {  	[sflag:s16] =	ssyncadd.s32 $0xFFFFF000  }
0x1d2: {  	_ =	swait.ge [sflag:s12], $0x8000  }
0x1d3: {  	[sflag:s12] =	ssyncset.done $0x0  }
0x1d4: {  	[sflag:s12] =	ssyncadd.s32 $0xFFFF8000  }
0x1d5: {  	[spmem:s2] =	stream.indirect.scatter.add.f32 [tilespmem:s10], [sflag:$0x5], $0x8, s3, s18, $0xb8;
	[tilespmem:$0x1A000] =	vst v63  }
0x1d6: {  	s1 =	rddreg [dreg:$0x7]  }
0x1d7: {  	[tilespmem:s18], [sflag:$0x2] =	stream.linear.gather [hbm4b:s1+s3], $0x1000, $0x38;
	[tilespmem:$0x1A000] =	vst v63  }
0x1d8: {  	s5 =	rddreg [dreg:$0x8]  }
0x1d9: {  	[tilespmem:s24], [sflag:$0x4] =	stream.strided.gather [hbm4b:s5+s15], $0x8000, s17, s15, $0x38;
	[tilespmem:$0x1A000] =	vst v63  }
0x1da: {  	_ =	swait.ge [sflag:s28], $0x1000  }
0x1db: {  	[sflag:s28] =	ssyncset.done $0x0  }
0x1dc: {  	[sflag:s28] =	ssyncadd.s32 $0xFFFFF000  }
0x1dd: {  	_ =	swait.ge [sflag:s25], $0x8000  }
0x1de: {  	[sflag:s25] =	ssyncset.done $0x0  }
0x1df: {  	[sflag:s25] =	ssyncadd.s32 $0xFFFF8000  }
0x1e0: {  	[spmem:s2] =	stream.indirect.scatter.add.f32 [tilespmem:s24], [sflag:$0x6], $0x8, s18, s18, $0xb8;
	[tilespmem:$0x1A000] =	vst v63  }
0x1e1: {  	_ =	swait.ge [sflag:s13], $0x8000  }
0x1e2: {  	[sflag:s13] =	ssyncset.done $0x0  }
0x1e3: {  	s1 =	rddreg [dreg:$0x9];
	[sflag:s13] =	ssyncadd.s32 $0xFFFF8000  }
0x1e4: {  	[tilespmem:s3], [sflag:$0x1] =	stream.linear.gather [hbm4b:s1+s3], $0x1000, $0x38;
	[tilespmem:$0x1A000] =	vst v63  }
0x1e5: {  	s5 =	rddreg [dreg:$0xa]  }
0x1e6: {  	[tilespmem:s10], [sflag:$0x3] =	stream.strided.gather [hbm4b:s5+s15], $0x8000, s17, s15, $0x38;
	[tilespmem:$0x1A000] =	vst v63  }
0x1e7: {  	_ =	swait.ge [sflag:s16], $0x1000  }
0x1e8: {  	[sflag:s16] =	ssyncset.done $0x0  }
0x1e9: {  	[sflag:s16] =	ssyncadd.s32 $0xFFFFF000  }
0x1ea: {  	_ =	swait.ge [sflag:s12], $0x8000  }
0x1eb: {  	[sflag:s12] =	ssyncset.done $0x0  }
0x1ec: {  	[sflag:s12] =	ssyncadd.s32 $0xFFFF8000  }
0x1ed: {  	[spmem:s2] =	stream.indirect.scatter.add.f32 [tilespmem:s10], [sflag:$0x5], $0x8, s3, s18, $0xb8;
	[tilespmem:$0x1A000] =	vst v63  }
0x1ee: {  	_ =	swait.ge [sflag:s19], $0x8000  }
0x1ef: {  	[sflag:s19] =	ssyncset.done $0x0  }
0x1f0: {  	s1 =	rddreg [dreg:$0xb];
	[sflag:s19] =	ssyncadd.s32 $0xFFFF8000  }
0x1f1: {  	[tilespmem:s18], [sflag:$0x2] =	stream.linear.gather [hbm4b:s1+s3], $0x1000, $0x38;
	[tilespmem:$0x1A000] =	vst v63  }
0x1f2: {  	s5 =	rddreg [dreg:$0xc]  }
0x1f3: {  	[tilespmem:s24], [sflag:$0x4] =	stream.strided.gather [hbm4b:s5+s15], $0x8000, s17, s15, $0x38;
	[tilespmem:$0x1A000] =	vst v63  }
0x1f4: {  	_ =	swait.ge [sflag:s28], $0x1000  }
0x1f5: {  	[sflag:s28] =	ssyncset.done $0x0  }
0x1f6: {  	[sflag:s28] =	ssyncadd.s32 $0xFFFFF000  }
0x1f7: {  	_ =	swait.ge [sflag:s25], $0x8000  }
0x1f8: {  	[sflag:s25] =	ssyncset.done $0x0  }
0x1f9: {  	[sflag:s25] =	ssyncadd.s32 $0xFFFF8000  }
0x1fa: {  	[spmem:s2] =	stream.indirect.scatter.add.f32 [tilespmem:s24], [sflag:$0x6], $0x8, s18, s18, $0xb8;
	[tilespmem:$0x1A000] =	vst v63  }
0x1fb: {  	_ =	swait.ge [sflag:s13], $0x8000  }
0x1fc: {  	[sflag:s13] =	ssyncset.done $0x0  }
0x1fd: {  	s1 =	rddreg [dreg:$0xd];
	[sflag:s13] =	ssyncadd.s32 $0xFFFF8000  }
0x1fe: {  	[tilespmem:s3], [sflag:$0x1] =	stream.linear.gather [hbm4b:s1+s3], $0x1000, $0x38;
	[tilespmem:$0x1A000] =	vst v63  }
0x1ff: {  	s5 =	rddreg [dreg:$0xe]  }
0x200: {  	[tilespmem:s10], [sflag:$0x3] =	stream.strided.gather [hbm4b:s5+s15], $0x8000, s17, s15, $0x38;
	[tilespmem:$0x1A000] =	vst v63  }
0x201: {  	_ =	swait.ge [sflag:s16], $0x1000  }
0x202: {  	[sflag:s16] =	ssyncset.done $0x0  }
0x203: {  	[sflag:s16] =	ssyncadd.s32 $0xFFFFF000  }
0x204: {  	_ =	swait.ge [sflag:s12], $0x8000  }
0x205: {  	[sflag:s12] =	ssyncset.done $0x0  }
0x206: {  	[sflag:s12] =	ssyncadd.s32 $0xFFFF8000  }
0x207: {  	[spmem:s2] =	stream.indirect.scatter.add.f32 [tilespmem:s10], [sflag:$0x5], $0x8, s3, s18, $0xb8;
	[tilespmem:$0x1A000] =	vst v63  }
0x208: {  	_ =	swait.ge [sflag:s19], $0x8000  }
0x209: {  	[sflag:s19] =	ssyncset.done $0x0  }
0x20a: {  	s1 =	rddreg [dreg:$0xf];
	[sflag:s19] =	ssyncadd.s32 $0xFFFF8000  }
0x20b: {  	[tilespmem:s18], [sflag:$0x2] =	stream.linear.gather [hbm4b:s1+s3], $0x1000, $0x38;
	[tilespmem:$0x1A000] =	vst v63  }
0x20c: {  	s5 =	rddreg [dreg:$0x10]  }
0x20d: {  	[tilespmem:s24], [sflag:$0x4] =	stream.strided.gather [hbm4b:s5+s15], $0x8000, s17, s15, $0x38;
	[tilespmem:$0x1A000] =	vst v63  }
0x20e: {  	_ =	swait.ge [sflag:s28], $0x1000  }
0x20f: {  	[sflag:s28] =	ssyncset.done $0x0  }
0x210: {  	[sflag:s28] =	ssyncadd.s32 $0xFFFFF000  }
0x211: {  	_ =	swait.ge [sflag:s25], $0x8000  }
0x212: {  	[sflag:s25] =	ssyncset.done $0x0  }
0x213: {  	[sflag:s25] =	ssyncadd.s32 $0xFFFF8000  }
0x214: {  	[spmem:s2] =	stream.indirect.scatter.add.f32 [tilespmem:s24], [sflag:$0x6], $0x8, s18, s18, $0xb8;
	[tilespmem:$0x1A000] =	vst v63  }
0x215: {  	_ =	swait.ge [sflag:s13], $0x8000  }
0x216: {  	[sflag:s13] =	ssyncset.done $0x0  }
0x217: {  	s1 =	rddreg [dreg:$0x11];
	[sflag:s13] =	ssyncadd.s32 $0xFFFF8000  }
0x218: {  	[tilespmem:s3], [sflag:$0x1] =	stream.linear.gather [hbm4b:s1+s3], $0x1000, $0x38;
	[tilespmem:$0x1A000] =	vst v63  }
0x219: {  	s5 =	rddreg [dreg:$0x12]  }
0x21a: {  	[tilespmem:s10], [sflag:$0x3] =	stream.strided.gather [hbm4b:s5+s15], $0x8000, s17, s15, $0x38;
	[tilespmem:$0x1A000] =	vst v63  }
0x21b: {  	_ =	swait.ge [sflag:s16], $0x1000  }
0x21c: {  	[sflag:s16] =	ssyncset.done $0x0  }
0x21d: {  	[sflag:s16] =	ssyncadd.s32 $0xFFFFF000  }
0x21e: {  	_ =	swait.ge [sflag:s12], $0x8000  }
0x21f: {  	[sflag:s12] =	ssyncset.done $0x0  }
0x220: {  	[sflag:s12] =	ssyncadd.s32 $0xFFFF8000  }
0x221: {  	[spmem:s2] =	stream.indirect.scatter.add.f32 [tilespmem:s10], [sflag:$0x5], $0x8, s3, s18, $0xb8;
	[tilespmem:$0x1A000] =	vst v63  }
0x222: {  	_ =	swait.ge [sflag:s19], $0x8000  }
0x223: {  	[sflag:s19] =	ssyncset.done $0x0  }
0x224: {  	s1 =	rddreg [dreg:$0x13];
	[sflag:s19] =	ssyncadd.s32 $0xFFFF8000  }
0x225: {  	[tilespmem:s18], [sflag:$0x2] =	stream.linear.gather [hbm4b:s1+s3], $0x1000, $0x38;
	[tilespmem:$0x1A000] =	vst v63  }
0x226: {  	s5 =	rddreg [dreg:$0x14]  }
0x227: {  	[tilespmem:s24], [sflag:$0x4] =	stream.strided.gather [hbm4b:s5+s15], $0x8000, s17, s15, $0x38;
	[tilespmem:$0x1A000] =	vst v63  }
0x228: {  	_ =	swait.ge [sflag:s28], $0x1000  }
0x229: {  	[sflag:s28] =	ssyncset.done $0x0  }
0x22a: {  	[sflag:s28] =	ssyncadd.s32 $0xFFFFF000  }
0x22b: {  	_ =	swait.ge [sflag:s25], $0x8000  }
0x22c: {  	[sflag:s25] =	ssyncset.done $0x0  }
0x22d: {  	[sflag:s25] =	ssyncadd.s32 $0xFFFF8000  }
0x22e: {  	[spmem:s2] =	stream.indirect.scatter.add.f32 [tilespmem:s24], [sflag:$0x6], $0x8, s18, s18, $0xb8;
	[tilespmem:$0x1A000] =	vst v63  }
0x22f: {  	_ =	swait.ge [sflag:s13], $0x8000  }
0x230: {  	[sflag:s13] =	ssyncset.done $0x0  }
0x231: {  	s1 =	rddreg [dreg:$0x15];
	[sflag:s13] =	ssyncadd.s32 $0xFFFF8000  }
0x232: {  	[tilespmem:s3], [sflag:$0x1] =	stream.linear.gather [hbm4b:s1+s3], $0x1000, $0x38;
	[tilespmem:$0x1A000] =	vst v63  }
0x233: {  	s5 =	rddreg [dreg:$0x16]  }
0x234: {  	[tilespmem:s10], [sflag:$0x3] =	stream.strided.gather [hbm4b:s5+s15], $0x8000, s17, s15, $0x38;
	[tilespmem:$0x1A000] =	vst v63  }
0x235: {  	_ =	swait.ge [sflag:s16], $0x1000  }
0x236: {  	[sflag:s16] =	ssyncset.done $0x0  }
0x237: {  	[sflag:s16] =	ssyncadd.s32 $0xFFFFF000  }
0x238: {  	_ =	swait.ge [sflag:s12], $0x8000  }
0x239: {  	[sflag:s12] =	ssyncset.done $0x0  }
0x23a: {  	[sflag:s12] =	ssyncadd.s32 $0xFFFF8000  }
0x23b: {  	[spmem:s2] =	stream.indirect.scatter.add.f32 [tilespmem:s10], [sflag:$0x5], $0x8, s3, s18, $0xb8;
	[tilespmem:$0x1A000] =	vst v63  }
0x23c: {  	_ =	swait.ge [sflag:s19], $0x8000  }
0x23d: {  	[sflag:s19] =	ssyncset.done $0x0  }
0x23e: {  	s1 =	rddreg [dreg:$0x17];
	[sflag:s19] =	ssyncadd.s32 $0xFFFF8000  }
0x23f: {  	[tilespmem:s18], [sflag:$0x2] =	stream.linear.gather [hbm4b:s1+s3], $0x1000, $0x38;
	[tilespmem:$0x1A000] =	vst v63  }
0x240: {  	s5 =	rddreg [dreg:$0x18]  }
0x241: {  	[tilespmem:s24], [sflag:$0x4] =	stream.strided.gather [hbm4b:s5+s15], $0x8000, s17, s15, $0x38;
	[tilespmem:$0x1A000] =	vst v63  }
0x242: {  	_ =	swait.ge [sflag:s28], $0x1000  }
0x243: {  	[sflag:s28] =	ssyncset.done $0x0  }
0x244: {  	[sflag:s28] =	ssyncadd.s32 $0xFFFFF000  }
0x245: {  	_ =	swait.ge [sflag:s25], $0x8000  }
0x246: {  	[sflag:s25] =	ssyncset.done $0x0  }
0x247: {  	[sflag:s25] =	ssyncadd.s32 $0xFFFF8000  }
0x248: {  	[spmem:s2] =	stream.indirect.scatter.add.f32 [tilespmem:s24], [sflag:$0x6], $0x8, s18, s18, $0xb8;
	[tilespmem:$0x1A000] =	vst v63  }
0x249: {  	_ =	swait.ge [sflag:s13], $0x8000  }
0x24a: {  	[sflag:s13] =	ssyncset.done $0x0  }
0x24b: {  	s1 =	rddreg [dreg:$0x19];
	[sflag:s13] =	ssyncadd.s32 $0xFFFF8000  }
0x24c: {  	[tilespmem:s3], [sflag:$0x1] =	stream.linear.gather [hbm4b:s1+s3], $0x1000, $0x38;
	[tilespmem:$0x1A000] =	vst v63  }
0x24d: {  	s5 =	rddreg [dreg:$0x1a]  }
0x24e: {  	[tilespmem:s10], [sflag:$0x3] =	stream.strided.gather [hbm4b:s5+s15], $0x8000, s17, s15, $0x38;
	[tilespmem:$0x1A000] =	vst v63  }
0x24f: {  	_ =	swait.ge [sflag:s16], $0x1000  }
0x250: {  	[sflag:s16] =	ssyncset.done $0x0  }
0x251: {  	[sflag:s16] =	ssyncadd.s32 $0xFFFFF000  }
0x252: {  	_ =	swait.ge [sflag:s12], $0x8000  }
0x253: {  	[sflag:s12] =	ssyncset.done $0x0  }
0x254: {  	[sflag:s12] =	ssyncadd.s32 $0xFFFF8000  }
0x255: {  	[spmem:s2] =	stream.indirect.scatter.add.f32 [tilespmem:s10], [sflag:$0x5], $0x8, s3, s18, $0xb8;
	[tilespmem:$0x1A000] =	vst v63  }
0x256: {  	_ =	swait.ge [sflag:s19], $0x8000  }
0x257: {  	[sflag:s19] =	ssyncset.done $0x0  }
0x258: {  	s1 =	rddreg [dreg:$0x1b];
	[sflag:s19] =	ssyncadd.s32 $0xFFFF8000  }
0x259: {  	[tilespmem:s18], [sflag:$0x2] =	stream.linear.gather [hbm4b:s1+s3], $0x1000, $0x38;
	[tilespmem:$0x1A000] =	vst v63  }
0x25a: {  	s5 =	rddreg [dreg:$0x1c]  }
0x25b: {  	[tilespmem:s24], [sflag:$0x4] =	stream.strided.gather [hbm4b:s5+s15], $0x8000, s17, s15, $0x38;
	[tilespmem:$0x1A000] =	vst v63  }
0x25c: {  	_ =	swait.ge [sflag:s28], $0x1000  }
0x25d: {  	[sflag:s28] =	ssyncset.done $0x0  }
0x25e: {  	[sflag:s28] =	ssyncadd.s32 $0xFFFFF000  }
0x25f: {  	_ =	swait.ge [sflag:s25], $0x8000  }
0x260: {  	[sflag:s25] =	ssyncset.done $0x0  }
0x261: {  	[sflag:s25] =	ssyncadd.s32 $0xFFFF8000  }
0x262: {  	[spmem:s2] =	stream.indirect.scatter.add.f32 [tilespmem:s24], [sflag:$0x6], $0x8, s18, s18, $0xb8;
	[tilespmem:$0x1A000] =	vst v63  }
0x263: {  	_ =	swait.ge [sflag:s13], $0x8000  }
0x264: {  	[sflag:s13] =	ssyncset.done $0x0  }
0x265: {  	s1 =	rddreg [dreg:$0x1d];
	[sflag:s13] =	ssyncadd.s32 $0xFFFF8000  }
0x266: {  	[tilespmem:s3], [sflag:$0x1] =	stream.linear.gather [hbm4b:s1+s3], $0x1000, $0x38;
	[tilespmem:$0x1A000] =	vst v63  }
0x267: {  	s5 =	rddreg [dreg:$0x1e]  }
0x268: {  	[tilespmem:s10], [sflag:$0x3] =	stream.strided.gather [hbm4b:s5+s15], $0x8000, s17, s15, $0x38;
	[tilespmem:$0x1A000] =	vst v63  }
0x269: {  	_ =	swait.ge [sflag:s16], $0x1000  }
0x26a: {  	[sflag:s16] =	ssyncset.done $0x0  }
0x26b: {  	[sflag:s16] =	ssyncadd.s32 $0xFFFFF000  }
0x26c: {  	_ =	swait.ge [sflag:s12], $0x8000  }
0x26d: {  	[sflag:s12] =	ssyncset.done $0x0  }
0x26e: {  	[sflag:s12] =	ssyncadd.s32 $0xFFFF8000  }
0x26f: {  	[spmem:s2] =	stream.indirect.scatter.add.f32 [tilespmem:s10], [sflag:$0x5], $0x8, s3, s18, $0xb8;
	[tilespmem:$0x1A000] =	vst v63  }
0x270: {  	_ =	swait.ge [sflag:s19], $0x8000  }
0x271: {  	s1 =	rddreg [dreg:$0x1f];
	[sflag:s19] =	ssyncset.done $0x0  }
0x272: {  	s5 =	sld [smem:$0x7EF];
	[sflag:s19] =	ssyncadd.s32 $0xFFFF8000  }
0x273: {  	[tilespmem:s18], [sflag:$0x2] =	stream.linear.gather [hbm4b:s1+s3], $0x1000, $0x38;
	[tilespmem:$0x1A000] =	vst v63  }
0x274: {  	_ = 	snop  }
0x275: {  	[tilespmem:s24], [sflag:$0x4] =	stream.strided.gather [hbm4b:s5+s15], $0x8000, s17, s15, $0x38;
	[tilespmem:$0x1A000] =	vst v63  }
0x276: {  	_ =	swait.ge [sflag:s28], $0x1000  }
0x277: {  	[sflag:s28] =	ssyncset.done $0x0  }
0x278: {  	[sflag:s28] =	ssyncadd.s32 $0xFFFFF000  }
0x279: {  	_ =	swait.ge [sflag:s25], $0x8000  }
0x27a: {  	[sflag:s25] =	ssyncset.done $0x0  }
0x27b: {  	[sflag:s25] =	ssyncadd.s32 $0xFFFF8000  }
0x27c: {  	[spmem:s2] =	stream.indirect.scatter.add.f32 [tilespmem:s24], [sflag:$0x6], $0x8, s18, s18, $0xb8;
	[tilespmem:$0x1A000] =	vst v63  }
0x27d: {  	_ =	swait.ge [sflag:s13], $0x8000  }
0x27e: {  	s1 =	sld [smem:$0x7F0]  }
0x27f: {  	[sflag:s13] =	ssyncset.done $0x0  }
0x280: {  	s5 =	sld [smem:$0x7F1];
	[sflag:s13] =	ssyncadd.s32 $0xFFFF8000  }
0x281: {  	[tilespmem:s3], [sflag:$0x1] =	stream.linear.gather [hbm4b:s1+s3], $0x1000, $0x38;
	[tilespmem:$0x1A000] =	vst v63  }
0x282: {  	_ = 	snop  }
0x283: {  	[tilespmem:s10], [sflag:$0x3] =	stream.strided.gather [hbm4b:s5+s15], $0x8000, s17, s15, $0x38;
	[tilespmem:$0x1A000] =	vst v63  }
0x284: {  	_ =	swait.ge [sflag:s16], $0x1000  }
0x285: {  	[sflag:s16] =	ssyncset.done $0x0  }
0x286: {  	[sflag:s16] =	ssyncadd.s32 $0xFFFFF000  }
0x287: {  	_ =	swait.ge [sflag:s12], $0x8000  }
0x288: {  	[sflag:s12] =	ssyncset.done $0x0  }
0x289: {  	[sflag:s12] =	ssyncadd.s32 $0xFFFF8000  }
0x28a: {  	[spmem:s2] =	stream.indirect.scatter.add.f32 [tilespmem:s10], [sflag:$0x5], $0x8, s3, s18, $0xb8;
	[tilespmem:$0x1A000] =	vst v63  }
0x28b: {  	_ =	swait.ge [sflag:s19], $0x8000  }
0x28c: {  	s1 =	sld [smem:$0x7F2]  }
0x28d: {  	[sflag:s19] =	ssyncset.done $0x0  }
0x28e: {  	s5 =	sld [smem:$0x7F3];
	[sflag:s19] =	ssyncadd.s32 $0xFFFF8000  }
0x28f: {  	[tilespmem:s18], [sflag:$0x2] =	stream.linear.gather [hbm4b:s1+s3], $0x1000, $0x38;
	[tilespmem:$0x1A000] =	vst v63  }
0x290: {  	_ = 	snop  }
0x291: {  	[tilespmem:s24], [sflag:$0x4] =	stream.strided.gather [hbm4b:s5+s15], $0x8000, s17, s15, $0x38;
	[tilespmem:$0x1A000] =	vst v63  }
0x292: {  	_ =	swait.ge [sflag:s28], $0x1000  }
0x293: {  	[sflag:s28] =	ssyncset.done $0x0  }
0x294: {  	[sflag:s28] =	ssyncadd.s32 $0xFFFFF000  }
0x295: {  	_ =	swait.ge [sflag:s25], $0x8000  }
0x296: {  	[sflag:s25] =	ssyncset.done $0x0  }
0x297: {  	[sflag:s25] =	ssyncadd.s32 $0xFFFF8000  }
0x298: {  	[spmem:s2] =	stream.indirect.scatter.add.f32 [tilespmem:s24], [sflag:$0x6], $0x8, s18, s18, $0xb8;
	[tilespmem:$0x1A000] =	vst v63  }
0x299: {  	_ =	swait.ge [sflag:s13], $0x8000  }
0x29a: {  	s1 =	sld [smem:$0x7F4]  }
0x29b: {  	[sflag:s13] =	ssyncset.done $0x0  }
0x29c: {  	s5 =	sld [smem:$0x7F5];
	[sflag:s13] =	ssyncadd.s32 $0xFFFF8000  }
0x29d: {  	[tilespmem:s3], [sflag:$0x1] =	stream.linear.gather [hbm4b:s1+s3], $0x1000, $0x38;
	[tilespmem:$0x1A000] =	vst v63  }
0x29e: {  	_ = 	snop  }
0x29f: {  	[tilespmem:s10], [sflag:$0x3] =	stream.strided.gather [hbm4b:s5+s15], $0x8000, s17, s15, $0x38;
	[tilespmem:$0x1A000] =	vst v63  }
0x2a0: {  	_ =	swait.ge [sflag:s16], $0x1000  }
0x2a1: {  	[sflag:s16] =	ssyncset.done $0x0  }
0x2a2: {  	[sflag:s16] =	ssyncadd.s32 $0xFFFFF000  }
0x2a3: {  	_ =	swait.ge [sflag:s12], $0x8000  }
0x2a4: {  	[sflag:s12] =	ssyncset.done $0x0  }
0x2a5: {  	[sflag:s12] =	ssyncadd.s32 $0xFFFF8000  }
0x2a6: {  	[spmem:s2] =	stream.indirect.scatter.add.f32 [tilespmem:s10], [sflag:$0x5], $0x8, s3, s18, $0xb8;
	[tilespmem:$0x1A000] =	vst v63  }
0x2a7: {  	_ =	swait.ge [sflag:s19], $0x8000  }
0x2a8: {  	s1 =	sld [smem:$0x7F6]  }
0x2a9: {  	[sflag:s19] =	ssyncset.done $0x0  }
0x2aa: {  	s5 =	sld [smem:$0x7F7];
	[sflag:s19] =	ssyncadd.s32 $0xFFFF8000  }
0x2ab: {  	[tilespmem:s18], [sflag:$0x2] =	stream.linear.gather [hbm4b:s1+s3], $0x1000, $0x38;
	[tilespmem:$0x1A000] =	vst v63  }
0x2ac: {  	_ = 	snop  }
0x2ad: {  	[tilespmem:s24], [sflag:$0x4] =	stream.strided.gather [hbm4b:s5+s15], $0x8000, s17, s15, $0x38;
	[tilespmem:$0x1A000] =	vst v63  }
0x2ae: {  	_ =	swait.ge [sflag:s28], $0x1000  }
0x2af: {  	[sflag:s28] =	ssyncset.done $0x0  }
0x2b0: {  	[sflag:s28] =	ssyncadd.s32 $0xFFFFF000  }
0x2b1: {  	_ =	swait.ge [sflag:s25], $0x8000  }
0x2b2: {  	[sflag:s25] =	ssyncset.done $0x0  }
0x2b3: {  	[sflag:s25] =	ssyncadd.s32 $0xFFFF8000  }
0x2b4: {  	[spmem:s2] =	stream.indirect.scatter.add.f32 [tilespmem:s24], [sflag:$0x6], $0x8, s18, s18, $0xb8;
	[tilespmem:$0x1A000] =	vst v63  }
0x2b5: {  	_ =	swait.ge [sflag:s13], $0x8000  }
0x2b6: {  	s1 =	sld [smem:$0x7F8]  }
0x2b7: {  	[sflag:s13] =	ssyncset.done $0x0  }
0x2b8: {  	s5 =	sld [smem:$0x7F9];
	[sflag:s13] =	ssyncadd.s32 $0xFFFF8000  }
0x2b9: {  	[tilespmem:s3], [sflag:$0x1] =	stream.linear.gather [hbm4b:s1+s3], $0x1000, $0x38;
	[tilespmem:$0x1A000] =	vst v63  }
0x2ba: {  	_ = 	snop  }
0x2bb: {  	[tilespmem:s10], [sflag:$0x3] =	stream.strided.gather [hbm4b:s5+s15], $0x8000, s17, s15, $0x38;
	[tilespmem:$0x1A000] =	vst v63  }
0x2bc: {  	_ =	swait.ge [sflag:s16], $0x1000  }
0x2bd: {  	[sflag:s16] =	ssyncset.done $0x0  }
0x2be: {  	[sflag:s16] =	ssyncadd.s32 $0xFFFFF000  }
0x2bf: {  	_ =	swait.ge [sflag:s12], $0x8000  }
0x2c0: {  	[sflag:s12] =	ssyncset.done $0x0  }
0x2c1: {  	[sflag:s12] =	ssyncadd.s32 $0xFFFF8000  }
0x2c2: {  	[spmem:s2] =	stream.indirect.scatter.add.f32 [tilespmem:s10], [sflag:$0x5], $0x8, s3, s18, $0xb8;
	[tilespmem:$0x1A000] =	vst v63  }
0x2c3: {  	_ =	swait.ge [sflag:s19], $0x8000  }
0x2c4: {  	s1 =	sld [smem:$0x7FA]  }
0x2c5: {  	[sflag:s19] =	ssyncset.done $0x0  }
0x2c6: {  	s5 =	sld [smem:$0x7FB];
	[sflag:s19] =	ssyncadd.s32 $0xFFFF8000  }
0x2c7: {  	[tilespmem:s18], [sflag:$0x2] =	stream.linear.gather [hbm4b:s1+s3], $0x1000, $0x38;
	[tilespmem:$0x1A000] =	vst v63  }
0x2c8: {  	_ = 	snop  }
0x2c9: {  	[tilespmem:s24], [sflag:$0x4] =	stream.strided.gather [hbm4b:s5+s15], $0x8000, s17, s15, $0x38;
	[tilespmem:$0x1A000] =	vst v63  }
0x2ca: {  	_ =	swait.ge [sflag:s28], $0x1000  }
0x2cb: {  	[sflag:s28] =	ssyncset.done $0x0  }
0x2cc: {  	[sflag:s28] =	ssyncadd.s32 $0xFFFFF000  }
0x2cd: {  	_ =	swait.ge [sflag:s25], $0x8000  }
0x2ce: {  	[sflag:s25] =	ssyncset.done $0x0  }
0x2cf: {  	[sflag:s25] =	ssyncadd.s32 $0xFFFF8000  }
0x2d0: {  	[spmem:s2] =	stream.indirect.scatter.add.f32 [tilespmem:s24], [sflag:$0x6], $0x8, s18, s18, $0xb8;
	[tilespmem:$0x1A000] =	vst v63  }
0x2d1: {  	_ =	swait.ge [sflag:s13], $0x8000  }
0x2d2: {  	s1 =	sld [smem:$0x7FC]  }
0x2d3: {  	[sflag:s13] =	ssyncset.done $0x0  }
0x2d4: {  	s5 =	sld [smem:$0x7FD];
	[sflag:s13] =	ssyncadd.s32 $0xFFFF8000  }
0x2d5: {  	[tilespmem:s3], [sflag:$0x1] =	stream.linear.gather [hbm4b:s1+s3], $0x1000, $0x38;
	[tilespmem:$0x1A000] =	vst v63  }
0x2d6: {  	_ = 	snop  }
0x2d7: {  	[tilespmem:s10], [sflag:$0x3] =	stream.strided.gather [hbm4b:s5+s15], $0x8000, s17, s15, $0x38;
	[tilespmem:$0x1A000] =	vst v63  }
0x2d8: {  	_ =	swait.ge [sflag:s16], $0x1000  }
0x2d9: {  	[sflag:s16] =	ssyncset.done $0x0  }
0x2da: {  	[sflag:s16] =	ssyncadd.s32 $0xFFFFF000  }
0x2db: {  	s5 =	smov.u32 s8;
	s8 =	smov.u32 s9;
	_ =	swait.ge [sflag:s12], $0x8000  }
0x2dc: {  	s9 =	smov.u32 s11;
	s11 =	smov.u32 s14;
	[sflag:s12] =	ssyncset.done $0x0  }
0x2dd: {  	s14 =	smov.u32 s20;
	s20 =	smov.u32 s21;
	[sflag:s12] =	ssyncadd.s32 $0xFFFF8000  }
0x2de: {  	[spmem:s2] =	stream.indirect.scatter.add.f32 [tilespmem:s10], [sflag:$0x5], $0x8, s3, s18, $0xb8;
	[tilespmem:$0x1A000] =	vst v63  }
0x2df: {  	s21 =	smov.u32 s22;
	s22 =	smov.u32 s23;
	_ =	swait.ge [sflag:s19], $0x8000  }
0x2e0: {  	s23 =	smov.u32 s26;
	s26 =	smov.u32 s29;
	[sflag:s19] =	ssyncset.done $0x0  }
0x2e1: {  	s29 =	smov.u32 s30;
	s30 =	smov.u32 s31;
	[sflag:s19] =	ssyncadd.s32 $0xFFFF8000  }
0x2e2: {  	[tilespmem:s18], [sflag:$0x2] =	stream.linear.gather [hbm4b:s30+s3], $0x1000, $0x38;
	[tilespmem:$0x1A000] =	vst v63  }
0x2e3: {  	s31 =	smov.u32 s4  }
0x2e4: {  	[tilespmem:s24], [sflag:$0x4] =	stream.strided.gather [hbm4b:s31+s15], $0x8000, s17, s15, $0x38;
	[tilespmem:$0x1A000] =	vst v63  }
0x2e5: {  	_ =	swait.ge [sflag:s28], $0x1000  }
0x2e6: {  	[sflag:s28] =	ssyncset.done $0x0  }
0x2e7: {  	[sflag:s28] =	ssyncadd.s32 $0xFFFFF000  }
0x2e8: {  	_ =	swait.ge [sflag:s25], $0x8000  }
0x2e9: {  	[sflag:s25] =	ssyncset.done $0x0  }
0x2ea: {  	[sflag:s25] =	ssyncadd.s32 $0xFFFF8000  }
0x2eb: {  	[spmem:s2] =	stream.indirect.scatter.add.f32 [tilespmem:s24], [sflag:$0x6], $0x8, s18, s18, $0xb8;
	[tilespmem:$0x1A000] =	vst v63  }
0x2ec: {  	_ =	swait.ge [sflag:s13], $0x8000  }
0x2ed: {  	[sflag:s13] =	ssyncset.done $0x0  }
0x2ee: {  	[sflag:s13] =	ssyncadd.s32 $0xFFFF8000  }
0x2ef: {  	[tilespmem:s3], [sflag:$0x1] =	stream.linear.gather [hbm4b:s26+s3], $0x1000, $0x38;
	[tilespmem:$0x1A000] =	vst v63  }
0x2f0: {  	_ = 	snop  }
0x2f1: {  	[tilespmem:s10], [sflag:$0x3] =	stream.strided.gather [hbm4b:s29+s15], $0x8000, s17, s15, $0x38;
	[tilespmem:$0x1A000] =	vst v63  }
0x2f2: {  	_ =	swait.ge [sflag:s16], $0x1000  }
0x2f3: {  	[sflag:s16] =	ssyncset.done $0x0  }
0x2f4: {  	[sflag:s16] =	ssyncadd.s32 $0xFFFFF000  }
0x2f5: {  	_ =	swait.ge [sflag:s12], $0x8000  }
0x2f6: {  	[sflag:s12] =	ssyncset.done $0x0  }
0x2f7: {  	[sflag:s12] =	ssyncadd.s32 $0xFFFF8000  }
0x2f8: {  	[spmem:s2] =	stream.indirect.scatter.add.f32 [tilespmem:s10], [sflag:$0x5], $0x8, s3, s18, $0xb8;
	[tilespmem:$0x1A000] =	vst v63  }
0x2f9: {  	_ =	swait.ge [sflag:s19], $0x8000  }
0x2fa: {  	[sflag:s19] =	ssyncset.done $0x0  }
0x2fb: {  	[sflag:s19] =	ssyncadd.s32 $0xFFFF8000  }
0x2fc: {  	[tilespmem:s18], [sflag:$0x2] =	stream.linear.gather [hbm4b:s22+s3], $0x1000, $0x38;
	[tilespmem:$0x1A000] =	vst v63  }
0x2fd: {  	_ = 	snop  }
0x2fe: {  	[tilespmem:s24], [sflag:$0x4] =	stream.strided.gather [hbm4b:s23+s15], $0x8000, s17, s15, $0x38;
	[tilespmem:$0x1A000] =	vst v63  }
0x2ff: {  	_ =	swait.ge [sflag:s28], $0x1000  }
0x300: {  	[sflag:s28] =	ssyncset.done $0x0  }
0x301: {  	[sflag:s28] =	ssyncadd.s32 $0xFFFFF000  }
0x302: {  	_ =	swait.ge [sflag:s25], $0x8000  }
0x303: {  	[sflag:s25] =	ssyncset.done $0x0  }
0x304: {  	[sflag:s25] =	ssyncadd.s32 $0xFFFF8000  }
0x305: {  	[spmem:s2] =	stream.indirect.scatter.add.f32 [tilespmem:s24], [sflag:$0x6], $0x8, s18, s18, $0xb8;
	[tilespmem:$0x1A000] =	vst v63  }
0x306: {  	_ =	swait.ge [sflag:s13], $0x8000  }
0x307: {  	[sflag:s13] =	ssyncset.done $0x0  }
0x308: {  	[sflag:s13] =	ssyncadd.s32 $0xFFFF8000  }
0x309: {  	[tilespmem:s3], [sflag:$0x1] =	stream.linear.gather [hbm4b:s20+s3], $0x1000, $0x38;
	[tilespmem:$0x1A000] =	vst v63  }
0x30a: {  	_ = 	snop  }
0x30b: {  	[tilespmem:s10], [sflag:$0x3] =	stream.strided.gather [hbm4b:s21+s15], $0x8000, s17, s15, $0x38;
	[tilespmem:$0x1A000] =	vst v63  }
0x30c: {  	_ =	swait.ge [sflag:s16], $0x1000  }
0x30d: {  	[sflag:s16] =	ssyncset.done $0x0  }
0x30e: {  	[sflag:s16] =	ssyncadd.s32 $0xFFFFF000  }
0x30f: {  	_ =	swait.ge [sflag:s12], $0x8000  }
0x310: {  	[sflag:s12] =	ssyncset.done $0x0  }
0x311: {  	[sflag:s12] =	ssyncadd.s32 $0xFFFF8000  }
0x312: {  	[spmem:s2] =	stream.indirect.scatter.add.f32 [tilespmem:s10], [sflag:$0x5], $0x8, s3, s18, $0xb8;
	[tilespmem:$0x1A000] =	vst v63  }
0x313: {  	_ =	swait.ge [sflag:s19], $0x8000  }
0x314: {  	[sflag:s19] =	ssyncset.done $0x0  }
0x315: {  	[sflag:s19] =	ssyncadd.s32 $0xFFFF8000  }
0x316: {  	[tilespmem:s18], [sflag:$0x2] =	stream.linear.gather [hbm4b:s11+s3], $0x1000, $0x38;
	[tilespmem:$0x1A000] =	vst v63  }
0x317: {  	_ = 	snop  }
0x318: {  	[tilespmem:s24], [sflag:$0x4] =	stream.strided.gather [hbm4b:s14+s15], $0x8000, s17, s15, $0x38;
	[tilespmem:$0x1A000] =	vst v63  }
0x319: {  	_ =	swait.ge [sflag:s28], $0x1000  }
0x31a: {  	[sflag:s28] =	ssyncset.done $0x0  }
0x31b: {  	[sflag:s28] =	ssyncadd.s32 $0xFFFFF000  }
0x31c: {  	_ =	swait.ge [sflag:s25], $0x8000  }
0x31d: {  	[sflag:s25] =	ssyncset.done $0x0  }
0x31e: {  	[sflag:s25] =	ssyncadd.s32 $0xFFFF8000  }
0x31f: {  	[spmem:s2] =	stream.indirect.scatter.add.f32 [tilespmem:s24], [sflag:$0x6], $0x8, s18, s18, $0xb8;
	[tilespmem:$0x1A000] =	vst v63  }
0x320: {  	_ =	swait.ge [sflag:s13], $0x8000  }
0x321: {  	[sflag:s13] =	ssyncset.done $0x0  }
0x322: {  	[sflag:s13] =	ssyncadd.s32 $0xFFFF8000  }
0x323: {  	[tilespmem:s3], [sflag:$0x1] =	stream.linear.gather [hbm4b:s8+s3], $0x1000, $0x38;
	[tilespmem:$0x1A000] =	vst v63  }
0x324: {  	_ = 	snop  }
0x325: {  	[tilespmem:s10], [sflag:$0x3] =	stream.strided.gather [hbm4b:s9+s15], $0x8000, s17, s15, $0x38;
	[tilespmem:$0x1A000] =	vst v63  }
0x326: {  	_ =	swait.ge [sflag:s16], $0x1000  }
0x327: {  	[sflag:s16] =	ssyncset.done $0x0  }
0x328: {  	[sflag:s16] =	ssyncadd.s32 $0xFFFFF000  }
0x329: {  	_ =	swait.ge [sflag:s12], $0x8000  }
0x32a: {  	[sflag:s12] =	ssyncset.done $0x0  }
0x32b: {  	[sflag:s12] =	ssyncadd.s32 $0xFFFF8000  }
0x32c: {  	[spmem:s2] =	stream.indirect.scatter.add.f32 [tilespmem:s10], [sflag:$0x5], $0x8, s3, s18, $0xb8;
	[tilespmem:$0x1A000] =	vst v63  }
0x32d: {  	_ =	swait.ge [sflag:s19], $0x8000  }
0x32e: {  	[sflag:s19] =	ssyncset.done $0x0  }
0x32f: {  	[sflag:s19] =	ssyncadd.s32 $0xFFFF8000  }
0x330: {  	_ =	swait.ge [sflag:s13], $0x8000  }
0x331: {  	p1 =	sne.s32 s0, $0x1;
	[sflag:s13] =	ssyncset.done $0x0  }
.Ltmp2:
0x332: {  	s4 =	smov.u32 s7;
	[sflag:s13] =	ssyncadd.s32 $0xFFFF8000;
	(pc) =	sbr.rel @p1 .LBB2_2-.Ltmp2, $4  }
0x333: {  	s7 =	smov.u32 s6;
	s6 =	simm.s32 $0x7;
	[bflag:$0x0] =	sbarrier.arrive $0xFFFF  }
0x334: {  	[hbm:s5], [sflag:s4] =	dma.local [spmem:s7], $0x1000  }
0x335: {  	_ =	swait.ge [sflag:s6], $0x1000  }
0x336: {  	s0 =	sadd.s32 $0xFFFFFFFF, s0;
	s1 =	rddreg [dreg:$0x4];
	[sflag:s6] =	ssyncset.done $0x0  }
.LBB2_3:
0x337: {  	[sflag:s6] =	ssyncadd.s32 @p0 $0xFFFFF000  }
0x338: {  	[spmem:s7], [sflag:s4] =	dma.local [hbm:s1], $0x1000  }
0x339: {  	_ =	swait.ge [sflag:s6], $0x1000  }
0x33a: {  	[sflag:s6] =	ssyncset.done $0x0  }
0x33b: {  	[sflag:s6] =	ssyncadd.s32 $0xFFFFF000  }
0x33c: {  	[bflag:$0x0] =	sbarrier.arrive $0xFFFF  }
0x33d: {  	s0 =	rddreg [dreg:$0x5]  }
0x33e: {  	[tilespmem:s3], [sflag:$0x1] =	stream.linear.gather [hbm4b:s0+s3], $0x1000, $0x38;
	[tilespmem:$0x1A000] =	vst v63  }
0x33f: {  	s1 =	rddreg [dreg:$0x6]  }
0x340: {  	[tilespmem:s10], [sflag:$0x3] =	stream.strided.gather [hbm4b:s1+s15], $0x8000, s17, s15, $0x38;
	[tilespmem:$0x1A000] =	vst v63  }
0x341: {  	_ =	swait.ge [sflag:s16], $0x1000  }
0x342: {  	[sflag:s16] =	ssyncset.done $0x0  }
0x343: {  	[sflag:s16] =	ssyncadd.s32 $0xFFFFF000  }
0x344: {  	_ =	swait.ge [sflag:s12], $0x8000  }
0x345: {  	[sflag:s12] =	ssyncset.done $0x0  }
0x346: {  	[sflag:s12] =	ssyncadd.s32 $0xFFFF8000  }
0x347: {  	[spmem:s2] =	stream.indirect.scatter.add.f32 [tilespmem:s10], [sflag:$0x5], $0x8, s3, s18, $0xb8;
	[tilespmem:$0x1A000] =	vst v63  }
0x348: {  	s0 =	rddreg [dreg:$0x7]  }
0x349: {  	[tilespmem:s18], [sflag:$0x2] =	stream.linear.gather [hbm4b:s0+s3], $0x1000, $0x38;
	[tilespmem:$0x1A000] =	vst v63  }
0x34a: {  	s1 =	rddreg [dreg:$0x8]  }
0x34b: {  	[tilespmem:s24], [sflag:$0x4] =	stream.strided.gather [hbm4b:s1+s15], $0x8000, s17, s15, $0x38;
	[tilespmem:$0x1A000] =	vst v63  }
0x34c: {  	_ =	swait.ge [sflag:s28], $0x1000  }
0x34d: {  	[sflag:s28] =	ssyncset.done $0x0  }
0x34e: {  	[sflag:s28] =	ssyncadd.s32 $0xFFFFF000  }
0x34f: {  	_ =	swait.ge [sflag:s25], $0x8000  }
0x350: {  	[sflag:s25] =	ssyncset.done $0x0  }
0x351: {  	[sflag:s25] =	ssyncadd.s32 $0xFFFF8000  }
0x352: {  	[spmem:s2] =	stream.indirect.scatter.add.f32 [tilespmem:s24], [sflag:$0x6], $0x8, s18, s18, $0xb8;
	[tilespmem:$0x1A000] =	vst v63  }
0x353: {  	_ =	swait.ge [sflag:s13], $0x8000  }
0x354: {  	[sflag:s13] =	ssyncset.done $0x0  }
0x355: {  	s0 =	rddreg [dreg:$0x9];
	[sflag:s13] =	ssyncadd.s32 $0xFFFF8000  }
0x356: {  	[tilespmem:s3], [sflag:$0x1] =	stream.linear.gather [hbm4b:s0+s3], $0x1000, $0x38;
	[tilespmem:$0x1A000] =	vst v63  }
0x357: {  	s1 =	rddreg [dreg:$0xa]  }
0x358: {  	[tilespmem:s10], [sflag:$0x3] =	stream.strided.gather [hbm4b:s1+s15], $0x8000, s17, s15, $0x38;
	[tilespmem:$0x1A000] =	vst v63  }
0x359: {  	_ =	swait.ge [sflag:s16], $0x1000  }
0x35a: {  	[sflag:s16] =	ssyncset.done $0x0  }
0x35b: {  	[sflag:s16] =	ssyncadd.s32 $0xFFFFF000  }
0x35c: {  	_ =	swait.ge [sflag:s12], $0x8000  }
0x35d: {  	[sflag:s12] =	ssyncset.done $0x0  }
0x35e: {  	[sflag:s12] =	ssyncadd.s32 $0xFFFF8000  }
0x35f: {  	[spmem:s2] =	stream.indirect.scatter.add.f32 [tilespmem:s10], [sflag:$0x5], $0x8, s3, s18, $0xb8;
	[tilespmem:$0x1A000] =	vst v63  }
0x360: {  	_ =	swait.ge [sflag:s19], $0x8000  }
0x361: {  	[sflag:s19] =	ssyncset.done $0x0  }
0x362: {  	s0 =	rddreg [dreg:$0xb];
	[sflag:s19] =	ssyncadd.s32 $0xFFFF8000  }
0x363: {  	[tilespmem:s18], [sflag:$0x2] =	stream.linear.gather [hbm4b:s0+s3], $0x1000, $0x38;
	[tilespmem:$0x1A000] =	vst v63  }
0x364: {  	s1 =	rddreg [dreg:$0xc]  }
0x365: {  	[tilespmem:s24], [sflag:$0x4] =	stream.strided.gather [hbm4b:s1+s15], $0x8000, s17, s15, $0x38;
	[tilespmem:$0x1A000] =	vst v63  }
0x366: {  	_ =	swait.ge [sflag:s28], $0x1000  }
0x367: {  	[sflag:s28] =	ssyncset.done $0x0  }
0x368: {  	[sflag:s28] =	ssyncadd.s32 $0xFFFFF000  }
0x369: {  	_ =	swait.ge [sflag:s25], $0x8000  }
0x36a: {  	[sflag:s25] =	ssyncset.done $0x0  }
0x36b: {  	[sflag:s25] =	ssyncadd.s32 $0xFFFF8000  }
0x36c: {  	[spmem:s2] =	stream.indirect.scatter.add.f32 [tilespmem:s24], [sflag:$0x6], $0x8, s18, s18, $0xb8;
	[tilespmem:$0x1A000] =	vst v63  }
0x36d: {  	_ =	swait.ge [sflag:s13], $0x8000  }
0x36e: {  	[sflag:s13] =	ssyncset.done $0x0  }
0x36f: {  	s0 =	rddreg [dreg:$0xd];
	[sflag:s13] =	ssyncadd.s32 $0xFFFF8000  }
0x370: {  	[tilespmem:s3], [sflag:$0x1] =	stream.linear.gather [hbm4b:s0+s3], $0x1000, $0x38;
	[tilespmem:$0x1A000] =	vst v63  }
0x371: {  	s1 =	rddreg [dreg:$0xe]  }
0x372: {  	[tilespmem:s10], [sflag:$0x3] =	stream.strided.gather [hbm4b:s1+s15], $0x8000, s17, s15, $0x38;
	[tilespmem:$0x1A000] =	vst v63  }
0x373: {  	_ =	swait.ge [sflag:s16], $0x1000  }
0x374: {  	[sflag:s16] =	ssyncset.done $0x0  }
0x375: {  	[sflag:s16] =	ssyncadd.s32 $0xFFFFF000  }
0x376: {  	_ =	swait.ge [sflag:s12], $0x8000  }
0x377: {  	[sflag:s12] =	ssyncset.done $0x0  }
0x378: {  	[sflag:s12] =	ssyncadd.s32 $0xFFFF8000  }
0x379: {  	[spmem:s2] =	stream.indirect.scatter.add.f32 [tilespmem:s10], [sflag:$0x5], $0x8, s3, s18, $0xb8;
	[tilespmem:$0x1A000] =	vst v63  }
0x37a: {  	_ =	swait.ge [sflag:s19], $0x8000  }
0x37b: {  	[sflag:s19] =	ssyncset.done $0x0  }
0x37c: {  	s0 =	rddreg [dreg:$0xf];
	[sflag:s19] =	ssyncadd.s32 $0xFFFF8000  }
0x37d: {  	[tilespmem:s18], [sflag:$0x2] =	stream.linear.gather [hbm4b:s0+s3], $0x1000, $0x38;
	[tilespmem:$0x1A000] =	vst v63  }
0x37e: {  	s1 =	rddreg [dreg:$0x10]  }
0x37f: {  	[tilespmem:s24], [sflag:$0x4] =	stream.strided.gather [hbm4b:s1+s15], $0x8000, s17, s15, $0x38;
	[tilespmem:$0x1A000] =	vst v63  }
0x380: {  	_ =	swait.ge [sflag:s28], $0x1000  }
0x381: {  	[sflag:s28] =	ssyncset.done $0x0  }
0x382: {  	[sflag:s28] =	ssyncadd.s32 $0xFFFFF000  }
0x383: {  	_ =	swait.ge [sflag:s25], $0x8000  }
0x384: {  	[sflag:s25] =	ssyncset.done $0x0  }
0x385: {  	[sflag:s25] =	ssyncadd.s32 $0xFFFF8000  }
0x386: {  	[spmem:s2] =	stream.indirect.scatter.add.f32 [tilespmem:s24], [sflag:$0x6], $0x8, s18, s18, $0xb8;
	[tilespmem:$0x1A000] =	vst v63  }
0x387: {  	_ =	swait.ge [sflag:s13], $0x8000  }
0x388: {  	[sflag:s13] =	ssyncset.done $0x0  }
0x389: {  	s0 =	rddreg [dreg:$0x11];
	[sflag:s13] =	ssyncadd.s32 $0xFFFF8000  }
0x38a: {  	[tilespmem:s3], [sflag:$0x1] =	stream.linear.gather [hbm4b:s0+s3], $0x1000, $0x38;
	[tilespmem:$0x1A000] =	vst v63  }
0x38b: {  	s1 =	rddreg [dreg:$0x12]  }
0x38c: {  	[tilespmem:s10], [sflag:$0x3] =	stream.strided.gather [hbm4b:s1+s15], $0x8000, s17, s15, $0x38;
	[tilespmem:$0x1A000] =	vst v63  }
0x38d: {  	_ =	swait.ge [sflag:s16], $0x1000  }
0x38e: {  	[sflag:s16] =	ssyncset.done $0x0  }
0x38f: {  	[sflag:s16] =	ssyncadd.s32 $0xFFFFF000  }
0x390: {  	_ =	swait.ge [sflag:s12], $0x8000  }
0x391: {  	[sflag:s12] =	ssyncset.done $0x0  }
0x392: {  	[sflag:s12] =	ssyncadd.s32 $0xFFFF8000  }
0x393: {  	[spmem:s2] =	stream.indirect.scatter.add.f32 [tilespmem:s10], [sflag:$0x5], $0x8, s3, s18, $0xb8;
	[tilespmem:$0x1A000] =	vst v63  }
0x394: {  	_ =	swait.ge [sflag:s19], $0x8000  }
0x395: {  	[sflag:s19] =	ssyncset.done $0x0  }
0x396: {  	s0 =	rddreg [dreg:$0x13];
	[sflag:s19] =	ssyncadd.s32 $0xFFFF8000  }
0x397: {  	[tilespmem:s18], [sflag:$0x2] =	stream.linear.gather [hbm4b:s0+s3], $0x1000, $0x38;
	[tilespmem:$0x1A000] =	vst v63  }
0x398: {  	s1 =	rddreg [dreg:$0x14]  }
0x399: {  	[tilespmem:s24], [sflag:$0x4] =	stream.strided.gather [hbm4b:s1+s15], $0x8000, s17, s15, $0x38;
	[tilespmem:$0x1A000] =	vst v63  }
0x39a: {  	_ =	swait.ge [sflag:s28], $0x1000  }
0x39b: {  	[sflag:s28] =	ssyncset.done $0x0  }
0x39c: {  	[sflag:s28] =	ssyncadd.s32 $0xFFFFF000  }
0x39d: {  	_ =	swait.ge [sflag:s25], $0x8000  }
0x39e: {  	[sflag:s25] =	ssyncset.done $0x0  }
0x39f: {  	[sflag:s25] =	ssyncadd.s32 $0xFFFF8000  }
0x3a0: {  	[spmem:s2] =	stream.indirect.scatter.add.f32 [tilespmem:s24], [sflag:$0x6], $0x8, s18, s18, $0xb8;
	[tilespmem:$0x1A000] =	vst v63  }
0x3a1: {  	_ =	swait.ge [sflag:s13], $0x8000  }
0x3a2: {  	[sflag:s13] =	ssyncset.done $0x0  }
0x3a3: {  	s0 =	rddreg [dreg:$0x15];
	[sflag:s13] =	ssyncadd.s32 $0xFFFF8000  }
0x3a4: {  	[tilespmem:s3], [sflag:$0x1] =	stream.linear.gather [hbm4b:s0+s3], $0x1000, $0x38;
	[tilespmem:$0x1A000] =	vst v63  }
0x3a5: {  	s1 =	rddreg [dreg:$0x16]  }
0x3a6: {  	[tilespmem:s10], [sflag:$0x3] =	stream.strided.gather [hbm4b:s1+s15], $0x8000, s17, s15, $0x38;
	[tilespmem:$0x1A000] =	vst v63  }
0x3a7: {  	_ =	swait.ge [sflag:s16], $0x1000  }
0x3a8: {  	[sflag:s16] =	ssyncset.done $0x0  }
0x3a9: {  	[sflag:s16] =	ssyncadd.s32 $0xFFFFF000  }
0x3aa: {  	_ =	swait.ge [sflag:s12], $0x8000  }
0x3ab: {  	[sflag:s12] =	ssyncset.done $0x0  }
0x3ac: {  	[sflag:s12] =	ssyncadd.s32 $0xFFFF8000  }
0x3ad: {  	[spmem:s2] =	stream.indirect.scatter.add.f32 [tilespmem:s10], [sflag:$0x5], $0x8, s3, s18, $0xb8;
	[tilespmem:$0x1A000] =	vst v63  }
0x3ae: {  	_ =	swait.ge [sflag:s19], $0x8000  }
0x3af: {  	[sflag:s19] =	ssyncset.done $0x0  }
0x3b0: {  	s0 =	rddreg [dreg:$0x17];
	[sflag:s19] =	ssyncadd.s32 $0xFFFF8000  }
0x3b1: {  	[tilespmem:s18], [sflag:$0x2] =	stream.linear.gather [hbm4b:s0+s3], $0x1000, $0x38;
	[tilespmem:$0x1A000] =	vst v63  }
0x3b2: {  	s1 =	rddreg [dreg:$0x18]  }
0x3b3: {  	[tilespmem:s24], [sflag:$0x4] =	stream.strided.gather [hbm4b:s1+s15], $0x8000, s17, s15, $0x38;
	[tilespmem:$0x1A000] =	vst v63  }
0x3b4: {  	_ =	swait.ge [sflag:s28], $0x1000  }
0x3b5: {  	[sflag:s28] =	ssyncset.done $0x0  }
0x3b6: {  	[sflag:s28] =	ssyncadd.s32 $0xFFFFF000  }
0x3b7: {  	_ =	swait.ge [sflag:s25], $0x8000  }
0x3b8: {  	[sflag:s25] =	ssyncset.done $0x0  }
0x3b9: {  	[sflag:s25] =	ssyncadd.s32 $0xFFFF8000  }
0x3ba: {  	[spmem:s2] =	stream.indirect.scatter.add.f32 [tilespmem:s24], [sflag:$0x6], $0x8, s18, s18, $0xb8;
	[tilespmem:$0x1A000] =	vst v63  }
0x3bb: {  	_ =	swait.ge [sflag:s13], $0x8000  }
0x3bc: {  	[sflag:s13] =	ssyncset.done $0x0  }
0x3bd: {  	s0 =	rddreg [dreg:$0x19];
	[sflag:s13] =	ssyncadd.s32 $0xFFFF8000  }
0x3be: {  	[tilespmem:s3], [sflag:$0x1] =	stream.linear.gather [hbm4b:s0+s3], $0x1000, $0x38;
	[tilespmem:$0x1A000] =	vst v63  }
0x3bf: {  	s1 =	rddreg [dreg:$0x1a]  }
0x3c0: {  	[tilespmem:s10], [sflag:$0x3] =	stream.strided.gather [hbm4b:s1+s15], $0x8000, s17, s15, $0x38;
	[tilespmem:$0x1A000] =	vst v63  }
0x3c1: {  	_ =	swait.ge [sflag:s16], $0x1000  }
0x3c2: {  	[sflag:s16] =	ssyncset.done $0x0  }
0x3c3: {  	[sflag:s16] =	ssyncadd.s32 $0xFFFFF000  }
0x3c4: {  	_ =	swait.ge [sflag:s12], $0x8000  }
0x3c5: {  	[sflag:s12] =	ssyncset.done $0x0  }
0x3c6: {  	[sflag:s12] =	ssyncadd.s32 $0xFFFF8000  }
0x3c7: {  	[spmem:s2] =	stream.indirect.scatter.add.f32 [tilespmem:s10], [sflag:$0x5], $0x8, s3, s18, $0xb8;
	[tilespmem:$0x1A000] =	vst v63  }
0x3c8: {  	_ =	swait.ge [sflag:s19], $0x8000  }
0x3c9: {  	[sflag:s19] =	ssyncset.done $0x0  }
0x3ca: {  	s0 =	rddreg [dreg:$0x1b];
	[sflag:s19] =	ssyncadd.s32 $0xFFFF8000  }
0x3cb: {  	[tilespmem:s18], [sflag:$0x2] =	stream.linear.gather [hbm4b:s0+s3], $0x1000, $0x38;
	[tilespmem:$0x1A000] =	vst v63  }
0x3cc: {  	s1 =	rddreg [dreg:$0x1c]  }
0x3cd: {  	[tilespmem:s24], [sflag:$0x4] =	stream.strided.gather [hbm4b:s1+s15], $0x8000, s17, s15, $0x38;
	[tilespmem:$0x1A000] =	vst v63  }
0x3ce: {  	_ =	swait.ge [sflag:s28], $0x1000  }
0x3cf: {  	[sflag:s28] =	ssyncset.done $0x0  }
0x3d0: {  	[sflag:s28] =	ssyncadd.s32 $0xFFFFF000  }
0x3d1: {  	_ =	swait.ge [sflag:s25], $0x8000  }
0x3d2: {  	[sflag:s25] =	ssyncset.done $0x0  }
0x3d3: {  	[sflag:s25] =	ssyncadd.s32 $0xFFFF8000  }
0x3d4: {  	[spmem:s2] =	stream.indirect.scatter.add.f32 [tilespmem:s24], [sflag:$0x6], $0x8, s18, s18, $0xb8;
	[tilespmem:$0x1A000] =	vst v63  }
0x3d5: {  	_ =	swait.ge [sflag:s13], $0x8000  }
0x3d6: {  	[sflag:s13] =	ssyncset.done $0x0  }
0x3d7: {  	s0 =	rddreg [dreg:$0x1d];
	[sflag:s13] =	ssyncadd.s32 $0xFFFF8000  }
0x3d8: {  	[tilespmem:s3], [sflag:$0x1] =	stream.linear.gather [hbm4b:s0+s3], $0x1000, $0x38;
	[tilespmem:$0x1A000] =	vst v63  }
0x3d9: {  	s1 =	rddreg [dreg:$0x1e]  }
0x3da: {  	[tilespmem:s10], [sflag:$0x3] =	stream.strided.gather [hbm4b:s1+s15], $0x8000, s17, s15, $0x38;
	[tilespmem:$0x1A000] =	vst v63  }
0x3db: {  	_ =	swait.ge [sflag:s16], $0x1000  }
0x3dc: {  	[sflag:s16] =	ssyncset.done $0x0  }
0x3dd: {  	[sflag:s16] =	ssyncadd.s32 $0xFFFFF000  }
0x3de: {  	_ =	swait.ge [sflag:s12], $0x8000  }
0x3df: {  	[sflag:s12] =	ssyncset.done $0x0  }
0x3e0: {  	[sflag:s12] =	ssyncadd.s32 $0xFFFF8000  }
0x3e1: {  	[spmem:s2] =	stream.indirect.scatter.add.f32 [tilespmem:s10], [sflag:$0x5], $0x8, s3, s18, $0xb8;
	[tilespmem:$0x1A000] =	vst v63  }
0x3e2: {  	_ =	swait.ge [sflag:s19], $0x8000  }
0x3e3: {  	s0 =	rddreg [dreg:$0x1f];
	[sflag:s19] =	ssyncset.done $0x0  }
0x3e4: {  	s1 =	sld [smem:$0x7EF];
	[sflag:s19] =	ssyncadd.s32 $0xFFFF8000  }
0x3e5: {  	[tilespmem:s18], [sflag:$0x2] =	stream.linear.gather [hbm4b:s0+s3], $0x1000, $0x38;
	[tilespmem:$0x1A000] =	vst v63  }
0x3e6: {  	_ = 	snop  }
0x3e7: {  	[tilespmem:s24], [sflag:$0x4] =	stream.strided.gather [hbm4b:s1+s15], $0x8000, s17, s15, $0x38;
	[tilespmem:$0x1A000] =	vst v63  }
0x3e8: {  	_ =	swait.ge [sflag:s28], $0x1000  }
0x3e9: {  	[sflag:s28] =	ssyncset.done $0x0  }
0x3ea: {  	[sflag:s28] =	ssyncadd.s32 $0xFFFFF000  }
0x3eb: {  	_ =	swait.ge [sflag:s25], $0x8000  }
0x3ec: {  	[sflag:s25] =	ssyncset.done $0x0  }
0x3ed: {  	[sflag:s25] =	ssyncadd.s32 $0xFFFF8000  }
0x3ee: {  	[spmem:s2] =	stream.indirect.scatter.add.f32 [tilespmem:s24], [sflag:$0x6], $0x8, s18, s18, $0xb8;
	[tilespmem:$0x1A000] =	vst v63  }
0x3ef: {  	_ =	swait.ge [sflag:s13], $0x8000  }
0x3f0: {  	s0 =	sld [smem:$0x7F0]  }
0x3f1: {  	[sflag:s13] =	ssyncset.done $0x0  }
0x3f2: {  	s1 =	sld [smem:$0x7F1];
	[sflag:s13] =	ssyncadd.s32 $0xFFFF8000  }
0x3f3: {  	[tilespmem:s3], [sflag:$0x1] =	stream.linear.gather [hbm4b:s0+s3], $0x1000, $0x38;
	[tilespmem:$0x1A000] =	vst v63  }
0x3f4: {  	_ = 	snop  }
0x3f5: {  	[tilespmem:s10], [sflag:$0x3] =	stream.strided.gather [hbm4b:s1+s15], $0x8000, s17, s15, $0x38;
	[tilespmem:$0x1A000] =	vst v63  }
0x3f6: {  	_ =	swait.ge [sflag:s16], $0x1000  }
0x3f7: {  	[sflag:s16] =	ssyncset.done $0x0  }
0x3f8: {  	[sflag:s16] =	ssyncadd.s32 $0xFFFFF000  }
0x3f9: {  	_ =	swait.ge [sflag:s12], $0x8000  }
0x3fa: {  	[sflag:s12] =	ssyncset.done $0x0  }
0x3fb: {  	[sflag:s12] =	ssyncadd.s32 $0xFFFF8000  }
0x3fc: {  	[spmem:s2] =	stream.indirect.scatter.add.f32 [tilespmem:s10], [sflag:$0x5], $0x8, s3, s18, $0xb8;
	[tilespmem:$0x1A000] =	vst v63  }
0x3fd: {  	_ =	swait.ge [sflag:s19], $0x8000  }
0x3fe: {  	s0 =	sld [smem:$0x7F2]  }
0x3ff: {  	[sflag:s19] =	ssyncset.done $0x0  }
0x400: {  	s1 =	sld [smem:$0x7F3];
	[sflag:s19] =	ssyncadd.s32 $0xFFFF8000  }
0x401: {  	[tilespmem:s18], [sflag:$0x2] =	stream.linear.gather [hbm4b:s0+s3], $0x1000, $0x38;
	[tilespmem:$0x1A000] =	vst v63  }
0x402: {  	_ = 	snop  }
0x403: {  	[tilespmem:s24], [sflag:$0x4] =	stream.strided.gather [hbm4b:s1+s15], $0x8000, s17, s15, $0x38;
	[tilespmem:$0x1A000] =	vst v63  }
0x404: {  	_ =	swait.ge [sflag:s28], $0x1000  }
0x405: {  	[sflag:s28] =	ssyncset.done $0x0  }
0x406: {  	[sflag:s28] =	ssyncadd.s32 $0xFFFFF000  }
0x407: {  	_ =	swait.ge [sflag:s25], $0x8000  }
0x408: {  	[sflag:s25] =	ssyncset.done $0x0  }
0x409: {  	[sflag:s25] =	ssyncadd.s32 $0xFFFF8000  }
0x40a: {  	[spmem:s2] =	stream.indirect.scatter.add.f32 [tilespmem:s24], [sflag:$0x6], $0x8, s18, s18, $0xb8;
	[tilespmem:$0x1A000] =	vst v63  }
0x40b: {  	_ =	swait.ge [sflag:s13], $0x8000  }
0x40c: {  	s0 =	sld [smem:$0x7F4]  }
0x40d: {  	[sflag:s13] =	ssyncset.done $0x0  }
0x40e: {  	s1 =	sld [smem:$0x7F5];
	[sflag:s13] =	ssyncadd.s32 $0xFFFF8000  }
0x40f: {  	[tilespmem:s3], [sflag:$0x1] =	stream.linear.gather [hbm4b:s0+s3], $0x1000, $0x38;
	[tilespmem:$0x1A000] =	vst v63  }
0x410: {  	_ = 	snop  }
0x411: {  	[tilespmem:s10], [sflag:$0x3] =	stream.strided.gather [hbm4b:s1+s15], $0x8000, s17, s15, $0x38;
	[tilespmem:$0x1A000] =	vst v63  }
0x412: {  	_ =	swait.ge [sflag:s16], $0x1000  }
0x413: {  	[sflag:s16] =	ssyncset.done $0x0  }
0x414: {  	[sflag:s16] =	ssyncadd.s32 $0xFFFFF000  }
0x415: {  	_ =	swait.ge [sflag:s12], $0x8000  }
0x416: {  	[sflag:s12] =	ssyncset.done $0x0  }
0x417: {  	[sflag:s12] =	ssyncadd.s32 $0xFFFF8000  }
0x418: {  	[spmem:s2] =	stream.indirect.scatter.add.f32 [tilespmem:s10], [sflag:$0x5], $0x8, s3, s18, $0xb8;
	[tilespmem:$0x1A000] =	vst v63  }
0x419: {  	_ =	swait.ge [sflag:s19], $0x8000  }
0x41a: {  	s0 =	sld [smem:$0x7F6]  }
0x41b: {  	[sflag:s19] =	ssyncset.done $0x0  }
0x41c: {  	s1 =	sld [smem:$0x7F7];
	[sflag:s19] =	ssyncadd.s32 $0xFFFF8000  }
0x41d: {  	[tilespmem:s18], [sflag:$0x2] =	stream.linear.gather [hbm4b:s0+s3], $0x1000, $0x38;
	[tilespmem:$0x1A000] =	vst v63  }
0x41e: {  	_ = 	snop  }
0x41f: {  	[tilespmem:s24], [sflag:$0x4] =	stream.strided.gather [hbm4b:s1+s15], $0x8000, s17, s15, $0x38;
	[tilespmem:$0x1A000] =	vst v63  }
0x420: {  	_ =	swait.ge [sflag:s28], $0x1000  }
0x421: {  	[sflag:s28] =	ssyncset.done $0x0  }
0x422: {  	[sflag:s28] =	ssyncadd.s32 $0xFFFFF000  }
0x423: {  	_ =	swait.ge [sflag:s25], $0x8000  }
0x424: {  	[sflag:s25] =	ssyncset.done $0x0  }
0x425: {  	[sflag:s25] =	ssyncadd.s32 $0xFFFF8000  }
0x426: {  	[spmem:s2] =	stream.indirect.scatter.add.f32 [tilespmem:s24], [sflag:$0x6], $0x8, s18, s18, $0xb8;
	[tilespmem:$0x1A000] =	vst v63  }
0x427: {  	_ =	swait.ge [sflag:s13], $0x8000  }
0x428: {  	s0 =	sld [smem:$0x7F8]  }
0x429: {  	[sflag:s13] =	ssyncset.done $0x0  }
0x42a: {  	s1 =	sld [smem:$0x7F9];
	[sflag:s13] =	ssyncadd.s32 $0xFFFF8000  }
0x42b: {  	[tilespmem:s3], [sflag:$0x1] =	stream.linear.gather [hbm4b:s0+s3], $0x1000, $0x38;
	[tilespmem:$0x1A000] =	vst v63  }
0x42c: {  	_ = 	snop  }
0x42d: {  	[tilespmem:s10], [sflag:$0x3] =	stream.strided.gather [hbm4b:s1+s15], $0x8000, s17, s15, $0x38;
	[tilespmem:$0x1A000] =	vst v63  }
0x42e: {  	_ =	swait.ge [sflag:s16], $0x1000  }
0x42f: {  	[sflag:s16] =	ssyncset.done $0x0  }
0x430: {  	[sflag:s16] =	ssyncadd.s32 $0xFFFFF000  }
0x431: {  	_ =	swait.ge [sflag:s12], $0x8000  }
0x432: {  	[sflag:s12] =	ssyncset.done $0x0  }
0x433: {  	[sflag:s12] =	ssyncadd.s32 $0xFFFF8000  }
0x434: {  	[spmem:s2] =	stream.indirect.scatter.add.f32 [tilespmem:s10], [sflag:$0x5], $0x8, s3, s18, $0xb8;
	[tilespmem:$0x1A000] =	vst v63  }
0x435: {  	_ =	swait.ge [sflag:s19], $0x8000  }
0x436: {  	s0 =	sld [smem:$0x7FA]  }
0x437: {  	[sflag:s19] =	ssyncset.done $0x0  }
0x438: {  	s1 =	sld [smem:$0x7FB];
	[sflag:s19] =	ssyncadd.s32 $0xFFFF8000  }
0x439: {  	[tilespmem:s18], [sflag:$0x2] =	stream.linear.gather [hbm4b:s0+s3], $0x1000, $0x38;
	[tilespmem:$0x1A000] =	vst v63  }
0x43a: {  	_ = 	snop  }
0x43b: {  	[tilespmem:s24], [sflag:$0x4] =	stream.strided.gather [hbm4b:s1+s15], $0x8000, s17, s15, $0x38;
	[tilespmem:$0x1A000] =	vst v63  }
0x43c: {  	_ =	swait.ge [sflag:s28], $0x1000  }
0x43d: {  	[sflag:s28] =	ssyncset.done $0x0  }
0x43e: {  	[sflag:s28] =	ssyncadd.s32 $0xFFFFF000  }
0x43f: {  	_ =	swait.ge [sflag:s25], $0x8000  }
0x440: {  	[sflag:s25] =	ssyncset.done $0x0  }
0x441: {  	[sflag:s25] =	ssyncadd.s32 $0xFFFF8000  }
0x442: {  	[spmem:s2] =	stream.indirect.scatter.add.f32 [tilespmem:s24], [sflag:$0x6], $0x8, s18, s18, $0xb8;
	[tilespmem:$0x1A000] =	vst v63  }
0x443: {  	_ =	swait.ge [sflag:s13], $0x8000  }
0x444: {  	s0 =	sld [smem:$0x7FC]  }
0x445: {  	[sflag:s13] =	ssyncset.done $0x0  }
0x446: {  	s1 =	sld [smem:$0x7FD];
	[sflag:s13] =	ssyncadd.s32 $0xFFFF8000  }
0x447: {  	[tilespmem:s3], [sflag:$0x1] =	stream.linear.gather [hbm4b:s0+s3], $0x1000, $0x38;
	[tilespmem:$0x1A000] =	vst v63  }
0x448: {  	_ = 	snop  }
0x449: {  	[tilespmem:s10], [sflag:$0x3] =	stream.strided.gather [hbm4b:s1+s15], $0x8000, s17, s15, $0x38;
	[tilespmem:$0x1A000] =	vst v63  }
0x44a: {  	_ =	swait.ge [sflag:s16], $0x1000  }
0x44b: {  	[sflag:s16] =	ssyncset.done $0x0  }
0x44c: {  	[sflag:s16] =	ssyncadd.s32 $0xFFFFF000  }
0x44d: {  	_ =	swait.ge [sflag:s12], $0x8000  }
0x44e: {  	[sflag:s12] =	ssyncset.done $0x0  }
0x44f: {  	[sflag:s12] =	ssyncadd.s32 $0xFFFF8000  }
0x450: {  	[spmem:s2] =	stream.indirect.scatter.add.f32 [tilespmem:s10], [sflag:$0x5], $0x8, s3, s18, $0xb8;
	[tilespmem:$0x1A000] =	vst v63  }
0x451: {  	_ =	swait.ge [sflag:s19], $0x8000  }
0x452: {  	[sflag:s19] =	ssyncset.done $0x0  }
0x453: {  	[sflag:s19] =	ssyncadd.s32 $0xFFFF8000  }
0x454: {  	[tilespmem:s18], [sflag:$0x2] =	stream.linear.gather [hbm4b:s30+s3], $0x1000, $0x38;
	[tilespmem:$0x1A000] =	vst v63  }
0x455: {  	_ = 	snop  }
0x456: {  	[tilespmem:s24], [sflag:$0x4] =	stream.strided.gather [hbm4b:s31+s15], $0x8000, s17, s15, $0x38;
	[tilespmem:$0x1A000] =	vst v63  }
0x457: {  	_ =	swait.ge [sflag:s28], $0x1000  }
0x458: {  	[sflag:s28] =	ssyncset.done $0x0  }
0x459: {  	[sflag:s28] =	ssyncadd.s32 $0xFFFFF000  }
0x45a: {  	_ =	swait.ge [sflag:s25], $0x8000  }
0x45b: {  	[sflag:s25] =	ssyncset.done $0x0  }
0x45c: {  	[sflag:s25] =	ssyncadd.s32 $0xFFFF8000  }
0x45d: {  	[spmem:s2] =	stream.indirect.scatter.add.f32 [tilespmem:s24], [sflag:$0x6], $0x8, s18, s18, $0xb8;
	[tilespmem:$0x1A000] =	vst v63  }
0x45e: {  	_ =	swait.ge [sflag:s13], $0x8000  }
0x45f: {  	[sflag:s13] =	ssyncset.done $0x0  }
0x460: {  	[sflag:s13] =	ssyncadd.s32 $0xFFFF8000  }
0x461: {  	[tilespmem:s3], [sflag:$0x1] =	stream.linear.gather [hbm4b:s26+s3], $0x1000, $0x38;
	[tilespmem:$0x1A000] =	vst v63  }
0x462: {  	_ = 	snop  }
0x463: {  	[tilespmem:s10], [sflag:$0x3] =	stream.strided.gather [hbm4b:s29+s15], $0x8000, s17, s15, $0x38;
	[tilespmem:$0x1A000] =	vst v63  }
0x464: {  	_ =	swait.ge [sflag:s16], $0x1000  }
0x465: {  	[sflag:s16] =	ssyncset.done $0x0  }
0x466: {  	[sflag:s16] =	ssyncadd.s32 $0xFFFFF000  }
0x467: {  	_ =	swait.ge [sflag:s12], $0x8000  }
0x468: {  	[sflag:s12] =	ssyncset.done $0x0  }
0x469: {  	[sflag:s12] =	ssyncadd.s32 $0xFFFF8000  }
0x46a: {  	[spmem:s2] =	stream.indirect.scatter.add.f32 [tilespmem:s10], [sflag:$0x5], $0x8, s3, s18, $0xb8;
	[tilespmem:$0x1A000] =	vst v63  }
0x46b: {  	_ =	swait.ge [sflag:s19], $0x8000  }
0x46c: {  	[sflag:s19] =	ssyncset.done $0x0  }
0x46d: {  	[sflag:s19] =	ssyncadd.s32 $0xFFFF8000  }
0x46e: {  	[tilespmem:s18], [sflag:$0x2] =	stream.linear.gather [hbm4b:s22+s3], $0x1000, $0x38;
	[tilespmem:$0x1A000] =	vst v63  }
0x46f: {  	_ = 	snop  }
0x470: {  	[tilespmem:s24], [sflag:$0x4] =	stream.strided.gather [hbm4b:s23+s15], $0x8000, s17, s15, $0x38;
	[tilespmem:$0x1A000] =	vst v63  }
0x471: {  	_ =	swait.ge [sflag:s28], $0x1000  }
0x472: {  	[sflag:s28] =	ssyncset.done $0x0  }
0x473: {  	[sflag:s28] =	ssyncadd.s32 $0xFFFFF000  }
0x474: {  	_ =	swait.ge [sflag:s25], $0x8000  }
0x475: {  	[sflag:s25] =	ssyncset.done $0x0  }
0x476: {  	[sflag:s25] =	ssyncadd.s32 $0xFFFF8000  }
0x477: {  	[spmem:s2] =	stream.indirect.scatter.add.f32 [tilespmem:s24], [sflag:$0x6], $0x8, s18, s18, $0xb8;
	[tilespmem:$0x1A000] =	vst v63  }
0x478: {  	_ =	swait.ge [sflag:s13], $0x8000  }
0x479: {  	[sflag:s13] =	ssyncset.done $0x0  }
0x47a: {  	[sflag:s13] =	ssyncadd.s32 $0xFFFF8000  }
0x47b: {  	[tilespmem:s3], [sflag:$0x1] =	stream.linear.gather [hbm4b:s20+s3], $0x1000, $0x38;
	[tilespmem:$0x1A000] =	vst v63  }
0x47c: {  	_ = 	snop  }
0x47d: {  	[tilespmem:s10], [sflag:$0x3] =	stream.strided.gather [hbm4b:s21+s15], $0x8000, s17, s15, $0x38;
	[tilespmem:$0x1A000] =	vst v63  }
0x47e: {  	_ =	swait.ge [sflag:s16], $0x1000  }
0x47f: {  	[sflag:s16] =	ssyncset.done $0x0  }
0x480: {  	[sflag:s16] =	ssyncadd.s32 $0xFFFFF000  }
0x481: {  	_ =	swait.ge [sflag:s12], $0x8000  }
0x482: {  	[sflag:s12] =	ssyncset.done $0x0  }
0x483: {  	[sflag:s12] =	ssyncadd.s32 $0xFFFF8000  }
0x484: {  	[spmem:s2] =	stream.indirect.scatter.add.f32 [tilespmem:s10], [sflag:$0x5], $0x8, s3, s18, $0xb8;
	[tilespmem:$0x1A000] =	vst v63  }
0x485: {  	_ =	swait.ge [sflag:s19], $0x8000  }
0x486: {  	[sflag:s19] =	ssyncset.done $0x0  }
0x487: {  	[sflag:s19] =	ssyncadd.s32 $0xFFFF8000  }
0x488: {  	[tilespmem:s18], [sflag:$0x2] =	stream.linear.gather [hbm4b:s11+s3], $0x1000, $0x38;
	[tilespmem:$0x1A000] =	vst v63  }
0x489: {  	_ = 	snop  }
0x48a: {  	[tilespmem:s24], [sflag:$0x4] =	stream.strided.gather [hbm4b:s14+s15], $0x8000, s17, s15, $0x38;
	[tilespmem:$0x1A000] =	vst v63  }
0x48b: {  	_ =	swait.ge [sflag:s28], $0x1000  }
0x48c: {  	[sflag:s28] =	ssyncset.done $0x0  }
0x48d: {  	[sflag:s28] =	ssyncadd.s32 $0xFFFFF000  }
0x48e: {  	_ =	swait.ge [sflag:s25], $0x8000  }
0x48f: {  	[sflag:s25] =	ssyncset.done $0x0  }
0x490: {  	[sflag:s25] =	ssyncadd.s32 $0xFFFF8000  }
0x491: {  	[spmem:s2] =	stream.indirect.scatter.add.f32 [tilespmem:s24], [sflag:$0x6], $0x8, s18, s18, $0xb8;
	[tilespmem:$0x1A000] =	vst v63  }
0x492: {  	_ =	swait.ge [sflag:s13], $0x8000  }
0x493: {  	[sflag:s13] =	ssyncset.done $0x0  }
0x494: {  	[sflag:s13] =	ssyncadd.s32 $0xFFFF8000  }
0x495: {  	[tilespmem:s3], [sflag:$0x1] =	stream.linear.gather [hbm4b:s8+s3], $0x1000, $0x38;
	[tilespmem:$0x1A000] =	vst v63  }
0x496: {  	_ = 	snop  }
0x497: {  	[tilespmem:s10], [sflag:$0x3] =	stream.strided.gather [hbm4b:s9+s15], $0x8000, s17, s15, $0x38;
	[tilespmem:$0x1A000] =	vst v63  }
0x498: {  	_ =	swait.ge [sflag:s16], $0x1000  }
0x499: {  	[sflag:s16] =	ssyncset.done $0x0  }
0x49a: {  	[sflag:s16] =	ssyncadd.s32 $0xFFFFF000  }
0x49b: {  	_ =	swait.ge [sflag:s12], $0x8000  }
0x49c: {  	[sflag:s12] =	ssyncset.done $0x0  }
0x49d: {  	[sflag:s12] =	ssyncadd.s32 $0xFFFF8000  }
0x49e: {  	[spmem:s2] =	stream.indirect.scatter.add.f32 [tilespmem:s10], [sflag:$0x5], $0x8, s3, s18, $0xb8;
	[tilespmem:$0x1A000] =	vst v63  }
0x49f: {  	_ =	swait.ge [sflag:s19], $0x8000  }
0x4a0: {  	[sflag:s19] =	ssyncset.done $0x0  }
0x4a1: {  	[sflag:s19] =	ssyncadd.s32 $0xFFFF8000  }
0x4a2: {  	_ =	swait.ge [sflag:s13], $0x8000  }
0x4a3: {  	[sflag:s13] =	ssyncset.done $0x0  }
0x4a4: {  	[sflag:s13] =	ssyncadd.s32 $0xFFFF8000  }
0x4a5: {  	[bflag:$0x0] =	sbarrier.arrive $0xFFFF  }
0x4a6: {  	[hbm:s5], [sflag:s4] =	dma.local [spmem:s7], $0x1000  }
0x4a7: {  	_ =	swait.ge [sflag:s6], $0x1000  }
0x4a8: {  	[sflag:s6] =	ssyncset.done $0x0  }
0x4a9: {  	[sflag:s6] =	ssyncadd.s32 $0xFFFFF000  }
0x4aa: {  	_ =	sfence.sel $0x180000  }
0x4ab: {  	[bflag:$0x0] =	sbarrier.arrive $0xFFFF  }
0x4ac: {  	_ =	strace $0x9000004A  }
0x4ad: {  	s31 =	stileid.u32;
	[bflag:$0x2] =	sbarrier.arrive $0xFFFF  }
0x4ae: {  	p0 =	sne.s32 s31, $0x0;
	s0 =	rddreg [dreg:$0x3]  }
0x4af: {  	s0 =	sadd.s32 @!p0 $0x100000, s0  }
0x4b0: {  	[sflag:s0] =	ssyncadd.tile.s32 @!p0 $0x1;
	_ =	shalt  }
.Lfunc_end2:
_tile_overlayer_lowered:
.L_overlay_start_2:
0x4b1: {  	(tag) =	ssettag $0x2  }
0x4b2: {  	s0 =	rddreg [dreg:$0x0];
	s2 =	stileid.u32  }
0x4b3: {  	s1 =	rddreg [dreg:$0x1];
	p0 =	sne.s32 s2, $0x0  }
0x4b4: {  	s3 =	rddreg [dreg:$0x2];
	[bflag:$0x3] =	sbarrier.arrive $0xFFFF;
	s2 =	simm.s32 @!p0 $0x1C07  }
0x4b5: {  	[timem:s3], [sflag:s2] =	dma.local @!p0 [hbm:s0], s1  }
0x4b6: {  	s0 =	simm.s32 @!p0 $0x7  }
0x4b7: {  	_ =	swait.ge @!p0 [sflag:s0], s1  }
0x4b8: {  	s1 =	ssub.s32 @!p0 $0x0, s1;
	[sflag:s0] =	ssyncset.done @!p0 $0x0  }
0x4b9: {  	[sflag:s0] =	ssyncadd.s32 @!p0 s1  }
0x4ba: {  	[bflag:$0x3] =	sbarrier.arrive $0xFFFF  }
0x4bb: {  	_ =	shalt  }

// kernel: sparse-core-data-format-call.cloned.1.call-start
scs
called_computation_lowered:
.L_overlay_start_0:
0x0: {  	s2 =	sld [smem:$0x3FD9]  }
0x1: {  	s3 =	sld [smem:$0x3FFE];
	_ =	sdelay $0x1  }
0x2: {  	s1 =	srdreg.scid  }
0x3: {  	s0 =	sand.u32 $0x1, s1  }
0x4: {  	s18 =	sshll.u32 s0, $0xA;
	s2 =	sadd.s32 s3, s2  }
0x5: {  	s2 =	sadd.s32 s2, s18  }
0x6: {  	[smem:$0x3FC6] =	sst s2  }
0x7: {  	_ = 	snop  }
0x8: {  	s2 =	sld [smem:$0x3FC9];
	(tm) =	ssettm $0x1  }
0x9: {  	s19 =	sld [smem:$0x3FFB];
	_ =	sdelay $0x3  }
0xa: {  	_ =	strace s19  }
0xb: {  	s3 =	sld [smem:$0x3FFC];
	_ =	sdelay $0x3  }
0xc: {  	_ =	strace s3  }
0xd: {  	s3 =	sld [smem:$0x3FFD];
	_ =	sdelay $0x3  }
0xe: {  	_ =	strace s3  }
0xf: {  	_ =	strace $0x8FFFFFFF  }
0x10: {  	s20 =	sld [smem:$0x3FDB];
	_ =	sdelay $0x1  }
0x11: {  	s4 =	simm.s32 $_scs_section_size  }
0x12: {  	s5 =	simm.s32 $_size__tile_overlayer_lowered;
	s6 =	simm.s32 $_tile_overlayer_lowered  }
0x13: {  	s23 =	simm.s32 $0x1BFF;
	s22 =	sshll.u32 s6, $0x1;
	s3 =	sadd.s32 s4, s20  }
0x14: {  	s7 =	simm.s32 $0x0;
	s21 =	sshll.u32 s5, $0x1;
	s5 =	sadd.s32 s22, s3  }
0x15: {  	[timem:s7], [sflag:s23] =	dma.local [hbm:s5], s21  }
0x16: {  	_ =	swait.ge [sflag:s23], s21  }
0x17: {  	s4 =	ssub.s32 $0x0, s21;
	[sflag:s23] =	ssyncset.done $0x0  }
0x18: {  	[sflag:s23] =	ssyncadd.s32 s4;
	_ =	sdelay $0x1  }
0x19: {  	s24 =	simm.s32 $0x1B8B  }
0x1a: {  	_ =	swait.ge [sflag:s24], $0x1  }
0x1b: {  	[sflag:s24] =	ssyncset.done $0x0  }
0x1c: {  	s26 =	simm.s32 $0x1B8E;
	s25 =	sld [smem:$0x3FFE];
	[sflag:s24] =	ssyncadd.s32 $0xFFFFFFFF  }
0x1d: {  	s27 =	simm.s32 $execute0_lowered;
	[smem:$0x3FD2] =	sst s26  }
0x1e: {  	s5 =	sshll.u32 s27, $0x1;
	_ =	strace $0x80000046;
	[dreg:$0x1] =	wrdreg $0xFFFFFFFF  }
0x1f: {  	s28 =	simm.s32 $_size_execute0_lowered;
	s3 =	sadd.s32 s3, s5;
	[dreg:$0x0] =	wrdreg $0x0  }
0x20: {  	s5 =	sshll.u32 s28, $0x1;
	[dreg:$0x2] =	wrdreg s3  }
0x21: {  	[dreg:$0x3] =	wrdreg s5  }
0x22: {  	[dreg:$0x4] =	wrdreg $0xC0  }
0x23: {  	_ =	task [dreg:s7], $0x5FFFF  }
0x24: {  	[dreg:$0x1] =	wrdreg $0xFFFFFFFF  }
0x25: {  	[dreg:$0x0] =	wrdreg $0x60  }
0x26: {  	[dreg:$0x2] =	wrdreg s2  }
0x27: {  	[dreg:$0x3] =	wrdreg s25  }
0x28: {  	[dreg:$0x4] =	wrdreg $0x9  }
0x29: {  	_ =	task.clear_ibuf [dreg:s7], $0x5FFFF;
	_ =	strace $0x90000046  }
0x2a: {  	s29 =	simm.s32 $0x9;
	_ =	strace $0x80000048  }
0x2b: {  	_ =	swait.ge [sflag:s29], $0x1  }
0x2c: {  	[sflag:s29] =	ssyncadd.s32 $0xFFFFFFFF  }
0x2d: {  	_ =	strace $0x90000048  }
0x2e: {  	_ =	sfence  }
0x2f: {  	s30 =	sld [smem:$0x0];
	_ =	sdelay $0x2  }
0x30: {  	s31 =	sshll.u32 s1, $0xD;
	s1 =	sshrl.u32 s1, $0x2  }
0x31: {  	s3 =	sand.u32 $0x4000, s31;
	s1 =	sadd.s32 s1, s30  }
0x32: {  	s0 =	sor.u32 s3, s0;
	s1 =	sshll.u32 s1, $0x11  }
0x33: {  	s0 =	sor.u32 s1, s0  }
0x34: {  	s0 =	sadd.s32 $0x8F2B, s0  }
0x35: {  	[sflag:s0] =	ssyncadd.remote.s32 $0x1  }
0x36: {  	_ =	sfence.sel $0xFFFF  }
0x37: {  	[dreg:$0x0] =	wrdreg $0xFFFFFFFF;
	(pc) =	sbr.abs _section_cstart, $3  }
0x38: {  	[dreg:$0x1] =	wrdreg $0xFFFFFFFF  }
0x39: {  	_ =	task.clear_ibuf [dreg:s7], $0x2FFFF;
	_ =	strace $0x9FFFFFFF  }
0x3a: {  	(tm) =	ssettm $0x7FFFFFFF  }
0x3b: {  	_ =	shalt  }
tec
execute0_lowered:
.L_overlay_start_1:
0x0: {  	(tag) =	ssettag $0x1  }
0x1: {  	s0 =	srdreg.scid  }
0x2: {  	s0 =	sshll.u32 s0, $0x4  }
0x3: {  	s1 =	stileid.u32;
	s0 =	sand.u32 $0x10, s0  }
0x4: {  	s7 =	rddreg [dreg:$0x0];
	s0 =	sor.u32 s1, s0  }
0x5: {  	s3 =	rddreg [dreg:$0x1];
	s5 =	sshll.u32 s0, $0xA  }
0x6: {  	_ =	strace $0x80000047;
	s29 =	simm.s32 $0x1;
	s0 =	ssub.s32 $0x10000, s5  }
0x7: {  	s31 =	simm.s32 $0x2;
	s16 =	simm.s32 $0x0;
	s28 =	sand.u32 $0x7C00, s0  }
0x8: {  	s14 =	simm.s32 $0x0;
	s1 =	simm.s32 $0x1;
	p0 =	sne.s32 s28, $0x0  }
0x9: {  	s15 =	simm.s32 $0x0;
	s0 =	sshrl.u32 s0, $0xF;
	s1 =	simm.s32 @!p0 $0x0  }
.Ltmp0:
0xa: {  	s30 =	sadd.s32 $0xA00, s3;
	s0 =	sadd.s32 s1, s0;
	(pc) =	sbr.rel .LBB1_1-.Ltmp0, $4  }
0xb: {  	s10 =	simm.s32 $0x0;
	[dreg:$0x5] =	wrdreg s30;
	s8 =	smul.u32 $0x1B, s0  }
0xc: {  	s13 =	simm.s32 $0x0;
	s12 =	simm.s32 $0x0;
	[dreg:$0x3] =	wrdreg s5  }
0xd: {  	[sflag:s29] =	ssyncpa.u1 $0x0;
	s11 =	sadd.s32 $0x1, s8;
	[dreg:$0x4] =	wrdreg s8  }
0xe: {  	[sflag:s31] =	ssyncpa.u1 $0x0;
	s9 =	smov.u32 s5;
	[dreg:$0x6] =	wrdreg s11  }
.LBB1_7:
0xf: {  	s0 =	sadd.s32 $0x8000, s9  }
0x10: {  	s1 =	sadd.s32 $0x10, s10;
	s2 =	smov.u32 s10;
	p1 =	sgt.s32 s0, $0xFFFF  }
0x11: {  	s2 =	smov.u32 @p1 s1  }
0x12: {  	s1 =	simm.s32 $0x1;
	p2 =	sgt.s32 s2, $0xF  }
0x13: {  	s1 =	simm.s32 @!p2 $0x0  }
0x14: {  	s1 =	sadd.s32 s1, s13  }
0x15: {  	s0 =	smov.u32 @p1 s5;
	p1 =	sgt.s32 s1, $0x1A  }
0x16: {  	p0 =	slt.u32 s12, $0x2;
	s1 =	simm.s32 @p1 $0x0;
	p1 =	sne.s32 s12, s11  }
.Ltmp1:
0x17: {  	s3 =	simm.s32 @!p0 $0x2;
	(pc) =	sbr.rel @!p1 .LBB1_8-.Ltmp1, $4  }
0x18: {  	s16 =	smov.u32 s9;
	_ =	swait.ge @!p0 [sflag:s3], $0x4000  }
0x19: {  	s14 =	smov.u32 s10;
	s15 =	smov.u32 s13;
	[sflag:s3] =	ssyncset.done @!p0 $0x0  }
0x1a: {  	s9 =	smov.u32 s0;
	s2 =	simm.s32 @p2 $0x0;
	[sflag:s3] =	ssyncadd.s32 @!p0 $0xFFFFC000  }
0x1b: {  	s10 =	smov.u32 s2;
	s12 =	sadd.s32 $0x1, s12;
	s13 =	smov.u32 s1  }
.LBB1_1:
0x1c: {  	p0 =	sge.u32 s12, s8;
	s31 =	sadd.s32 $0xFFFFFFFF, s12  }
0x1d: {  	s0 =	sxor.u32 @!p0 $0xFFFFFFFF, s12;
	s1 =	sand.u32 @!p0 $0x78, s9;
	s3 =	sshll.u32 @!p0 s10, $0x10  }
0x1e: {  	s4 =	sshll.u32 @!p0 s10, $0x7;
	s6 =	sshll.u32 @!p0 s9, $0x3;
	s0 =	sshll.u32 @!p0 s0, $0xE  }
0x1f: {  	s3 =	sand.u32 @!p0 $0x80000, s3;
	s4 =	sand.u32 @!p0 $0x380, s4;
	s0 =	sand.u32 @!p0 $0x4000, s0  }
0x20: {  	s3 =	sadd.s32 @!p0 s3, s6;
	s6 =	sand.u32 @!p0 $0xFC00, s6;
	s1 =	sor.u32 @!p0 s4, s1  }
0x21: {  	s4 =	sshll.u32 @!p0 s13, $0x11;
	s1 =	sor.u32 @!p0 s6, s1;
	s3 =	sshrl.u32 @!p0 s3, $0x3  }
0x22: {  	s4 =	sadd.s32 @!p0 s7, s4;
	s6 =	sand.u32 @!p0 $0x7, s9;
	s3 =	sand.u32 @!p0 $0x1E000, s3  }
0x23: {  	s1 =	sshrl.u32 @!p0 s1, $0x3;
	s3 =	sadd.s32 @!p0 s3, s4;
	s4 =	sshll.u32 @!p0 s6, $0x12  }
0x24: {  	s1 =	sadd.s32 @!p0 s1, s3;
	s3 =	sor.u32 @!p0 $0x2000, s4;
	s4 =	simm.s32 @!p0 $0x80000  }
0x25: {  	[tilespmem:s0], [sflag:$0x1] =	stream.strided.gather @!p0 [hbm4b:s1+s3], $0x4000, s4, s3, $0x38;
	[tilespmem:$0x10800] =	vst v63  }
0x26: {  	p0 =	sge.u32 s31, s8  }
.Ltmp2:
0x27: {  	_ = 	snop;
	(pc) =	sbr.rel @p0 .LBB1_7-.Ltmp2, $1  }
0x28: {  	_ =	sdelay $0x3  }
0x29: {  	[dreg:$0xa] =	wrdreg s16  }
0x2a: {  	[dreg:$0x9] =	wrdreg s15  }
0x2b: {  	[dreg:$0x8] =	wrdreg s14;
	s0 =	sand.u32 $0x1, s12  }
0x2c: {  	[dreg:$0x7] =	wrdreg s13;
	s2 =	simm.s32 $0x1;
	s1 =	smul.u32 $0x11000, s0  }
0x2d: {  	_ =	swait.ge [sflag:s2], $0x4000  }
0x2e: {  	s18 =	simm.s32 $0x0;
	[sflag:s2] =	ssyncset.done $0x0;
	s1 =	sshrl.u32 s1, $0x2  }
0x2f: {  	s17 =	sshll.u32 s0, $0xE;
	[sflag:s2] =	ssyncadd.s32 $0xFFFFC000;
	s16 =	sor.u32 $0x8000, s1  }
.LBB1_3:
0x30: {  	s0 =	sshll.u32 s18, $0xA  }
0x31: {  	s1 =	sshll.u32 s18, $0x7;
	s0 =	sand.u32 $0x2000, s0  }
0x32: {  	s1 =	sand.u32 $0x380, s1;
	s0 =	sadd.s32 s0, s17  }
0x33: {  	s0 =	sadd.s32 s1, s0  }
0x34: {  	s19 =	sadd.s32 s18, s16;
	p0 =	por $0x1, $0x1;
	s20 =	simm.s32 $0x0;
	v0 =	vmov s0  }
.LBB1_4:
0x35: {  	s0 =	smul.u32 $0x44, s20;
	s1 =	sshll.u32 s20, $0x3;
	s3 =	sor.u32 $0x80, s20  }
0x36: {  	s13 =	sor.u32 $0x90, s20;
	s24 =	sor.u32 $0xA0, s20;
	s4 =	smul.u32 $0x44, s3  }
0x37: {  	s25 =	sor.u32 $0xB0, s20;
	s29 =	sor.u32 $0xC0, s20;
	s15 =	smul.u32 $0x44, s13  }
0x38: {  	p1 =	por p0, p0;
	s31 =	sand.u32 $0x3FFFFFF8, s1;
	s6 =	smul.u32 $0x44, s24  }
0x39: {  	s11 =	sshll.u32 s3, $0x3;
	s23 =	sshll.u32 s13, $0x3;
	s27 =	smul.u32 $0x44, s25  }
0x3a: {  	s3 =	sshll.u32 s24, $0x3;
	s28 =	sshll.u32 s25, $0x3;
	s7 =	smul.u32 $0x44, s29  }
0x3b: {  	s0 =	sshra.s32 s0, $0x2;
	s1 =	sand.u32 $0x3FFFFFF8, s11;
	s8 =	sand.u32 $0x1400, s3  }
0x3c: {  	s3 =	sand.u32 $0x1400, s28;
	s28 =	sor.u32 $0xE0, s20;
	s0 =	sadd.s32 s0, s16  }
0x3d: {  	s14 =	sshra.s32 s4, $0x2;
	s4 =	sshra.s32 s15, $0x2;
	s26 =	sshra.s32 s6, $0x2  }
0x3e: {  	s6 =	sshra.s32 s27, $0x2;
	s27 =	sor.u32 $0xD0, s20;
	s30 =	sshra.s32 s7, $0x2  }
0x3f: {  	s11 =	sshll.u32 s28, $0x3;
	s21 =	sadd.s32 s18, s0;
	s22 =	sadd.s32 s14, s19  }
0x40: {  	s0 =	sand.u32 $0x1400, s23;
	s23 =	sadd.s32 s4, s19;
	s24 =	sadd.s32 s26, s19  }
0x41: {  	s25 =	sadd.s32 s6, s19;
	s4 =	sshll.u32 s29, $0x3;
	s2 =	smul.u32 $0x44, s27  }
0x42: {  	v1 =	vld.idx.msk [tilespmem:v0+s31+$0x0 ss:$0x1], $0xffff;
	s26 =	sadd.s32 s30, s19;
	s5 =	sshll.u32 s27, $0x3;
	s29 =	smul.u32 $0x44, s28  }
0x43: {  	v3 =	vld.idx.msk [tilespmem:v0+s31+$0x20 ss:$0x1], $0xffff;
	s30 =	sor.u32 $0xF0, s20;
	s6 =	sand.u32 $0x1400, s4;
	s4 =	sand.u32 $0x1400, s5  }
0x44: {  	v2 =	vld.idx.msk [tilespmem:v0+s31+$0x10 ss:$0x1], $0xffff;
	s14 =	smul.u32 $0x44, s30;
	s30 =	sshll.u32 s30, $0x3;
	s7 =	sshra.s32 s2, $0x2  }
0x45: {  	v4 =	vld.idx.msk [tilespmem:v0+s31+$0x30 ss:$0x1], $0xffff;
	s13 =	sshra.s32 s29, $0x2;
	s2 =	sor.u32 $0x100, s20;
	s5 =	sand.u32 $0x1400, s30  }
0x46: {  	v5 =	vld.idx.msk [tilespmem:v0+s31+$0x40 ss:$0x1], $0xffff;
	s27 =	sadd.s32 s7, s19;
	s7 =	sand.u32 $0x1400, s11;
	s28 =	sadd.s32 s13, s19  }
0x47: {  	s29 =	sshra.s32 s14, $0x2;
	s15 =	smul.u32 $0x44, s2;
	s2 =	sshll.u32 s2, $0x3;
	[tilespmem:s21+$0x0 ss:$0x11] =	vst.msk $0xffff, v1;
	v1 =	vld.idx.msk [tilespmem:v0+s31+$0x50 ss:$0x1], $0xffff  }
0x48: {  	s14 =	sor.u32 $0x110, s20;
	s13 =	sor.u32 $0x120, s20;
	[tilespmem:s21+$0x220 ss:$0x11] =	vst.msk $0xffff, v3;
	v3 =	vld.idx.msk [tilespmem:v0+s31+$0x70 ss:$0x1], $0xffff;
	s29 =	sadd.s32 s29, s19  }
0x49: {  	s2 =	sand.u32 $0x3FFFFFF8, s2;
	v57 =	vld.idx.msk [tilespmem:v0+s7+$0x60 ss:$0x1], $0xffff;
	s30 =	sshra.s32 s15, $0x2;
	s15 =	smul.u32 $0x44, s14  }
0x4a: {  	v54 =	vld.idx.msk [tilespmem:v0+s1+$0x0 ss:$0x1], $0xffff;
	[tilespmem:s21+$0x110 ss:$0x11] =	vst.msk $0xffff, v2;
	s11 =	smul.u32 $0x44, s13;
	s13 =	sshll.u32 s13, $0x3;
	s14 =	sshll.u32 s14, $0x3  }
0x4b: {  	v2 =	vld.idx.msk [tilespmem:v0+s31+$0x60 ss:$0x1], $0xffff;
	[tilespmem:s21+$0x330 ss:$0x11] =	vst.msk $0xffff, v4;
	s1 =	sand.u32 $0x1800, s13;
	s30 =	sadd.s32 s30, s19;
	s15 =	sshra.s32 s15, $0x2  }
0x4c: {  	v55 =	vld.idx.msk [tilespmem:v0+s0+$0x10 ss:$0x1], $0xffff;
	s11 =	sshra.s32 s11, $0x2;
	s31 =	sadd.s32 s15, s19;
	s15 =	sor.u32 $0x130, s20;
	[tilespmem:s21+$0x550 ss:$0x11] =	vst.msk $0xffff, v1  }
0x4d: {  	s14 =	sand.u32 $0x1800, s14;
	s0 =	sadd.s32 s11, s19;
	[tilespmem:s21+$0x770 ss:$0x11] =	vst.msk $0xffff, v3;
	v3 =	vld.idx.msk [tilespmem:v0+s6+$0x40 ss:$0x1], $0xffff;
	s13 =	smul.u32 $0x44, s15  }
0x4e: {  	v1 =	vld.idx.msk [tilespmem:v0+s8+$0x20 ss:$0x1], $0xffff;
	s11 =	sshll.u32 s15, $0x3;
	s15 =	sor.u32 $0x140, s20;
	[tilespmem:s28+$0x0 ss:$0x11] =	vst.msk $0xffff, v57;
	s28 =	sor.u32 $0x1A0, s20  }
0x4f: {  	[tilespmem:s21+$0x440 ss:$0x11] =	vst.msk $0xffff, v5;
	s8 =	sand.u32 $0x1800, s11;
	s11 =	sshra.s32 s13, $0x2;
	s13 =	smul.u32 $0x44, s15  }
0x50: {  	[tilespmem:s21+$0x660 ss:$0x11] =	vst.msk $0xffff, v2;
	v2 =	vld.idx.msk [tilespmem:v0+s3+$0x30 ss:$0x1], $0xffff;
	s3 =	sadd.s32 s11, s19;
	s11 =	sshll.u32 s15, $0x3;
	s15 =	sor.u32 $0x150, s20  }
0x51: {  	[tilespmem:s22+$0x0 ss:$0x11] =	vst.msk $0xffff, v54;
	s6 =	sand.u32 $0x1800, s11;
	s21 =	sshra.s32 s13, $0x2;
	s13 =	smul.u32 $0x44, s15  }
0x52: {  	v56 =	vld.idx.msk [tilespmem:v0+s4+$0x50 ss:$0x1], $0xffff;
	s15 =	sshll.u32 s15, $0x3;
	[tilespmem:s26+$0x0 ss:$0x11] =	vst.msk $0xffff, v3;
	s26 =	sor.u32 $0x180, s20;
	s4 =	sadd.s32 s21, s19  }
0x53: {  	[tilespmem:s24+$0x0 ss:$0x11] =	vst.msk $0xffff, v1;
	v1 =	vld.idx.msk [tilespmem:v0+s5+$0x70 ss:$0x1], $0xffff;
	s21 =	sor.u32 $0x160, s20;
	s7 =	sand.u32 $0x1800, s15;
	s22 =	sshra.s32 s13, $0x2  }
0x54: {  	[tilespmem:s23+$0x0 ss:$0x11] =	vst.msk $0xffff, v55;
	v3 =	vld.idx.msk [tilespmem:v0+s14+$0x10 ss:$0x1], $0xffff;
	s23 =	smul.u32 $0x44, s21;
	s21 =	sshll.u32 s21, $0x3;
	s5 =	sadd.s32 s22, s19  }
0x55: {  	[tilespmem:s25+$0x0 ss:$0x11] =	vst.msk $0xffff, v2;
	v2 =	vld.idx.msk [tilespmem:v0+s2+$0x0 ss:$0x1], $0xffff;
	s22 =	sor.u32 $0x170, s20;
	s2 =	sand.u32 $0x1800, s21;
	s21 =	smul.u32 $0x44, s26  }
0x56: {  	s15 =	sor.u32 $0x1B0, s20;
	s23 =	sshra.s32 s23, $0x2;
	s24 =	smul.u32 $0x44, s22  }
0x57: {  	v58 =	vld.idx.msk [tilespmem:v0+s1+$0x20 ss:$0x1], $0xffff;
	[tilespmem:s27+$0x0 ss:$0x11] =	vst.msk $0xffff, v56;
	s25 =	sshll.u32 s22, $0x3;
	s22 =	sshll.u32 s26, $0x3;
	s11 =	sadd.s32 s23, s19  }
0x58: {  	v59 =	vld.idx.msk [tilespmem:v0+s8+$0x30 ss:$0x1], $0xffff;
	s1 =	sand.u32 $0x1800, s25;
	s23 =	sor.u32 $0x190, s20;
	[tilespmem:s29+$0x0 ss:$0x11] =	vst.msk $0xffff, v1;
	s25 =	sshra.s32 s21, $0x2  }
0x59: {  	v1 =	vld.idx.msk [tilespmem:v0+s6+$0x40 ss:$0x1], $0xffff;
	[tilespmem:s31+$0x0 ss:$0x11] =	vst.msk $0xffff, v3;
	s31 =	smul.u32 $0x44, s28;
	s13 =	sshra.s32 s24, $0x2;
	s24 =	sand.u32 $0x3FFFFFF8, s22  }
0x5a: {  	[tilespmem:s30+$0x0 ss:$0x11] =	vst.msk $0xffff, v2;
	v2 =	vld.idx.msk [tilespmem:v0+s7+$0x50 ss:$0x1], $0xffff;
	s26 =	smul.u32 $0x44, s23;
	s7 =	sadd.s32 s25, s19;
	s27 =	sshll.u32 s23, $0x3  }
0x5b: {  	v3 =	vld.idx.msk [tilespmem:v0+s2+$0x60 ss:$0x1], $0xffff;
	s22 =	sshll.u32 s15, $0x3;
	s25 =	sor.u32 $0x1C0, s20;
	s8 =	sadd.s32 s13, s19  }
0x5c: {  	[tilespmem:s0+$0x0 ss:$0x11] =	vst.msk $0xffff, v58;
	v60 =	vld.idx.msk [tilespmem:v0+s1+$0x70 ss:$0x1], $0xffff;
	s29 =	sand.u32 $0x1C00, s27;
	s13 =	sshll.u32 s28, $0x3;
	s21 =	sshra.s32 s31, $0x2  }
0x5d: {  	[tilespmem:s3+$0x0 ss:$0x11] =	vst.msk $0xffff, v59;
	v61 =	vld.idx.msk [tilespmem:v0+s24+$0x0 ss:$0x1], $0xffff;
	s24 =	sand.u32 $0x1C00, s22;
	s27 =	sshll.u32 s25, $0x3;
	s28 =	sor.u32 $0x1D0, s20  }
0x5e: {  	s31 =	sor.u32 $0x1E0, s20;
	s30 =	sshra.s32 s26, $0x2;
	s1 =	sand.u32 $0x1C00, s13;
	[tilespmem:s4+$0x0 ss:$0x11] =	vst.msk $0xffff, v1;
	v1 =	vld.idx.msk [tilespmem:v0+s29+$0x10 ss:$0x1], $0xffff  }
0x5f: {  	s23 =	sadd.s32 s21, s19;
	s0 =	sadd.s32 s30, s19;
	s30 =	sshll.u32 s28, $0x3;
	[tilespmem:s5+$0x0 ss:$0x11] =	vst.msk $0xffff, v2;
	v2 =	vld.idx.msk [tilespmem:v0+s1+$0x20 ss:$0x1], $0xffff  }
0x60: {  	s26 =	smul.u32 $0x44, s15;
	s13 =	sor.u32 $0x1F0, s20;
	[tilespmem:s11+$0x0 ss:$0x11] =	vst.msk $0xffff, v3;
	v3 =	vld.idx.msk [tilespmem:v0+s24+$0x30 ss:$0x1], $0xffff;
	s5 =	sand.u32 $0x1C00, s30  }
0x61: {  	s21 =	smul.u32 $0x44, s28;
	s29 =	sand.u32 $0x1C00, s27;
	[tilespmem:s8+$0x0 ss:$0x11] =	vst.msk $0xffff, v60;
	s8 =	sshll.u32 s31, $0x3;
	v63 =	vld.idx.msk [tilespmem:v0+s5+$0x50 ss:$0x1], $0xffff  }
0x62: {  	s15 =	sshll.u32 s13, $0x3;
	s4 =	smul.u32 $0x44, s25;
	v62 =	vld.idx.msk [tilespmem:v0+s29+$0x40 ss:$0x1], $0xffff;
	[tilespmem:s7+$0x0 ss:$0x11] =	vst.msk $0xffff, v61;
	s14 =	sand.u32 $0x1C00, s8  }
0x63: {  	s20 =	sshra.s32 s26, $0x2;
	s22 =	sand.u32 $0x1C00, s15;
	s24 =	smul.u32 $0x44, s31;
	[tilespmem:s0+$0x0 ss:$0x11] =	vst.msk $0xffff, v1;
	v1 =	vld.idx.msk [tilespmem:v0+s14+$0x60 ss:$0x1], $0xffff  }
0x64: {  	s1 =	sshra.s32 s21, $0x2;
	s26 =	smul.u32 $0x44, s13;
	[tilespmem:s23+$0x0 ss:$0x11] =	vst.msk $0xffff, v2;
	v2 =	vld.idx.msk [tilespmem:v0+s22+$0x70 ss:$0x1], $0xffff;
	s0 =	sadd.s32 s20, s19  }
.Ltmp3:
0x65: {  	s27 =	sadd.s32 s1, s19;
	s23 =	sshra.s32 s4, $0x2;
	[tilespmem:s0+$0x0 ss:$0x11] =	vst.msk $0xffff, v3;
	(pc) =	sbr.rel @p1 .LBB1_4-.Ltmp3, $4  }
0x66: {  	s28 =	sshra.s32 s24, $0x2;
	s25 =	sadd.s32 s23, s19;
	[tilespmem:s27+$0x0 ss:$0x11] =	vst.msk $0xffff, v63  }
0x67: {  	s30 =	sshra.s32 s26, $0x2;
	s29 =	sadd.s32 s28, s19;
	[tilespmem:s25+$0x0 ss:$0x11] =	vst.msk $0xffff, v62  }
0x68: {  	s31 =	sadd.s32 s30, s19;
	[tilespmem:s29+$0x0 ss:$0x11] =	vst.msk $0xffff, v1  }
0x69: {  	p0 =	por $0x0, $0x0;
	s20 =	simm.s32 $0x200;
	[tilespmem:s31+$0x0 ss:$0x11] =	vst.msk $0xffff, v2  }
0x6a: {  	s18 =	sadd.s32 $0x1, s18  }
0x6b: {  	p0 =	sne.s32 s18, $0x10  }
.Ltmp4:
0x6c: {  	_ = 	snop;
	(pc) =	sbr.rel @p0 .LBB1_3-.Ltmp4, $1  }
0x6d: {  	_ =	sdelay $0x3  }
0x6e: {  	s0 =	rddreg [dreg:$0xa]  }
0x6f: {  	s4 =	rddreg [dreg:$0x8]  }
0x70: {  	s26 =	rddreg [dreg:$0x9]  }
0x71: {  	s3 =	rddreg [dreg:$0x5]  }
0x72: {  	s5 =	rddreg [dreg:$0x3]  }
0x73: {  	s7 =	rddreg [dreg:$0x0]  }
0x74: {  	s31 =	simm.s32 $0x80;
	s8 =	rddreg [dreg:$0x4]  }
0x75: {  	s11 =	rddreg [dreg:$0x6];
	s0 =	sshll.u32 s0, $0x7;
	s1 =	sshll.u32 s4, $0x3  }
0x76: {  	s27 =	sshrl.u32 s4, $0x3;
	s2 =	sand.u32 $0x7FFC00, s0;
	s1 =	sand.u32 $0x7FFC00, s1  }
0x77: {  	s28 =	sand.u32 $0x7, s4;
	s0 =	sand.u32 $0x380, s0;
	s1 =	sadd.s32 s1, s2  }
.Ltmp5:
0x78: {  	s0 =	sor.u32 s0, s1;
	s1 =	sshll.u32 s26, $0x14;
	(pc) =	sbr.rel .LBB1_7-.Ltmp5, $4  }
0x79: {  	s2 =	sand.u32 $0xF, s27;
	s0 =	sshrl.u32 s0, $0x3;
	s1 =	sadd.s32 s3, s1  }
0x7a: {  	s29 =	sshll.u32 s28, $0x12;
	s0 =	sand.u32 $0xFFFF0, s0;
	s1 =	sadd.s32 s2, s1  }
0x7b: {  	s13 =	rddreg [dreg:$0x7];
	s30 =	sor.u32 $0x10, s29;
	s0 =	sadd.s32 s0, s1  }
0x7c: {  	[hbm4b:s0+s30] =	stream.strided.scatter [tilespmem:s16], [sflag:$0x2], $0x4000, s31, s30, $0x8;
	[tilespmem:$0x10800] =	vst v63  }
.LBB1_8:
0x7d: {  	_ =	sfence.sel $0x180000  }
0x7e: {  	s0 =	simm.s32 $0x1;
	[bflag:$0x0] =	sbarrier.arrive $0xFFFF  }
0x7f: {  	s30 =	simm.s32 $0x2;
	[sflag:s0] =	ssyncpa.u1 $0x1  }
0x80: {  	[sflag:s30] =	ssyncpa.u1 $0x1  }
0x81: {  	_ =	strace $0x90000047  }
0x82: {  	s31 =	stileid.u32;
	[bflag:$0x2] =	sbarrier.arrive $0xFFFF  }
0x83: {  	p0 =	sne.s32 s31, $0x0;
	s0 =	rddreg [dreg:$0x2]  }
0x84: {  	s0 =	sadd.s32 @!p0 $0x100000, s0  }
0x85: {  	[sflag:s0] =	ssyncadd.tile.s32 @!p0 $0x1;
	_ =	shalt  }
.Lfunc_end1:
_tile_overlayer_lowered:
.L_overlay_start_2:
0x86: {  	(tag) =	ssettag $0x2  }
0x87: {  	s0 =	rddreg [dreg:$0x0];
	s2 =	stileid.u32  }
0x88: {  	s1 =	rddreg [dreg:$0x1];
	p0 =	sne.s32 s2, $0x0  }
0x89: {  	s3 =	rddreg [dreg:$0x2];
	[bflag:$0x3] =	sbarrier.arrive $0xFFFF;
	s2 =	simm.s32 @!p0 $0x1C01  }
0x8a: {  	[timem:s3], [sflag:s2] =	dma.local @!p0 [hbm:s0], s1  }
0x8b: {  	s0 =	simm.s32 @!p0 $0x1  }
0x8c: {  	_ =	swait.ge @!p0 [sflag:s0], s1  }
0x8d: {  	s1 =	ssub.s32 @!p0 $0x0, s1;
	[sflag:s0] =	ssyncset.done @!p0 $0x0  }
0x8e: {  	[sflag:s0] =	ssyncadd.s32 @!p0 s1  }
0x8f: {  	[bflag:$0x3] =	sbarrier.arrive $0xFFFF  }
0x90: {  	_ =	shalt  }

</sc_bundles>
